<compile_context>
chip_gen: v7x
topology: tpu7x:2x2x1
jax: 0.10.2.dev20260603
libtpu: 0.0.44.dev20260713+nightly
codegen_flags: <defaults>
</compile_context>

<pallas_src>
import functools

import jax
import jax.numpy as jnp
from jax import lax
from jax.experimental import pallas as pl
from jax.experimental.pallas import tpu as pltpu
from jax.experimental.pallas import tpu_sc as plsc

EMBED = 32
VOCAB = 37
VPAD = 40
B0, B1 = 16384, 200
N = B0 * B1
NC, NS, L = 2, 16, 16
NW = NC * NS
NT0 = B0 // 128
NCT = EMBED // 8
NI1_W = B1 // (NW // NCT)
IT_CH = 32
PCH = IT_CH * 128
CPT = NT0 // IT_CH
NCHUNK = NI1_W * CPT
NPAIR = NCHUNK // 2

_MAGIC = 12582912.0


def _quantize(p):
    m = p * jnp.float32(35.0) + jnp.float32(36.0)
    r = (m + jnp.float32(_MAGIC)) - jnp.float32(_MAGIC)
    f = jnp.minimum(jnp.maximum(r - jnp.float32(36.0), jnp.float32(0.0)),
                    jnp.float32(35.0))
    return f.astype(jnp.int32)


def _tec_body(pitch_hbm, tablet_hbm, out_hbm, tablet_v,
              pitch_v0, pitch_v1, out_v0, out_v1,
              in_sem0, in_sem1, out_sem0, out_sem1):
    wid = lax.axis_index("s") * NC + lax.axis_index("c")
    ct = wid // (NW // NCT)
    i1base = (wid % (NW // NCT)) * NI1_W

    pltpu.sync_copy(tablet_hbm, tablet_v)
    cbase0 = ct * (8 * VPAD)

    pitch_bufs = (pitch_v0, pitch_v1)
    out_bufs = (out_v0, out_v1)
    in_sems = (in_sem0, in_sem1)
    out_sems = (out_sem0, out_sem1)

    def locate(k):
        i1 = i1base + k // CPT
        it0 = (k % CPT) * IT_CH
        return i1, it0

    def start_in(k, b):
        i1, it0 = locate(k)
        pltpu.async_copy(pitch_hbm.at[i1 // 8, pl.ds(it0, IT_CH), i1 % 8],
                         pitch_bufs[b], in_sems[b])

    def wait_in(b):
        pltpu.make_async_copy(pitch_hbm.at[0, pl.ds(0, IT_CH), 0],
                              pitch_bufs[b], in_sems[b]).wait()

    def start_out(k, b):
        i1, it0 = locate(k)
        pltpu.async_copy(out_bufs[b],
                         out_hbm.at[i1, ct, pl.ds(it0, IT_CH)],
                         out_sems[b])

    def wait_out(b):
        pltpu.make_async_copy(out_bufs[b],
                              out_hbm.at[0, 0, pl.ds(0, IT_CH)],
                              out_sems[b]).wait()

    def compute_chunk(pitch_ref, out_ref):
        @plsc.parallel_loop(0, IT_CH, unroll=1)
        def it_body(it):
            qs = [_quantize(pitch_ref[it, pl.ds(j * L, L)])
                  for j in range(128 // L)]
            for ci in range(8):
                col = tablet_v.at[pl.ds(cbase0 + ci * VPAD, VPAD)]
                for j in range(128 // L):
                    v = plsc.load_gather(col, [qs[j]])
                    out_ref[it, ci, pl.ds(j * L, L)] = v

    start_in(0, 0)
    start_in(1, 1)

    def pair_body(cp, carry):
        for b in range(2):
            k = cp * 2 + b
            wait_in(b)

            @pl.when(cp >= 1)
            def _():
                wait_out(b)

            compute_chunk(pitch_bufs[b], out_bufs[b])
            start_out(k, b)

            @pl.when(k + 2 < NCHUNK)
            def _():
                start_in(k + 2, b)
        return carry

    lax.fori_loop(0, NPAIR, pair_body, 0)
    wait_out(0)
    wait_out(1)


@functools.partial(
    pl.kernel,
    out_type=jax.ShapeDtypeStruct((B1, NCT, NT0, 8, 128), jnp.float32),
    mesh=plsc.VectorSubcoreMesh(core_axis_name="c", subcore_axis_name="s"),
    compiler_params=pltpu.CompilerParams(use_tc_tiling_on_sc=False,
                                         needs_layout_passes=False),
    scratch_types=[
        pltpu.VMEM((EMBED * VPAD,), jnp.float32),
        pltpu.VMEM((IT_CH, 128), jnp.float32),
        pltpu.VMEM((IT_CH, 128), jnp.float32),
        pltpu.VMEM((IT_CH, 8, 128), jnp.float32),
        pltpu.VMEM((IT_CH, 8, 128), jnp.float32),
        pltpu.SemaphoreType.DMA,
        pltpu.SemaphoreType.DMA,
        pltpu.SemaphoreType.DMA,
        pltpu.SemaphoreType.DMA,
    ],
)
def _sc_lookup(pitch_hbm, tablet_hbm, out_hbm, tablet_v,
               pitch_v0, pitch_v1, out_v0, out_v1,
               in_sem0, in_sem1, out_sem0, out_sem1):
    _tec_body(pitch_hbm, tablet_hbm, out_hbm, tablet_v,
              pitch_v0, pitch_v1, out_v0, out_v1,
              in_sem0, in_sem1, out_sem0, out_sem1)


def kernel(pitch_normalized, table):
    pitch_t = pitch_normalized.reshape(128, 128, 25, 8).transpose(2, 0, 3, 1)
    table_t = jnp.pad(table.T, ((0, 0), (0, VPAD - VOCAB))).reshape(EMBED * VPAD)
    p5 = _sc_lookup(pitch_t, table_t)
    return p5.transpose(2, 4, 0, 1, 3).reshape(B0, B1, EMBED)

# --- scband reference (transcript-rebuilt; emitter-appended) ---
"""Pipeline reference for scband-pitch-embedding-2052994367824 (READ-ONLY COPY).

The authoritative reference and input builder live on the scoring server;
editing this copy changes nothing except your own understanding.
"""

import jax, jax.numpy as jnp
import numpy as np

EMBED_DIM = 32
VOCAB = 37

def setup_inputs(seed: int = 0) -> dict:
    key = jax.random.key(seed)
    k1, k2 = jax.random.split(key)
    pitch_normalized = jax.random.uniform(k1, (16384, 200), dtype=jnp.float32)
    table = jax.random.normal(k2, (VOCAB, EMBED_DIM), dtype=jnp.float32) * 0.05
    return {"pitch_normalized": pitch_normalized, "table": table}

def reference(pitch_normalized, table):
    pitch_midi = pitch_normalized * 35.0 + 36.0
    pitch_idx = jnp.round(pitch_midi).astype(jnp.int32) - 36
    pitch_idx = jnp.clip(pitch_idx, 0, 35)
    return jnp.take(table, pitch_idx, axis=0)

if __name__ == "__main__":
    import jax
    _d = setup_inputs()
    print(jax.jit(kernel)(*tuple(_d.values())))

</pallas_src>

<mosaic_0001>
#map = affine_map<(d0, d1) -> (0, 0, 0, 0)>
#map1 = affine_map<(d0, d1) -> (0)>
#map2 = affine_map<(d0, d1) -> (0, 0, 0, 0, 0)>
module attributes {stable_mosaic.version = 14 : i64} {
  func.func @_sc_lookup(%arg0: i32, %arg1: i32, %arg2: memref<25x128x8x128xf32, #tpu.memory_space<hbm>>, %arg3: memref<1280xf32, #tpu.memory_space<hbm>>, %arg4: memref<200x4x128x8x128xf32, #tpu.memory_space<hbm>>, %arg5: memref<1280xf32, #tpu.memory_space<vmem>>, %arg6: memref<32x128xf32, #tpu.memory_space<vmem>>, %arg7: memref<32x128xf32, #tpu.memory_space<vmem>>, %arg8: memref<32x8x128xf32, #tpu.memory_space<vmem>>, %arg9: memref<32x8x128xf32, #tpu.memory_space<vmem>>, %arg10: memref<!tpu.dma_semaphore, #tpu.memory_space<semaphore_mem>>, %arg11: memref<!tpu.dma_semaphore, #tpu.memory_space<semaphore_mem>>, %arg12: memref<!tpu.dma_semaphore, #tpu.memory_space<semaphore_mem>>, %arg13: memref<!tpu.dma_semaphore, #tpu.memory_space<semaphore_mem>>) attributes {dimension_semantics = [#tpu.dimension_semantics<core_parallel>, #tpu.dimension_semantics<subcore_parallel>], iteration_bounds = array<i64: 2, 16>, scalar_prefetch = 0 : i64, scratch_operands = 9 : i64, tpu.core_type = #tpu.core_type<sc_vector_subcore>, window_params = [{transform_indices = #map}, {transform_indices = #map1}, {transform_indices = #map2}]} {
    %mul3A = arith.constant 2 : i32
    %mul3A_0 = arith.muli %arg1, %mul3A : i32
    %add3A = arith.addi %mul3A_0, %arg0 : i32
    %jit3A = arith.constant 8 : i32
    %div3A = arith.divsi %add3A, %jit3A : i32
    %sign3A = arith.constant 0 : i32
    %sign3A_1 = arith.cmpi sgt, %add3A, %sign3A : i32
    %sign3A_2 = arith.extui %sign3A_1 : i1 to i32
    %sign3A_3 = arith.constant 0 : i32
    %sign3A_4 = arith.cmpi slt, %add3A, %sign3A_3 : i32
    %sign3A_5 = arith.extui %sign3A_4 : i1 to i32
    %sign3A_6 = arith.subi %sign3A_2, %sign3A_5 : i32
    %sign3A_7 = arith.constant 0 : i32
    %sign3A_8 = arith.cmpi sgt, %jit3A, %sign3A_7 : i32
    %sign3A_9 = arith.extui %sign3A_8 : i1 to i32
    %sign3A_10 = arith.constant 0 : i32
    %sign3A_11 = arith.cmpi slt, %jit3A, %sign3A_10 : i32
    %sign3A_12 = arith.extui %sign3A_11 : i1 to i32
    %sign3A_13 = arith.subi %sign3A_9, %sign3A_12 : i32
    %ne3A = arith.cmpi ne, %sign3A_6, %sign3A_13 : i32
    %rem3A = arith.remsi %add3A, %jit3A : i32
    %ne3A_14 = arith.constant 0 : i32
    %ne3A_15 = arith.cmpi ne, %rem3A, %ne3A_14 : i32
    %and3A = arith.andi %ne3A, %ne3A_15 : i1
    %sub3A = arith.constant 1 : i32
    %sub3A_16 = arith.subi %div3A, %sub3A : i32
    %select_n3A = arith.select %and3A, %sub3A_16, %div3A : i32
    %jit3A_17 = arith.constant 8 : i32
    %eq3A = arith.constant 0 : i32
    %eq3A_18 = arith.cmpi eq, %jit3A_17, %eq3A : i32
    %jit3A_19 = arith.constant 1 : i32
    %select_n3A_20 = arith.select %eq3A_18, %jit3A_19, %jit3A_17 : i32
    %rem3A_21 = arith.remsi %add3A, %select_n3A_20 : i32
    %ne3A_22 = arith.constant 0 : i32
    %ne3A_23 = arith.cmpi ne, %rem3A_21, %ne3A_22 : i32
    %lt3A = arith.constant 0 : i32
    %lt3A_24 = arith.cmpi slt, %rem3A_21, %lt3A : i32
    %lt3A_25 = arith.constant 0 : i32
    %lt3A_26 = arith.cmpi slt, %select_n3A_20, %lt3A_25 : i32
    %ne3A_27 = arith.xori %lt3A_24, %lt3A_26 : i1
    %and3A_28 = arith.andi %ne3A_27, %ne3A_23 : i1
    %add3A_29 = arith.addi %rem3A_21, %select_n3A_20 : i32
    %select_n3A_30 = arith.select %and3A_28, %add3A_29, %rem3A_21 : i32
    %mul3A_31 = arith.constant 25 : i32
    %mul3A_32 = arith.muli %select_n3A_30, %mul3A_31 : i32
    "tpu.region"() ({
      %run_scoped3A = tpu.sem_alloc : memref<!tpu.dma_semaphore, #tpu.memory_space<semaphore_mem>>
      tpu.enqueue_dma source(%arg3 : memref<1280xf32, #tpu.memory_space<hbm>>) target(%arg5 : memref<1280xf32, #tpu.memory_space<vmem>>) target_semaphore(%run_scoped3A : memref<!tpu.dma_semaphore, #tpu.memory_space<semaphore_mem>>)
      tpu.wait_dma2 semaphore(%run_scoped3A : memref<!tpu.dma_semaphore, #tpu.memory_space<semaphore_mem>>) src(%arg3 : memref<1280xf32, #tpu.memory_space<hbm>>) dst(%arg5 : memref<1280xf32, #tpu.memory_space<vmem>>)
      tpu.yield
    }) : () -> ()
    %mul3A_33 = arith.constant 320 : i32
    %mul3A_34 = arith.muli %select_n3A, %mul3A_33 : i32
    %add3A_35 = arith.constant 0 : i32
    %add3A_36 = arith.addi %mul3A_32, %add3A_35 : i32
    %jit3A_37 = arith.constant 8 : i32
    %div3A_38 = arith.divsi %add3A_36, %jit3A_37 : i32
    %sign3A_39 = arith.constant 0 : i32
    %sign3A_40 = arith.cmpi sgt, %add3A_36, %sign3A_39 : i32
    %sign3A_41 = arith.extui %sign3A_40 : i1 to i32
    %sign3A_42 = arith.constant 0 : i32
    %sign3A_43 = arith.cmpi slt, %add3A_36, %sign3A_42 : i32
    %sign3A_44 = arith.extui %sign3A_43 : i1 to i32
    %sign3A_45 = arith.subi %sign3A_41, %sign3A_44 : i32
    %sign3A_46 = arith.constant 0 : i32
    %sign3A_47 = arith.cmpi sgt, %jit3A_37, %sign3A_46 : i32
    %sign3A_48 = arith.extui %sign3A_47 : i1 to i32
    %sign3A_49 = arith.constant 0 : i32
    %sign3A_50 = arith.cmpi slt, %jit3A_37, %sign3A_49 : i32
    %sign3A_51 = arith.extui %sign3A_50 : i1 to i32
    %sign3A_52 = arith.subi %sign3A_48, %sign3A_51 : i32
    %ne3A_53 = arith.cmpi ne, %sign3A_45, %sign3A_52 : i32
    %rem3A_54 = arith.remsi %add3A_36, %jit3A_37 : i32
    %ne3A_55 = arith.constant 0 : i32
    %ne3A_56 = arith.cmpi ne, %rem3A_54, %ne3A_55 : i32
    %and3A_57 = arith.andi %ne3A_53, %ne3A_56 : i1
    %sub3A_58 = arith.constant 1 : i32
    %sub3A_59 = arith.subi %div3A_38, %sub3A_58 : i32
    %select_n3A_60 = arith.select %and3A_57, %sub3A_59, %div3A_38 : i32
    %jit3A_61 = arith.constant 8 : i32
    %eq3A_62 = arith.constant 0 : i32
    %eq3A_63 = arith.cmpi eq, %jit3A_61, %eq3A_62 : i32
    %jit3A_64 = arith.constant 1 : i32
    %select_n3A_65 = arith.select %eq3A_63, %jit3A_64, %jit3A_61 : i32
    %rem3A_66 = arith.remsi %add3A_36, %select_n3A_65 : i32
    %ne3A_67 = arith.constant 0 : i32
    %ne3A_68 = arith.cmpi ne, %rem3A_66, %ne3A_67 : i32
    %lt3A_69 = arith.constant 0 : i32
    %lt3A_70 = arith.cmpi slt, %rem3A_66, %lt3A_69 : i32
    %lt3A_71 = arith.constant 0 : i32
    %lt3A_72 = arith.cmpi slt, %select_n3A_65, %lt3A_71 : i32
    %ne3A_73 = arith.xori %lt3A_70, %lt3A_72 : i1
    %and3A_74 = arith.andi %ne3A_73, %ne3A_68 : i1
    %add3A_75 = arith.addi %rem3A_66, %select_n3A_65 : i32
    %select_n3A_76 = arith.select %and3A_74, %add3A_75, %rem3A_66 : i32
    %dma_start3A = arith.constant 0 : i32
    %dma_start3A_77 = arith.constant 0 : i32
    %dma_start3A_78 = tpu.memref_slice %arg2[%select_n3A_60, %dma_start3A, %select_n3A_76, %dma_start3A_77] : memref<25x128x8x128xf32, #tpu.memory_space<hbm>> -> memref<1x32x1x128xf32, #tpu.memory_space<hbm>>
    %dma_start3A_79 = tpu.memref_squeeze %dma_start3A_78 : memref<1x32x1x128xf32, #tpu.memory_space<hbm>> -> memref<32x128xf32, #tpu.memory_space<hbm>>
    %dma_start3A_80 = arith.constant 0 : i32
    %dma_start3A_81 = arith.constant 0 : i32
    %dma_start3A_82 = tpu.memref_slice %arg2[%select_n3A_60, %dma_start3A_80, %select_n3A_76, %dma_start3A_81] : memref<25x128x8x128xf32, #tpu.memory_space<hbm>> -> memref<1x32x1x128xf32, #tpu.memory_space<hbm>>
    %dma_start3A_83 = tpu.memref_squeeze %dma_start3A_82 : memref<1x32x1x128xf32, #tpu.memory_space<hbm>> -> memref<32x128xf32, #tpu.memory_space<hbm>>
    tpu.enqueue_dma source(%dma_start3A_83 : memref<32x128xf32, #tpu.memory_space<hbm>>) target(%arg6 : memref<32x128xf32, #tpu.memory_space<vmem>>) target_semaphore(%arg10 : memref<!tpu.dma_semaphore, #tpu.memory_space<semaphore_mem>>)
    %add3A_84 = arith.constant 0 : i32
    %add3A_85 = arith.addi %mul3A_32, %add3A_84 : i32
    %jit3A_86 = arith.constant 8 : i32
    %div3A_87 = arith.divsi %add3A_85, %jit3A_86 : i32
    %sign3A_88 = arith.constant 0 : i32
    %sign3A_89 = arith.cmpi sgt, %add3A_85, %sign3A_88 : i32
    %sign3A_90 = arith.extui %sign3A_89 : i1 to i32
    %sign3A_91 = arith.constant 0 : i32
    %sign3A_92 = arith.cmpi slt, %add3A_85, %sign3A_91 : i32
    %sign3A_93 = arith.extui %sign3A_92 : i1 to i32
    %sign3A_94 = arith.subi %sign3A_90, %sign3A_93 : i32
    %sign3A_95 = arith.constant 0 : i32
    %sign3A_96 = arith.cmpi sgt, %jit3A_86, %sign3A_95 : i32
    %sign3A_97 = arith.extui %sign3A_96 : i1 to i32
    %sign3A_98 = arith.constant 0 : i32
    %sign3A_99 = arith.cmpi slt, %jit3A_86, %sign3A_98 : i32
    %sign3A_100 = arith.extui %sign3A_99 : i1 to i32
    %sign3A_101 = arith.subi %sign3A_97, %sign3A_100 : i32
    %ne3A_102 = arith.cmpi ne, %sign3A_94, %sign3A_101 : i32
    %rem3A_103 = arith.remsi %add3A_85, %jit3A_86 : i32
    %ne3A_104 = arith.constant 0 : i32
    %ne3A_105 = arith.cmpi ne, %rem3A_103, %ne3A_104 : i32
    %and3A_106 = arith.andi %ne3A_102, %ne3A_105 : i1
    %sub3A_107 = arith.constant 1 : i32
    %sub3A_108 = arith.subi %div3A_87, %sub3A_107 : i32
    %select_n3A_109 = arith.select %and3A_106, %sub3A_108, %div3A_87 : i32
    %jit3A_110 = arith.constant 8 : i32
    %eq3A_111 = arith.constant 0 : i32
    %eq3A_112 = arith.cmpi eq, %jit3A_110, %eq3A_111 : i32
    %jit3A_113 = arith.constant 1 : i32
    %select_n3A_114 = arith.select %eq3A_112, %jit3A_113, %jit3A_110 : i32
    %rem3A_115 = arith.remsi %add3A_85, %select_n3A_114 : i32
    %ne3A_116 = arith.constant 0 : i32
    %ne3A_117 = arith.cmpi ne, %rem3A_115, %ne3A_116 : i32
    %lt3A_118 = arith.constant 0 : i32
    %lt3A_119 = arith.cmpi slt, %rem3A_115, %lt3A_118 : i32
    %lt3A_120 = arith.constant 0 : i32
    %lt3A_121 = arith.cmpi slt, %select_n3A_114, %lt3A_120 : i32
    %ne3A_122 = arith.xori %lt3A_119, %lt3A_121 : i1
    %and3A_123 = arith.andi %ne3A_122, %ne3A_117 : i1
    %add3A_124 = arith.addi %rem3A_115, %select_n3A_114 : i32
    %select_n3A_125 = arith.select %and3A_123, %add3A_124, %rem3A_115 : i32
    %dma_start3A_126 = arith.constant 32 : i32
    %dma_start3A_127 = arith.constant 0 : i32
    %dma_start3A_128 = tpu.memref_slice %arg2[%select_n3A_109, %dma_start3A_126, %select_n3A_125, %dma_start3A_127] : memref<25x128x8x128xf32, #tpu.memory_space<hbm>> -> memref<1x32x1x128xf32, #tpu.memory_space<hbm>>
    %dma_start3A_129 = tpu.memref_squeeze %dma_start3A_128 : memref<1x32x1x128xf32, #tpu.memory_space<hbm>> -> memref<32x128xf32, #tpu.memory_space<hbm>>
    %dma_start3A_130 = arith.constant 32 : i32
    %dma_start3A_131 = arith.constant 0 : i32
    %dma_start3A_132 = tpu.memref_slice %arg2[%select_n3A_109, %dma_start3A_130, %select_n3A_125, %dma_start3A_131] : memref<25x128x8x128xf32, #tpu.memory_space<hbm>> -> memref<1x32x1x128xf32, #tpu.memory_space<hbm>>
    %dma_start3A_133 = tpu.memref_squeeze %dma_start3A_132 : memref<1x32x1x128xf32, #tpu.memory_space<hbm>> -> memref<32x128xf32, #tpu.memory_space<hbm>>
    tpu.enqueue_dma source(%dma_start3A_133 : memref<32x128xf32, #tpu.memory_space<hbm>>) target(%arg7 : memref<32x128xf32, #tpu.memory_space<vmem>>) target_semaphore(%arg11 : memref<!tpu.dma_semaphore, #tpu.memory_space<semaphore_mem>>)
    %scan3A = arith.constant 0 : i32
    %scan3A_134 = arith.constant 0 : i32
    %scan3A_135 = arith.constant 50 : i32
    %scan3A_136 = arith.addi %scan3A_134, %scan3A_135 : i32
    %scan3A_137 = arith.constant 1 : i32
    scf.for %scan3A_162 = %scan3A_134 to %scan3A_136 step %scan3A_137  : i32 {
      %mul3A_163 = arith.constant 2 : i32
      %mul3A_164 = arith.muli %scan3A_162, %mul3A_163 : i32
      %add3A_165 = arith.constant 0 : i32
      %add3A_166 = arith.addi %mul3A_164, %add3A_165 : i32
      %dma_wait3A_167 = arith.constant 0 : i32
      %dma_wait3A_168 = arith.constant 0 : i32
      %dma_wait3A_169 = arith.constant 0 : i32
      %dma_wait3A_170 = arith.constant 0 : i32
      %dma_wait3A_171 = tpu.memref_slice %arg2[%dma_wait3A_167, %dma_wait3A_169, %dma_wait3A_168, %dma_wait3A_170] : memref<25x128x8x128xf32, #tpu.memory_space<hbm>> -> memref<1x32x1x128xf32, #tpu.memory_space<hbm>>
      %dma_wait3A_172 = tpu.memref_squeeze %dma_wait3A_171 : memref<1x32x1x128xf32, #tpu.memory_space<hbm>> -> memref<32x128xf32, #tpu.memory_space<hbm>>
      %dma_wait3A_173 = arith.constant 0 : i32
      %dma_wait3A_174 = arith.constant 0 : i32
      %dma_wait3A_175 = tpu.memref_slice %arg2[%dma_wait3A_167, %dma_wait3A_173, %dma_wait3A_168, %dma_wait3A_174] : memref<25x128x8x128xf32, #tpu.memory_space<hbm>> -> memref<1x32x1x128xf32, #tpu.memory_space<hbm>>
      %dma_wait3A_176 = tpu.memref_squeeze %dma_wait3A_175 : memref<1x32x1x128xf32, #tpu.memory_space<hbm>> -> memref<32x128xf32, #tpu.memory_space<hbm>>
      tpu.wait_dma2 semaphore(%arg10 : memref<!tpu.dma_semaphore, #tpu.memory_space<semaphore_mem>>) src(%dma_wait3A_176 : memref<32x128xf32, #tpu.memory_space<hbm>>) dst(%arg6 : memref<32x128xf32, #tpu.memory_space<vmem>>)
      %ge3A = arith.constant 1 : i32
      %ge3A_177 = arith.cmpi sge, %scan3A_162, %ge3A : i32
      %convert_element_type3A = arith.extui %ge3A_177 : i1 to i32
      %cond3A = arith.constant 0 : i32
      %cond3A_178 = arith.cmpi ne, %convert_element_type3A, %cond3A : i32
      scf.if %cond3A_178 {
        %dma_wait3A_319 = arith.constant 0 : i32
        %dma_wait3A_320 = arith.constant 0 : i32
        %dma_wait3A_321 = arith.constant 0 : i32
        %dma_wait3A_322 = arith.constant 0 : i32
        %dma_wait3A_323 = arith.constant 0 : i32
        %dma_wait3A_324 = tpu.memref_slice %arg4[%dma_wait3A_319, %dma_wait3A_320, %dma_wait3A_321, %dma_wait3A_322, %dma_wait3A_323] : memref<200x4x128x8x128xf32, #tpu.memory_space<hbm>> -> memref<1x1x32x8x128xf32, #tpu.memory_space<hbm>>
        %dma_wait3A_325 = tpu.memref_squeeze %dma_wait3A_324 : memref<1x1x32x8x128xf32, #tpu.memory_space<hbm>> -> memref<32x8x128xf32, #tpu.memory_space<hbm>>
        %dma_wait3A_326 = arith.constant 0 : i32
        %dma_wait3A_327 = arith.constant 0 : i32
        %dma_wait3A_328 = arith.constant 0 : i32
        %dma_wait3A_329 = tpu.memref_slice %arg4[%dma_wait3A_319, %dma_wait3A_320, %dma_wait3A_326, %dma_wait3A_327, %dma_wait3A_328] : memref<200x4x128x8x128xf32, #tpu.memory_space<hbm>> -> memref<1x1x32x8x128xf32, #tpu.memory_space<hbm>>
        %dma_wait3A_330 = tpu.memref_squeeze %dma_wait3A_329 : memref<1x1x32x8x128xf32, #tpu.memory_space<hbm>> -> memref<32x8x128xf32, #tpu.memory_space<hbm>>
        tpu.wait_dma2 semaphore(%arg12 : memref<!tpu.dma_semaphore, #tpu.memory_space<semaphore_mem>>) src(%arg8 : memref<32x8x128xf32, #tpu.memory_space<vmem>>) dst(%dma_wait3A_330 : memref<32x8x128xf32, #tpu.memory_space<hbm>>)
      } else {
      }
      %parallel_loop3A = arith.constant 0 : i32
      %parallel_loop3A_179 = arith.constant 32 : i32
      %parallel_loop3A_180 = arith.constant 1 : i32
      scf.for %parallel_loop3A_319 = %parallel_loop3A to %parallel_loop3A_179 step %parallel_loop3A_180  : i32 {
        %parallel_loop3A_320 = arith.index_cast %parallel_loop3A_319 : i32 to index
        %parallel_loop3A_321 = arith.constant 0 : index
        %parallel_loop3A_322 = tpu.vector_load %arg6[%parallel_loop3A_320, %parallel_loop3A_321] {strides = array<i32>} : memref<32x128xf32, #tpu.memory_space<vmem>>, vector<16xf32>,
        %parallel_loop3A_323 = arith.constant 3.500000e+01 : f32
        %parallel_loop3A_324 = vector.broadcast %parallel_loop3A_323 : f32 to vector<16xf32>
        %parallel_loop3A_325 = arith.mulf %parallel_loop3A_322, %parallel_loop3A_324 : vector<16xf32>
        %parallel_loop3A_326 = arith.constant 3.600000e+01 : f32
        %parallel_loop3A_327 = vector.broadcast %parallel_loop3A_326 : f32 to vector<16xf32>
        %parallel_loop3A_328 = arith.addf %parallel_loop3A_325, %parallel_loop3A_327 : vector<16xf32>
        %parallel_loop3A_329 = arith.constant 0x4B400000 : f32
        %parallel_loop3A_330 = vector.broadcast %parallel_loop3A_329 : f32 to vector<16xf32>
        %parallel_loop3A_331 = arith.addf %parallel_loop3A_328, %parallel_loop3A_330 : vector<16xf32>
        %parallel_loop3A_332 = arith.constant 0x4B400000 : f32
        %parallel_loop3A_333 = vector.broadcast %parallel_loop3A_332 : f32 to vector<16xf32>
        %parallel_loop3A_334 = arith.subf %parallel_loop3A_331, %parallel_loop3A_333 : vector<16xf32>
        %parallel_loop3A_335 = arith.constant 3.600000e+01 : f32
        %parallel_loop3A_336 = vector.broadcast %parallel_loop3A_335 : f32 to vector<16xf32>
        %parallel_loop3A_337 = arith.subf %parallel_loop3A_334, %parallel_loop3A_336 : vector<16xf32>
        %parallel_loop3A_338 = arith.constant 0.000000e+00 : f32
        %parallel_loop3A_339 = vector.broadcast %parallel_loop3A_338 : f32 to vector<16xf32>
        %parallel_loop3A_340 = arith.maximumf %parallel_loop3A_337, %parallel_loop3A_339 : vector<16xf32>
        %parallel_loop3A_341 = arith.constant 3.500000e+01 : f32
        %parallel_loop3A_342 = vector.broadcast %parallel_loop3A_341 : f32 to vector<16xf32>
        %parallel_loop3A_343 = arith.minimumf %parallel_loop3A_340, %parallel_loop3A_342 : vector<16xf32>
        %parallel_loop3A_344 = arith.fptosi %parallel_loop3A_343 : vector<16xf32> to vector<16xi32>
        %parallel_loop3A_345 = arith.index_cast %parallel_loop3A_319 : i32 to index
        %parallel_loop3A_346 = arith.constant 16 : index
        %parallel_loop3A_347 = tpu.vector_load %arg6[%parallel_loop3A_345, %parallel_loop3A_346] {strides = array<i32>} : memref<32x128xf32, #tpu.memory_space<vmem>>, vector<16xf32>,
        %parallel_loop3A_348 = arith.constant 3.500000e+01 : f32
        %parallel_loop3A_349 = vector.broadcast %parallel_loop3A_348 : f32 to vector<16xf32>
        %parallel_loop3A_350 = arith.mulf %parallel_loop3A_347, %parallel_loop3A_349 : vector<16xf32>
        %parallel_loop3A_351 = arith.constant 3.600000e+01 : f32
        %parallel_loop3A_352 = vector.broadcast %parallel_loop3A_351 : f32 to vector<16xf32>
        %parallel_loop3A_353 = arith.addf %parallel_loop3A_350, %parallel_loop3A_352 : vector<16xf32>
        %parallel_loop3A_354 = arith.constant 0x4B400000 : f32
        %parallel_loop3A_355 = vector.broadcast %parallel_loop3A_354 : f32 to vector<16xf32>
        %parallel_loop3A_356 = arith.addf %parallel_loop3A_353, %parallel_loop3A_355 : vector<16xf32>
        %parallel_loop3A_357 = arith.constant 0x4B400000 : f32
        %parallel_loop3A_358 = vector.broadcast %parallel_loop3A_357 : f32 to vector<16xf32>
        %parallel_loop3A_359 = arith.subf %parallel_loop3A_356, %parallel_loop3A_358 : vector<16xf32>
        %parallel_loop3A_360 = arith.constant 3.600000e+01 : f32
        %parallel_loop3A_361 = vector.broadcast %parallel_loop3A_360 : f32 to vector<16xf32>
        %parallel_loop3A_362 = arith.subf %parallel_loop3A_359, %parallel_loop3A_361 : vector<16xf32>
        %parallel_loop3A_363 = arith.constant 0.000000e+00 : f32
        %parallel_loop3A_364 = vector.broadcast %parallel_loop3A_363 : f32 to vector<16xf32>
        %parallel_loop3A_365 = arith.maximumf %parallel_loop3A_362, %parallel_loop3A_364 : vector<16xf32>
        %parallel_loop3A_366 = arith.constant 3.500000e+01 : f32
        %parallel_loop3A_367 = vector.broadcast %parallel_loop3A_366 : f32 to vector<16xf32>
        %parallel_loop3A_368 = arith.minimumf %parallel_loop3A_365, %parallel_loop3A_367 : vector<16xf32>
        %parallel_loop3A_369 = arith.fptosi %parallel_loop3A_368 : vector<16xf32> to vector<16xi32>
        %parallel_loop3A_370 = arith.index_cast %parallel_loop3A_319 : i32 to index
        %parallel_loop3A_371 = arith.constant 32 : index
        %parallel_loop3A_372 = tpu.vector_load %arg6[%parallel_loop3A_370, %parallel_loop3A_371] {strides = array<i32>} : memref<32x128xf32, #tpu.memory_space<vmem>>, vector<16xf32>,
        %parallel_loop3A_373 = arith.constant 3.500000e+01 : f32
        %parallel_loop3A_374 = vector.broadcast %parallel_loop3A_373 : f32 to vector<16xf32>
        %parallel_loop3A_375 = arith.mulf %parallel_loop3A_372, %parallel_loop3A_374 : vector<16xf32>
        %parallel_loop3A_376 = arith.constant 3.600000e+01 : f32
        %parallel_loop3A_377 = vector.broadcast %parallel_loop3A_376 : f32 to vector<16xf32>
        %parallel_loop3A_378 = arith.addf %parallel_loop3A_375, %parallel_loop3A_377 : vector<16xf32>
        %parallel_loop3A_379 = arith.constant 0x4B400000 : f32
        %parallel_loop3A_380 = vector.broadcast %parallel_loop3A_379 : f32 to vector<16xf32>
        %parallel_loop3A_381 = arith.addf %parallel_loop3A_378, %parallel_loop3A_380 : vector<16xf32>
        %parallel_loop3A_382 = arith.constant 0x4B400000 : f32
        %parallel_loop3A_383 = vector.broadcast %parallel_loop3A_382 : f32 to vector<16xf32>
        %parallel_loop3A_384 = arith.subf %parallel_loop3A_381, %parallel_loop3A_383 : vector<16xf32>
        %parallel_loop3A_385 = arith.constant 3.600000e+01 : f32
        %parallel_loop3A_386 = vector.broadcast %parallel_loop3A_385 : f32 to vector<16xf32>
        %parallel_loop3A_387 = arith.subf %parallel_loop3A_384, %parallel_loop3A_386 : vector<16xf32>
        %parallel_loop3A_388 = arith.constant 0.000000e+00 : f32
        %parallel_loop3A_389 = vector.broadcast %parallel_loop3A_388 : f32 to vector<16xf32>
        %parallel_loop3A_390 = arith.maximumf %parallel_loop3A_387, %parallel_loop3A_389 : vector<16xf32>
        %parallel_loop3A_391 = arith.constant 3.500000e+01 : f32
        %parallel_loop3A_392 = vector.broadcast %parallel_loop3A_391 : f32 to vector<16xf32>
        %parallel_loop3A_393 = arith.minimumf %parallel_loop3A_390, %parallel_loop3A_392 : vector<16xf32>
        %parallel_loop3A_394 = arith.fptosi %parallel_loop3A_393 : vector<16xf32> to vector<16xi32>
        %parallel_loop3A_395 = arith.index_cast %parallel_loop3A_319 : i32 to index
        %parallel_loop3A_396 = arith.constant 48 : index
        %parallel_loop3A_397 = tpu.vector_load %arg6[%parallel_loop3A_395, %parallel_loop3A_396] {strides = array<i32>} : memref<32x128xf32, #tpu.memory_space<vmem>>, vector<16xf32>,
        %parallel_loop3A_398 = arith.constant 3.500000e+01 : f32
        %parallel_loop3A_399 = vector.broadcast %parallel_loop3A_398 : f32 to vector<16xf32>
        %parallel_loop3A_400 = arith.mulf %parallel_loop3A_397, %parallel_loop3A_399 : vector<16xf32>
        %parallel_loop3A_401 = arith.constant 3.600000e+01 : f32
        %parallel_loop3A_402 = vector.broadcast %parallel_loop3A_401 : f32 to vector<16xf32>
        %parallel_loop3A_403 = arith.addf %parallel_loop3A_400, %parallel_loop3A_402 : vector<16xf32>
        %parallel_loop3A_404 = arith.constant 0x4B400000 : f32
        %parallel_loop3A_405 = vector.broadcast %parallel_loop3A_404 : f32 to vector<16xf32>
        %parallel_loop3A_406 = arith.addf %parallel_loop3A_403, %parallel_loop3A_405 : vector<16xf32>
        %parallel_loop3A_407 = arith.constant 0x4B400000 : f32
        %parallel_loop3A_408 = vector.broadcast %parallel_loop3A_407 : f32 to vector<16xf32>
        %parallel_loop3A_409 = arith.subf %parallel_loop3A_406, %parallel_loop3A_408 : vector<16xf32>
        %parallel_loop3A_410 = arith.constant 3.600000e+01 : f32
        %parallel_loop3A_411 = vector.broadcast %parallel_loop3A_410 : f32 to vector<16xf32>
        %parallel_loop3A_412 = arith.subf %parallel_loop3A_409, %parallel_loop3A_411 : vector<16xf32>
        %parallel_loop3A_413 = arith.constant 0.000000e+00 : f32
        %parallel_loop3A_414 = vector.broadcast %parallel_loop3A_413 : f32 to vector<16xf32>
        %parallel_loop3A_415 = arith.maximumf %parallel_loop3A_412, %parallel_loop3A_414 : vector<16xf32>
        %parallel_loop3A_416 = arith.constant 3.500000e+01 : f32
        %parallel_loop3A_417 = vector.broadcast %parallel_loop3A_416 : f32 to vector<16xf32>
        %parallel_loop3A_418 = arith.minimumf %parallel_loop3A_415, %parallel_loop3A_417 : vector<16xf32>
        %parallel_loop3A_419 = arith.fptosi %parallel_loop3A_418 : vector<16xf32> to vector<16xi32>
        %parallel_loop3A_420 = arith.index_cast %parallel_loop3A_319 : i32 to index
        %parallel_loop3A_421 = arith.constant 64 : index
        %parallel_loop3A_422 = tpu.vector_load %arg6[%parallel_loop3A_420, %parallel_loop3A_421] {strides = array<i32>} : memref<32x128xf32, #tpu.memory_space<vmem>>, vector<16xf32>,
        %parallel_loop3A_423 = arith.constant 3.500000e+01 : f32
        %parallel_loop3A_424 = vector.broadcast %parallel_loop3A_423 : f32 to vector<16xf32>
        %parallel_loop3A_425 = arith.mulf %parallel_loop3A_422, %parallel_loop3A_424 : vector<16xf32>
        %parallel_loop3A_426 = arith.constant 3.600000e+01 : f32
        %parallel_loop3A_427 = vector.broadcast %parallel_loop3A_426 : f32 to vector<16xf32>
        %parallel_loop3A_428 = arith.addf %parallel_loop3A_425, %parallel_loop3A_427 : vector<16xf32>
        %parallel_loop3A_429 = arith.constant 0x4B400000 : f32
        %parallel_loop3A_430 = vector.broadcast %parallel_loop3A_429 : f32 to vector<16xf32>
        %parallel_loop3A_431 = arith.addf %parallel_loop3A_428, %parallel_loop3A_430 : vector<16xf32>
        %parallel_loop3A_432 = arith.constant 0x4B400000 : f32
        %parallel_loop3A_433 = vector.broadcast %parallel_loop3A_432 : f32 to vector<16xf32>
        %parallel_loop3A_434 = arith.subf %parallel_loop3A_431, %parallel_loop3A_433 : vector<16xf32>
        %parallel_loop3A_435 = arith.constant 3.600000e+01 : f32
        %parallel_loop3A_436 = vector.broadcast %parallel_loop3A_435 : f32 to vector<16xf32>
        %parallel_loop3A_437 = arith.subf %parallel_loop3A_434, %parallel_loop3A_436 : vector<16xf32>
        %parallel_loop3A_438 = arith.constant 0.000000e+00 : f32
        %parallel_loop3A_439 = vector.broadcast %parallel_loop3A_438 : f32 to vector<16xf32>
        %parallel_loop3A_440 = arith.maximumf %parallel_loop3A_437, %parallel_loop3A_439 : vector<16xf32>
        %parallel_loop3A_441 = arith.constant 3.500000e+01 : f32
        %parallel_loop3A_442 = vector.broadcast %parallel_loop3A_441 : f32 to vector<16xf32>
        %parallel_loop3A_443 = arith.minimumf %parallel_loop3A_440, %parallel_loop3A_442 : vector<16xf32>
        %parallel_loop3A_444 = arith.fptosi %parallel_loop3A_443 : vector<16xf32> to vector<16xi32>
        %parallel_loop3A_445 = arith.index_cast %parallel_loop3A_319 : i32 to index
        %parallel_loop3A_446 = arith.constant 80 : index
        %parallel_loop3A_447 = tpu.vector_load %arg6[%parallel_loop3A_445, %parallel_loop3A_446] {strides = array<i32>} : memref<32x128xf32, #tpu.memory_space<vmem>>, vector<16xf32>,
        %parallel_loop3A_448 = arith.constant 3.500000e+01 : f32
        %parallel_loop3A_449 = vector.broadcast %parallel_loop3A_448 : f32 to vector<16xf32>
        %parallel_loop3A_450 = arith.mulf %parallel_loop3A_447, %parallel_loop3A_449 : vector<16xf32>
        %parallel_loop3A_451 = arith.constant 3.600000e+01 : f32
        %parallel_loop3A_452 = vector.broadcast %parallel_loop3A_451 : f32 to vector<16xf32>
        %parallel_loop3A_453 = arith.addf %parallel_loop3A_450, %parallel_loop3A_452 : vector<16xf32>
        %parallel_loop3A_454 = arith.constant 0x4B400000 : f32
        %parallel_loop3A_455 = vector.broadcast %parallel_loop3A_454 : f32 to vector<16xf32>
        %parallel_loop3A_456 = arith.addf %parallel_loop3A_453, %parallel_loop3A_455 : vector<16xf32>
        %parallel_loop3A_457 = arith.constant 0x4B400000 : f32
        %parallel_loop3A_458 = vector.broadcast %parallel_loop3A_457 : f32 to vector<16xf32>
        %parallel_loop3A_459 = arith.subf %parallel_loop3A_456, %parallel_loop3A_458 : vector<16xf32>
        %parallel_loop3A_460 = arith.constant 3.600000e+01 : f32
        %parallel_loop3A_461 = vector.broadcast %parallel_loop3A_460 : f32 to vector<16xf32>
        %parallel_loop3A_462 = arith.subf %parallel_loop3A_459, %parallel_loop3A_461 : vector<16xf32>
        %parallel_loop3A_463 = arith.constant 0.000000e+00 : f32
        %parallel_loop3A_464 = vector.broadcast %parallel_loop3A_463 : f32 to vector<16xf32>
        %parallel_loop3A_465 = arith.maximumf %parallel_loop3A_462, %parallel_loop3A_464 : vector<16xf32>
        %parallel_loop3A_466 = arith.constant 3.500000e+01 : f32
        %parallel_loop3A_467 = vector.broadcast %parallel_loop3A_466 : f32 to vector<16xf32>
        %parallel_loop3A_468 = arith.minimumf %parallel_loop3A_465, %parallel_loop3A_467 : vector<16xf32>
        %parallel_loop3A_469 = arith.fptosi %parallel_loop3A_468 : vector<16xf32> to vector<16xi32>
        %parallel_loop3A_470 = arith.index_cast %parallel_loop3A_319 : i32 to index
        %parallel_loop3A_471 = arith.constant 96 : index
        %parallel_loop3A_472 = tpu.vector_load %arg6[%parallel_loop3A_470, %parallel_loop3A_471] {strides = array<i32>} : memref<32x128xf32, #tpu.memory_space<vmem>>, vector<16xf32>,
        %parallel_loop3A_473 = arith.constant 3.500000e+01 : f32
        %parallel_loop3A_474 = vector.broadcast %parallel_loop3A_473 : f32 to vector<16xf32>
        %parallel_loop3A_475 = arith.mulf %parallel_loop3A_472, %parallel_loop3A_474 : vector<16xf32>
        %parallel_loop3A_476 = arith.constant 3.600000e+01 : f32
        %parallel_loop3A_477 = vector.broadcast %parallel_loop3A_476 : f32 to vector<16xf32>
        %parallel_loop3A_478 = arith.addf %parallel_loop3A_475, %parallel_loop3A_477 : vector<16xf32>
        %parallel_loop3A_479 = arith.constant 0x4B400000 : f32
        %parallel_loop3A_480 = vector.broadcast %parallel_loop3A_479 : f32 to vector<16xf32>
        %parallel_loop3A_481 = arith.addf %parallel_loop3A_478, %parallel_loop3A_480 : vector<16xf32>
        %parallel_loop3A_482 = arith.constant 0x4B400000 : f32
        %parallel_loop3A_483 = vector.broadcast %parallel_loop3A_482 : f32 to vector<16xf32>
        %parallel_loop3A_484 = arith.subf %parallel_loop3A_481, %parallel_loop3A_483 : vector<16xf32>
        %parallel_loop3A_485 = arith.constant 3.600000e+01 : f32
        %parallel_loop3A_486 = vector.broadcast %parallel_loop3A_485 : f32 to vector<16xf32>
        %parallel_loop3A_487 = arith.subf %parallel_loop3A_484, %parallel_loop3A_486 : vector<16xf32>
        %parallel_loop3A_488 = arith.constant 0.000000e+00 : f32
        %parallel_loop3A_489 = vector.broadcast %parallel_loop3A_488 : f32 to vector<16xf32>
        %parallel_loop3A_490 = arith.maximumf %parallel_loop3A_487, %parallel_loop3A_489 : vector<16xf32>
        %parallel_loop3A_491 = arith.constant 3.500000e+01 : f32
        %parallel_loop3A_492 = vector.broadcast %parallel_loop3A_491 : f32 to vector<16xf32>
        %parallel_loop3A_493 = arith.minimumf %parallel_loop3A_490, %parallel_loop3A_492 : vector<16xf32>
        %parallel_loop3A_494 = arith.fptosi %parallel_loop3A_493 : vector<16xf32> to vector<16xi32>
        %parallel_loop3A_495 = arith.index_cast %parallel_loop3A_319 : i32 to index
        %parallel_loop3A_496 = arith.constant 112 : index
        %parallel_loop3A_497 = tpu.vector_load %arg6[%parallel_loop3A_495, %parallel_loop3A_496] {strides = array<i32>} : memref<32x128xf32, #tpu.memory_space<vmem>>, vector<16xf32>,
        %parallel_loop3A_498 = arith.constant 3.500000e+01 : f32
        %parallel_loop3A_499 = vector.broadcast %parallel_loop3A_498 : f32 to vector<16xf32>
        %parallel_loop3A_500 = arith.mulf %parallel_loop3A_497, %parallel_loop3A_499 : vector<16xf32>
        %parallel_loop3A_501 = arith.constant 3.600000e+01 : f32
        %parallel_loop3A_502 = vector.broadcast %parallel_loop3A_501 : f32 to vector<16xf32>
        %parallel_loop3A_503 = arith.addf %parallel_loop3A_500, %parallel_loop3A_502 : vector<16xf32>
        %parallel_loop3A_504 = arith.constant 0x4B400000 : f32
        %parallel_loop3A_505 = vector.broadcast %parallel_loop3A_504 : f32 to vector<16xf32>
        %parallel_loop3A_506 = arith.addf %parallel_loop3A_503, %parallel_loop3A_505 : vector<16xf32>
        %parallel_loop3A_507 = arith.constant 0x4B400000 : f32
        %parallel_loop3A_508 = vector.broadcast %parallel_loop3A_507 : f32 to vector<16xf32>
        %parallel_loop3A_509 = arith.subf %parallel_loop3A_506, %parallel_loop3A_508 : vector<16xf32>
        %parallel_loop3A_510 = arith.constant 3.600000e+01 : f32
        %parallel_loop3A_511 = vector.broadcast %parallel_loop3A_510 : f32 to vector<16xf32>
        %parallel_loop3A_512 = arith.subf %parallel_loop3A_509, %parallel_loop3A_511 : vector<16xf32>
        %parallel_loop3A_513 = arith.constant 0.000000e+00 : f32
        %parallel_loop3A_514 = vector.broadcast %parallel_loop3A_513 : f32 to vector<16xf32>
        %parallel_loop3A_515 = arith.maximumf %parallel_loop3A_512, %parallel_loop3A_514 : vector<16xf32>
        %parallel_loop3A_516 = arith.constant 3.500000e+01 : f32
        %parallel_loop3A_517 = vector.broadcast %parallel_loop3A_516 : f32 to vector<16xf32>
        %parallel_loop3A_518 = arith.minimumf %parallel_loop3A_515, %parallel_loop3A_517 : vector<16xf32>
        %parallel_loop3A_519 = arith.fptosi %parallel_loop3A_518 : vector<16xf32> to vector<16xi32>
        %parallel_loop3A_520 = arith.constant 0 : i32
        %parallel_loop3A_521 = arith.addi %mul3A_34, %parallel_loop3A_520 : i32
        %parallel_loop3A_522 = tpu.memref_slice %arg5[%parallel_loop3A_521] : memref<1280xf32, #tpu.memory_space<vmem>> -> memref<40xf32, #tpu.memory_space<vmem>>
        %parallel_loop3A_523 = tpu.vector_load_idx %parallel_loop3A_522[%parallel_loop3A_344] : memref<40xf32, #tpu.memory_space<vmem>>[vector<16xi32>], vector<16xf32>,
        %parallel_loop3A_524 = arith.constant 0 : i32
        %parallel_loop3A_525 = arith.index_cast %parallel_loop3A_319 : i32 to index
        %parallel_loop3A_526 = arith.index_cast %parallel_loop3A_524 : i32 to index
        %parallel_loop3A_527 = arith.constant 0 : index
        %parallel_loop3A_528 = tpu.vector_load %arg8[%parallel_loop3A_525, %parallel_loop3A_526, %parallel_loop3A_527] {strides = array<i32>} : memref<32x8x128xf32, #tpu.memory_space<vmem>>, vector<16xf32>,
        tpu.vector_store %arg8[%parallel_loop3A_525, %parallel_loop3A_526, %parallel_loop3A_527], %parallel_loop3A_523 {strides = array<i32>} : memref<32x8x128xf32, #tpu.memory_space<vmem>>, vector<16xf32>,
        %parallel_loop3A_529 = tpu.memref_slice %arg5[%parallel_loop3A_521] : memref<1280xf32, #tpu.memory_space<vmem>> -> memref<40xf32, #tpu.memory_space<vmem>>
        %parallel_loop3A_530 = tpu.vector_load_idx %parallel_loop3A_529[%parallel_loop3A_369] : memref<40xf32, #tpu.memory_space<vmem>>[vector<16xi32>], vector<16xf32>,
        %parallel_loop3A_531 = arith.constant 0 : i32
        %parallel_loop3A_532 = arith.index_cast %parallel_loop3A_319 : i32 to index
        %parallel_loop3A_533 = arith.index_cast %parallel_loop3A_531 : i32 to index
        %parallel_loop3A_534 = arith.constant 16 : index
        %parallel_loop3A_535 = tpu.vector_load %arg8[%parallel_loop3A_532, %parallel_loop3A_533, %parallel_loop3A_534] {strides = array<i32>} : memref<32x8x128xf32, #tpu.memory_space<vmem>>, vector<16xf32>,
        tpu.vector_store %arg8[%parallel_loop3A_532, %parallel_loop3A_533, %parallel_loop3A_534], %parallel_loop3A_530 {strides = array<i32>} : memref<32x8x128xf32, #tpu.memory_space<vmem>>, vector<16xf32>,
        %parallel_loop3A_536 = tpu.memref_slice %arg5[%parallel_loop3A_521] : memref<1280xf32, #tpu.memory_space<vmem>> -> memref<40xf32, #tpu.memory_space<vmem>>
        %parallel_loop3A_537 = tpu.vector_load_idx %parallel_loop3A_536[%parallel_loop3A_394] : memref<40xf32, #tpu.memory_space<vmem>>[vector<16xi32>], vector<16xf32>,
        %parallel_loop3A_538 = arith.constant 0 : i32
        %parallel_loop3A_539 = arith.index_cast %parallel_loop3A_319 : i32 to index
        %parallel_loop3A_540 = arith.index_cast %parallel_loop3A_538 : i32 to index
        %parallel_loop3A_541 = arith.constant 32 : index
        %parallel_loop3A_542 = tpu.vector_load %arg8[%parallel_loop3A_539, %parallel_loop3A_540, %parallel_loop3A_541] {strides = array<i32>} : memref<32x8x128xf32, #tpu.memory_space<vmem>>, vector<16xf32>,
        tpu.vector_store %arg8[%parallel_loop3A_539, %parallel_loop3A_540, %parallel_loop3A_541], %parallel_loop3A_537 {strides = array<i32>} : memref<32x8x128xf32, #tpu.memory_space<vmem>>, vector<16xf32>,
        %parallel_loop3A_543 = tpu.memref_slice %arg5[%parallel_loop3A_521] : memref<1280xf32, #tpu.memory_space<vmem>> -> memref<40xf32, #tpu.memory_space<vmem>>
        %parallel_loop3A_544 = tpu.vector_load_idx %parallel_loop3A_543[%parallel_loop3A_419] : memref<40xf32, #tpu.memory_space<vmem>>[vector<16xi32>], vector<16xf32>,
        %parallel_loop3A_545 = arith.constant 0 : i32
        %parallel_loop3A_546 = arith.index_cast %parallel_loop3A_319 : i32 to index
        %parallel_loop3A_547 = arith.index_cast %parallel_loop3A_545 : i32 to index
        %parallel_loop3A_548 = arith.constant 48 : index
        %parallel_loop3A_549 = tpu.vector_load %arg8[%parallel_loop3A_546, %parallel_loop3A_547, %parallel_loop3A_548] {strides = array<i32>} : memref<32x8x128xf32, #tpu.memory_space<vmem>>, vector<16xf32>,
        tpu.vector_store %arg8[%parallel_loop3A_546, %parallel_loop3A_547, %parallel_loop3A_548], %parallel_loop3A_544 {strides = array<i32>} : memref<32x8x128xf32, #tpu.memory_space<vmem>>, vector<16xf32>,
        %parallel_loop3A_550 = tpu.memref_slice %arg5[%parallel_loop3A_521] : memref<1280xf32, #tpu.memory_space<vmem>> -> memref<40xf32, #tpu.memory_space<vmem>>
        %parallel_loop3A_551 = tpu.vector_load_idx %parallel_loop3A_550[%parallel_loop3A_444] : memref<40xf32, #tpu.memory_space<vmem>>[vector<16xi32>], vector<16xf32>,
        %parallel_loop3A_552 = arith.constant 0 : i32
        %parallel_loop3A_553 = arith.index_cast %parallel_loop3A_319 : i32 to index
        %parallel_loop3A_554 = arith.index_cast %parallel_loop3A_552 : i32 to index
        %parallel_loop3A_555 = arith.constant 64 : index
        %parallel_loop3A_556 = tpu.vector_load %arg8[%parallel_loop3A_553, %parallel_loop3A_554, %parallel_loop3A_555] {strides = array<i32>} : memref<32x8x128xf32, #tpu.memory_space<vmem>>, vector<16xf32>,
        tpu.vector_store %arg8[%parallel_loop3A_553, %parallel_loop3A_554, %parallel_loop3A_555], %parallel_loop3A_551 {strides = array<i32>} : memref<32x8x128xf32, #tpu.memory_space<vmem>>, vector<16xf32>,
        %parallel_loop3A_557 = tpu.memref_slice %arg5[%parallel_loop3A_521] : memref<1280xf32, #tpu.memory_space<vmem>> -> memref<40xf32, #tpu.memory_space<vmem>>
        %parallel_loop3A_558 = tpu.vector_load_idx %parallel_loop3A_557[%parallel_loop3A_469] : memref<40xf32, #tpu.memory_space<vmem>>[vector<16xi32>], vector<16xf32>,
        %parallel_loop3A_559 = arith.constant 0 : i32
        %parallel_loop3A_560 = arith.index_cast %parallel_loop3A_319 : i32 to index
        %parallel_loop3A_561 = arith.index_cast %parallel_loop3A_559 : i32 to index
        %parallel_loop3A_562 = arith.constant 80 : index
        %parallel_loop3A_563 = tpu.vector_load %arg8[%parallel_loop3A_560, %parallel_loop3A_561, %parallel_loop3A_562] {strides = array<i32>} : memref<32x8x128xf32, #tpu.memory_space<vmem>>, vector<16xf32>,
        tpu.vector_store %arg8[%parallel_loop3A_560, %parallel_loop3A_561, %parallel_loop3A_562], %parallel_loop3A_558 {strides = array<i32>} : memref<32x8x128xf32, #tpu.memory_space<vmem>>, vector<16xf32>,
        %parallel_loop3A_564 = tpu.memref_slice %arg5[%parallel_loop3A_521] : memref<1280xf32, #tpu.memory_space<vmem>> -> memref<40xf32, #tpu.memory_space<vmem>>
        %parallel_loop3A_565 = tpu.vector_load_idx %parallel_loop3A_564[%parallel_loop3A_494] : memref<40xf32, #tpu.memory_space<vmem>>[vector<16xi32>], vector<16xf32>,
        %parallel_loop3A_566 = arith.constant 0 : i32
        %parallel_loop3A_567 = arith.index_cast %parallel_loop3A_319 : i32 to index
        %parallel_loop3A_568 = arith.index_cast %parallel_loop3A_566 : i32 to index
        %parallel_loop3A_569 = arith.constant 96 : index
        %parallel_loop3A_570 = tpu.vector_load %arg8[%parallel_loop3A_567, %parallel_loop3A_568, %parallel_loop3A_569] {strides = array<i32>} : memref<32x8x128xf32, #tpu.memory_space<vmem>>, vector<16xf32>,
        tpu.vector_store %arg8[%parallel_loop3A_567, %parallel_loop3A_568, %parallel_loop3A_569], %parallel_loop3A_565 {strides = array<i32>} : memref<32x8x128xf32, #tpu.memory_space<vmem>>, vector<16xf32>,
        %parallel_loop3A_571 = tpu.memref_slice %arg5[%parallel_loop3A_521] : memref<1280xf32, #tpu.memory_space<vmem>> -> memref<40xf32, #tpu.memory_space<vmem>>
        %parallel_loop3A_572 = tpu.vector_load_idx %parallel_loop3A_571[%parallel_loop3A_519] : memref<40xf32, #tpu.memory_space<vmem>>[vector<16xi32>], vector<16xf32>,
        %parallel_loop3A_573 = arith.constant 0 : i32
        %parallel_loop3A_574 = arith.index_cast %parallel_loop3A_319 : i32 to index
        %parallel_loop3A_575 = arith.index_cast %parallel_loop3A_573 : i32 to index
        %parallel_loop3A_576 = arith.constant 112 : index
        %parallel_loop3A_577 = tpu.vector_load %arg8[%parallel_loop3A_574, %parallel_loop3A_575, %parallel_loop3A_576] {strides = array<i32>} : memref<32x8x128xf32, #tpu.memory_space<vmem>>, vector<16xf32>,
        tpu.vector_store %arg8[%parallel_loop3A_574, %parallel_loop3A_575, %parallel_loop3A_576], %parallel_loop3A_572 {strides = array<i32>} : memref<32x8x128xf32, #tpu.memory_space<vmem>>, vector<16xf32>,
        %parallel_loop3A_578 = arith.constant 40 : i32
        %parallel_loop3A_579 = arith.addi %mul3A_34, %parallel_loop3A_578 : i32
        %parallel_loop3A_580 = tpu.memref_slice %arg5[%parallel_loop3A_579] : memref<1280xf32, #tpu.memory_space<vmem>> -> memref<40xf32, #tpu.memory_space<vmem>>
        %parallel_loop3A_581 = tpu.vector_load_idx %parallel_loop3A_580[%parallel_loop3A_344] : memref<40xf32, #tpu.memory_space<vmem>>[vector<16xi32>], vector<16xf32>,
        %parallel_loop3A_582 = arith.constant 1 : i32
        %parallel_loop3A_583 = arith.index_cast %parallel_loop3A_319 : i32 to index
        %parallel_loop3A_584 = arith.index_cast %parallel_loop3A_582 : i32 to index
        %parallel_loop3A_585 = arith.constant 0 : index
        %parallel_loop3A_586 = tpu.vector_load %arg8[%parallel_loop3A_583, %parallel_loop3A_584, %parallel_loop3A_585] {strides = array<i32>} : memref<32x8x128xf32, #tpu.memory_space<vmem>>, vector<16xf32>,
        tpu.vector_store %arg8[%parallel_loop3A_583, %parallel_loop3A_584, %parallel_loop3A_585], %parallel_loop3A_581 {strides = array<i32>} : memref<32x8x128xf32, #tpu.memory_space<vmem>>, vector<16xf32>,
        %parallel_loop3A_587 = tpu.memref_slice %arg5[%parallel_loop3A_579] : memref<1280xf32, #tpu.memory_space<vmem>> -> memref<40xf32, #tpu.memory_space<vmem>>
        %parallel_loop3A_588 = tpu.vector_load_idx %parallel_loop3A_587[%parallel_loop3A_369] : memref<40xf32, #tpu.memory_space<vmem>>[vector<16xi32>], vector<16xf32>,
        %parallel_loop3A_589 = arith.constant 1 : i32
        %parallel_loop3A_590 = arith.index_cast %parallel_loop3A_319 : i32 to index
        %parallel_loop3A_591 = arith.index_cast %parallel_loop3A_589 : i32 to index
        %parallel_loop3A_592 = arith.constant 16 : index
        %parallel_loop3A_593 = tpu.vector_load %arg8[%parallel_loop3A_590, %parallel_loop3A_591, %parallel_loop3A_592] {strides = array<i32>} : memref<32x8x128xf32, #tpu.memory_space<vmem>>, vector<16xf32>,
        tpu.vector_store %arg8[%parallel_loop3A_590, %parallel_loop3A_591, %parallel_loop3A_592], %parallel_loop3A_588 {strides = array<i32>} : memref<32x8x128xf32, #tpu.memory_space<vmem>>, vector<16xf32>,
        %parallel_loop3A_594 = tpu.memref_slice %arg5[%parallel_loop3A_579] : memref<1280xf32, #tpu.memory_space<vmem>> -> memref<40xf32, #tpu.memory_space<vmem>>
        %parallel_loop3A_595 = tpu.vector_load_idx %parallel_loop3A_594[%parallel_loop3A_394] : memref<40xf32, #tpu.memory_space<vmem>>[vector<16xi32>], vector<16xf32>,
        %parallel_loop3A_596 = arith.constant 1 : i32
        %parallel_loop3A_597 = arith.index_cast %parallel_loop3A_319 : i32 to index
        %parallel_loop3A_598 = arith.index_cast %parallel_loop3A_596 : i32 to index
        %parallel_loop3A_599 = arith.constant 32 : index
        %parallel_loop3A_600 = tpu.vector_load %arg8[%parallel_loop3A_597, %parallel_loop3A_598, %parallel_loop3A_599] {strides = array<i32>} : memref<32x8x128xf32, #tpu.memory_space<vmem>>, vector<16xf32>,
        tpu.vector_store %arg8[%parallel_loop3A_597, %parallel_loop3A_598, %parallel_loop3A_599], %parallel_loop3A_595 {strides = array<i32>} : memref<32x8x128xf32, #tpu.memory_space<vmem>>, vector<16xf32>,
        %parallel_loop3A_601 = tpu.memref_slice %arg5[%parallel_loop3A_579] : memref<1280xf32, #tpu.memory_space<vmem>> -> memref<40xf32, #tpu.memory_space<vmem>>
        %parallel_loop3A_602 = tpu.vector_load_idx %parallel_loop3A_601[%parallel_loop3A_419] : memref<40xf32, #tpu.memory_space<vmem>>[vector<16xi32>], vector<16xf32>,
        %parallel_loop3A_603 = arith.constant 1 : i32
        %parallel_loop3A_604 = arith.index_cast %parallel_loop3A_319 : i32 to index
        %parallel_loop3A_605 = arith.index_cast %parallel_loop3A_603 : i32 to index
        %parallel_loop3A_606 = arith.constant 48 : index
        %parallel_loop3A_607 = tpu.vector_load %arg8[%parallel_loop3A_604, %parallel_loop3A_605, %parallel_loop3A_606] {strides = array<i32>} : memref<32x8x128xf32, #tpu.memory_space<vmem>>, vector<16xf32>,
        tpu.vector_store %arg8[%parallel_loop3A_604, %parallel_loop3A_605, %parallel_loop3A_606], %parallel_loop3A_602 {strides = array<i32>} : memref<32x8x128xf32, #tpu.memory_space<vmem>>, vector<16xf32>,
        %parallel_loop3A_608 = tpu.memref_slice %arg5[%parallel_loop3A_579] : memref<1280xf32, #tpu.memory_space<vmem>> -> memref<40xf32, #tpu.memory_space<vmem>>
        %parallel_loop3A_609 = tpu.vector_load_idx %parallel_loop3A_608[%parallel_loop3A_444] : memref<40xf32, #tpu.memory_space<vmem>>[vector<16xi32>], vector<16xf32>,
        %parallel_loop3A_610 = arith.constant 1 : i32
        %parallel_loop3A_611 = arith.index_cast %parallel_loop3A_319 : i32 to index
        %parallel_loop3A_612 = arith.index_cast %parallel_loop3A_610 : i32 to index
        %parallel_loop3A_613 = arith.constant 64 : index
        %parallel_loop3A_614 = tpu.vector_load %arg8[%parallel_loop3A_611, %parallel_loop3A_612, %parallel_loop3A_613] {strides = array<i32>} : memref<32x8x128xf32, #tpu.memory_space<vmem>>, vector<16xf32>,
        tpu.vector_store %arg8[%parallel_loop3A_611, %parallel_loop3A_612, %parallel_loop3A_613], %parallel_loop3A_609 {strides = array<i32>} : memref<32x8x128xf32, #tpu.memory_space<vmem>>, vector<16xf32>,
        %parallel_loop3A_615 = tpu.memref_slice %arg5[%parallel_loop3A_579] : memref<1280xf32, #tpu.memory_space<vmem>> -> memref<40xf32, #tpu.memory_space<vmem>>
        %parallel_loop3A_616 = tpu.vector_load_idx %parallel_loop3A_615[%parallel_loop3A_469] : memref<40xf32, #tpu.memory_space<vmem>>[vector<16xi32>], vector<16xf32>,
        %parallel_loop3A_617 = arith.constant 1 : i32
        %parallel_loop3A_618 = arith.index_cast %parallel_loop3A_319 : i32 to index
        %parallel_loop3A_619 = arith.index_cast %parallel_loop3A_617 : i32 to index
        %parallel_loop3A_620 = arith.constant 80 : index
        %parallel_loop3A_621 = tpu.vector_load %arg8[%parallel_loop3A_618, %parallel_loop3A_619, %parallel_loop3A_620] {strides = array<i32>} : memref<32x8x128xf32, #tpu.memory_space<vmem>>, vector<16xf32>,
        tpu.vector_store %arg8[%parallel_loop3A_618, %parallel_loop3A_619, %parallel_loop3A_620], %parallel_loop3A_616 {strides = array<i32>} : memref<32x8x128xf32, #tpu.memory_space<vmem>>, vector<16xf32>,
        %parallel_loop3A_622 = tpu.memref_slice %arg5[%parallel_loop3A_579] : memref<1280xf32, #tpu.memory_space<vmem>> -> memref<40xf32, #tpu.memory_space<vmem>>
        %parallel_loop3A_623 = tpu.vector_load_idx %parallel_loop3A_622[%parallel_loop3A_494] : memref<40xf32, #tpu.memory_space<vmem>>[vector<16xi32>], vector<16xf32>,
        %parallel_loop3A_624 = arith.constant 1 : i32
        %parallel_loop3A_625 = arith.index_cast %parallel_loop3A_319 : i32 to index
        %parallel_loop3A_626 = arith.index_cast %parallel_loop3A_624 : i32 to index
        %parallel_loop3A_627 = arith.constant 96 : index
        %parallel_loop3A_628 = tpu.vector_load %arg8[%parallel_loop3A_625, %parallel_loop3A_626, %parallel_loop3A_627] {strides = array<i32>} : memref<32x8x128xf32, #tpu.memory_space<vmem>>, vector<16xf32>,
        tpu.vector_store %arg8[%parallel_loop3A_625, %parallel_loop3A_626, %parallel_loop3A_627], %parallel_loop3A_623 {strides = array<i32>} : memref<32x8x128xf32, #tpu.memory_space<vmem>>, vector<16xf32>,
        %parallel_loop3A_629 = tpu.memref_slice %arg5[%parallel_loop3A_579] : memref<1280xf32, #tpu.memory_space<vmem>> -> memref<40xf32, #tpu.memory_space<vmem>>
        %parallel_loop3A_630 = tpu.vector_load_idx %parallel_loop3A_629[%parallel_loop3A_519] : memref<40xf32, #tpu.memory_space<vmem>>[vector<16xi32>], vector<16xf32>,
        %parallel_loop3A_631 = arith.constant 1 : i32
        %parallel_loop3A_632 = arith.index_cast %parallel_loop3A_319 : i32 to index
        %parallel_loop3A_633 = arith.index_cast %parallel_loop3A_631 : i32 to index
        %parallel_loop3A_634 = arith.constant 112 : index
        %parallel_loop3A_635 = tpu.vector_load %arg8[%parallel_loop3A_632, %parallel_loop3A_633, %parallel_loop3A_634] {strides = array<i32>} : memref<32x8x128xf32, #tpu.memory_space<vmem>>, vector<16xf32>,
        tpu.vector_store %arg8[%parallel_loop3A_632, %parallel_loop3A_633, %parallel_loop3A_634], %parallel_loop3A_630 {strides = array<i32>} : memref<32x8x128xf32, #tpu.memory_space<vmem>>, vector<16xf32>,
        %parallel_loop3A_636 = arith.constant 80 : i32
        %parallel_loop3A_637 = arith.addi %mul3A_34, %parallel_loop3A_636 : i32
        %parallel_loop3A_638 = tpu.memref_slice %arg5[%parallel_loop3A_637] : memref<1280xf32, #tpu.memory_space<vmem>> -> memref<40xf32, #tpu.memory_space<vmem>>
        %parallel_loop3A_639 = tpu.vector_load_idx %parallel_loop3A_638[%parallel_loop3A_344] : memref<40xf32, #tpu.memory_space<vmem>>[vector<16xi32>], vector<16xf32>,
        %parallel_loop3A_640 = arith.constant 2 : i32
        %parallel_loop3A_641 = arith.index_cast %parallel_loop3A_319 : i32 to index
        %parallel_loop3A_642 = arith.index_cast %parallel_loop3A_640 : i32 to index
        %parallel_loop3A_643 = arith.constant 0 : index
        %parallel_loop3A_644 = tpu.vector_load %arg8[%parallel_loop3A_641, %parallel_loop3A_642, %parallel_loop3A_643] {strides = array<i32>} : memref<32x8x128xf32, #tpu.memory_space<vmem>>, vector<16xf32>,
        tpu.vector_store %arg8[%parallel_loop3A_641, %parallel_loop3A_642, %parallel_loop3A_643], %parallel_loop3A_639 {strides = array<i32>} : memref<32x8x128xf32, #tpu.memory_space<vmem>>, vector<16xf32>,
        %parallel_loop3A_645 = tpu.memref_slice %arg5[%parallel_loop3A_637] : memref<1280xf32, #tpu.memory_space<vmem>> -> memref<40xf32, #tpu.memory_space<vmem>>
        %parallel_loop3A_646 = tpu.vector_load_idx %parallel_loop3A_645[%parallel_loop3A_369] : memref<40xf32, #tpu.memory_space<vmem>>[vector<16xi32>], vector<16xf32>,
        %parallel_loop3A_647 = arith.constant 2 : i32
        %parallel_loop3A_648 = arith.index_cast %parallel_loop3A_319 : i32 to index
        %parallel_loop3A_649 = arith.index_cast %parallel_loop3A_647 : i32 to index
        %parallel_loop3A_650 = arith.constant 16 : index
        %parallel_loop3A_651 = tpu.vector_load %arg8[%parallel_loop3A_648, %parallel_loop3A_649, %parallel_loop3A_650] {strides = array<i32>} : memref<32x8x128xf32, #tpu.memory_space<vmem>>, vector<16xf32>,
        tpu.vector_store %arg8[%parallel_loop3A_648, %parallel_loop3A_649, %parallel_loop3A_650], %parallel_loop3A_646 {strides = array<i32>} : memref<32x8x128xf32, #tpu.memory_space<vmem>>, vector<16xf32>,
        %parallel_loop3A_652 = tpu.memref_slice %arg5[%parallel_loop3A_637] : memref<1280xf32, #tpu.memory_space<vmem>> -> memref<40xf32, #tpu.memory_space<vmem>>
        %parallel_loop3A_653 = tpu.vector_load_idx %parallel_loop3A_652[%parallel_loop3A_394] : memref<40xf32, #tpu.memory_space<vmem>>[vector<16xi32>], vector<16xf32>,
        %parallel_loop3A_654 = arith.constant 2 : i32
        %parallel_loop3A_655 = arith.index_cast %parallel_loop3A_319 : i32 to index
        %parallel_loop3A_656 = arith.index_cast %parallel_loop3A_654 : i32 to index
        %parallel_loop3A_657 = arith.constant 32 : index
        %parallel_loop3A_658 = tpu.vector_load %arg8[%parallel_loop3A_655, %parallel_loop3A_656, %parallel_loop3A_657] {strides = array<i32>} : memref<32x8x128xf32, #tpu.memory_space<vmem>>, vector<16xf32>,
        tpu.vector_store %arg8[%parallel_loop3A_655, %parallel_loop3A_656, %parallel_loop3A_657], %parallel_loop3A_653 {strides = array<i32>} : memref<32x8x128xf32, #tpu.memory_space<vmem>>, vector<16xf32>,
        %parallel_loop3A_659 = tpu.memref_slice %arg5[%parallel_loop3A_637] : memref<1280xf32, #tpu.memory_space<vmem>> -> memref<40xf32, #tpu.memory_space<vmem>>
        %parallel_loop3A_660 = tpu.vector_load_idx %parallel_loop3A_659[%parallel_loop3A_419] : memref<40xf32, #tpu.memory_space<vmem>>[vector<16xi32>], vector<16xf32>,
        %parallel_loop3A_661 = arith.constant 2 : i32
        %parallel_loop3A_662 = arith.index_cast %parallel_loop3A_319 : i32 to index
        %parallel_loop3A_663 = arith.index_cast %parallel_loop3A_661 : i32 to index
        %parallel_loop3A_664 = arith.constant 48 : index
        %parallel_loop3A_665 = tpu.vector_load %arg8[%parallel_loop3A_662, %parallel_loop3A_663, %parallel_loop3A_664] {strides = array<i32>} : memref<32x8x128xf32, #tpu.memory_space<vmem>>, vector<16xf32>,
        tpu.vector_store %arg8[%parallel_loop3A_662, %parallel_loop3A_663, %parallel_loop3A_664], %parallel_loop3A_660 {strides = array<i32>} : memref<32x8x128xf32, #tpu.memory_space<vmem>>, vector<16xf32>,
        %parallel_loop3A_666 = tpu.memref_slice %arg5[%parallel_loop3A_637] : memref<1280xf32, #tpu.memory_space<vmem>> -> memref<40xf32, #tpu.memory_space<vmem>>
        %parallel_loop3A_667 = tpu.vector_load_idx %parallel_loop3A_666[%parallel_loop3A_444] : memref<40xf32, #tpu.memory_space<vmem>>[vector<16xi32>], vector<16xf32>,
        %parallel_loop3A_668 = arith.constant 2 : i32
        %parallel_loop3A_669 = arith.index_cast %parallel_loop3A_319 : i32 to index
        %parallel_loop3A_670 = arith.index_cast %parallel_loop3A_668 : i32 to index
        %parallel_loop3A_671 = arith.constant 64 : index
        %parallel_loop3A_672 = tpu.vector_load %arg8[%parallel_loop3A_669, %parallel_loop3A_670, %parallel_loop3A_671] {strides = array<i32>} : memref<32x8x128xf32, #tpu.memory_space<vmem>>, vector<16xf32>,
        tpu.vector_store %arg8[%parallel_loop3A_669, %parallel_loop3A_670, %parallel_loop3A_671], %parallel_loop3A_667 {strides = array<i32>} : memref<32x8x128xf32, #tpu.memory_space<vmem>>, vector<16xf32>,
        %parallel_loop3A_673 = tpu.memref_slice %arg5[%parallel_loop3A_637] : memref<1280xf32, #tpu.memory_space<vmem>> -> memref<40xf32, #tpu.memory_space<vmem>>
        %parallel_loop3A_674 = tpu.vector_load_idx %parallel_loop3A_673[%parallel_loop3A_469] : memref<40xf32, #tpu.memory_space<vmem>>[vector<16xi32>], vector<16xf32>,
        %parallel_loop3A_675 = arith.constant 2 : i32
        %parallel_loop3A_676 = arith.index_cast %parallel_loop3A_319 : i32 to index
        %parallel_loop3A_677 = arith.index_cast %parallel_loop3A_675 : i32 to index
        %parallel_loop3A_678 = arith.constant 80 : index
        %parallel_loop3A_679 = tpu.vector_load %arg8[%parallel_loop3A_676, %parallel_loop3A_677, %parallel_loop3A_678] {strides = array<i32>} : memref<32x8x128xf32, #tpu.memory_space<vmem>>, vector<16xf32>,
        tpu.vector_store %arg8[%parallel_loop3A_676, %parallel_loop3A_677, %parallel_loop3A_678], %parallel_loop3A_674 {strides = array<i32>} : memref<32x8x128xf32, #tpu.memory_space<vmem>>, vector<16xf32>,
        %parallel_loop3A_680 = tpu.memref_slice %arg5[%parallel_loop3A_637] : memref<1280xf32, #tpu.memory_space<vmem>> -> memref<40xf32, #tpu.memory_space<vmem>>
        %parallel_loop3A_681 = tpu.vector_load_idx %parallel_loop3A_680[%parallel_loop3A_494] : memref<40xf32, #tpu.memory_space<vmem>>[vector<16xi32>], vector<16xf32>,
        %parallel_loop3A_682 = arith.constant 2 : i32
        %parallel_loop3A_683 = arith.index_cast %parallel_loop3A_319 : i32 to index
        %parallel_loop3A_684 = arith.index_cast %parallel_loop3A_682 : i32 to index
        %parallel_loop3A_685 = arith.constant 96 : index
        %parallel_loop3A_686 = tpu.vector_load %arg8[%parallel_loop3A_683, %parallel_loop3A_684, %parallel_loop3A_685] {strides = array<i32>} : memref<32x8x128xf32, #tpu.memory_space<vmem>>, vector<16xf32>,
        tpu.vector_store %arg8[%parallel_loop3A_683, %parallel_loop3A_684, %parallel_loop3A_685], %parallel_loop3A_681 {strides = array<i32>} : memref<32x8x128xf32, #tpu.memory_space<vmem>>, vector<16xf32>,
        %parallel_loop3A_687 = tpu.memref_slice %arg5[%parallel_loop3A_637] : memref<1280xf32, #tpu.memory_space<vmem>> -> memref<40xf32, #tpu.memory_space<vmem>>
        %parallel_loop3A_688 = tpu.vector_load_idx %parallel_loop3A_687[%parallel_loop3A_519] : memref<40xf32, #tpu.memory_space<vmem>>[vector<16xi32>], vector<16xf32>,
        %parallel_loop3A_689 = arith.constant 2 : i32
        %parallel_loop3A_690 = arith.index_cast %parallel_loop3A_319 : i32 to index
        %parallel_loop3A_691 = arith.index_cast %parallel_loop3A_689 : i32 to index
        %parallel_loop3A_692 = arith.constant 112 : index
        %parallel_loop3A_693 = tpu.vector_load %arg8[%parallel_loop3A_690, %parallel_loop3A_691, %parallel_loop3A_692] {strides = array<i32>} : memref<32x8x128xf32, #tpu.memory_space<vmem>>, vector<16xf32>,
        tpu.vector_store %arg8[%parallel_loop3A_690, %parallel_loop3A_691, %parallel_loop3A_692], %parallel_loop3A_688 {strides = array<i32>} : memref<32x8x128xf32, #tpu.memory_space<vmem>>, vector<16xf32>,
        %parallel_loop3A_694 = arith.constant 120 : i32
        %parallel_loop3A_695 = arith.addi %mul3A_34, %parallel_loop3A_694 : i32
        %parallel_loop3A_696 = tpu.memref_slice %arg5[%parallel_loop3A_695] : memref<1280xf32, #tpu.memory_space<vmem>> -> memref<40xf32, #tpu.memory_space<vmem>>
        %parallel_loop3A_697 = tpu.vector_load_idx %parallel_loop3A_696[%parallel_loop3A_344] : memref<40xf32, #tpu.memory_space<vmem>>[vector<16xi32>], vector<16xf32>,
        %parallel_loop3A_698 = arith.constant 3 : i32
        %parallel_loop3A_699 = arith.index_cast %parallel_loop3A_319 : i32 to index
        %parallel_loop3A_700 = arith.index_cast %parallel_loop3A_698 : i32 to index
        %parallel_loop3A_701 = arith.constant 0 : index
        %parallel_loop3A_702 = tpu.vector_load %arg8[%parallel_loop3A_699, %parallel_loop3A_700, %parallel_loop3A_701] {strides = array<i32>} : memref<32x8x128xf32, #tpu.memory_space<vmem>>, vector<16xf32>,
        tpu.vector_store %arg8[%parallel_loop3A_699, %parallel_loop3A_700, %parallel_loop3A_701], %parallel_loop3A_697 {strides = array<i32>} : memref<32x8x128xf32, #tpu.memory_space<vmem>>, vector<16xf32>,
        %parallel_loop3A_703 = tpu.memref_slice %arg5[%parallel_loop3A_695] : memref<1280xf32, #tpu.memory_space<vmem>> -> memref<40xf32, #tpu.memory_space<vmem>>
        %parallel_loop3A_704 = tpu.vector_load_idx %parallel_loop3A_703[%parallel_loop3A_369] : memref<40xf32, #tpu.memory_space<vmem>>[vector<16xi32>], vector<16xf32>,
        %parallel_loop3A_705 = arith.constant 3 : i32
        %parallel_loop3A_706 = arith.index_cast %parallel_loop3A_319 : i32 to index
        %parallel_loop3A_707 = arith.index_cast %parallel_loop3A_705 : i32 to index
        %parallel_loop3A_708 = arith.constant 16 : index
        %parallel_loop3A_709 = tpu.vector_load %arg8[%parallel_loop3A_706, %parallel_loop3A_707, %parallel_loop3A_708] {strides = array<i32>} : memref<32x8x128xf32, #tpu.memory_space<vmem>>, vector<16xf32>,
        tpu.vector_store %arg8[%parallel_loop3A_706, %parallel_loop3A_707, %parallel_loop3A_708], %parallel_loop3A_704 {strides = array<i32>} : memref<32x8x128xf32, #tpu.memory_space<vmem>>, vector<16xf32>,
        %parallel_loop3A_710 = tpu.memref_slice %arg5[%parallel_loop3A_695] : memref<1280xf32, #tpu.memory_space<vmem>> -> memref<40xf32, #tpu.memory_space<vmem>>
        %parallel_loop3A_711 = tpu.vector_load_idx %parallel_loop3A_710[%parallel_loop3A_394] : memref<40xf32, #tpu.memory_space<vmem>>[vector<16xi32>], vector<16xf32>,
        %parallel_loop3A_712 = arith.constant 3 : i32
        %parallel_loop3A_713 = arith.index_cast %parallel_loop3A_319 : i32 to index
        %parallel_loop3A_714 = arith.index_cast %parallel_loop3A_712 : i32 to index
        %parallel_loop3A_715 = arith.constant 32 : index
        %parallel_loop3A_716 = tpu.vector_load %arg8[%parallel_loop3A_713, %parallel_loop3A_714, %parallel_loop3A_715] {strides = array<i32>} : memref<32x8x128xf32, #tpu.memory_space<vmem>>, vector<16xf32>,
        tpu.vector_store %arg8[%parallel_loop3A_713, %parallel_loop3A_714, %parallel_loop3A_715], %parallel_loop3A_711 {strides = array<i32>} : memref<32x8x128xf32, #tpu.memory_space<vmem>>, vector<16xf32>,
        %parallel_loop3A_717 = tpu.memref_slice %arg5[%parallel_loop3A_695] : memref<1280xf32, #tpu.memory_space<vmem>> -> memref<40xf32, #tpu.memory_space<vmem>>
        %parallel_loop3A_718 = tpu.vector_load_idx %parallel_loop3A_717[%parallel_loop3A_419] : memref<40xf32, #tpu.memory_space<vmem>>[vector<16xi32>], vector<16xf32>,
        %parallel_loop3A_719 = arith.constant 3 : i32
        %parallel_loop3A_720 = arith.index_cast %parallel_loop3A_319 : i32 to index
        %parallel_loop3A_721 = arith.index_cast %parallel_loop3A_719 : i32 to index
        %parallel_loop3A_722 = arith.constant 48 : index
        %parallel_loop3A_723 = tpu.vector_load %arg8[%parallel_loop3A_720, %parallel_loop3A_721, %parallel_loop3A_722] {strides = array<i32>} : memref<32x8x128xf32, #tpu.memory_space<vmem>>, vector<16xf32>,
        tpu.vector_store %arg8[%parallel_loop3A_720, %parallel_loop3A_721, %parallel_loop3A_722], %parallel_loop3A_718 {strides = array<i32>} : memref<32x8x128xf32, #tpu.memory_space<vmem>>, vector<16xf32>,
        %parallel_loop3A_724 = tpu.memref_slice %arg5[%parallel_loop3A_695] : memref<1280xf32, #tpu.memory_space<vmem>> -> memref<40xf32, #tpu.memory_space<vmem>>
        %parallel_loop3A_725 = tpu.vector_load_idx %parallel_loop3A_724[%parallel_loop3A_444] : memref<40xf32, #tpu.memory_space<vmem>>[vector<16xi32>], vector<16xf32>,
        %parallel_loop3A_726 = arith.constant 3 : i32
        %parallel_loop3A_727 = arith.index_cast %parallel_loop3A_319 : i32 to index
        %parallel_loop3A_728 = arith.index_cast %parallel_loop3A_726 : i32 to index
        %parallel_loop3A_729 = arith.constant 64 : index
        %parallel_loop3A_730 = tpu.vector_load %arg8[%parallel_loop3A_727, %parallel_loop3A_728, %parallel_loop3A_729] {strides = array<i32>} : memref<32x8x128xf32, #tpu.memory_space<vmem>>, vector<16xf32>,
        tpu.vector_store %arg8[%parallel_loop3A_727, %parallel_loop3A_728, %parallel_loop3A_729], %parallel_loop3A_725 {strides = array<i32>} : memref<32x8x128xf32, #tpu.memory_space<vmem>>, vector<16xf32>,
        %parallel_loop3A_731 = tpu.memref_slice %arg5[%parallel_loop3A_695] : memref<1280xf32, #tpu.memory_space<vmem>> -> memref<40xf32, #tpu.memory_space<vmem>>
        %parallel_loop3A_732 = tpu.vector_load_idx %parallel_loop3A_731[%parallel_loop3A_469] : memref<40xf32, #tpu.memory_space<vmem>>[vector<16xi32>], vector<16xf32>,
        %parallel_loop3A_733 = arith.constant 3 : i32
        %parallel_loop3A_734 = arith.index_cast %parallel_loop3A_319 : i32 to index
        %parallel_loop3A_735 = arith.index_cast %parallel_loop3A_733 : i32 to index
        %parallel_loop3A_736 = arith.constant 80 : index
        %parallel_loop3A_737 = tpu.vector_load %arg8[%parallel_loop3A_734, %parallel_loop3A_735, %parallel_loop3A_736] {strides = array<i32>} : memref<32x8x128xf32, #tpu.memory_space<vmem>>, vector<16xf32>,
        tpu.vector_store %arg8[%parallel_loop3A_734, %parallel_loop3A_735, %parallel_loop3A_736], %parallel_loop3A_732 {strides = array<i32>} : memref<32x8x128xf32, #tpu.memory_space<vmem>>, vector<16xf32>,
        %parallel_loop3A_738 = tpu.memref_slice %arg5[%parallel_loop3A_695] : memref<1280xf32, #tpu.memory_space<vmem>> -> memref<40xf32, #tpu.memory_space<vmem>>
        %parallel_loop3A_739 = tpu.vector_load_idx %parallel_loop3A_738[%parallel_loop3A_494] : memref<40xf32, #tpu.memory_space<vmem>>[vector<16xi32>], vector<16xf32>,
        %parallel_loop3A_740 = arith.constant 3 : i32
        %parallel_loop3A_741 = arith.index_cast %parallel_loop3A_319 : i32 to index
        %parallel_loop3A_742 = arith.index_cast %parallel_loop3A_740 : i32 to index
        %parallel_loop3A_743 = arith.constant 96 : index
        %parallel_loop3A_744 = tpu.vector_load %arg8[%parallel_loop3A_741, %parallel_loop3A_742, %parallel_loop3A_743] {strides = array<i32>} : memref<32x8x128xf32, #tpu.memory_space<vmem>>, vector<16xf32>,
        tpu.vector_store %arg8[%parallel_loop3A_741, %parallel_loop3A_742, %parallel_loop3A_743], %parallel_loop3A_739 {strides = array<i32>} : memref<32x8x128xf32, #tpu.memory_space<vmem>>, vector<16xf32>,
        %parallel_loop3A_745 = tpu.memref_slice %arg5[%parallel_loop3A_695] : memref<1280xf32, #tpu.memory_space<vmem>> -> memref<40xf32, #tpu.memory_space<vmem>>
        %parallel_loop3A_746 = tpu.vector_load_idx %parallel_loop3A_745[%parallel_loop3A_519] : memref<40xf32, #tpu.memory_space<vmem>>[vector<16xi32>], vector<16xf32>,
        %parallel_loop3A_747 = arith.constant 3 : i32
        %parallel_loop3A_748 = arith.index_cast %parallel_loop3A_319 : i32 to index
        %parallel_loop3A_749 = arith.index_cast %parallel_loop3A_747 : i32 to index
        %parallel_loop3A_750 = arith.constant 112 : index
        %parallel_loop3A_751 = tpu.vector_load %arg8[%parallel_loop3A_748, %parallel_loop3A_749, %parallel_loop3A_750] {strides = array<i32>} : memref<32x8x128xf32, #tpu.memory_space<vmem>>, vector<16xf32>,
        tpu.vector_store %arg8[%parallel_loop3A_748, %parallel_loop3A_749, %parallel_loop3A_750], %parallel_loop3A_746 {strides = array<i32>} : memref<32x8x128xf32, #tpu.memory_space<vmem>>, vector<16xf32>,
        %parallel_loop3A_752 = arith.constant 160 : i32
        %parallel_loop3A_753 = arith.addi %mul3A_34, %parallel_loop3A_752 : i32
        %parallel_loop3A_754 = tpu.memref_slice %arg5[%parallel_loop3A_753] : memref<1280xf32, #tpu.memory_space<vmem>> -> memref<40xf32, #tpu.memory_space<vmem>>
        %parallel_loop3A_755 = tpu.vector_load_idx %parallel_loop3A_754[%parallel_loop3A_344] : memref<40xf32, #tpu.memory_space<vmem>>[vector<16xi32>], vector<16xf32>,
        %parallel_loop3A_756 = arith.constant 4 : i32
        %parallel_loop3A_757 = arith.index_cast %parallel_loop3A_319 : i32 to index
        %parallel_loop3A_758 = arith.index_cast %parallel_loop3A_756 : i32 to index
        %parallel_loop3A_759 = arith.constant 0 : index
        %parallel_loop3A_760 = tpu.vector_load %arg8[%parallel_loop3A_757, %parallel_loop3A_758, %parallel_loop3A_759] {strides = array<i32>} : memref<32x8x128xf32, #tpu.memory_space<vmem>>, vector<16xf32>,
        tpu.vector_store %arg8[%parallel_loop3A_757, %parallel_loop3A_758, %parallel_loop3A_759], %parallel_loop3A_755 {strides = array<i32>} : memref<32x8x128xf32, #tpu.memory_space<vmem>>, vector<16xf32>,
        %parallel_loop3A_761 = tpu.memref_slice %arg5[%parallel_loop3A_753] : memref<1280xf32, #tpu.memory_space<vmem>> -> memref<40xf32, #tpu.memory_space<vmem>>
        %parallel_loop3A_762 = tpu.vector_load_idx %parallel_loop3A_761[%parallel_loop3A_369] : memref<40xf32, #tpu.memory_space<vmem>>[vector<16xi32>], vector<16xf32>,
        %parallel_loop3A_763 = arith.constant 4 : i32
        %parallel_loop3A_764 = arith.index_cast %parallel_loop3A_319 : i32 to index
        %parallel_loop3A_765 = arith.index_cast %parallel_loop3A_763 : i32 to index
        %parallel_loop3A_766 = arith.constant 16 : index
        %parallel_loop3A_767 = tpu.vector_load %arg8[%parallel_loop3A_764, %parallel_loop3A_765, %parallel_loop3A_766] {strides = array<i32>} : memref<32x8x128xf32, #tpu.memory_space<vmem>>, vector<16xf32>,
        tpu.vector_store %arg8[%parallel_loop3A_764, %parallel_loop3A_765, %parallel_loop3A_766], %parallel_loop3A_762 {strides = array<i32>} : memref<32x8x128xf32, #tpu.memory_space<vmem>>, vector<16xf32>,
        %parallel_loop3A_768 = tpu.memref_slice %arg5[%parallel_loop3A_753] : memref<1280xf32, #tpu.memory_space<vmem>> -> memref<40xf32, #tpu.memory_space<vmem>>
        %parallel_loop3A_769 = tpu.vector_load_idx %parallel_loop3A_768[%parallel_loop3A_394] : memref<40xf32, #tpu.memory_space<vmem>>[vector<16xi32>], vector<16xf32>,
        %parallel_loop3A_770 = arith.constant 4 : i32
        %parallel_loop3A_771 = arith.index_cast %parallel_loop3A_319 : i32 to index
        %parallel_loop3A_772 = arith.index_cast %parallel_loop3A_770 : i32 to index
        %parallel_loop3A_773 = arith.constant 32 : index
        %parallel_loop3A_774 = tpu.vector_load %arg8[%parallel_loop3A_771, %parallel_loop3A_772, %parallel_loop3A_773] {strides = array<i32>} : memref<32x8x128xf32, #tpu.memory_space<vmem>>, vector<16xf32>,
        tpu.vector_store %arg8[%parallel_loop3A_771, %parallel_loop3A_772, %parallel_loop3A_773], %parallel_loop3A_769 {strides = array<i32>} : memref<32x8x128xf32, #tpu.memory_space<vmem>>, vector<16xf32>,
        %parallel_loop3A_775 = tpu.memref_slice %arg5[%parallel_loop3A_753] : memref<1280xf32, #tpu.memory_space<vmem>> -> memref<40xf32, #tpu.memory_space<vmem>>
        %parallel_loop3A_776 = tpu.vector_load_idx %parallel_loop3A_775[%parallel_loop3A_419] : memref<40xf32, #tpu.memory_space<vmem>>[vector<16xi32>], vector<16xf32>,
        %parallel_loop3A_777 = arith.constant 4 : i32
        %parallel_loop3A_778 = arith.index_cast %parallel_loop3A_319 : i32 to index
        %parallel_loop3A_779 = arith.index_cast %parallel_loop3A_777 : i32 to index
        %parallel_loop3A_780 = arith.constant 48 : index
        %parallel_loop3A_781 = tpu.vector_load %arg8[%parallel_loop3A_778, %parallel_loop3A_779, %parallel_loop3A_780] {strides = array<i32>} : memref<32x8x128xf32, #tpu.memory_space<vmem>>, vector<16xf32>,
        tpu.vector_store %arg8[%parallel_loop3A_778, %parallel_loop3A_779, %parallel_loop3A_780], %parallel_loop3A_776 {strides = array<i32>} : memref<32x8x128xf32, #tpu.memory_space<vmem>>, vector<16xf32>,
        %parallel_loop3A_782 = tpu.memref_slice %arg5[%parallel_loop3A_753] : memref<1280xf32, #tpu.memory_space<vmem>> -> memref<40xf32, #tpu.memory_space<vmem>>
        %parallel_loop3A_783 = tpu.vector_load_idx %parallel_loop3A_782[%parallel_loop3A_444] : memref<40xf32, #tpu.memory_space<vmem>>[vector<16xi32>], vector<16xf32>,
        %parallel_loop3A_784 = arith.constant 4 : i32
        %parallel_loop3A_785 = arith.index_cast %parallel_loop3A_319 : i32 to index
        %parallel_loop3A_786 = arith.index_cast %parallel_loop3A_784 : i32 to index
        %parallel_loop3A_787 = arith.constant 64 : index
        %parallel_loop3A_788 = tpu.vector_load %arg8[%parallel_loop3A_785, %parallel_loop3A_786, %parallel_loop3A_787] {strides = array<i32>} : memref<32x8x128xf32, #tpu.memory_space<vmem>>, vector<16xf32>,
        tpu.vector_store %arg8[%parallel_loop3A_785, %parallel_loop3A_786, %parallel_loop3A_787], %parallel_loop3A_783 {strides = array<i32>} : memref<32x8x128xf32, #tpu.memory_space<vmem>>, vector<16xf32>,
        %parallel_loop3A_789 = tpu.memref_slice %arg5[%parallel_loop3A_753] : memref<1280xf32, #tpu.memory_space<vmem>> -> memref<40xf32, #tpu.memory_space<vmem>>
        %parallel_loop3A_790 = tpu.vector_load_idx %parallel_loop3A_789[%parallel_loop3A_469] : memref<40xf32, #tpu.memory_space<vmem>>[vector<16xi32>], vector<16xf32>,
        %parallel_loop3A_791 = arith.constant 4 : i32
        %parallel_loop3A_792 = arith.index_cast %parallel_loop3A_319 : i32 to index
        %parallel_loop3A_793 = arith.index_cast %parallel_loop3A_791 : i32 to index
        %parallel_loop3A_794 = arith.constant 80 : index
        %parallel_loop3A_795 = tpu.vector_load %arg8[%parallel_loop3A_792, %parallel_loop3A_793, %parallel_loop3A_794] {strides = array<i32>} : memref<32x8x128xf32, #tpu.memory_space<vmem>>, vector<16xf32>,
        tpu.vector_store %arg8[%parallel_loop3A_792, %parallel_loop3A_793, %parallel_loop3A_794], %parallel_loop3A_790 {strides = array<i32>} : memref<32x8x128xf32, #tpu.memory_space<vmem>>, vector<16xf32>,
        %parallel_loop3A_796 = tpu.memref_slice %arg5[%parallel_loop3A_753] : memref<1280xf32, #tpu.memory_space<vmem>> -> memref<40xf32, #tpu.memory_space<vmem>>
        %parallel_loop3A_797 = tpu.vector_load_idx %parallel_loop3A_796[%parallel_loop3A_494] : memref<40xf32, #tpu.memory_space<vmem>>[vector<16xi32>], vector<16xf32>,
        %parallel_loop3A_798 = arith.constant 4 : i32
        %parallel_loop3A_799 = arith.index_cast %parallel_loop3A_319 : i32 to index
        %parallel_loop3A_800 = arith.index_cast %parallel_loop3A_798 : i32 to index
        %parallel_loop3A_801 = arith.constant 96 : index
        %parallel_loop3A_802 = tpu.vector_load %arg8[%parallel_loop3A_799, %parallel_loop3A_800, %parallel_loop3A_801] {strides = array<i32>} : memref<32x8x128xf32, #tpu.memory_space<vmem>>, vector<16xf32>,
        tpu.vector_store %arg8[%parallel_loop3A_799, %parallel_loop3A_800, %parallel_loop3A_801], %parallel_loop3A_797 {strides = array<i32>} : memref<32x8x128xf32, #tpu.memory_space<vmem>>, vector<16xf32>,
        %parallel_loop3A_803 = tpu.memref_slice %arg5[%parallel_loop3A_753] : memref<1280xf32, #tpu.memory_space<vmem>> -> memref<40xf32, #tpu.memory_space<vmem>>
        %parallel_loop3A_804 = tpu.vector_load_idx %parallel_loop3A_803[%parallel_loop3A_519] : memref<40xf32, #tpu.memory_space<vmem>>[vector<16xi32>], vector<16xf32>,
        %parallel_loop3A_805 = arith.constant 4 : i32
        %parallel_loop3A_806 = arith.index_cast %parallel_loop3A_319 : i32 to index
        %parallel_loop3A_807 = arith.index_cast %parallel_loop3A_805 : i32 to index
        %parallel_loop3A_808 = arith.constant 112 : index
        %parallel_loop3A_809 = tpu.vector_load %arg8[%parallel_loop3A_806, %parallel_loop3A_807, %parallel_loop3A_808] {strides = array<i32>} : memref<32x8x128xf32, #tpu.memory_space<vmem>>, vector<16xf32>,
        tpu.vector_store %arg8[%parallel_loop3A_806, %parallel_loop3A_807, %parallel_loop3A_808], %parallel_loop3A_804 {strides = array<i32>} : memref<32x8x128xf32, #tpu.memory_space<vmem>>, vector<16xf32>,
        %parallel_loop3A_810 = arith.constant 200 : i32
        %parallel_loop3A_811 = arith.addi %mul3A_34, %parallel_loop3A_810 : i32
        %parallel_loop3A_812 = tpu.memref_slice %arg5[%parallel_loop3A_811] : memref<1280xf32, #tpu.memory_space<vmem>> -> memref<40xf32, #tpu.memory_space<vmem>>
        %parallel_loop3A_813 = tpu.vector_load_idx %parallel_loop3A_812[%parallel_loop3A_344] : memref<40xf32, #tpu.memory_space<vmem>>[vector<16xi32>], vector<16xf32>,
        %parallel_loop3A_814 = arith.constant 5 : i32
        %parallel_loop3A_815 = arith.index_cast %parallel_loop3A_319 : i32 to index
        %parallel_loop3A_816 = arith.index_cast %parallel_loop3A_814 : i32 to index
        %parallel_loop3A_817 = arith.constant 0 : index
        %parallel_loop3A_818 = tpu.vector_load %arg8[%parallel_loop3A_815, %parallel_loop3A_816, %parallel_loop3A_817] {strides = array<i32>} : memref<32x8x128xf32, #tpu.memory_space<vmem>>, vector<16xf32>,
        tpu.vector_store %arg8[%parallel_loop3A_815, %parallel_loop3A_816, %parallel_loop3A_817], %parallel_loop3A_813 {strides = array<i32>} : memref<32x8x128xf32, #tpu.memory_space<vmem>>, vector<16xf32>,
        %parallel_loop3A_819 = tpu.memref_slice %arg5[%parallel_loop3A_811] : memref<1280xf32, #tpu.memory_space<vmem>> -> memref<40xf32, #tpu.memory_space<vmem>>
        %parallel_loop3A_820 = tpu.vector_load_idx %parallel_loop3A_819[%parallel_loop3A_369] : memref<40xf32, #tpu.memory_space<vmem>>[vector<16xi32>], vector<16xf32>,
        %parallel_loop3A_821 = arith.constant 5 : i32
        %parallel_loop3A_822 = arith.index_cast %parallel_loop3A_319 : i32 to index
        %parallel_loop3A_823 = arith.index_cast %parallel_loop3A_821 : i32 to index
        %parallel_loop3A_824 = arith.constant 16 : index
        %parallel_loop3A_825 = tpu.vector_load %arg8[%parallel_loop3A_822, %parallel_loop3A_823, %parallel_loop3A_824] {strides = array<i32>} : memref<32x8x128xf32, #tpu.memory_space<vmem>>, vector<16xf32>,
        tpu.vector_store %arg8[%parallel_loop3A_822, %parallel_loop3A_823, %parallel_loop3A_824], %parallel_loop3A_820 {strides = array<i32>} : memref<32x8x128xf32, #tpu.memory_space<vmem>>, vector<16xf32>,
        %parallel_loop3A_826 = tpu.memref_slice %arg5[%parallel_loop3A_811] : memref<1280xf32, #tpu.memory_space<vmem>> -> memref<40xf32, #tpu.memory_space<vmem>>
        %parallel_loop3A_827 = tpu.vector_load_idx %parallel_loop3A_826[%parallel_loop3A_394] : memref<40xf32, #tpu.memory_space<vmem>>[vector<16xi32>], vector<16xf32>,
        %parallel_loop3A_828 = arith.constant 5 : i32
        %parallel_loop3A_829 = arith.index_cast %parallel_loop3A_319 : i32 to index
        %parallel_loop3A_830 = arith.index_cast %parallel_loop3A_828 : i32 to index
        %parallel_loop3A_831 = arith.constant 32 : index
        %parallel_loop3A_832 = tpu.vector_load %arg8[%parallel_loop3A_829, %parallel_loop3A_830, %parallel_loop3A_831] {strides = array<i32>} : memref<32x8x128xf32, #tpu.memory_space<vmem>>, vector<16xf32>,
        tpu.vector_store %arg8[%parallel_loop3A_829, %parallel_loop3A_830, %parallel_loop3A_831], %parallel_loop3A_827 {strides = array<i32>} : memref<32x8x128xf32, #tpu.memory_space<vmem>>, vector<16xf32>,
        %parallel_loop3A_833 = tpu.memref_slice %arg5[%parallel_loop3A_811] : memref<1280xf32, #tpu.memory_space<vmem>> -> memref<40xf32, #tpu.memory_space<vmem>>
        %parallel_loop3A_834 = tpu.vector_load_idx %parallel_loop3A_833[%parallel_loop3A_419] : memref<40xf32, #tpu.memory_space<vmem>>[vector<16xi32>], vector<16xf32>,
        %parallel_loop3A_835 = arith.constant 5 : i32
        %parallel_loop3A_836 = arith.index_cast %parallel_loop3A_319 : i32 to index
        %parallel_loop3A_837 = arith.index_cast %parallel_loop3A_835 : i32 to index
        %parallel_loop3A_838 = arith.constant 48 : index
        %parallel_loop3A_839 = tpu.vector_load %arg8[%parallel_loop3A_836, %parallel_loop3A_837, %parallel_loop3A_838] {strides = array<i32>} : memref<32x8x128xf32, #tpu.memory_space<vmem>>, vector<16xf32>,
        tpu.vector_store %arg8[%parallel_loop3A_836, %parallel_loop3A_837, %parallel_loop3A_838], %parallel_loop3A_834 {strides = array<i32>} : memref<32x8x128xf32, #tpu.memory_space<vmem>>, vector<16xf32>,
        %parallel_loop3A_840 = tpu.memref_slice %arg5[%parallel_loop3A_811] : memref<1280xf32, #tpu.memory_space<vmem>> -> memref<40xf32, #tpu.memory_space<vmem>>
        %parallel_loop3A_841 = tpu.vector_load_idx %parallel_loop3A_840[%parallel_loop3A_444] : memref<40xf32, #tpu.memory_space<vmem>>[vector<16xi32>], vector<16xf32>,
        %parallel_loop3A_842 = arith.constant 5 : i32
        %parallel_loop3A_843 = arith.index_cast %parallel_loop3A_319 : i32 to index
        %parallel_loop3A_844 = arith.index_cast %parallel_loop3A_842 : i32 to index
        %parallel_loop3A_845 = arith.constant 64 : index
        %parallel_loop3A_846 = tpu.vector_load %arg8[%parallel_loop3A_843, %parallel_loop3A_844, %parallel_loop3A_845] {strides = array<i32>} : memref<32x8x128xf32, #tpu.memory_space<vmem>>, vector<16xf32>,
        tpu.vector_store %arg8[%parallel_loop3A_843, %parallel_loop3A_844, %parallel_loop3A_845], %parallel_loop3A_841 {strides = array<i32>} : memref<32x8x128xf32, #tpu.memory_space<vmem>>, vector<16xf32>,
        %parallel_loop3A_847 = tpu.memref_slice %arg5[%parallel_loop3A_811] : memref<1280xf32, #tpu.memory_space<vmem>> -> memref<40xf32, #tpu.memory_space<vmem>>
        %parallel_loop3A_848 = tpu.vector_load_idx %parallel_loop3A_847[%parallel_loop3A_469] : memref<40xf32, #tpu.memory_space<vmem>>[vector<16xi32>], vector<16xf32>,
        %parallel_loop3A_849 = arith.constant 5 : i32
        %parallel_loop3A_850 = arith.index_cast %parallel_loop3A_319 : i32 to index
        %parallel_loop3A_851 = arith.index_cast %parallel_loop3A_849 : i32 to index
        %parallel_loop3A_852 = arith.constant 80 : index
        %parallel_loop3A_853 = tpu.vector_load %arg8[%parallel_loop3A_850, %parallel_loop3A_851, %parallel_loop3A_852] {strides = array<i32>} : memref<32x8x128xf32, #tpu.memory_space<vmem>>, vector<16xf32>,
        tpu.vector_store %arg8[%parallel_loop3A_850, %parallel_loop3A_851, %parallel_loop3A_852], %parallel_loop3A_848 {strides = array<i32>} : memref<32x8x128xf32, #tpu.memory_space<vmem>>, vector<16xf32>,
        %parallel_loop3A_854 = tpu.memref_slice %arg5[%parallel_loop3A_811] : memref<1280xf32, #tpu.memory_space<vmem>> -> memref<40xf32, #tpu.memory_space<vmem>>
        %parallel_loop3A_855 = tpu.vector_load_idx %parallel_loop3A_854[%parallel_loop3A_494] : memref<40xf32, #tpu.memory_space<vmem>>[vector<16xi32>], vector<16xf32>,
        %parallel_loop3A_856 = arith.constant 5 : i32
        %parallel_loop3A_857 = arith.index_cast %parallel_loop3A_319 : i32 to index
        %parallel_loop3A_858 = arith.index_cast %parallel_loop3A_856 : i32 to index
        %parallel_loop3A_859 = arith.constant 96 : index
        %parallel_loop3A_860 = tpu.vector_load %arg8[%parallel_loop3A_857, %parallel_loop3A_858, %parallel_loop3A_859] {strides = array<i32>} : memref<32x8x128xf32, #tpu.memory_space<vmem>>, vector<16xf32>,
        tpu.vector_store %arg8[%parallel_loop3A_857, %parallel_loop3A_858, %parallel_loop3A_859], %parallel_loop3A_855 {strides = array<i32>} : memref<32x8x128xf32, #tpu.memory_space<vmem>>, vector<16xf32>,
        %parallel_loop3A_861 = tpu.memref_slice %arg5[%parallel_loop3A_811] : memref<1280xf32, #tpu.memory_space<vmem>> -> memref<40xf32, #tpu.memory_space<vmem>>
        %parallel_loop3A_862 = tpu.vector_load_idx %parallel_loop3A_861[%parallel_loop3A_519] : memref<40xf32, #tpu.memory_space<vmem>>[vector<16xi32>], vector<16xf32>,
        %parallel_loop3A_863 = arith.constant 5 : i32
        %parallel_loop3A_864 = arith.index_cast %parallel_loop3A_319 : i32 to index
        %parallel_loop3A_865 = arith.index_cast %parallel_loop3A_863 : i32 to index
        %parallel_loop3A_866 = arith.constant 112 : index
        %parallel_loop3A_867 = tpu.vector_load %arg8[%parallel_loop3A_864, %parallel_loop3A_865, %parallel_loop3A_866] {strides = array<i32>} : memref<32x8x128xf32, #tpu.memory_space<vmem>>, vector<16xf32>,
        tpu.vector_store %arg8[%parallel_loop3A_864, %parallel_loop3A_865, %parallel_loop3A_866], %parallel_loop3A_862 {strides = array<i32>} : memref<32x8x128xf32, #tpu.memory_space<vmem>>, vector<16xf32>,
        %parallel_loop3A_868 = arith.constant 240 : i32
        %parallel_loop3A_869 = arith.addi %mul3A_34, %parallel_loop3A_868 : i32
        %parallel_loop3A_870 = tpu.memref_slice %arg5[%parallel_loop3A_869] : memref<1280xf32, #tpu.memory_space<vmem>> -> memref<40xf32, #tpu.memory_space<vmem>>
        %parallel_loop3A_871 = tpu.vector_load_idx %parallel_loop3A_870[%parallel_loop3A_344] : memref<40xf32, #tpu.memory_space<vmem>>[vector<16xi32>], vector<16xf32>,
        %parallel_loop3A_872 = arith.constant 6 : i32
        %parallel_loop3A_873 = arith.index_cast %parallel_loop3A_319 : i32 to index
        %parallel_loop3A_874 = arith.index_cast %parallel_loop3A_872 : i32 to index
        %parallel_loop3A_875 = arith.constant 0 : index
        %parallel_loop3A_876 = tpu.vector_load %arg8[%parallel_loop3A_873, %parallel_loop3A_874, %parallel_loop3A_875] {strides = array<i32>} : memref<32x8x128xf32, #tpu.memory_space<vmem>>, vector<16xf32>,
        tpu.vector_store %arg8[%parallel_loop3A_873, %parallel_loop3A_874, %parallel_loop3A_875], %parallel_loop3A_871 {strides = array<i32>} : memref<32x8x128xf32, #tpu.memory_space<vmem>>, vector<16xf32>,
        %parallel_loop3A_877 = tpu.memref_slice %arg5[%parallel_loop3A_869] : memref<1280xf32, #tpu.memory_space<vmem>> -> memref<40xf32, #tpu.memory_space<vmem>>
        %parallel_loop3A_878 = tpu.vector_load_idx %parallel_loop3A_877[%parallel_loop3A_369] : memref<40xf32, #tpu.memory_space<vmem>>[vector<16xi32>], vector<16xf32>,
        %parallel_loop3A_879 = arith.constant 6 : i32
        %parallel_loop3A_880 = arith.index_cast %parallel_loop3A_319 : i32 to index
        %parallel_loop3A_881 = arith.index_cast %parallel_loop3A_879 : i32 to index
        %parallel_loop3A_882 = arith.constant 16 : index
        %parallel_loop3A_883 = tpu.vector_load %arg8[%parallel_loop3A_880, %parallel_loop3A_881, %parallel_loop3A_882] {strides = array<i32>} : memref<32x8x128xf32, #tpu.memory_space<vmem>>, vector<16xf32>,
        tpu.vector_store %arg8[%parallel_loop3A_880, %parallel_loop3A_881, %parallel_loop3A_882], %parallel_loop3A_878 {strides = array<i32>} : memref<32x8x128xf32, #tpu.memory_space<vmem>>, vector<16xf32>,
        %parallel_loop3A_884 = tpu.memref_slice %arg5[%parallel_loop3A_869] : memref<1280xf32, #tpu.memory_space<vmem>> -> memref<40xf32, #tpu.memory_space<vmem>>
        %parallel_loop3A_885 = tpu.vector_load_idx %parallel_loop3A_884[%parallel_loop3A_394] : memref<40xf32, #tpu.memory_space<vmem>>[vector<16xi32>], vector<16xf32>,
        %parallel_loop3A_886 = arith.constant 6 : i32
        %parallel_loop3A_887 = arith.index_cast %parallel_loop3A_319 : i32 to index
        %parallel_loop3A_888 = arith.index_cast %parallel_loop3A_886 : i32 to index
        %parallel_loop3A_889 = arith.constant 32 : index
        %parallel_loop3A_890 = tpu.vector_load %arg8[%parallel_loop3A_887, %parallel_loop3A_888, %parallel_loop3A_889] {strides = array<i32>} : memref<32x8x128xf32, #tpu.memory_space<vmem>>, vector<16xf32>,
        tpu.vector_store %arg8[%parallel_loop3A_887, %parallel_loop3A_888, %parallel_loop3A_889], %parallel_loop3A_885 {strides = array<i32>} : memref<32x8x128xf32, #tpu.memory_space<vmem>>, vector<16xf32>,
        %parallel_loop3A_891 = tpu.memref_slice %arg5[%parallel_loop3A_869] : memref<1280xf32, #tpu.memory_space<vmem>> -> memref<40xf32, #tpu.memory_space<vmem>>
        %parallel_loop3A_892 = tpu.vector_load_idx %parallel_loop3A_891[%parallel_loop3A_419] : memref<40xf32, #tpu.memory_space<vmem>>[vector<16xi32>], vector<16xf32>,
        %parallel_loop3A_893 = arith.constant 6 : i32
        %parallel_loop3A_894 = arith.index_cast %parallel_loop3A_319 : i32 to index
        %parallel_loop3A_895 = arith.index_cast %parallel_loop3A_893 : i32 to index
        %parallel_loop3A_896 = arith.constant 48 : index
        %parallel_loop3A_897 = tpu.vector_load %arg8[%parallel_loop3A_894, %parallel_loop3A_895, %parallel_loop3A_896] {strides = array<i32>} : memref<32x8x128xf32, #tpu.memory_space<vmem>>, vector<16xf32>,
        tpu.vector_store %arg8[%parallel_loop3A_894, %parallel_loop3A_895, %parallel_loop3A_896], %parallel_loop3A_892 {strides = array<i32>} : memref<32x8x128xf32, #tpu.memory_space<vmem>>, vector<16xf32>,
        %parallel_loop3A_898 = tpu.memref_slice %arg5[%parallel_loop3A_869] : memref<1280xf32, #tpu.memory_space<vmem>> -> memref<40xf32, #tpu.memory_space<vmem>>
        %parallel_loop3A_899 = tpu.vector_load_idx %parallel_loop3A_898[%parallel_loop3A_444] : memref<40xf32, #tpu.memory_space<vmem>>[vector<16xi32>], vector<16xf32>,
        %parallel_loop3A_900 = arith.constant 6 : i32
        %parallel_loop3A_901 = arith.index_cast %parallel_loop3A_319 : i32 to index
        %parallel_loop3A_902 = arith.index_cast %parallel_loop3A_900 : i32 to index
        %parallel_loop3A_903 = arith.constant 64 : index
        %parallel_loop3A_904 = tpu.vector_load %arg8[%parallel_loop3A_901, %parallel_loop3A_902, %parallel_loop3A_903] {strides = array<i32>} : memref<32x8x128xf32, #tpu.memory_space<vmem>>, vector<16xf32>,
        tpu.vector_store %arg8[%parallel_loop3A_901, %parallel_loop3A_902, %parallel_loop3A_903], %parallel_loop3A_899 {strides = array<i32>} : memref<32x8x128xf32, #tpu.memory_space<vmem>>, vector<16xf32>,
        %parallel_loop3A_905 = tpu.memref_slice %arg5[%parallel_loop3A_869] : memref<1280xf32, #tpu.memory_space<vmem>> -> memref<40xf32, #tpu.memory_space<vmem>>
        %parallel_loop3A_906 = tpu.vector_load_idx %parallel_loop3A_905[%parallel_loop3A_469] : memref<40xf32, #tpu.memory_space<vmem>>[vector<16xi32>], vector<16xf32>,
        %parallel_loop3A_907 = arith.constant 6 : i32
        %parallel_loop3A_908 = arith.index_cast %parallel_loop3A_319 : i32 to index
        %parallel_loop3A_909 = arith.index_cast %parallel_loop3A_907 : i32 to index
        %parallel_loop3A_910 = arith.constant 80 : index
        %parallel_loop3A_911 = tpu.vector_load %arg8[%parallel_loop3A_908, %parallel_loop3A_909, %parallel_loop3A_910] {strides = array<i32>} : memref<32x8x128xf32, #tpu.memory_space<vmem>>, vector<16xf32>,
        tpu.vector_store %arg8[%parallel_loop3A_908, %parallel_loop3A_909, %parallel_loop3A_910], %parallel_loop3A_906 {strides = array<i32>} : memref<32x8x128xf32, #tpu.memory_space<vmem>>, vector<16xf32>,
        %parallel_loop3A_912 = tpu.memref_slice %arg5[%parallel_loop3A_869] : memref<1280xf32, #tpu.memory_space<vmem>> -> memref<40xf32, #tpu.memory_space<vmem>>
        %parallel_loop3A_913 = tpu.vector_load_idx %parallel_loop3A_912[%parallel_loop3A_494] : memref<40xf32, #tpu.memory_space<vmem>>[vector<16xi32>], vector<16xf32>,
        %parallel_loop3A_914 = arith.constant 6 : i32
        %parallel_loop3A_915 = arith.index_cast %parallel_loop3A_319 : i32 to index
        %parallel_loop3A_916 = arith.index_cast %parallel_loop3A_914 : i32 to index
        %parallel_loop3A_917 = arith.constant 96 : index
        %parallel_loop3A_918 = tpu.vector_load %arg8[%parallel_loop3A_915, %parallel_loop3A_916, %parallel_loop3A_917] {strides = array<i32>} : memref<32x8x128xf32, #tpu.memory_space<vmem>>, vector<16xf32>,
        tpu.vector_store %arg8[%parallel_loop3A_915, %parallel_loop3A_916, %parallel_loop3A_917], %parallel_loop3A_913 {strides = array<i32>} : memref<32x8x128xf32, #tpu.memory_space<vmem>>, vector<16xf32>,
        %parallel_loop3A_919 = tpu.memref_slice %arg5[%parallel_loop3A_869] : memref<1280xf32, #tpu.memory_space<vmem>> -> memref<40xf32, #tpu.memory_space<vmem>>
        %parallel_loop3A_920 = tpu.vector_load_idx %parallel_loop3A_919[%parallel_loop3A_519] : memref<40xf32, #tpu.memory_space<vmem>>[vector<16xi32>], vector<16xf32>,
        %parallel_loop3A_921 = arith.constant 6 : i32
        %parallel_loop3A_922 = arith.index_cast %parallel_loop3A_319 : i32 to index
        %parallel_loop3A_923 = arith.index_cast %parallel_loop3A_921 : i32 to index
        %parallel_loop3A_924 = arith.constant 112 : index
        %parallel_loop3A_925 = tpu.vector_load %arg8[%parallel_loop3A_922, %parallel_loop3A_923, %parallel_loop3A_924] {strides = array<i32>} : memref<32x8x128xf32, #tpu.memory_space<vmem>>, vector<16xf32>,
        tpu.vector_store %arg8[%parallel_loop3A_922, %parallel_loop3A_923, %parallel_loop3A_924], %parallel_loop3A_920 {strides = array<i32>} : memref<32x8x128xf32, #tpu.memory_space<vmem>>, vector<16xf32>,
        %parallel_loop3A_926 = arith.constant 280 : i32
        %parallel_loop3A_927 = arith.addi %mul3A_34, %parallel_loop3A_926 : i32
        %parallel_loop3A_928 = tpu.memref_slice %arg5[%parallel_loop3A_927] : memref<1280xf32, #tpu.memory_space<vmem>> -> memref<40xf32, #tpu.memory_space<vmem>>
        %parallel_loop3A_929 = tpu.vector_load_idx %parallel_loop3A_928[%parallel_loop3A_344] : memref<40xf32, #tpu.memory_space<vmem>>[vector<16xi32>], vector<16xf32>,
        %parallel_loop3A_930 = arith.constant 7 : i32
        %parallel_loop3A_931 = arith.index_cast %parallel_loop3A_319 : i32 to index
        %parallel_loop3A_932 = arith.index_cast %parallel_loop3A_930 : i32 to index
        %parallel_loop3A_933 = arith.constant 0 : index
        %parallel_loop3A_934 = tpu.vector_load %arg8[%parallel_loop3A_931, %parallel_loop3A_932, %parallel_loop3A_933] {strides = array<i32>} : memref<32x8x128xf32, #tpu.memory_space<vmem>>, vector<16xf32>,
        tpu.vector_store %arg8[%parallel_loop3A_931, %parallel_loop3A_932, %parallel_loop3A_933], %parallel_loop3A_929 {strides = array<i32>} : memref<32x8x128xf32, #tpu.memory_space<vmem>>, vector<16xf32>,
        %parallel_loop3A_935 = tpu.memref_slice %arg5[%parallel_loop3A_927] : memref<1280xf32, #tpu.memory_space<vmem>> -> memref<40xf32, #tpu.memory_space<vmem>>
        %parallel_loop3A_936 = tpu.vector_load_idx %parallel_loop3A_935[%parallel_loop3A_369] : memref<40xf32, #tpu.memory_space<vmem>>[vector<16xi32>], vector<16xf32>,
        %parallel_loop3A_937 = arith.constant 7 : i32
        %parallel_loop3A_938 = arith.index_cast %parallel_loop3A_319 : i32 to index
        %parallel_loop3A_939 = arith.index_cast %parallel_loop3A_937 : i32 to index
        %parallel_loop3A_940 = arith.constant 16 : index
        %parallel_loop3A_941 = tpu.vector_load %arg8[%parallel_loop3A_938, %parallel_loop3A_939, %parallel_loop3A_940] {strides = array<i32>} : memref<32x8x128xf32, #tpu.memory_space<vmem>>, vector<16xf32>,
        tpu.vector_store %arg8[%parallel_loop3A_938, %parallel_loop3A_939, %parallel_loop3A_940], %parallel_loop3A_936 {strides = array<i32>} : memref<32x8x128xf32, #tpu.memory_space<vmem>>, vector<16xf32>,
        %parallel_loop3A_942 = tpu.memref_slice %arg5[%parallel_loop3A_927] : memref<1280xf32, #tpu.memory_space<vmem>> -> memref<40xf32, #tpu.memory_space<vmem>>
        %parallel_loop3A_943 = tpu.vector_load_idx %parallel_loop3A_942[%parallel_loop3A_394] : memref<40xf32, #tpu.memory_space<vmem>>[vector<16xi32>], vector<16xf32>,
        %parallel_loop3A_944 = arith.constant 7 : i32
        %parallel_loop3A_945 = arith.index_cast %parallel_loop3A_319 : i32 to index
        %parallel_loop3A_946 = arith.index_cast %parallel_loop3A_944 : i32 to index
        %parallel_loop3A_947 = arith.constant 32 : index
        %parallel_loop3A_948 = tpu.vector_load %arg8[%parallel_loop3A_945, %parallel_loop3A_946, %parallel_loop3A_947] {strides = array<i32>} : memref<32x8x128xf32, #tpu.memory_space<vmem>>, vector<16xf32>,
        tpu.vector_store %arg8[%parallel_loop3A_945, %parallel_loop3A_946, %parallel_loop3A_947], %parallel_loop3A_943 {strides = array<i32>} : memref<32x8x128xf32, #tpu.memory_space<vmem>>, vector<16xf32>,
        %parallel_loop3A_949 = tpu.memref_slice %arg5[%parallel_loop3A_927] : memref<1280xf32, #tpu.memory_space<vmem>> -> memref<40xf32, #tpu.memory_space<vmem>>
        %parallel_loop3A_950 = tpu.vector_load_idx %parallel_loop3A_949[%parallel_loop3A_419] : memref<40xf32, #tpu.memory_space<vmem>>[vector<16xi32>], vector<16xf32>,
        %parallel_loop3A_951 = arith.constant 7 : i32
        %parallel_loop3A_952 = arith.index_cast %parallel_loop3A_319 : i32 to index
        %parallel_loop3A_953 = arith.index_cast %parallel_loop3A_951 : i32 to index
        %parallel_loop3A_954 = arith.constant 48 : index
        %parallel_loop3A_955 = tpu.vector_load %arg8[%parallel_loop3A_952, %parallel_loop3A_953, %parallel_loop3A_954] {strides = array<i32>} : memref<32x8x128xf32, #tpu.memory_space<vmem>>, vector<16xf32>,
        tpu.vector_store %arg8[%parallel_loop3A_952, %parallel_loop3A_953, %parallel_loop3A_954], %parallel_loop3A_950 {strides = array<i32>} : memref<32x8x128xf32, #tpu.memory_space<vmem>>, vector<16xf32>,
        %parallel_loop3A_956 = tpu.memref_slice %arg5[%parallel_loop3A_927] : memref<1280xf32, #tpu.memory_space<vmem>> -> memref<40xf32, #tpu.memory_space<vmem>>
        %parallel_loop3A_957 = tpu.vector_load_idx %parallel_loop3A_956[%parallel_loop3A_444] : memref<40xf32, #tpu.memory_space<vmem>>[vector<16xi32>], vector<16xf32>,
        %parallel_loop3A_958 = arith.constant 7 : i32
        %parallel_loop3A_959 = arith.index_cast %parallel_loop3A_319 : i32 to index
        %parallel_loop3A_960 = arith.index_cast %parallel_loop3A_958 : i32 to index
        %parallel_loop3A_961 = arith.constant 64 : index
        %parallel_loop3A_962 = tpu.vector_load %arg8[%parallel_loop3A_959, %parallel_loop3A_960, %parallel_loop3A_961] {strides = array<i32>} : memref<32x8x128xf32, #tpu.memory_space<vmem>>, vector<16xf32>,
        tpu.vector_store %arg8[%parallel_loop3A_959, %parallel_loop3A_960, %parallel_loop3A_961], %parallel_loop3A_957 {strides = array<i32>} : memref<32x8x128xf32, #tpu.memory_space<vmem>>, vector<16xf32>,
        %parallel_loop3A_963 = tpu.memref_slice %arg5[%parallel_loop3A_927] : memref<1280xf32, #tpu.memory_space<vmem>> -> memref<40xf32, #tpu.memory_space<vmem>>
        %parallel_loop3A_964 = tpu.vector_load_idx %parallel_loop3A_963[%parallel_loop3A_469] : memref<40xf32, #tpu.memory_space<vmem>>[vector<16xi32>], vector<16xf32>,
        %parallel_loop3A_965 = arith.constant 7 : i32
        %parallel_loop3A_966 = arith.index_cast %parallel_loop3A_319 : i32 to index
        %parallel_loop3A_967 = arith.index_cast %parallel_loop3A_965 : i32 to index
        %parallel_loop3A_968 = arith.constant 80 : index
        %parallel_loop3A_969 = tpu.vector_load %arg8[%parallel_loop3A_966, %parallel_loop3A_967, %parallel_loop3A_968] {strides = array<i32>} : memref<32x8x128xf32, #tpu.memory_space<vmem>>, vector<16xf32>,
        tpu.vector_store %arg8[%parallel_loop3A_966, %parallel_loop3A_967, %parallel_loop3A_968], %parallel_loop3A_964 {strides = array<i32>} : memref<32x8x128xf32, #tpu.memory_space<vmem>>, vector<16xf32>,
        %parallel_loop3A_970 = tpu.memref_slice %arg5[%parallel_loop3A_927] : memref<1280xf32, #tpu.memory_space<vmem>> -> memref<40xf32, #tpu.memory_space<vmem>>
        %parallel_loop3A_971 = tpu.vector_load_idx %parallel_loop3A_970[%parallel_loop3A_494] : memref<40xf32, #tpu.memory_space<vmem>>[vector<16xi32>], vector<16xf32>,
        %parallel_loop3A_972 = arith.constant 7 : i32
        %parallel_loop3A_973 = arith.index_cast %parallel_loop3A_319 : i32 to index
        %parallel_loop3A_974 = arith.index_cast %parallel_loop3A_972 : i32 to index
        %parallel_loop3A_975 = arith.constant 96 : index
        %parallel_loop3A_976 = tpu.vector_load %arg8[%parallel_loop3A_973, %parallel_loop3A_974, %parallel_loop3A_975] {strides = array<i32>} : memref<32x8x128xf32, #tpu.memory_space<vmem>>, vector<16xf32>,
        tpu.vector_store %arg8[%parallel_loop3A_973, %parallel_loop3A_974, %parallel_loop3A_975], %parallel_loop3A_971 {strides = array<i32>} : memref<32x8x128xf32, #tpu.memory_space<vmem>>, vector<16xf32>,
        %parallel_loop3A_977 = tpu.memref_slice %arg5[%parallel_loop3A_927] : memref<1280xf32, #tpu.memory_space<vmem>> -> memref<40xf32, #tpu.memory_space<vmem>>
        %parallel_loop3A_978 = tpu.vector_load_idx %parallel_loop3A_977[%parallel_loop3A_519] : memref<40xf32, #tpu.memory_space<vmem>>[vector<16xi32>], vector<16xf32>,
        %parallel_loop3A_979 = arith.constant 7 : i32
        %parallel_loop3A_980 = arith.index_cast %parallel_loop3A_319 : i32 to index
        %parallel_loop3A_981 = arith.index_cast %parallel_loop3A_979 : i32 to index
        %parallel_loop3A_982 = arith.constant 112 : index
        %parallel_loop3A_983 = tpu.vector_load %arg8[%parallel_loop3A_980, %parallel_loop3A_981, %parallel_loop3A_982] {strides = array<i32>} : memref<32x8x128xf32, #tpu.memory_space<vmem>>, vector<16xf32>,
        tpu.vector_store %arg8[%parallel_loop3A_980, %parallel_loop3A_981, %parallel_loop3A_982], %parallel_loop3A_978 {strides = array<i32>} : memref<32x8x128xf32, #tpu.memory_space<vmem>>, vector<16xf32>,
      } {sc.loop_unroll_factor = 1 : i64, sc.parallel_access}
      %jit3A_181 = arith.constant 4 : i32
      %div3A_182 = arith.divsi %add3A_166, %jit3A_181 : i32
      %sign3A_183 = arith.constant 0 : i32
      %sign3A_184 = arith.cmpi sgt, %add3A_166, %sign3A_183 : i32
      %sign3A_185 = arith.extui %sign3A_184 : i1 to i32
      %sign3A_186 = arith.constant 0 : i32
      %sign3A_187 = arith.cmpi slt, %add3A_166, %sign3A_186 : i32
      %sign3A_188 = arith.extui %sign3A_187 : i1 to i32
      %sign3A_189 = arith.subi %sign3A_185, %sign3A_188 : i32
      %sign3A_190 = arith.constant 0 : i32
      %sign3A_191 = arith.cmpi sgt, %jit3A_181, %sign3A_190 : i32
      %sign3A_192 = arith.extui %sign3A_191 : i1 to i32
      %sign3A_193 = arith.constant 0 : i32
      %sign3A_194 = arith.cmpi slt, %jit3A_181, %sign3A_193 : i32
      %sign3A_195 = arith.extui %sign3A_194 : i1 to i32
      %sign3A_196 = arith.subi %sign3A_192, %sign3A_195 : i32
      %ne3A_197 = arith.cmpi ne, %sign3A_189, %sign3A_196 : i32
      %rem3A_198 = arith.remsi %add3A_166, %jit3A_181 : i32
      %ne3A_199 = arith.constant 0 : i32
      %ne3A_200 = arith.cmpi ne, %rem3A_198, %ne3A_199 : i32
      %and3A_201 = arith.andi %ne3A_197, %ne3A_200 : i1
      %sub3A_202 = arith.constant 1 : i32
      %sub3A_203 = arith.subi %div3A_182, %sub3A_202 : i32
      %select_n3A_204 = arith.select %and3A_201, %sub3A_203, %div3A_182 : i32
      %add3A_205 = arith.addi %mul3A_32, %select_n3A_204 : i32
      %jit3A_206 = arith.constant 4 : i32
      %eq3A_207 = arith.constant 0 : i32
      %eq3A_208 = arith.cmpi eq, %jit3A_206, %eq3A_207 : i32
      %jit3A_209 = arith.constant 1 : i32
      %select_n3A_210 = arith.select %eq3A_208, %jit3A_209, %jit3A_206 : i32
      %rem3A_211 = arith.remsi %add3A_166, %select_n3A_210 : i32
      %ne3A_212 = arith.constant 0 : i32
      %ne3A_213 = arith.cmpi ne, %rem3A_211, %ne3A_212 : i32
      %lt3A_214 = arith.constant 0 : i32
      %lt3A_215 = arith.cmpi slt, %rem3A_211, %lt3A_214 : i32
      %lt3A_216 = arith.constant 0 : i32
      %lt3A_217 = arith.cmpi slt, %select_n3A_210, %lt3A_216 : i32
      %ne3A_218 = arith.xori %lt3A_215, %lt3A_217 : i1
      %and3A_219 = arith.andi %ne3A_218, %ne3A_213 : i1
      %add3A_220 = arith.addi %rem3A_211, %select_n3A_210 : i32
      %select_n3A_221 = arith.select %and3A_219, %add3A_220, %rem3A_211 : i32
      %mul3A_222 = arith.constant 32 : i32
      %mul3A_223 = arith.muli %select_n3A_221, %mul3A_222 : i32
      %dma_start3A_224 = arith.constant 0 : i32
      %dma_start3A_225 = arith.constant 0 : i32
      %dma_start3A_226 = tpu.memref_slice %arg4[%add3A_205, %select_n3A, %mul3A_223, %dma_start3A_224, %dma_start3A_225] : memref<200x4x128x8x128xf32, #tpu.memory_space<hbm>> -> memref<1x1x32x8x128xf32, #tpu.memory_space<hbm>>
      %dma_start3A_227 = tpu.memref_squeeze %dma_start3A_226 : memref<1x1x32x8x128xf32, #tpu.memory_space<hbm>> -> memref<32x8x128xf32, #tpu.memory_space<hbm>>
      %dma_start3A_228 = arith.constant 0 : i32
      %dma_start3A_229 = arith.constant 0 : i32
      %dma_start3A_230 = tpu.memref_slice %arg4[%add3A_205, %select_n3A, %mul3A_223, %dma_start3A_228, %dma_start3A_229] : memref<200x4x128x8x128xf32, #tpu.memory_space<hbm>> -> memref<1x1x32x8x128xf32, #tpu.memory_space<hbm>>
      %dma_start3A_231 = tpu.memref_squeeze %dma_start3A_230 : memref<1x1x32x8x128xf32, #tpu.memory_space<hbm>> -> memref<32x8x128xf32, #tpu.memory_space<hbm>>
      tpu.enqueue_dma source(%arg8 : memref<32x8x128xf32, #tpu.memory_space<vmem>>) target(%dma_start3A_231 : memref<32x8x128xf32, #tpu.memory_space<hbm>>) target_semaphore(%arg12 : memref<!tpu.dma_semaphore, #tpu.memory_space<semaphore_mem>>)
      %add3A_232 = arith.constant 2 : i32
      %add3A_233 = arith.addi %add3A_166, %add3A_232 : i32
      %lt3A_234 = arith.constant 100 : i32
      %lt3A_235 = arith.cmpi slt, %add3A_233, %lt3A_234 : i32
      %convert_element_type3A_236 = arith.extui %lt3A_235 : i1 to i32
      %cond3A_237 = arith.constant 0 : i32
      %cond3A_238 = arith.cmpi ne, %convert_element_type3A_236, %cond3A_237 : i32
      scf.if %cond3A_238 {
        %add3A_319 = arith.constant 2 : i32
        %add3A_320 = arith.addi %add3A_166, %add3A_319 : i32
        %jit3A_321 = arith.constant 4 : i32
        %div3A_322 = arith.divsi %add3A_320, %jit3A_321 : i32
        %sign3A_323 = arith.constant 0 : i32
        %sign3A_324 = arith.cmpi sgt, %add3A_320, %sign3A_323 : i32
        %sign3A_325 = arith.extui %sign3A_324 : i1 to i32
        %sign3A_326 = arith.constant 0 : i32
        %sign3A_327 = arith.cmpi slt, %add3A_320, %sign3A_326 : i32
        %sign3A_328 = arith.extui %sign3A_327 : i1 to i32
        %sign3A_329 = arith.subi %sign3A_325, %sign3A_328 : i32
        %sign3A_330 = arith.constant 0 : i32
        %sign3A_331 = arith.cmpi sgt, %jit3A_321, %sign3A_330 : i32
        %sign3A_332 = arith.extui %sign3A_331 : i1 to i32
        %sign3A_333 = arith.constant 0 : i32
        %sign3A_334 = arith.cmpi slt, %jit3A_321, %sign3A_333 : i32
        %sign3A_335 = arith.extui %sign3A_334 : i1 to i32
        %sign3A_336 = arith.subi %sign3A_332, %sign3A_335 : i32
        %ne3A_337 = arith.cmpi ne, %sign3A_329, %sign3A_336 : i32
        %rem3A_338 = arith.remsi %add3A_320, %jit3A_321 : i32
        %ne3A_339 = arith.constant 0 : i32
        %ne3A_340 = arith.cmpi ne, %rem3A_338, %ne3A_339 : i32
        %and3A_341 = arith.andi %ne3A_337, %ne3A_340 : i1
        %sub3A_342 = arith.constant 1 : i32
        %sub3A_343 = arith.subi %div3A_322, %sub3A_342 : i32
        %select_n3A_344 = arith.select %and3A_341, %sub3A_343, %div3A_322 : i32
        %add3A_345 = arith.addi %mul3A_32, %select_n3A_344 : i32
        %jit3A_346 = arith.constant 4 : i32
        %eq3A_347 = arith.constant 0 : i32
        %eq3A_348 = arith.cmpi eq, %jit3A_346, %eq3A_347 : i32
        %jit3A_349 = arith.constant 1 : i32
        %select_n3A_350 = arith.select %eq3A_348, %jit3A_349, %jit3A_346 : i32
        %rem3A_351 = arith.remsi %add3A_320, %select_n3A_350 : i32
        %ne3A_352 = arith.constant 0 : i32
        %ne3A_353 = arith.cmpi ne, %rem3A_351, %ne3A_352 : i32
        %lt3A_354 = arith.constant 0 : i32
        %lt3A_355 = arith.cmpi slt, %rem3A_351, %lt3A_354 : i32
        %lt3A_356 = arith.constant 0 : i32
        %lt3A_357 = arith.cmpi slt, %select_n3A_350, %lt3A_356 : i32
        %ne3A_358 = arith.xori %lt3A_355, %lt3A_357 : i1
        %and3A_359 = arith.andi %ne3A_358, %ne3A_353 : i1
        %add3A_360 = arith.addi %rem3A_351, %select_n3A_350 : i32
        %select_n3A_361 = arith.select %and3A_359, %add3A_360, %rem3A_351 : i32
        %mul3A_362 = arith.constant 32 : i32
        %mul3A_363 = arith.muli %select_n3A_361, %mul3A_362 : i32
        %jit3A_364 = arith.constant 8 : i32
        %div3A_365 = arith.divsi %add3A_345, %jit3A_364 : i32
        %sign3A_366 = arith.constant 0 : i32
        %sign3A_367 = arith.cmpi sgt, %add3A_345, %sign3A_366 : i32
        %sign3A_368 = arith.extui %sign3A_367 : i1 to i32
        %sign3A_369 = arith.constant 0 : i32
        %sign3A_370 = arith.cmpi slt, %add3A_345, %sign3A_369 : i32
        %sign3A_371 = arith.extui %sign3A_370 : i1 to i32
        %sign3A_372 = arith.subi %sign3A_368, %sign3A_371 : i32
        %sign3A_373 = arith.constant 0 : i32
        %sign3A_374 = arith.cmpi sgt, %jit3A_364, %sign3A_373 : i32
        %sign3A_375 = arith.extui %sign3A_374 : i1 to i32
        %sign3A_376 = arith.constant 0 : i32
        %sign3A_377 = arith.cmpi slt, %jit3A_364, %sign3A_376 : i32
        %sign3A_378 = arith.extui %sign3A_377 : i1 to i32
        %sign3A_379 = arith.subi %sign3A_375, %sign3A_378 : i32
        %ne3A_380 = arith.cmpi ne, %sign3A_372, %sign3A_379 : i32
        %rem3A_381 = arith.remsi %add3A_345, %jit3A_364 : i32
        %ne3A_382 = arith.constant 0 : i32
        %ne3A_383 = arith.cmpi ne, %rem3A_381, %ne3A_382 : i32
        %and3A_384 = arith.andi %ne3A_380, %ne3A_383 : i1
        %sub3A_385 = arith.constant 1 : i32
        %sub3A_386 = arith.subi %div3A_365, %sub3A_385 : i32
        %select_n3A_387 = arith.select %and3A_384, %sub3A_386, %div3A_365 : i32
        %jit3A_388 = arith.constant 8 : i32
        %eq3A_389 = arith.constant 0 : i32
        %eq3A_390 = arith.cmpi eq, %jit3A_388, %eq3A_389 : i32
        %jit3A_391 = arith.constant 1 : i32
        %select_n3A_392 = arith.select %eq3A_390, %jit3A_391, %jit3A_388 : i32
        %rem3A_393 = arith.remsi %add3A_345, %select_n3A_392 : i32
        %ne3A_394 = arith.constant 0 : i32
        %ne3A_395 = arith.cmpi ne, %rem3A_393, %ne3A_394 : i32
        %lt3A_396 = arith.constant 0 : i32
        %lt3A_397 = arith.cmpi slt, %rem3A_393, %lt3A_396 : i32
        %lt3A_398 = arith.constant 0 : i32
        %lt3A_399 = arith.cmpi slt, %select_n3A_392, %lt3A_398 : i32
        %ne3A_400 = arith.xori %lt3A_397, %lt3A_399 : i1
        %and3A_401 = arith.andi %ne3A_400, %ne3A_395 : i1
        %add3A_402 = arith.addi %rem3A_393, %select_n3A_392 : i32
        %select_n3A_403 = arith.select %and3A_401, %add3A_402, %rem3A_393 : i32
        %dma_start3A_404 = arith.constant 0 : i32
        %dma_start3A_405 = tpu.memref_slice %arg2[%select_n3A_387, %mul3A_363, %select_n3A_403, %dma_start3A_404] : memref<25x128x8x128xf32, #tpu.memory_space<hbm>> -> memref<1x32x1x128xf32, #tpu.memory_space<hbm>>
        %dma_start3A_406 = tpu.memref_squeeze %dma_start3A_405 : memref<1x32x1x128xf32, #tpu.memory_space<hbm>> -> memref<32x128xf32, #tpu.memory_space<hbm>>
        %dma_start3A_407 = arith.constant 0 : i32
        %dma_start3A_408 = tpu.memref_slice %arg2[%select_n3A_387, %mul3A_363, %select_n3A_403, %dma_start3A_407] : memref<25x128x8x128xf32, #tpu.memory_space<hbm>> -> memref<1x32x1x128xf32, #tpu.memory_space<hbm>>
        %dma_start3A_409 = tpu.memref_squeeze %dma_start3A_408 : memref<1x32x1x128xf32, #tpu.memory_space<hbm>> -> memref<32x128xf32, #tpu.memory_space<hbm>>
        tpu.enqueue_dma source(%dma_start3A_409 : memref<32x128xf32, #tpu.memory_space<hbm>>) target(%arg6 : memref<32x128xf32, #tpu.memory_space<vmem>>) target_semaphore(%arg10 : memref<!tpu.dma_semaphore, #tpu.memory_space<semaphore_mem>>)
      } else {
      }
      %mul3A_239 = arith.constant 2 : i32
      %mul3A_240 = arith.muli %scan3A_162, %mul3A_239 : i32
      %add3A_241 = arith.constant 1 : i32
      %add3A_242 = arith.addi %mul3A_240, %add3A_241 : i32
      %dma_wait3A_243 = arith.constant 0 : i32
      %dma_wait3A_244 = arith.constant 0 : i32
      %dma_wait3A_245 = arith.constant 0 : i32
      %dma_wait3A_246 = arith.constant 0 : i32
      %dma_wait3A_247 = tpu.memref_slice %arg2[%dma_wait3A_243, %dma_wait3A_245, %dma_wait3A_244, %dma_wait3A_246] : memref<25x128x8x128xf32, #tpu.memory_space<hbm>> -> memref<1x32x1x128xf32, #tpu.memory_space<hbm>>
      %dma_wait3A_248 = tpu.memref_squeeze %dma_wait3A_247 : memref<1x32x1x128xf32, #tpu.memory_space<hbm>> -> memref<32x128xf32, #tpu.memory_space<hbm>>
      %dma_wait3A_249 = arith.constant 0 : i32
      %dma_wait3A_250 = arith.constant 0 : i32
      %dma_wait3A_251 = tpu.memref_slice %arg2[%dma_wait3A_243, %dma_wait3A_249, %dma_wait3A_244, %dma_wait3A_250] : memref<25x128x8x128xf32, #tpu.memory_space<hbm>> -> memref<1x32x1x128xf32, #tpu.memory_space<hbm>>
      %dma_wait3A_252 = tpu.memref_squeeze %dma_wait3A_251 : memref<1x32x1x128xf32, #tpu.memory_space<hbm>> -> memref<32x128xf32, #tpu.memory_space<hbm>>
      tpu.wait_dma2 semaphore(%arg11 : memref<!tpu.dma_semaphore, #tpu.memory_space<semaphore_mem>>) src(%dma_wait3A_252 : memref<32x128xf32, #tpu.memory_space<hbm>>) dst(%arg7 : memref<32x128xf32, #tpu.memory_space<vmem>>)
      %ge3A_253 = arith.constant 1 : i32
      %ge3A_254 = arith.cmpi sge, %scan3A_162, %ge3A_253 : i32
      %convert_element_type3A_255 = arith.extui %ge3A_254 : i1 to i32
      %cond3A_256 = arith.constant 0 : i32
      %cond3A_257 = arith.cmpi ne, %convert_element_type3A_255, %cond3A_256 : i32
      scf.if %cond3A_257 {
        %dma_wait3A_319 = arith.constant 0 : i32
        %dma_wait3A_320 = arith.constant 0 : i32
        %dma_wait3A_321 = arith.constant 0 : i32
        %dma_wait3A_322 = arith.constant 0 : i32
        %dma_wait3A_323 = arith.constant 0 : i32
        %dma_wait3A_324 = tpu.memref_slice %arg4[%dma_wait3A_319, %dma_wait3A_320, %dma_wait3A_321, %dma_wait3A_322, %dma_wait3A_323] : memref<200x4x128x8x128xf32, #tpu.memory_space<hbm>> -> memref<1x1x32x8x128xf32, #tpu.memory_space<hbm>>
        %dma_wait3A_325 = tpu.memref_squeeze %dma_wait3A_324 : memref<1x1x32x8x128xf32, #tpu.memory_space<hbm>> -> memref<32x8x128xf32, #tpu.memory_space<hbm>>
        %dma_wait3A_326 = arith.constant 0 : i32
        %dma_wait3A_327 = arith.constant 0 : i32
        %dma_wait3A_328 = arith.constant 0 : i32
        %dma_wait3A_329 = tpu.memref_slice %arg4[%dma_wait3A_319, %dma_wait3A_320, %dma_wait3A_326, %dma_wait3A_327, %dma_wait3A_328] : memref<200x4x128x8x128xf32, #tpu.memory_space<hbm>> -> memref<1x1x32x8x128xf32, #tpu.memory_space<hbm>>
        %dma_wait3A_330 = tpu.memref_squeeze %dma_wait3A_329 : memref<1x1x32x8x128xf32, #tpu.memory_space<hbm>> -> memref<32x8x128xf32, #tpu.memory_space<hbm>>
        tpu.wait_dma2 semaphore(%arg13 : memref<!tpu.dma_semaphore, #tpu.memory_space<semaphore_mem>>) src(%arg9 : memref<32x8x128xf32, #tpu.memory_space<vmem>>) dst(%dma_wait3A_330 : memref<32x8x128xf32, #tpu.memory_space<hbm>>)
      } else {
      }
      %parallel_loop3A_258 = arith.constant 0 : i32
      %parallel_loop3A_259 = arith.constant 32 : i32
      %parallel_loop3A_260 = arith.constant 1 : i32
      scf.for %parallel_loop3A_319 = %parallel_loop3A_258 to %parallel_loop3A_259 step %parallel_loop3A_260  : i32 {
        %parallel_loop3A_320 = arith.index_cast %parallel_loop3A_319 : i32 to index
        %parallel_loop3A_321 = arith.constant 0 : index
        %parallel_loop3A_322 = tpu.vector_load %arg7[%parallel_loop3A_320, %parallel_loop3A_321] {strides = array<i32>} : memref<32x128xf32, #tpu.memory_space<vmem>>, vector<16xf32>,
        %parallel_loop3A_323 = arith.constant 3.500000e+01 : f32
        %parallel_loop3A_324 = vector.broadcast %parallel_loop3A_323 : f32 to vector<16xf32>
        %parallel_loop3A_325 = arith.mulf %parallel_loop3A_322, %parallel_loop3A_324 : vector<16xf32>
        %parallel_loop3A_326 = arith.constant 3.600000e+01 : f32
        %parallel_loop3A_327 = vector.broadcast %parallel_loop3A_326 : f32 to vector<16xf32>
        %parallel_loop3A_328 = arith.addf %parallel_loop3A_325, %parallel_loop3A_327 : vector<16xf32>
        %parallel_loop3A_329 = arith.constant 0x4B400000 : f32
        %parallel_loop3A_330 = vector.broadcast %parallel_loop3A_329 : f32 to vector<16xf32>
        %parallel_loop3A_331 = arith.addf %parallel_loop3A_328, %parallel_loop3A_330 : vector<16xf32>
        %parallel_loop3A_332 = arith.constant 0x4B400000 : f32
        %parallel_loop3A_333 = vector.broadcast %parallel_loop3A_332 : f32 to vector<16xf32>
        %parallel_loop3A_334 = arith.subf %parallel_loop3A_331, %parallel_loop3A_333 : vector<16xf32>
        %parallel_loop3A_335 = arith.constant 3.600000e+01 : f32
        %parallel_loop3A_336 = vector.broadcast %parallel_loop3A_335 : f32 to vector<16xf32>
        %parallel_loop3A_337 = arith.subf %parallel_loop3A_334, %parallel_loop3A_336 : vector<16xf32>
        %parallel_loop3A_338 = arith.constant 0.000000e+00 : f32
        %parallel_loop3A_339 = vector.broadcast %parallel_loop3A_338 : f32 to vector<16xf32>
        %parallel_loop3A_340 = arith.maximumf %parallel_loop3A_337, %parallel_loop3A_339 : vector<16xf32>
        %parallel_loop3A_341 = arith.constant 3.500000e+01 : f32
        %parallel_loop3A_342 = vector.broadcast %parallel_loop3A_341 : f32 to vector<16xf32>
        %parallel_loop3A_343 = arith.minimumf %parallel_loop3A_340, %parallel_loop3A_342 : vector<16xf32>
        %parallel_loop3A_344 = arith.fptosi %parallel_loop3A_343 : vector<16xf32> to vector<16xi32>
        %parallel_loop3A_345 = arith.index_cast %parallel_loop3A_319 : i32 to index
        %parallel_loop3A_346 = arith.constant 16 : index
        %parallel_loop3A_347 = tpu.vector_load %arg7[%parallel_loop3A_345, %parallel_loop3A_346] {strides = array<i32>} : memref<32x128xf32, #tpu.memory_space<vmem>>, vector<16xf32>,
        %parallel_loop3A_348 = arith.constant 3.500000e+01 : f32
        %parallel_loop3A_349 = vector.broadcast %parallel_loop3A_348 : f32 to vector<16xf32>
        %parallel_loop3A_350 = arith.mulf %parallel_loop3A_347, %parallel_loop3A_349 : vector<16xf32>
        %parallel_loop3A_351 = arith.constant 3.600000e+01 : f32
        %parallel_loop3A_352 = vector.broadcast %parallel_loop3A_351 : f32 to vector<16xf32>
        %parallel_loop3A_353 = arith.addf %parallel_loop3A_350, %parallel_loop3A_352 : vector<16xf32>
        %parallel_loop3A_354 = arith.constant 0x4B400000 : f32
        %parallel_loop3A_355 = vector.broadcast %parallel_loop3A_354 : f32 to vector<16xf32>
        %parallel_loop3A_356 = arith.addf %parallel_loop3A_353, %parallel_loop3A_355 : vector<16xf32>
        %parallel_loop3A_357 = arith.constant 0x4B400000 : f32
        %parallel_loop3A_358 = vector.broadcast %parallel_loop3A_357 : f32 to vector<16xf32>
        %parallel_loop3A_359 = arith.subf %parallel_loop3A_356, %parallel_loop3A_358 : vector<16xf32>
        %parallel_loop3A_360 = arith.constant 3.600000e+01 : f32
        %parallel_loop3A_361 = vector.broadcast %parallel_loop3A_360 : f32 to vector<16xf32>
        %parallel_loop3A_362 = arith.subf %parallel_loop3A_359, %parallel_loop3A_361 : vector<16xf32>
        %parallel_loop3A_363 = arith.constant 0.000000e+00 : f32
        %parallel_loop3A_364 = vector.broadcast %parallel_loop3A_363 : f32 to vector<16xf32>
        %parallel_loop3A_365 = arith.maximumf %parallel_loop3A_362, %parallel_loop3A_364 : vector<16xf32>
        %parallel_loop3A_366 = arith.constant 3.500000e+01 : f32
        %parallel_loop3A_367 = vector.broadcast %parallel_loop3A_366 : f32 to vector<16xf32>
        %parallel_loop3A_368 = arith.minimumf %parallel_loop3A_365, %parallel_loop3A_367 : vector<16xf32>
        %parallel_loop3A_369 = arith.fptosi %parallel_loop3A_368 : vector<16xf32> to vector<16xi32>
        %parallel_loop3A_370 = arith.index_cast %parallel_loop3A_319 : i32 to index
        %parallel_loop3A_371 = arith.constant 32 : index
        %parallel_loop3A_372 = tpu.vector_load %arg7[%parallel_loop3A_370, %parallel_loop3A_371] {strides = array<i32>} : memref<32x128xf32, #tpu.memory_space<vmem>>, vector<16xf32>,
        %parallel_loop3A_373 = arith.constant 3.500000e+01 : f32
        %parallel_loop3A_374 = vector.broadcast %parallel_loop3A_373 : f32 to vector<16xf32>
        %parallel_loop3A_375 = arith.mulf %parallel_loop3A_372, %parallel_loop3A_374 : vector<16xf32>
        %parallel_loop3A_376 = arith.constant 3.600000e+01 : f32
        %parallel_loop3A_377 = vector.broadcast %parallel_loop3A_376 : f32 to vector<16xf32>
        %parallel_loop3A_378 = arith.addf %parallel_loop3A_375, %parallel_loop3A_377 : vector<16xf32>
        %parallel_loop3A_379 = arith.constant 0x4B400000 : f32
        %parallel_loop3A_380 = vector.broadcast %parallel_loop3A_379 : f32 to vector<16xf32>
        %parallel_loop3A_381 = arith.addf %parallel_loop3A_378, %parallel_loop3A_380 : vector<16xf32>
        %parallel_loop3A_382 = arith.constant 0x4B400000 : f32
        %parallel_loop3A_383 = vector.broadcast %parallel_loop3A_382 : f32 to vector<16xf32>
        %parallel_loop3A_384 = arith.subf %parallel_loop3A_381, %parallel_loop3A_383 : vector<16xf32>
        %parallel_loop3A_385 = arith.constant 3.600000e+01 : f32
        %parallel_loop3A_386 = vector.broadcast %parallel_loop3A_385 : f32 to vector<16xf32>
        %parallel_loop3A_387 = arith.subf %parallel_loop3A_384, %parallel_loop3A_386 : vector<16xf32>
        %parallel_loop3A_388 = arith.constant 0.000000e+00 : f32
        %parallel_loop3A_389 = vector.broadcast %parallel_loop3A_388 : f32 to vector<16xf32>
        %parallel_loop3A_390 = arith.maximumf %parallel_loop3A_387, %parallel_loop3A_389 : vector<16xf32>
        %parallel_loop3A_391 = arith.constant 3.500000e+01 : f32
        %parallel_loop3A_392 = vector.broadcast %parallel_loop3A_391 : f32 to vector<16xf32>
        %parallel_loop3A_393 = arith.minimumf %parallel_loop3A_390, %parallel_loop3A_392 : vector<16xf32>
        %parallel_loop3A_394 = arith.fptosi %parallel_loop3A_393 : vector<16xf32> to vector<16xi32>
        %parallel_loop3A_395 = arith.index_cast %parallel_loop3A_319 : i32 to index
        %parallel_loop3A_396 = arith.constant 48 : index
        %parallel_loop3A_397 = tpu.vector_load %arg7[%parallel_loop3A_395, %parallel_loop3A_396] {strides = array<i32>} : memref<32x128xf32, #tpu.memory_space<vmem>>, vector<16xf32>,
        %parallel_loop3A_398 = arith.constant 3.500000e+01 : f32
        %parallel_loop3A_399 = vector.broadcast %parallel_loop3A_398 : f32 to vector<16xf32>
        %parallel_loop3A_400 = arith.mulf %parallel_loop3A_397, %parallel_loop3A_399 : vector<16xf32>
        %parallel_loop3A_401 = arith.constant 3.600000e+01 : f32
        %parallel_loop3A_402 = vector.broadcast %parallel_loop3A_401 : f32 to vector<16xf32>
        %parallel_loop3A_403 = arith.addf %parallel_loop3A_400, %parallel_loop3A_402 : vector<16xf32>
        %parallel_loop3A_404 = arith.constant 0x4B400000 : f32
        %parallel_loop3A_405 = vector.broadcast %parallel_loop3A_404 : f32 to vector<16xf32>
        %parallel_loop3A_406 = arith.addf %parallel_loop3A_403, %parallel_loop3A_405 : vector<16xf32>
        %parallel_loop3A_407 = arith.constant 0x4B400000 : f32
        %parallel_loop3A_408 = vector.broadcast %parallel_loop3A_407 : f32 to vector<16xf32>
        %parallel_loop3A_409 = arith.subf %parallel_loop3A_406, %parallel_loop3A_408 : vector<16xf32>
        %parallel_loop3A_410 = arith.constant 3.600000e+01 : f32
        %parallel_loop3A_411 = vector.broadcast %parallel_loop3A_410 : f32 to vector<16xf32>
        %parallel_loop3A_412 = arith.subf %parallel_loop3A_409, %parallel_loop3A_411 : vector<16xf32>
        %parallel_loop3A_413 = arith.constant 0.000000e+00 : f32
        %parallel_loop3A_414 = vector.broadcast %parallel_loop3A_413 : f32 to vector<16xf32>
        %parallel_loop3A_415 = arith.maximumf %parallel_loop3A_412, %parallel_loop3A_414 : vector<16xf32>
        %parallel_loop3A_416 = arith.constant 3.500000e+01 : f32
        %parallel_loop3A_417 = vector.broadcast %parallel_loop3A_416 : f32 to vector<16xf32>
        %parallel_loop3A_418 = arith.minimumf %parallel_loop3A_415, %parallel_loop3A_417 : vector<16xf32>
        %parallel_loop3A_419 = arith.fptosi %parallel_loop3A_418 : vector<16xf32> to vector<16xi32>
        %parallel_loop3A_420 = arith.index_cast %parallel_loop3A_319 : i32 to index
        %parallel_loop3A_421 = arith.constant 64 : index
        %parallel_loop3A_422 = tpu.vector_load %arg7[%parallel_loop3A_420, %parallel_loop3A_421] {strides = array<i32>} : memref<32x128xf32, #tpu.memory_space<vmem>>, vector<16xf32>,
        %parallel_loop3A_423 = arith.constant 3.500000e+01 : f32
        %parallel_loop3A_424 = vector.broadcast %parallel_loop3A_423 : f32 to vector<16xf32>
        %parallel_loop3A_425 = arith.mulf %parallel_loop3A_422, %parallel_loop3A_424 : vector<16xf32>
        %parallel_loop3A_426 = arith.constant 3.600000e+01 : f32
        %parallel_loop3A_427 = vector.broadcast %parallel_loop3A_426 : f32 to vector<16xf32>
        %parallel_loop3A_428 = arith.addf %parallel_loop3A_425, %parallel_loop3A_427 : vector<16xf32>
        %parallel_loop3A_429 = arith.constant 0x4B400000 : f32
        %parallel_loop3A_430 = vector.broadcast %parallel_loop3A_429 : f32 to vector<16xf32>
        %parallel_loop3A_431 = arith.addf %parallel_loop3A_428, %parallel_loop3A_430 : vector<16xf32>
        %parallel_loop3A_432 = arith.constant 0x4B400000 : f32
        %parallel_loop3A_433 = vector.broadcast %parallel_loop3A_432 : f32 to vector<16xf32>
        %parallel_loop3A_434 = arith.subf %parallel_loop3A_431, %parallel_loop3A_433 : vector<16xf32>
        %parallel_loop3A_435 = arith.constant 3.600000e+01 : f32
        %parallel_loop3A_436 = vector.broadcast %parallel_loop3A_435 : f32 to vector<16xf32>
        %parallel_loop3A_437 = arith.subf %parallel_loop3A_434, %parallel_loop3A_436 : vector<16xf32>
        %parallel_loop3A_438 = arith.constant 0.000000e+00 : f32
        %parallel_loop3A_439 = vector.broadcast %parallel_loop3A_438 : f32 to vector<16xf32>
        %parallel_loop3A_440 = arith.maximumf %parallel_loop3A_437, %parallel_loop3A_439 : vector<16xf32>
        %parallel_loop3A_441 = arith.constant 3.500000e+01 : f32
        %parallel_loop3A_442 = vector.broadcast %parallel_loop3A_441 : f32 to vector<16xf32>
        %parallel_loop3A_443 = arith.minimumf %parallel_loop3A_440, %parallel_loop3A_442 : vector<16xf32>
        %parallel_loop3A_444 = arith.fptosi %parallel_loop3A_443 : vector<16xf32> to vector<16xi32>
        %parallel_loop3A_445 = arith.index_cast %parallel_loop3A_319 : i32 to index
        %parallel_loop3A_446 = arith.constant 80 : index
        %parallel_loop3A_447 = tpu.vector_load %arg7[%parallel_loop3A_445, %parallel_loop3A_446] {strides = array<i32>} : memref<32x128xf32, #tpu.memory_space<vmem>>, vector<16xf32>,
        %parallel_loop3A_448 = arith.constant 3.500000e+01 : f32
        %parallel_loop3A_449 = vector.broadcast %parallel_loop3A_448 : f32 to vector<16xf32>
        %parallel_loop3A_450 = arith.mulf %parallel_loop3A_447, %parallel_loop3A_449 : vector<16xf32>
        %parallel_loop3A_451 = arith.constant 3.600000e+01 : f32
        %parallel_loop3A_452 = vector.broadcast %parallel_loop3A_451 : f32 to vector<16xf32>
        %parallel_loop3A_453 = arith.addf %parallel_loop3A_450, %parallel_loop3A_452 : vector<16xf32>
        %parallel_loop3A_454 = arith.constant 0x4B400000 : f32
        %parallel_loop3A_455 = vector.broadcast %parallel_loop3A_454 : f32 to vector<16xf32>
        %parallel_loop3A_456 = arith.addf %parallel_loop3A_453, %parallel_loop3A_455 : vector<16xf32>
        %parallel_loop3A_457 = arith.constant 0x4B400000 : f32
        %parallel_loop3A_458 = vector.broadcast %parallel_loop3A_457 : f32 to vector<16xf32>
        %parallel_loop3A_459 = arith.subf %parallel_loop3A_456, %parallel_loop3A_458 : vector<16xf32>
        %parallel_loop3A_460 = arith.constant 3.600000e+01 : f32
        %parallel_loop3A_461 = vector.broadcast %parallel_loop3A_460 : f32 to vector<16xf32>
        %parallel_loop3A_462 = arith.subf %parallel_loop3A_459, %parallel_loop3A_461 : vector<16xf32>
        %parallel_loop3A_463 = arith.constant 0.000000e+00 : f32
        %parallel_loop3A_464 = vector.broadcast %parallel_loop3A_463 : f32 to vector<16xf32>
        %parallel_loop3A_465 = arith.maximumf %parallel_loop3A_462, %parallel_loop3A_464 : vector<16xf32>
        %parallel_loop3A_466 = arith.constant 3.500000e+01 : f32
        %parallel_loop3A_467 = vector.broadcast %parallel_loop3A_466 : f32 to vector<16xf32>
        %parallel_loop3A_468 = arith.minimumf %parallel_loop3A_465, %parallel_loop3A_467 : vector<16xf32>
        %parallel_loop3A_469 = arith.fptosi %parallel_loop3A_468 : vector<16xf32> to vector<16xi32>
        %parallel_loop3A_470 = arith.index_cast %parallel_loop3A_319 : i32 to index
        %parallel_loop3A_471 = arith.constant 96 : index
        %parallel_loop3A_472 = tpu.vector_load %arg7[%parallel_loop3A_470, %parallel_loop3A_471] {strides = array<i32>} : memref<32x128xf32, #tpu.memory_space<vmem>>, vector<16xf32>,
        %parallel_loop3A_473 = arith.constant 3.500000e+01 : f32
        %parallel_loop3A_474 = vector.broadcast %parallel_loop3A_473 : f32 to vector<16xf32>
        %parallel_loop3A_475 = arith.mulf %parallel_loop3A_472, %parallel_loop3A_474 : vector<16xf32>
        %parallel_loop3A_476 = arith.constant 3.600000e+01 : f32
        %parallel_loop3A_477 = vector.broadcast %parallel_loop3A_476 : f32 to vector<16xf32>
        %parallel_loop3A_478 = arith.addf %parallel_loop3A_475, %parallel_loop3A_477 : vector<16xf32>
        %parallel_loop3A_479 = arith.constant 0x4B400000 : f32
        %parallel_loop3A_480 = vector.broadcast %parallel_loop3A_479 : f32 to vector<16xf32>
        %parallel_loop3A_481 = arith.addf %parallel_loop3A_478, %parallel_loop3A_480 : vector<16xf32>
        %parallel_loop3A_482 = arith.constant 0x4B400000 : f32
        %parallel_loop3A_483 = vector.broadcast %parallel_loop3A_482 : f32 to vector<16xf32>
        %parallel_loop3A_484 = arith.subf %parallel_loop3A_481, %parallel_loop3A_483 : vector<16xf32>
        %parallel_loop3A_485 = arith.constant 3.600000e+01 : f32
        %parallel_loop3A_486 = vector.broadcast %parallel_loop3A_485 : f32 to vector<16xf32>
        %parallel_loop3A_487 = arith.subf %parallel_loop3A_484, %parallel_loop3A_486 : vector<16xf32>
        %parallel_loop3A_488 = arith.constant 0.000000e+00 : f32
        %parallel_loop3A_489 = vector.broadcast %parallel_loop3A_488 : f32 to vector<16xf32>
        %parallel_loop3A_490 = arith.maximumf %parallel_loop3A_487, %parallel_loop3A_489 : vector<16xf32>
        %parallel_loop3A_491 = arith.constant 3.500000e+01 : f32
        %parallel_loop3A_492 = vector.broadcast %parallel_loop3A_491 : f32 to vector<16xf32>
        %parallel_loop3A_493 = arith.minimumf %parallel_loop3A_490, %parallel_loop3A_492 : vector<16xf32>
        %parallel_loop3A_494 = arith.fptosi %parallel_loop3A_493 : vector<16xf32> to vector<16xi32>
        %parallel_loop3A_495 = arith.index_cast %parallel_loop3A_319 : i32 to index
        %parallel_loop3A_496 = arith.constant 112 : index
        %parallel_loop3A_497 = tpu.vector_load %arg7[%parallel_loop3A_495, %parallel_loop3A_496] {strides = array<i32>} : memref<32x128xf32, #tpu.memory_space<vmem>>, vector<16xf32>,
        %parallel_loop3A_498 = arith.constant 3.500000e+01 : f32
        %parallel_loop3A_499 = vector.broadcast %parallel_loop3A_498 : f32 to vector<16xf32>
        %parallel_loop3A_500 = arith.mulf %parallel_loop3A_497, %parallel_loop3A_499 : vector<16xf32>
        %parallel_loop3A_501 = arith.constant 3.600000e+01 : f32
        %parallel_loop3A_502 = vector.broadcast %parallel_loop3A_501 : f32 to vector<16xf32>
        %parallel_loop3A_503 = arith.addf %parallel_loop3A_500, %parallel_loop3A_502 : vector<16xf32>
        %parallel_loop3A_504 = arith.constant 0x4B400000 : f32
        %parallel_loop3A_505 = vector.broadcast %parallel_loop3A_504 : f32 to vector<16xf32>
        %parallel_loop3A_506 = arith.addf %parallel_loop3A_503, %parallel_loop3A_505 : vector<16xf32>
        %parallel_loop3A_507 = arith.constant 0x4B400000 : f32
        %parallel_loop3A_508 = vector.broadcast %parallel_loop3A_507 : f32 to vector<16xf32>
        %parallel_loop3A_509 = arith.subf %parallel_loop3A_506, %parallel_loop3A_508 : vector<16xf32>
        %parallel_loop3A_510 = arith.constant 3.600000e+01 : f32
        %parallel_loop3A_511 = vector.broadcast %parallel_loop3A_510 : f32 to vector<16xf32>
        %parallel_loop3A_512 = arith.subf %parallel_loop3A_509, %parallel_loop3A_511 : vector<16xf32>
        %parallel_loop3A_513 = arith.constant 0.000000e+00 : f32
        %parallel_loop3A_514 = vector.broadcast %parallel_loop3A_513 : f32 to vector<16xf32>
        %parallel_loop3A_515 = arith.maximumf %parallel_loop3A_512, %parallel_loop3A_514 : vector<16xf32>
        %parallel_loop3A_516 = arith.constant 3.500000e+01 : f32
        %parallel_loop3A_517 = vector.broadcast %parallel_loop3A_516 : f32 to vector<16xf32>
        %parallel_loop3A_518 = arith.minimumf %parallel_loop3A_515, %parallel_loop3A_517 : vector<16xf32>
        %parallel_loop3A_519 = arith.fptosi %parallel_loop3A_518 : vector<16xf32> to vector<16xi32>
        %parallel_loop3A_520 = arith.constant 0 : i32
        %parallel_loop3A_521 = arith.addi %mul3A_34, %parallel_loop3A_520 : i32
        %parallel_loop3A_522 = tpu.memref_slice %arg5[%parallel_loop3A_521] : memref<1280xf32, #tpu.memory_space<vmem>> -> memref<40xf32, #tpu.memory_space<vmem>>
        %parallel_loop3A_523 = tpu.vector_load_idx %parallel_loop3A_522[%parallel_loop3A_344] : memref<40xf32, #tpu.memory_space<vmem>>[vector<16xi32>], vector<16xf32>,
        %parallel_loop3A_524 = arith.constant 0 : i32
        %parallel_loop3A_525 = arith.index_cast %parallel_loop3A_319 : i32 to index
        %parallel_loop3A_526 = arith.index_cast %parallel_loop3A_524 : i32 to index
        %parallel_loop3A_527 = arith.constant 0 : index
        %parallel_loop3A_528 = tpu.vector_load %arg9[%parallel_loop3A_525, %parallel_loop3A_526, %parallel_loop3A_527] {strides = array<i32>} : memref<32x8x128xf32, #tpu.memory_space<vmem>>, vector<16xf32>,
        tpu.vector_store %arg9[%parallel_loop3A_525, %parallel_loop3A_526, %parallel_loop3A_527], %parallel_loop3A_523 {strides = array<i32>} : memref<32x8x128xf32, #tpu.memory_space<vmem>>, vector<16xf32>,
        %parallel_loop3A_529 = tpu.memref_slice %arg5[%parallel_loop3A_521] : memref<1280xf32, #tpu.memory_space<vmem>> -> memref<40xf32, #tpu.memory_space<vmem>>
        %parallel_loop3A_530 = tpu.vector_load_idx %parallel_loop3A_529[%parallel_loop3A_369] : memref<40xf32, #tpu.memory_space<vmem>>[vector<16xi32>], vector<16xf32>,
        %parallel_loop3A_531 = arith.constant 0 : i32
        %parallel_loop3A_532 = arith.index_cast %parallel_loop3A_319 : i32 to index
        %parallel_loop3A_533 = arith.index_cast %parallel_loop3A_531 : i32 to index
        %parallel_loop3A_534 = arith.constant 16 : index
        %parallel_loop3A_535 = tpu.vector_load %arg9[%parallel_loop3A_532, %parallel_loop3A_533, %parallel_loop3A_534] {strides = array<i32>} : memref<32x8x128xf32, #tpu.memory_space<vmem>>, vector<16xf32>,
        tpu.vector_store %arg9[%parallel_loop3A_532, %parallel_loop3A_533, %parallel_loop3A_534], %parallel_loop3A_530 {strides = array<i32>} : memref<32x8x128xf32, #tpu.memory_space<vmem>>, vector<16xf32>,
        %parallel_loop3A_536 = tpu.memref_slice %arg5[%parallel_loop3A_521] : memref<1280xf32, #tpu.memory_space<vmem>> -> memref<40xf32, #tpu.memory_space<vmem>>
        %parallel_loop3A_537 = tpu.vector_load_idx %parallel_loop3A_536[%parallel_loop3A_394] : memref<40xf32, #tpu.memory_space<vmem>>[vector<16xi32>], vector<16xf32>,
        %parallel_loop3A_538 = arith.constant 0 : i32
        %parallel_loop3A_539 = arith.index_cast %parallel_loop3A_319 : i32 to index
        %parallel_loop3A_540 = arith.index_cast %parallel_loop3A_538 : i32 to index
        %parallel_loop3A_541 = arith.constant 32 : index
        %parallel_loop3A_542 = tpu.vector_load %arg9[%parallel_loop3A_539, %parallel_loop3A_540, %parallel_loop3A_541] {strides = array<i32>} : memref<32x8x128xf32, #tpu.memory_space<vmem>>, vector<16xf32>,
        tpu.vector_store %arg9[%parallel_loop3A_539, %parallel_loop3A_540, %parallel_loop3A_541], %parallel_loop3A_537 {strides = array<i32>} : memref<32x8x128xf32, #tpu.memory_space<vmem>>, vector<16xf32>,
        %parallel_loop3A_543 = tpu.memref_slice %arg5[%parallel_loop3A_521] : memref<1280xf32, #tpu.memory_space<vmem>> -> memref<40xf32, #tpu.memory_space<vmem>>
        %parallel_loop3A_544 = tpu.vector_load_idx %parallel_loop3A_543[%parallel_loop3A_419] : memref<40xf32, #tpu.memory_space<vmem>>[vector<16xi32>], vector<16xf32>,
        %parallel_loop3A_545 = arith.constant 0 : i32
        %parallel_loop3A_546 = arith.index_cast %parallel_loop3A_319 : i32 to index
        %parallel_loop3A_547 = arith.index_cast %parallel_loop3A_545 : i32 to index
        %parallel_loop3A_548 = arith.constant 48 : index
        %parallel_loop3A_549 = tpu.vector_load %arg9[%parallel_loop3A_546, %parallel_loop3A_547, %parallel_loop3A_548] {strides = array<i32>} : memref<32x8x128xf32, #tpu.memory_space<vmem>>, vector<16xf32>,
        tpu.vector_store %arg9[%parallel_loop3A_546, %parallel_loop3A_547, %parallel_loop3A_548], %parallel_loop3A_544 {strides = array<i32>} : memref<32x8x128xf32, #tpu.memory_space<vmem>>, vector<16xf32>,
        %parallel_loop3A_550 = tpu.memref_slice %arg5[%parallel_loop3A_521] : memref<1280xf32, #tpu.memory_space<vmem>> -> memref<40xf32, #tpu.memory_space<vmem>>
        %parallel_loop3A_551 = tpu.vector_load_idx %parallel_loop3A_550[%parallel_loop3A_444] : memref<40xf32, #tpu.memory_space<vmem>>[vector<16xi32>], vector<16xf32>,
        %parallel_loop3A_552 = arith.constant 0 : i32
        %parallel_loop3A_553 = arith.index_cast %parallel_loop3A_319 : i32 to index
        %parallel_loop3A_554 = arith.index_cast %parallel_loop3A_552 : i32 to index
        %parallel_loop3A_555 = arith.constant 64 : index
        %parallel_loop3A_556 = tpu.vector_load %arg9[%parallel_loop3A_553, %parallel_loop3A_554, %parallel_loop3A_555] {strides = array<i32>} : memref<32x8x128xf32, #tpu.memory_space<vmem>>, vector<16xf32>,
        tpu.vector_store %arg9[%parallel_loop3A_553, %parallel_loop3A_554, %parallel_loop3A_555], %parallel_loop3A_551 {strides = array<i32>} : memref<32x8x128xf32, #tpu.memory_space<vmem>>, vector<16xf32>,
        %parallel_loop3A_557 = tpu.memref_slice %arg5[%parallel_loop3A_521] : memref<1280xf32, #tpu.memory_space<vmem>> -> memref<40xf32, #tpu.memory_space<vmem>>
        %parallel_loop3A_558 = tpu.vector_load_idx %parallel_loop3A_557[%parallel_loop3A_469] : memref<40xf32, #tpu.memory_space<vmem>>[vector<16xi32>], vector<16xf32>,
        %parallel_loop3A_559 = arith.constant 0 : i32
        %parallel_loop3A_560 = arith.index_cast %parallel_loop3A_319 : i32 to index
        %parallel_loop3A_561 = arith.index_cast %parallel_loop3A_559 : i32 to index
        %parallel_loop3A_562 = arith.constant 80 : index
        %parallel_loop3A_563 = tpu.vector_load %arg9[%parallel_loop3A_560, %parallel_loop3A_561, %parallel_loop3A_562] {strides = array<i32>} : memref<32x8x128xf32, #tpu.memory_space<vmem>>, vector<16xf32>,
        tpu.vector_store %arg9[%parallel_loop3A_560, %parallel_loop3A_561, %parallel_loop3A_562], %parallel_loop3A_558 {strides = array<i32>} : memref<32x8x128xf32, #tpu.memory_space<vmem>>, vector<16xf32>,
        %parallel_loop3A_564 = tpu.memref_slice %arg5[%parallel_loop3A_521] : memref<1280xf32, #tpu.memory_space<vmem>> -> memref<40xf32, #tpu.memory_space<vmem>>
        %parallel_loop3A_565 = tpu.vector_load_idx %parallel_loop3A_564[%parallel_loop3A_494] : memref<40xf32, #tpu.memory_space<vmem>>[vector<16xi32>], vector<16xf32>,
        %parallel_loop3A_566 = arith.constant 0 : i32
        %parallel_loop3A_567 = arith.index_cast %parallel_loop3A_319 : i32 to index
        %parallel_loop3A_568 = arith.index_cast %parallel_loop3A_566 : i32 to index
        %parallel_loop3A_569 = arith.constant 96 : index
        %parallel_loop3A_570 = tpu.vector_load %arg9[%parallel_loop3A_567, %parallel_loop3A_568, %parallel_loop3A_569] {strides = array<i32>} : memref<32x8x128xf32, #tpu.memory_space<vmem>>, vector<16xf32>,
        tpu.vector_store %arg9[%parallel_loop3A_567, %parallel_loop3A_568, %parallel_loop3A_569], %parallel_loop3A_565 {strides = array<i32>} : memref<32x8x128xf32, #tpu.memory_space<vmem>>, vector<16xf32>,
        %parallel_loop3A_571 = tpu.memref_slice %arg5[%parallel_loop3A_521] : memref<1280xf32, #tpu.memory_space<vmem>> -> memref<40xf32, #tpu.memory_space<vmem>>
        %parallel_loop3A_572 = tpu.vector_load_idx %parallel_loop3A_571[%parallel_loop3A_519] : memref<40xf32, #tpu.memory_space<vmem>>[vector<16xi32>], vector<16xf32>,
        %parallel_loop3A_573 = arith.constant 0 : i32
        %parallel_loop3A_574 = arith.index_cast %parallel_loop3A_319 : i32 to index
        %parallel_loop3A_575 = arith.index_cast %parallel_loop3A_573 : i32 to index
        %parallel_loop3A_576 = arith.constant 112 : index
        %parallel_loop3A_577 = tpu.vector_load %arg9[%parallel_loop3A_574, %parallel_loop3A_575, %parallel_loop3A_576] {strides = array<i32>} : memref<32x8x128xf32, #tpu.memory_space<vmem>>, vector<16xf32>,
        tpu.vector_store %arg9[%parallel_loop3A_574, %parallel_loop3A_575, %parallel_loop3A_576], %parallel_loop3A_572 {strides = array<i32>} : memref<32x8x128xf32, #tpu.memory_space<vmem>>, vector<16xf32>,
        %parallel_loop3A_578 = arith.constant 40 : i32
        %parallel_loop3A_579 = arith.addi %mul3A_34, %parallel_loop3A_578 : i32
        %parallel_loop3A_580 = tpu.memref_slice %arg5[%parallel_loop3A_579] : memref<1280xf32, #tpu.memory_space<vmem>> -> memref<40xf32, #tpu.memory_space<vmem>>
        %parallel_loop3A_581 = tpu.vector_load_idx %parallel_loop3A_580[%parallel_loop3A_344] : memref<40xf32, #tpu.memory_space<vmem>>[vector<16xi32>], vector<16xf32>,
        %parallel_loop3A_582 = arith.constant 1 : i32
        %parallel_loop3A_583 = arith.index_cast %parallel_loop3A_319 : i32 to index
        %parallel_loop3A_584 = arith.index_cast %parallel_loop3A_582 : i32 to index
        %parallel_loop3A_585 = arith.constant 0 : index
        %parallel_loop3A_586 = tpu.vector_load %arg9[%parallel_loop3A_583, %parallel_loop3A_584, %parallel_loop3A_585] {strides = array<i32>} : memref<32x8x128xf32, #tpu.memory_space<vmem>>, vector<16xf32>,
        tpu.vector_store %arg9[%parallel_loop3A_583, %parallel_loop3A_584, %parallel_loop3A_585], %parallel_loop3A_581 {strides = array<i32>} : memref<32x8x128xf32, #tpu.memory_space<vmem>>, vector<16xf32>,
        %parallel_loop3A_587 = tpu.memref_slice %arg5[%parallel_loop3A_579] : memref<1280xf32, #tpu.memory_space<vmem>> -> memref<40xf32, #tpu.memory_space<vmem>>
        %parallel_loop3A_588 = tpu.vector_load_idx %parallel_loop3A_587[%parallel_loop3A_369] : memref<40xf32, #tpu.memory_space<vmem>>[vector<16xi32>], vector<16xf32>,
        %parallel_loop3A_589 = arith.constant 1 : i32
        %parallel_loop3A_590 = arith.index_cast %parallel_loop3A_319 : i32 to index
        %parallel_loop3A_591 = arith.index_cast %parallel_loop3A_589 : i32 to index
        %parallel_loop3A_592 = arith.constant 16 : index
        %parallel_loop3A_593 = tpu.vector_load %arg9[%parallel_loop3A_590, %parallel_loop3A_591, %parallel_loop3A_592] {strides = array<i32>} : memref<32x8x128xf32, #tpu.memory_space<vmem>>, vector<16xf32>,
        tpu.vector_store %arg9[%parallel_loop3A_590, %parallel_loop3A_591, %parallel_loop3A_592], %parallel_loop3A_588 {strides = array<i32>} : memref<32x8x128xf32, #tpu.memory_space<vmem>>, vector<16xf32>,
        %parallel_loop3A_594 = tpu.memref_slice %arg5[%parallel_loop3A_579] : memref<1280xf32, #tpu.memory_space<vmem>> -> memref<40xf32, #tpu.memory_space<vmem>>
        %parallel_loop3A_595 = tpu.vector_load_idx %parallel_loop3A_594[%parallel_loop3A_394] : memref<40xf32, #tpu.memory_space<vmem>>[vector<16xi32>], vector<16xf32>,
        %parallel_loop3A_596 = arith.constant 1 : i32
        %parallel_loop3A_597 = arith.index_cast %parallel_loop3A_319 : i32 to index
        %parallel_loop3A_598 = arith.index_cast %parallel_loop3A_596 : i32 to index
        %parallel_loop3A_599 = arith.constant 32 : index
        %parallel_loop3A_600 = tpu.vector_load %arg9[%parallel_loop3A_597, %parallel_loop3A_598, %parallel_loop3A_599] {strides = array<i32>} : memref<32x8x128xf32, #tpu.memory_space<vmem>>, vector<16xf32>,
        tpu.vector_store %arg9[%parallel_loop3A_597, %parallel_loop3A_598, %parallel_loop3A_599], %parallel_loop3A_595 {strides = array<i32>} : memref<32x8x128xf32, #tpu.memory_space<vmem>>, vector<16xf32>,
        %parallel_loop3A_601 = tpu.memref_slice %arg5[%parallel_loop3A_579] : memref<1280xf32, #tpu.memory_space<vmem>> -> memref<40xf32, #tpu.memory_space<vmem>>
        %parallel_loop3A_602 = tpu.vector_load_idx %parallel_loop3A_601[%parallel_loop3A_419] : memref<40xf32, #tpu.memory_space<vmem>>[vector<16xi32>], vector<16xf32>,
        %parallel_loop3A_603 = arith.constant 1 : i32
        %parallel_loop3A_604 = arith.index_cast %parallel_loop3A_319 : i32 to index
        %parallel_loop3A_605 = arith.index_cast %parallel_loop3A_603 : i32 to index
        %parallel_loop3A_606 = arith.constant 48 : index
        %parallel_loop3A_607 = tpu.vector_load %arg9[%parallel_loop3A_604, %parallel_loop3A_605, %parallel_loop3A_606] {strides = array<i32>} : memref<32x8x128xf32, #tpu.memory_space<vmem>>, vector<16xf32>,
        tpu.vector_store %arg9[%parallel_loop3A_604, %parallel_loop3A_605, %parallel_loop3A_606], %parallel_loop3A_602 {strides = array<i32>} : memref<32x8x128xf32, #tpu.memory_space<vmem>>, vector<16xf32>,
        %parallel_loop3A_608 = tpu.memref_slice %arg5[%parallel_loop3A_579] : memref<1280xf32, #tpu.memory_space<vmem>> -> memref<40xf32, #tpu.memory_space<vmem>>
        %parallel_loop3A_609 = tpu.vector_load_idx %parallel_loop3A_608[%parallel_loop3A_444] : memref<40xf32, #tpu.memory_space<vmem>>[vector<16xi32>], vector<16xf32>,
        %parallel_loop3A_610 = arith.constant 1 : i32
        %parallel_loop3A_611 = arith.index_cast %parallel_loop3A_319 : i32 to index
        %parallel_loop3A_612 = arith.index_cast %parallel_loop3A_610 : i32 to index
        %parallel_loop3A_613 = arith.constant 64 : index
        %parallel_loop3A_614 = tpu.vector_load %arg9[%parallel_loop3A_611, %parallel_loop3A_612, %parallel_loop3A_613] {strides = array<i32>} : memref<32x8x128xf32, #tpu.memory_space<vmem>>, vector<16xf32>,
        tpu.vector_store %arg9[%parallel_loop3A_611, %parallel_loop3A_612, %parallel_loop3A_613], %parallel_loop3A_609 {strides = array<i32>} : memref<32x8x128xf32, #tpu.memory_space<vmem>>, vector<16xf32>,
        %parallel_loop3A_615 = tpu.memref_slice %arg5[%parallel_loop3A_579] : memref<1280xf32, #tpu.memory_space<vmem>> -> memref<40xf32, #tpu.memory_space<vmem>>
        %parallel_loop3A_616 = tpu.vector_load_idx %parallel_loop3A_615[%parallel_loop3A_469] : memref<40xf32, #tpu.memory_space<vmem>>[vector<16xi32>], vector<16xf32>,
        %parallel_loop3A_617 = arith.constant 1 : i32
        %parallel_loop3A_618 = arith.index_cast %parallel_loop3A_319 : i32 to index
        %parallel_loop3A_619 = arith.index_cast %parallel_loop3A_617 : i32 to index
        %parallel_loop3A_620 = arith.constant 80 : index
        %parallel_loop3A_621 = tpu.vector_load %arg9[%parallel_loop3A_618, %parallel_loop3A_619, %parallel_loop3A_620] {strides = array<i32>} : memref<32x8x128xf32, #tpu.memory_space<vmem>>, vector<16xf32>,
        tpu.vector_store %arg9[%parallel_loop3A_618, %parallel_loop3A_619, %parallel_loop3A_620], %parallel_loop3A_616 {strides = array<i32>} : memref<32x8x128xf32, #tpu.memory_space<vmem>>, vector<16xf32>,
        %parallel_loop3A_622 = tpu.memref_slice %arg5[%parallel_loop3A_579] : memref<1280xf32, #tpu.memory_space<vmem>> -> memref<40xf32, #tpu.memory_space<vmem>>
        %parallel_loop3A_623 = tpu.vector_load_idx %parallel_loop3A_622[%parallel_loop3A_494] : memref<40xf32, #tpu.memory_space<vmem>>[vector<16xi32>], vector<16xf32>,
        %parallel_loop3A_624 = arith.constant 1 : i32
        %parallel_loop3A_625 = arith.index_cast %parallel_loop3A_319 : i32 to index
        %parallel_loop3A_626 = arith.index_cast %parallel_loop3A_624 : i32 to index
        %parallel_loop3A_627 = arith.constant 96 : index
        %parallel_loop3A_628 = tpu.vector_load %arg9[%parallel_loop3A_625, %parallel_loop3A_626, %parallel_loop3A_627] {strides = array<i32>} : memref<32x8x128xf32, #tpu.memory_space<vmem>>, vector<16xf32>,
        tpu.vector_store %arg9[%parallel_loop3A_625, %parallel_loop3A_626, %parallel_loop3A_627], %parallel_loop3A_623 {strides = array<i32>} : memref<32x8x128xf32, #tpu.memory_space<vmem>>, vector<16xf32>,
        %parallel_loop3A_629 = tpu.memref_slice %arg5[%parallel_loop3A_579] : memref<1280xf32, #tpu.memory_space<vmem>> -> memref<40xf32, #tpu.memory_space<vmem>>
        %parallel_loop3A_630 = tpu.vector_load_idx %parallel_loop3A_629[%parallel_loop3A_519] : memref<40xf32, #tpu.memory_space<vmem>>[vector<16xi32>], vector<16xf32>,
        %parallel_loop3A_631 = arith.constant 1 : i32
        %parallel_loop3A_632 = arith.index_cast %parallel_loop3A_319 : i32 to index
        %parallel_loop3A_633 = arith.index_cast %parallel_loop3A_631 : i32 to index
        %parallel_loop3A_634 = arith.constant 112 : index
        %parallel_loop3A_635 = tpu.vector_load %arg9[%parallel_loop3A_632, %parallel_loop3A_633, %parallel_loop3A_634] {strides = array<i32>} : memref<32x8x128xf32, #tpu.memory_space<vmem>>, vector<16xf32>,
        tpu.vector_store %arg9[%parallel_loop3A_632, %parallel_loop3A_633, %parallel_loop3A_634], %parallel_loop3A_630 {strides = array<i32>} : memref<32x8x128xf32, #tpu.memory_space<vmem>>, vector<16xf32>,
        %parallel_loop3A_636 = arith.constant 80 : i32
        %parallel_loop3A_637 = arith.addi %mul3A_34, %parallel_loop3A_636 : i32
        %parallel_loop3A_638 = tpu.memref_slice %arg5[%parallel_loop3A_637] : memref<1280xf32, #tpu.memory_space<vmem>> -> memref<40xf32, #tpu.memory_space<vmem>>
        %parallel_loop3A_639 = tpu.vector_load_idx %parallel_loop3A_638[%parallel_loop3A_344] : memref<40xf32, #tpu.memory_space<vmem>>[vector<16xi32>], vector<16xf32>,
        %parallel_loop3A_640 = arith.constant 2 : i32
        %parallel_loop3A_641 = arith.index_cast %parallel_loop3A_319 : i32 to index
        %parallel_loop3A_642 = arith.index_cast %parallel_loop3A_640 : i32 to index
        %parallel_loop3A_643 = arith.constant 0 : index
        %parallel_loop3A_644 = tpu.vector_load %arg9[%parallel_loop3A_641, %parallel_loop3A_642, %parallel_loop3A_643] {strides = array<i32>} : memref<32x8x128xf32, #tpu.memory_space<vmem>>, vector<16xf32>,
        tpu.vector_store %arg9[%parallel_loop3A_641, %parallel_loop3A_642, %parallel_loop3A_643], %parallel_loop3A_639 {strides = array<i32>} : memref<32x8x128xf32, #tpu.memory_space<vmem>>, vector<16xf32>,
        %parallel_loop3A_645 = tpu.memref_slice %arg5[%parallel_loop3A_637] : memref<1280xf32, #tpu.memory_space<vmem>> -> memref<40xf32, #tpu.memory_space<vmem>>
        %parallel_loop3A_646 = tpu.vector_load_idx %parallel_loop3A_645[%parallel_loop3A_369] : memref<40xf32, #tpu.memory_space<vmem>>[vector<16xi32>], vector<16xf32>,
        %parallel_loop3A_647 = arith.constant 2 : i32
        %parallel_loop3A_648 = arith.index_cast %parallel_loop3A_319 : i32 to index
        %parallel_loop3A_649 = arith.index_cast %parallel_loop3A_647 : i32 to index
        %parallel_loop3A_650 = arith.constant 16 : index
        %parallel_loop3A_651 = tpu.vector_load %arg9[%parallel_loop3A_648, %parallel_loop3A_649, %parallel_loop3A_650] {strides = array<i32>} : memref<32x8x128xf32, #tpu.memory_space<vmem>>, vector<16xf32>,
        tpu.vector_store %arg9[%parallel_loop3A_648, %parallel_loop3A_649, %parallel_loop3A_650], %parallel_loop3A_646 {strides = array<i32>} : memref<32x8x128xf32, #tpu.memory_space<vmem>>, vector<16xf32>,
        %parallel_loop3A_652 = tpu.memref_slice %arg5[%parallel_loop3A_637] : memref<1280xf32, #tpu.memory_space<vmem>> -> memref<40xf32, #tpu.memory_space<vmem>>
        %parallel_loop3A_653 = tpu.vector_load_idx %parallel_loop3A_652[%parallel_loop3A_394] : memref<40xf32, #tpu.memory_space<vmem>>[vector<16xi32>], vector<16xf32>,
        %parallel_loop3A_654 = arith.constant 2 : i32
        %parallel_loop3A_655 = arith.index_cast %parallel_loop3A_319 : i32 to index
        %parallel_loop3A_656 = arith.index_cast %parallel_loop3A_654 : i32 to index
        %parallel_loop3A_657 = arith.constant 32 : index
        %parallel_loop3A_658 = tpu.vector_load %arg9[%parallel_loop3A_655, %parallel_loop3A_656, %parallel_loop3A_657] {strides = array<i32>} : memref<32x8x128xf32, #tpu.memory_space<vmem>>, vector<16xf32>,
        tpu.vector_store %arg9[%parallel_loop3A_655, %parallel_loop3A_656, %parallel_loop3A_657], %parallel_loop3A_653 {strides = array<i32>} : memref<32x8x128xf32, #tpu.memory_space<vmem>>, vector<16xf32>,
        %parallel_loop3A_659 = tpu.memref_slice %arg5[%parallel_loop3A_637] : memref<1280xf32, #tpu.memory_space<vmem>> -> memref<40xf32, #tpu.memory_space<vmem>>
        %parallel_loop3A_660 = tpu.vector_load_idx %parallel_loop3A_659[%parallel_loop3A_419] : memref<40xf32, #tpu.memory_space<vmem>>[vector<16xi32>], vector<16xf32>,
        %parallel_loop3A_661 = arith.constant 2 : i32
        %parallel_loop3A_662 = arith.index_cast %parallel_loop3A_319 : i32 to index
        %parallel_loop3A_663 = arith.index_cast %parallel_loop3A_661 : i32 to index
        %parallel_loop3A_664 = arith.constant 48 : index
        %parallel_loop3A_665 = tpu.vector_load %arg9[%parallel_loop3A_662, %parallel_loop3A_663, %parallel_loop3A_664] {strides = array<i32>} : memref<32x8x128xf32, #tpu.memory_space<vmem>>, vector<16xf32>,
        tpu.vector_store %arg9[%parallel_loop3A_662, %parallel_loop3A_663, %parallel_loop3A_664], %parallel_loop3A_660 {strides = array<i32>} : memref<32x8x128xf32, #tpu.memory_space<vmem>>, vector<16xf32>,
        %parallel_loop3A_666 = tpu.memref_slice %arg5[%parallel_loop3A_637] : memref<1280xf32, #tpu.memory_space<vmem>> -> memref<40xf32, #tpu.memory_space<vmem>>
        %parallel_loop3A_667 = tpu.vector_load_idx %parallel_loop3A_666[%parallel_loop3A_444] : memref<40xf32, #tpu.memory_space<vmem>>[vector<16xi32>], vector<16xf32>,
        %parallel_loop3A_668 = arith.constant 2 : i32
        %parallel_loop3A_669 = arith.index_cast %parallel_loop3A_319 : i32 to index
        %parallel_loop3A_670 = arith.index_cast %parallel_loop3A_668 : i32 to index
        %parallel_loop3A_671 = arith.constant 64 : index
        %parallel_loop3A_672 = tpu.vector_load %arg9[%parallel_loop3A_669, %parallel_loop3A_670, %parallel_loop3A_671] {strides = array<i32>} : memref<32x8x128xf32, #tpu.memory_space<vmem>>, vector<16xf32>,
        tpu.vector_store %arg9[%parallel_loop3A_669, %parallel_loop3A_670, %parallel_loop3A_671], %parallel_loop3A_667 {strides = array<i32>} : memref<32x8x128xf32, #tpu.memory_space<vmem>>, vector<16xf32>,
        %parallel_loop3A_673 = tpu.memref_slice %arg5[%parallel_loop3A_637] : memref<1280xf32, #tpu.memory_space<vmem>> -> memref<40xf32, #tpu.memory_space<vmem>>
        %parallel_loop3A_674 = tpu.vector_load_idx %parallel_loop3A_673[%parallel_loop3A_469] : memref<40xf32, #tpu.memory_space<vmem>>[vector<16xi32>], vector<16xf32>,
        %parallel_loop3A_675 = arith.constant 2 : i32
        %parallel_loop3A_676 = arith.index_cast %parallel_loop3A_319 : i32 to index
        %parallel_loop3A_677 = arith.index_cast %parallel_loop3A_675 : i32 to index
        %parallel_loop3A_678 = arith.constant 80 : index
        %parallel_loop3A_679 = tpu.vector_load %arg9[%parallel_loop3A_676, %parallel_loop3A_677, %parallel_loop3A_678] {strides = array<i32>} : memref<32x8x128xf32, #tpu.memory_space<vmem>>, vector<16xf32>,
        tpu.vector_store %arg9[%parallel_loop3A_676, %parallel_loop3A_677, %parallel_loop3A_678], %parallel_loop3A_674 {strides = array<i32>} : memref<32x8x128xf32, #tpu.memory_space<vmem>>, vector<16xf32>,
        %parallel_loop3A_680 = tpu.memref_slice %arg5[%parallel_loop3A_637] : memref<1280xf32, #tpu.memory_space<vmem>> -> memref<40xf32, #tpu.memory_space<vmem>>
        %parallel_loop3A_681 = tpu.vector_load_idx %parallel_loop3A_680[%parallel_loop3A_494] : memref<40xf32, #tpu.memory_space<vmem>>[vector<16xi32>], vector<16xf32>,
        %parallel_loop3A_682 = arith.constant 2 : i32
        %parallel_loop3A_683 = arith.index_cast %parallel_loop3A_319 : i32 to index
        %parallel_loop3A_684 = arith.index_cast %parallel_loop3A_682 : i32 to index
        %parallel_loop3A_685 = arith.constant 96 : index
        %parallel_loop3A_686 = tpu.vector_load %arg9[%parallel_loop3A_683, %parallel_loop3A_684, %parallel_loop3A_685] {strides = array<i32>} : memref<32x8x128xf32, #tpu.memory_space<vmem>>, vector<16xf32>,
        tpu.vector_store %arg9[%parallel_loop3A_683, %parallel_loop3A_684, %parallel_loop3A_685], %parallel_loop3A_681 {strides = array<i32>} : memref<32x8x128xf32, #tpu.memory_space<vmem>>, vector<16xf32>,
        %parallel_loop3A_687 = tpu.memref_slice %arg5[%parallel_loop3A_637] : memref<1280xf32, #tpu.memory_space<vmem>> -> memref<40xf32, #tpu.memory_space<vmem>>
        %parallel_loop3A_688 = tpu.vector_load_idx %parallel_loop3A_687[%parallel_loop3A_519] : memref<40xf32, #tpu.memory_space<vmem>>[vector<16xi32>], vector<16xf32>,
        %parallel_loop3A_689 = arith.constant 2 : i32
        %parallel_loop3A_690 = arith.index_cast %parallel_loop3A_319 : i32 to index
        %parallel_loop3A_691 = arith.index_cast %parallel_loop3A_689 : i32 to index
        %parallel_loop3A_692 = arith.constant 112 : index
        %parallel_loop3A_693 = tpu.vector_load %arg9[%parallel_loop3A_690, %parallel_loop3A_691, %parallel_loop3A_692] {strides = array<i32>} : memref<32x8x128xf32, #tpu.memory_space<vmem>>, vector<16xf32>,
        tpu.vector_store %arg9[%parallel_loop3A_690, %parallel_loop3A_691, %parallel_loop3A_692], %parallel_loop3A_688 {strides = array<i32>} : memref<32x8x128xf32, #tpu.memory_space<vmem>>, vector<16xf32>,
        %parallel_loop3A_694 = arith.constant 120 : i32
        %parallel_loop3A_695 = arith.addi %mul3A_34, %parallel_loop3A_694 : i32
        %parallel_loop3A_696 = tpu.memref_slice %arg5[%parallel_loop3A_695] : memref<1280xf32, #tpu.memory_space<vmem>> -> memref<40xf32, #tpu.memory_space<vmem>>
        %parallel_loop3A_697 = tpu.vector_load_idx %parallel_loop3A_696[%parallel_loop3A_344] : memref<40xf32, #tpu.memory_space<vmem>>[vector<16xi32>], vector<16xf32>,
        %parallel_loop3A_698 = arith.constant 3 : i32
        %parallel_loop3A_699 = arith.index_cast %parallel_loop3A_319 : i32 to index
        %parallel_loop3A_700 = arith.index_cast %parallel_loop3A_698 : i32 to index
        %parallel_loop3A_701 = arith.constant 0 : index
        %parallel_loop3A_702 = tpu.vector_load %arg9[%parallel_loop3A_699, %parallel_loop3A_700, %parallel_loop3A_701] {strides = array<i32>} : memref<32x8x128xf32, #tpu.memory_space<vmem>>, vector<16xf32>,
        tpu.vector_store %arg9[%parallel_loop3A_699, %parallel_loop3A_700, %parallel_loop3A_701], %parallel_loop3A_697 {strides = array<i32>} : memref<32x8x128xf32, #tpu.memory_space<vmem>>, vector<16xf32>,
        %parallel_loop3A_703 = tpu.memref_slice %arg5[%parallel_loop3A_695] : memref<1280xf32, #tpu.memory_space<vmem>> -> memref<40xf32, #tpu.memory_space<vmem>>
        %parallel_loop3A_704 = tpu.vector_load_idx %parallel_loop3A_703[%parallel_loop3A_369] : memref<40xf32, #tpu.memory_space<vmem>>[vector<16xi32>], vector<16xf32>,
        %parallel_loop3A_705 = arith.constant 3 : i32
        %parallel_loop3A_706 = arith.index_cast %parallel_loop3A_319 : i32 to index
        %parallel_loop3A_707 = arith.index_cast %parallel_loop3A_705 : i32 to index
        %parallel_loop3A_708 = arith.constant 16 : index
        %parallel_loop3A_709 = tpu.vector_load %arg9[%parallel_loop3A_706, %parallel_loop3A_707, %parallel_loop3A_708] {strides = array<i32>} : memref<32x8x128xf32, #tpu.memory_space<vmem>>, vector<16xf32>,
        tpu.vector_store %arg9[%parallel_loop3A_706, %parallel_loop3A_707, %parallel_loop3A_708], %parallel_loop3A_704 {strides = array<i32>} : memref<32x8x128xf32, #tpu.memory_space<vmem>>, vector<16xf32>,
        %parallel_loop3A_710 = tpu.memref_slice %arg5[%parallel_loop3A_695] : memref<1280xf32, #tpu.memory_space<vmem>> -> memref<40xf32, #tpu.memory_space<vmem>>
        %parallel_loop3A_711 = tpu.vector_load_idx %parallel_loop3A_710[%parallel_loop3A_394] : memref<40xf32, #tpu.memory_space<vmem>>[vector<16xi32>], vector<16xf32>,
        %parallel_loop3A_712 = arith.constant 3 : i32
        %parallel_loop3A_713 = arith.index_cast %parallel_loop3A_319 : i32 to index
        %parallel_loop3A_714 = arith.index_cast %parallel_loop3A_712 : i32 to index
        %parallel_loop3A_715 = arith.constant 32 : index
        %parallel_loop3A_716 = tpu.vector_load %arg9[%parallel_loop3A_713, %parallel_loop3A_714, %parallel_loop3A_715] {strides = array<i32>} : memref<32x8x128xf32, #tpu.memory_space<vmem>>, vector<16xf32>,
        tpu.vector_store %arg9[%parallel_loop3A_713, %parallel_loop3A_714, %parallel_loop3A_715], %parallel_loop3A_711 {strides = array<i32>} : memref<32x8x128xf32, #tpu.memory_space<vmem>>, vector<16xf32>,
        %parallel_loop3A_717 = tpu.memref_slice %arg5[%parallel_loop3A_695] : memref<1280xf32, #tpu.memory_space<vmem>> -> memref<40xf32, #tpu.memory_space<vmem>>
        %parallel_loop3A_718 = tpu.vector_load_idx %parallel_loop3A_717[%parallel_loop3A_419] : memref<40xf32, #tpu.memory_space<vmem>>[vector<16xi32>], vector<16xf32>,
        %parallel_loop3A_719 = arith.constant 3 : i32
        %parallel_loop3A_720 = arith.index_cast %parallel_loop3A_319 : i32 to index
        %parallel_loop3A_721 = arith.index_cast %parallel_loop3A_719 : i32 to index
        %parallel_loop3A_722 = arith.constant 48 : index
        %parallel_loop3A_723 = tpu.vector_load %arg9[%parallel_loop3A_720, %parallel_loop3A_721, %parallel_loop3A_722] {strides = array<i32>} : memref<32x8x128xf32, #tpu.memory_space<vmem>>, vector<16xf32>,
        tpu.vector_store %arg9[%parallel_loop3A_720, %parallel_loop3A_721, %parallel_loop3A_722], %parallel_loop3A_718 {strides = array<i32>} : memref<32x8x128xf32, #tpu.memory_space<vmem>>, vector<16xf32>,
        %parallel_loop3A_724 = tpu.memref_slice %arg5[%parallel_loop3A_695] : memref<1280xf32, #tpu.memory_space<vmem>> -> memref<40xf32, #tpu.memory_space<vmem>>
        %parallel_loop3A_725 = tpu.vector_load_idx %parallel_loop3A_724[%parallel_loop3A_444] : memref<40xf32, #tpu.memory_space<vmem>>[vector<16xi32>], vector<16xf32>,
        %parallel_loop3A_726 = arith.constant 3 : i32
        %parallel_loop3A_727 = arith.index_cast %parallel_loop3A_319 : i32 to index
        %parallel_loop3A_728 = arith.index_cast %parallel_loop3A_726 : i32 to index
        %parallel_loop3A_729 = arith.constant 64 : index
        %parallel_loop3A_730 = tpu.vector_load %arg9[%parallel_loop3A_727, %parallel_loop3A_728, %parallel_loop3A_729] {strides = array<i32>} : memref<32x8x128xf32, #tpu.memory_space<vmem>>, vector<16xf32>,
        tpu.vector_store %arg9[%parallel_loop3A_727, %parallel_loop3A_728, %parallel_loop3A_729], %parallel_loop3A_725 {strides = array<i32>} : memref<32x8x128xf32, #tpu.memory_space<vmem>>, vector<16xf32>,
        %parallel_loop3A_731 = tpu.memref_slice %arg5[%parallel_loop3A_695] : memref<1280xf32, #tpu.memory_space<vmem>> -> memref<40xf32, #tpu.memory_space<vmem>>
        %parallel_loop3A_732 = tpu.vector_load_idx %parallel_loop3A_731[%parallel_loop3A_469] : memref<40xf32, #tpu.memory_space<vmem>>[vector<16xi32>], vector<16xf32>,
        %parallel_loop3A_733 = arith.constant 3 : i32
        %parallel_loop3A_734 = arith.index_cast %parallel_loop3A_319 : i32 to index
        %parallel_loop3A_735 = arith.index_cast %parallel_loop3A_733 : i32 to index
        %parallel_loop3A_736 = arith.constant 80 : index
        %parallel_loop3A_737 = tpu.vector_load %arg9[%parallel_loop3A_734, %parallel_loop3A_735, %parallel_loop3A_736] {strides = array<i32>} : memref<32x8x128xf32, #tpu.memory_space<vmem>>, vector<16xf32>,
        tpu.vector_store %arg9[%parallel_loop3A_734, %parallel_loop3A_735, %parallel_loop3A_736], %parallel_loop3A_732 {strides = array<i32>} : memref<32x8x128xf32, #tpu.memory_space<vmem>>, vector<16xf32>,
        %parallel_loop3A_738 = tpu.memref_slice %arg5[%parallel_loop3A_695] : memref<1280xf32, #tpu.memory_space<vmem>> -> memref<40xf32, #tpu.memory_space<vmem>>
        %parallel_loop3A_739 = tpu.vector_load_idx %parallel_loop3A_738[%parallel_loop3A_494] : memref<40xf32, #tpu.memory_space<vmem>>[vector<16xi32>], vector<16xf32>,
        %parallel_loop3A_740 = arith.constant 3 : i32
        %parallel_loop3A_741 = arith.index_cast %parallel_loop3A_319 : i32 to index
        %parallel_loop3A_742 = arith.index_cast %parallel_loop3A_740 : i32 to index
        %parallel_loop3A_743 = arith.constant 96 : index
        %parallel_loop3A_744 = tpu.vector_load %arg9[%parallel_loop3A_741, %parallel_loop3A_742, %parallel_loop3A_743] {strides = array<i32>} : memref<32x8x128xf32, #tpu.memory_space<vmem>>, vector<16xf32>,
        tpu.vector_store %arg9[%parallel_loop3A_741, %parallel_loop3A_742, %parallel_loop3A_743], %parallel_loop3A_739 {strides = array<i32>} : memref<32x8x128xf32, #tpu.memory_space<vmem>>, vector<16xf32>,
        %parallel_loop3A_745 = tpu.memref_slice %arg5[%parallel_loop3A_695] : memref<1280xf32, #tpu.memory_space<vmem>> -> memref<40xf32, #tpu.memory_space<vmem>>
        %parallel_loop3A_746 = tpu.vector_load_idx %parallel_loop3A_745[%parallel_loop3A_519] : memref<40xf32, #tpu.memory_space<vmem>>[vector<16xi32>], vector<16xf32>,
        %parallel_loop3A_747 = arith.constant 3 : i32
        %parallel_loop3A_748 = arith.index_cast %parallel_loop3A_319 : i32 to index
        %parallel_loop3A_749 = arith.index_cast %parallel_loop3A_747 : i32 to index
        %parallel_loop3A_750 = arith.constant 112 : index
        %parallel_loop3A_751 = tpu.vector_load %arg9[%parallel_loop3A_748, %parallel_loop3A_749, %parallel_loop3A_750] {strides = array<i32>} : memref<32x8x128xf32, #tpu.memory_space<vmem>>, vector<16xf32>,
        tpu.vector_store %arg9[%parallel_loop3A_748, %parallel_loop3A_749, %parallel_loop3A_750], %parallel_loop3A_746 {strides = array<i32>} : memref<32x8x128xf32, #tpu.memory_space<vmem>>, vector<16xf32>,
        %parallel_loop3A_752 = arith.constant 160 : i32
        %parallel_loop3A_753 = arith.addi %mul3A_34, %parallel_loop3A_752 : i32
        %parallel_loop3A_754 = tpu.memref_slice %arg5[%parallel_loop3A_753] : memref<1280xf32, #tpu.memory_space<vmem>> -> memref<40xf32, #tpu.memory_space<vmem>>
        %parallel_loop3A_755 = tpu.vector_load_idx %parallel_loop3A_754[%parallel_loop3A_344] : memref<40xf32, #tpu.memory_space<vmem>>[vector<16xi32>], vector<16xf32>,
        %parallel_loop3A_756 = arith.constant 4 : i32
        %parallel_loop3A_757 = arith.index_cast %parallel_loop3A_319 : i32 to index
        %parallel_loop3A_758 = arith.index_cast %parallel_loop3A_756 : i32 to index
        %parallel_loop3A_759 = arith.constant 0 : index
        %parallel_loop3A_760 = tpu.vector_load %arg9[%parallel_loop3A_757, %parallel_loop3A_758, %parallel_loop3A_759] {strides = array<i32>} : memref<32x8x128xf32, #tpu.memory_space<vmem>>, vector<16xf32>,
        tpu.vector_store %arg9[%parallel_loop3A_757, %parallel_loop3A_758, %parallel_loop3A_759], %parallel_loop3A_755 {strides = array<i32>} : memref<32x8x128xf32, #tpu.memory_space<vmem>>, vector<16xf32>,
        %parallel_loop3A_761 = tpu.memref_slice %arg5[%parallel_loop3A_753] : memref<1280xf32, #tpu.memory_space<vmem>> -> memref<40xf32, #tpu.memory_space<vmem>>
        %parallel_loop3A_762 = tpu.vector_load_idx %parallel_loop3A_761[%parallel_loop3A_369] : memref<40xf32, #tpu.memory_space<vmem>>[vector<16xi32>], vector<16xf32>,
        %parallel_loop3A_763 = arith.constant 4 : i32
        %parallel_loop3A_764 = arith.index_cast %parallel_loop3A_319 : i32 to index
        %parallel_loop3A_765 = arith.index_cast %parallel_loop3A_763 : i32 to index
        %parallel_loop3A_766 = arith.constant 16 : index
        %parallel_loop3A_767 = tpu.vector_load %arg9[%parallel_loop3A_764, %parallel_loop3A_765, %parallel_loop3A_766] {strides = array<i32>} : memref<32x8x128xf32, #tpu.memory_space<vmem>>, vector<16xf32>,
        tpu.vector_store %arg9[%parallel_loop3A_764, %parallel_loop3A_765, %parallel_loop3A_766], %parallel_loop3A_762 {strides = array<i32>} : memref<32x8x128xf32, #tpu.memory_space<vmem>>, vector<16xf32>,
        %parallel_loop3A_768 = tpu.memref_slice %arg5[%parallel_loop3A_753] : memref<1280xf32, #tpu.memory_space<vmem>> -> memref<40xf32, #tpu.memory_space<vmem>>
        %parallel_loop3A_769 = tpu.vector_load_idx %parallel_loop3A_768[%parallel_loop3A_394] : memref<40xf32, #tpu.memory_space<vmem>>[vector<16xi32>], vector<16xf32>,
        %parallel_loop3A_770 = arith.constant 4 : i32
        %parallel_loop3A_771 = arith.index_cast %parallel_loop3A_319 : i32 to index
        %parallel_loop3A_772 = arith.index_cast %parallel_loop3A_770 : i32 to index
        %parallel_loop3A_773 = arith.constant 32 : index
        %parallel_loop3A_774 = tpu.vector_load %arg9[%parallel_loop3A_771, %parallel_loop3A_772, %parallel_loop3A_773] {strides = array<i32>} : memref<32x8x128xf32, #tpu.memory_space<vmem>>, vector<16xf32>,
        tpu.vector_store %arg9[%parallel_loop3A_771, %parallel_loop3A_772, %parallel_loop3A_773], %parallel_loop3A_769 {strides = array<i32>} : memref<32x8x128xf32, #tpu.memory_space<vmem>>, vector<16xf32>,
        %parallel_loop3A_775 = tpu.memref_slice %arg5[%parallel_loop3A_753] : memref<1280xf32, #tpu.memory_space<vmem>> -> memref<40xf32, #tpu.memory_space<vmem>>
        %parallel_loop3A_776 = tpu.vector_load_idx %parallel_loop3A_775[%parallel_loop3A_419] : memref<40xf32, #tpu.memory_space<vmem>>[vector<16xi32>], vector<16xf32>,
        %parallel_loop3A_777 = arith.constant 4 : i32
        %parallel_loop3A_778 = arith.index_cast %parallel_loop3A_319 : i32 to index
        %parallel_loop3A_779 = arith.index_cast %parallel_loop3A_777 : i32 to index
        %parallel_loop3A_780 = arith.constant 48 : index
        %parallel_loop3A_781 = tpu.vector_load %arg9[%parallel_loop3A_778, %parallel_loop3A_779, %parallel_loop3A_780] {strides = array<i32>} : memref<32x8x128xf32, #tpu.memory_space<vmem>>, vector<16xf32>,
        tpu.vector_store %arg9[%parallel_loop3A_778, %parallel_loop3A_779, %parallel_loop3A_780], %parallel_loop3A_776 {strides = array<i32>} : memref<32x8x128xf32, #tpu.memory_space<vmem>>, vector<16xf32>,
        %parallel_loop3A_782 = tpu.memref_slice %arg5[%parallel_loop3A_753] : memref<1280xf32, #tpu.memory_space<vmem>> -> memref<40xf32, #tpu.memory_space<vmem>>
        %parallel_loop3A_783 = tpu.vector_load_idx %parallel_loop3A_782[%parallel_loop3A_444] : memref<40xf32, #tpu.memory_space<vmem>>[vector<16xi32>], vector<16xf32>,
        %parallel_loop3A_784 = arith.constant 4 : i32
        %parallel_loop3A_785 = arith.index_cast %parallel_loop3A_319 : i32 to index
        %parallel_loop3A_786 = arith.index_cast %parallel_loop3A_784 : i32 to index
        %parallel_loop3A_787 = arith.constant 64 : index
        %parallel_loop3A_788 = tpu.vector_load %arg9[%parallel_loop3A_785, %parallel_loop3A_786, %parallel_loop3A_787] {strides = array<i32>} : memref<32x8x128xf32, #tpu.memory_space<vmem>>, vector<16xf32>,
        tpu.vector_store %arg9[%parallel_loop3A_785, %parallel_loop3A_786, %parallel_loop3A_787], %parallel_loop3A_783 {strides = array<i32>} : memref<32x8x128xf32, #tpu.memory_space<vmem>>, vector<16xf32>,
        %parallel_loop3A_789 = tpu.memref_slice %arg5[%parallel_loop3A_753] : memref<1280xf32, #tpu.memory_space<vmem>> -> memref<40xf32, #tpu.memory_space<vmem>>
        %parallel_loop3A_790 = tpu.vector_load_idx %parallel_loop3A_789[%parallel_loop3A_469] : memref<40xf32, #tpu.memory_space<vmem>>[vector<16xi32>], vector<16xf32>,
        %parallel_loop3A_791 = arith.constant 4 : i32
        %parallel_loop3A_792 = arith.index_cast %parallel_loop3A_319 : i32 to index
        %parallel_loop3A_793 = arith.index_cast %parallel_loop3A_791 : i32 to index
        %parallel_loop3A_794 = arith.constant 80 : index
        %parallel_loop3A_795 = tpu.vector_load %arg9[%parallel_loop3A_792, %parallel_loop3A_793, %parallel_loop3A_794] {strides = array<i32>} : memref<32x8x128xf32, #tpu.memory_space<vmem>>, vector<16xf32>,
        tpu.vector_store %arg9[%parallel_loop3A_792, %parallel_loop3A_793, %parallel_loop3A_794], %parallel_loop3A_790 {strides = array<i32>} : memref<32x8x128xf32, #tpu.memory_space<vmem>>, vector<16xf32>,
        %parallel_loop3A_796 = tpu.memref_slice %arg5[%parallel_loop3A_753] : memref<1280xf32, #tpu.memory_space<vmem>> -> memref<40xf32, #tpu.memory_space<vmem>>
        %parallel_loop3A_797 = tpu.vector_load_idx %parallel_loop3A_796[%parallel_loop3A_494] : memref<40xf32, #tpu.memory_space<vmem>>[vector<16xi32>], vector<16xf32>,
        %parallel_loop3A_798 = arith.constant 4 : i32
        %parallel_loop3A_799 = arith.index_cast %parallel_loop3A_319 : i32 to index
        %parallel_loop3A_800 = arith.index_cast %parallel_loop3A_798 : i32 to index
        %parallel_loop3A_801 = arith.constant 96 : index
        %parallel_loop3A_802 = tpu.vector_load %arg9[%parallel_loop3A_799, %parallel_loop3A_800, %parallel_loop3A_801] {strides = array<i32>} : memref<32x8x128xf32, #tpu.memory_space<vmem>>, vector<16xf32>,
        tpu.vector_store %arg9[%parallel_loop3A_799, %parallel_loop3A_800, %parallel_loop3A_801], %parallel_loop3A_797 {strides = array<i32>} : memref<32x8x128xf32, #tpu.memory_space<vmem>>, vector<16xf32>,
        %parallel_loop3A_803 = tpu.memref_slice %arg5[%parallel_loop3A_753] : memref<1280xf32, #tpu.memory_space<vmem>> -> memref<40xf32, #tpu.memory_space<vmem>>
        %parallel_loop3A_804 = tpu.vector_load_idx %parallel_loop3A_803[%parallel_loop3A_519] : memref<40xf32, #tpu.memory_space<vmem>>[vector<16xi32>], vector<16xf32>,
        %parallel_loop3A_805 = arith.constant 4 : i32
        %parallel_loop3A_806 = arith.index_cast %parallel_loop3A_319 : i32 to index
        %parallel_loop3A_807 = arith.index_cast %parallel_loop3A_805 : i32 to index
        %parallel_loop3A_808 = arith.constant 112 : index
        %parallel_loop3A_809 = tpu.vector_load %arg9[%parallel_loop3A_806, %parallel_loop3A_807, %parallel_loop3A_808] {strides = array<i32>} : memref<32x8x128xf32, #tpu.memory_space<vmem>>, vector<16xf32>,
        tpu.vector_store %arg9[%parallel_loop3A_806, %parallel_loop3A_807, %parallel_loop3A_808], %parallel_loop3A_804 {strides = array<i32>} : memref<32x8x128xf32, #tpu.memory_space<vmem>>, vector<16xf32>,
        %parallel_loop3A_810 = arith.constant 200 : i32
        %parallel_loop3A_811 = arith.addi %mul3A_34, %parallel_loop3A_810 : i32
        %parallel_loop3A_812 = tpu.memref_slice %arg5[%parallel_loop3A_811] : memref<1280xf32, #tpu.memory_space<vmem>> -> memref<40xf32, #tpu.memory_space<vmem>>
        %parallel_loop3A_813 = tpu.vector_load_idx %parallel_loop3A_812[%parallel_loop3A_344] : memref<40xf32, #tpu.memory_space<vmem>>[vector<16xi32>], vector<16xf32>,
        %parallel_loop3A_814 = arith.constant 5 : i32
        %parallel_loop3A_815 = arith.index_cast %parallel_loop3A_319 : i32 to index
        %parallel_loop3A_816 = arith.index_cast %parallel_loop3A_814 : i32 to index
        %parallel_loop3A_817 = arith.constant 0 : index
        %parallel_loop3A_818 = tpu.vector_load %arg9[%parallel_loop3A_815, %parallel_loop3A_816, %parallel_loop3A_817] {strides = array<i32>} : memref<32x8x128xf32, #tpu.memory_space<vmem>>, vector<16xf32>,
        tpu.vector_store %arg9[%parallel_loop3A_815, %parallel_loop3A_816, %parallel_loop3A_817], %parallel_loop3A_813 {strides = array<i32>} : memref<32x8x128xf32, #tpu.memory_space<vmem>>, vector<16xf32>,
        %parallel_loop3A_819 = tpu.memref_slice %arg5[%parallel_loop3A_811] : memref<1280xf32, #tpu.memory_space<vmem>> -> memref<40xf32, #tpu.memory_space<vmem>>
        %parallel_loop3A_820 = tpu.vector_load_idx %parallel_loop3A_819[%parallel_loop3A_369] : memref<40xf32, #tpu.memory_space<vmem>>[vector<16xi32>], vector<16xf32>,
        %parallel_loop3A_821 = arith.constant 5 : i32
        %parallel_loop3A_822 = arith.index_cast %parallel_loop3A_319 : i32 to index
        %parallel_loop3A_823 = arith.index_cast %parallel_loop3A_821 : i32 to index
        %parallel_loop3A_824 = arith.constant 16 : index
        %parallel_loop3A_825 = tpu.vector_load %arg9[%parallel_loop3A_822, %parallel_loop3A_823, %parallel_loop3A_824] {strides = array<i32>} : memref<32x8x128xf32, #tpu.memory_space<vmem>>, vector<16xf32>,
        tpu.vector_store %arg9[%parallel_loop3A_822, %parallel_loop3A_823, %parallel_loop3A_824], %parallel_loop3A_820 {strides = array<i32>} : memref<32x8x128xf32, #tpu.memory_space<vmem>>, vector<16xf32>,
        %parallel_loop3A_826 = tpu.memref_slice %arg5[%parallel_loop3A_811] : memref<1280xf32, #tpu.memory_space<vmem>> -> memref<40xf32, #tpu.memory_space<vmem>>
        %parallel_loop3A_827 = tpu.vector_load_idx %parallel_loop3A_826[%parallel_loop3A_394] : memref<40xf32, #tpu.memory_space<vmem>>[vector<16xi32>], vector<16xf32>,
        %parallel_loop3A_828 = arith.constant 5 : i32
        %parallel_loop3A_829 = arith.index_cast %parallel_loop3A_319 : i32 to index
        %parallel_loop3A_830 = arith.index_cast %parallel_loop3A_828 : i32 to index
        %parallel_loop3A_831 = arith.constant 32 : index
        %parallel_loop3A_832 = tpu.vector_load %arg9[%parallel_loop3A_829, %parallel_loop3A_830, %parallel_loop3A_831] {strides = array<i32>} : memref<32x8x128xf32, #tpu.memory_space<vmem>>, vector<16xf32>,
        tpu.vector_store %arg9[%parallel_loop3A_829, %parallel_loop3A_830, %parallel_loop3A_831], %parallel_loop3A_827 {strides = array<i32>} : memref<32x8x128xf32, #tpu.memory_space<vmem>>, vector<16xf32>,
        %parallel_loop3A_833 = tpu.memref_slice %arg5[%parallel_loop3A_811] : memref<1280xf32, #tpu.memory_space<vmem>> -> memref<40xf32, #tpu.memory_space<vmem>>
        %parallel_loop3A_834 = tpu.vector_load_idx %parallel_loop3A_833[%parallel_loop3A_419] : memref<40xf32, #tpu.memory_space<vmem>>[vector<16xi32>], vector<16xf32>,
        %parallel_loop3A_835 = arith.constant 5 : i32
        %parallel_loop3A_836 = arith.index_cast %parallel_loop3A_319 : i32 to index
        %parallel_loop3A_837 = arith.index_cast %parallel_loop3A_835 : i32 to index
        %parallel_loop3A_838 = arith.constant 48 : index
        %parallel_loop3A_839 = tpu.vector_load %arg9[%parallel_loop3A_836, %parallel_loop3A_837, %parallel_loop3A_838] {strides = array<i32>} : memref<32x8x128xf32, #tpu.memory_space<vmem>>, vector<16xf32>,
        tpu.vector_store %arg9[%parallel_loop3A_836, %parallel_loop3A_837, %parallel_loop3A_838], %parallel_loop3A_834 {strides = array<i32>} : memref<32x8x128xf32, #tpu.memory_space<vmem>>, vector<16xf32>,
        %parallel_loop3A_840 = tpu.memref_slice %arg5[%parallel_loop3A_811] : memref<1280xf32, #tpu.memory_space<vmem>> -> memref<40xf32, #tpu.memory_space<vmem>>
        %parallel_loop3A_841 = tpu.vector_load_idx %parallel_loop3A_840[%parallel_loop3A_444] : memref<40xf32, #tpu.memory_space<vmem>>[vector<16xi32>], vector<16xf32>,
        %parallel_loop3A_842 = arith.constant 5 : i32
        %parallel_loop3A_843 = arith.index_cast %parallel_loop3A_319 : i32 to index
        %parallel_loop3A_844 = arith.index_cast %parallel_loop3A_842 : i32 to index
        %parallel_loop3A_845 = arith.constant 64 : index
        %parallel_loop3A_846 = tpu.vector_load %arg9[%parallel_loop3A_843, %parallel_loop3A_844, %parallel_loop3A_845] {strides = array<i32>} : memref<32x8x128xf32, #tpu.memory_space<vmem>>, vector<16xf32>,
        tpu.vector_store %arg9[%parallel_loop3A_843, %parallel_loop3A_844, %parallel_loop3A_845], %parallel_loop3A_841 {strides = array<i32>} : memref<32x8x128xf32, #tpu.memory_space<vmem>>, vector<16xf32>,
        %parallel_loop3A_847 = tpu.memref_slice %arg5[%parallel_loop3A_811] : memref<1280xf32, #tpu.memory_space<vmem>> -> memref<40xf32, #tpu.memory_space<vmem>>
        %parallel_loop3A_848 = tpu.vector_load_idx %parallel_loop3A_847[%parallel_loop3A_469] : memref<40xf32, #tpu.memory_space<vmem>>[vector<16xi32>], vector<16xf32>,
        %parallel_loop3A_849 = arith.constant 5 : i32
        %parallel_loop3A_850 = arith.index_cast %parallel_loop3A_319 : i32 to index
        %parallel_loop3A_851 = arith.index_cast %parallel_loop3A_849 : i32 to index
        %parallel_loop3A_852 = arith.constant 80 : index
        %parallel_loop3A_853 = tpu.vector_load %arg9[%parallel_loop3A_850, %parallel_loop3A_851, %parallel_loop3A_852] {strides = array<i32>} : memref<32x8x128xf32, #tpu.memory_space<vmem>>, vector<16xf32>,
        tpu.vector_store %arg9[%parallel_loop3A_850, %parallel_loop3A_851, %parallel_loop3A_852], %parallel_loop3A_848 {strides = array<i32>} : memref<32x8x128xf32, #tpu.memory_space<vmem>>, vector<16xf32>,
        %parallel_loop3A_854 = tpu.memref_slice %arg5[%parallel_loop3A_811] : memref<1280xf32, #tpu.memory_space<vmem>> -> memref<40xf32, #tpu.memory_space<vmem>>
        %parallel_loop3A_855 = tpu.vector_load_idx %parallel_loop3A_854[%parallel_loop3A_494] : memref<40xf32, #tpu.memory_space<vmem>>[vector<16xi32>], vector<16xf32>,
        %parallel_loop3A_856 = arith.constant 5 : i32
        %parallel_loop3A_857 = arith.index_cast %parallel_loop3A_319 : i32 to index
        %parallel_loop3A_858 = arith.index_cast %parallel_loop3A_856 : i32 to index
        %parallel_loop3A_859 = arith.constant 96 : index
        %parallel_loop3A_860 = tpu.vector_load %arg9[%parallel_loop3A_857, %parallel_loop3A_858, %parallel_loop3A_859] {strides = array<i32>} : memref<32x8x128xf32, #tpu.memory_space<vmem>>, vector<16xf32>,
        tpu.vector_store %arg9[%parallel_loop3A_857, %parallel_loop3A_858, %parallel_loop3A_859], %parallel_loop3A_855 {strides = array<i32>} : memref<32x8x128xf32, #tpu.memory_space<vmem>>, vector<16xf32>,
        %parallel_loop3A_861 = tpu.memref_slice %arg5[%parallel_loop3A_811] : memref<1280xf32, #tpu.memory_space<vmem>> -> memref<40xf32, #tpu.memory_space<vmem>>
        %parallel_loop3A_862 = tpu.vector_load_idx %parallel_loop3A_861[%parallel_loop3A_519] : memref<40xf32, #tpu.memory_space<vmem>>[vector<16xi32>], vector<16xf32>,
        %parallel_loop3A_863 = arith.constant 5 : i32
        %parallel_loop3A_864 = arith.index_cast %parallel_loop3A_319 : i32 to index
        %parallel_loop3A_865 = arith.index_cast %parallel_loop3A_863 : i32 to index
        %parallel_loop3A_866 = arith.constant 112 : index
        %parallel_loop3A_867 = tpu.vector_load %arg9[%parallel_loop3A_864, %parallel_loop3A_865, %parallel_loop3A_866] {strides = array<i32>} : memref<32x8x128xf32, #tpu.memory_space<vmem>>, vector<16xf32>,
        tpu.vector_store %arg9[%parallel_loop3A_864, %parallel_loop3A_865, %parallel_loop3A_866], %parallel_loop3A_862 {strides = array<i32>} : memref<32x8x128xf32, #tpu.memory_space<vmem>>, vector<16xf32>,
        %parallel_loop3A_868 = arith.constant 240 : i32
        %parallel_loop3A_869 = arith.addi %mul3A_34, %parallel_loop3A_868 : i32
        %parallel_loop3A_870 = tpu.memref_slice %arg5[%parallel_loop3A_869] : memref<1280xf32, #tpu.memory_space<vmem>> -> memref<40xf32, #tpu.memory_space<vmem>>
        %parallel_loop3A_871 = tpu.vector_load_idx %parallel_loop3A_870[%parallel_loop3A_344] : memref<40xf32, #tpu.memory_space<vmem>>[vector<16xi32>], vector<16xf32>,
        %parallel_loop3A_872 = arith.constant 6 : i32
        %parallel_loop3A_873 = arith.index_cast %parallel_loop3A_319 : i32 to index
        %parallel_loop3A_874 = arith.index_cast %parallel_loop3A_872 : i32 to index
        %parallel_loop3A_875 = arith.constant 0 : index
        %parallel_loop3A_876 = tpu.vector_load %arg9[%parallel_loop3A_873, %parallel_loop3A_874, %parallel_loop3A_875] {strides = array<i32>} : memref<32x8x128xf32, #tpu.memory_space<vmem>>, vector<16xf32>,
        tpu.vector_store %arg9[%parallel_loop3A_873, %parallel_loop3A_874, %parallel_loop3A_875], %parallel_loop3A_871 {strides = array<i32>} : memref<32x8x128xf32, #tpu.memory_space<vmem>>, vector<16xf32>,
        %parallel_loop3A_877 = tpu.memref_slice %arg5[%parallel_loop3A_869] : memref<1280xf32, #tpu.memory_space<vmem>> -> memref<40xf32, #tpu.memory_space<vmem>>
        %parallel_loop3A_878 = tpu.vector_load_idx %parallel_loop3A_877[%parallel_loop3A_369] : memref<40xf32, #tpu.memory_space<vmem>>[vector<16xi32>], vector<16xf32>,
        %parallel_loop3A_879 = arith.constant 6 : i32
        %parallel_loop3A_880 = arith.index_cast %parallel_loop3A_319 : i32 to index
        %parallel_loop3A_881 = arith.index_cast %parallel_loop3A_879 : i32 to index
        %parallel_loop3A_882 = arith.constant 16 : index
        %parallel_loop3A_883 = tpu.vector_load %arg9[%parallel_loop3A_880, %parallel_loop3A_881, %parallel_loop3A_882] {strides = array<i32>} : memref<32x8x128xf32, #tpu.memory_space<vmem>>, vector<16xf32>,
        tpu.vector_store %arg9[%parallel_loop3A_880, %parallel_loop3A_881, %parallel_loop3A_882], %parallel_loop3A_878 {strides = array<i32>} : memref<32x8x128xf32, #tpu.memory_space<vmem>>, vector<16xf32>,
        %parallel_loop3A_884 = tpu.memref_slice %arg5[%parallel_loop3A_869] : memref<1280xf32, #tpu.memory_space<vmem>> -> memref<40xf32, #tpu.memory_space<vmem>>
        %parallel_loop3A_885 = tpu.vector_load_idx %parallel_loop3A_884[%parallel_loop3A_394] : memref<40xf32, #tpu.memory_space<vmem>>[vector<16xi32>], vector<16xf32>,
        %parallel_loop3A_886 = arith.constant 6 : i32
        %parallel_loop3A_887 = arith.index_cast %parallel_loop3A_319 : i32 to index
        %parallel_loop3A_888 = arith.index_cast %parallel_loop3A_886 : i32 to index
        %parallel_loop3A_889 = arith.constant 32 : index
        %parallel_loop3A_890 = tpu.vector_load %arg9[%parallel_loop3A_887, %parallel_loop3A_888, %parallel_loop3A_889] {strides = array<i32>} : memref<32x8x128xf32, #tpu.memory_space<vmem>>, vector<16xf32>,
        tpu.vector_store %arg9[%parallel_loop3A_887, %parallel_loop3A_888, %parallel_loop3A_889], %parallel_loop3A_885 {strides = array<i32>} : memref<32x8x128xf32, #tpu.memory_space<vmem>>, vector<16xf32>,
        %parallel_loop3A_891 = tpu.memref_slice %arg5[%parallel_loop3A_869] : memref<1280xf32, #tpu.memory_space<vmem>> -> memref<40xf32, #tpu.memory_space<vmem>>
        %parallel_loop3A_892 = tpu.vector_load_idx %parallel_loop3A_891[%parallel_loop3A_419] : memref<40xf32, #tpu.memory_space<vmem>>[vector<16xi32>], vector<16xf32>,
        %parallel_loop3A_893 = arith.constant 6 : i32
        %parallel_loop3A_894 = arith.index_cast %parallel_loop3A_319 : i32 to index
        %parallel_loop3A_895 = arith.index_cast %parallel_loop3A_893 : i32 to index
        %parallel_loop3A_896 = arith.constant 48 : index
        %parallel_loop3A_897 = tpu.vector_load %arg9[%parallel_loop3A_894, %parallel_loop3A_895, %parallel_loop3A_896] {strides = array<i32>} : memref<32x8x128xf32, #tpu.memory_space<vmem>>, vector<16xf32>,
        tpu.vector_store %arg9[%parallel_loop3A_894, %parallel_loop3A_895, %parallel_loop3A_896], %parallel_loop3A_892 {strides = array<i32>} : memref<32x8x128xf32, #tpu.memory_space<vmem>>, vector<16xf32>,
        %parallel_loop3A_898 = tpu.memref_slice %arg5[%parallel_loop3A_869] : memref<1280xf32, #tpu.memory_space<vmem>> -> memref<40xf32, #tpu.memory_space<vmem>>
        %parallel_loop3A_899 = tpu.vector_load_idx %parallel_loop3A_898[%parallel_loop3A_444] : memref<40xf32, #tpu.memory_space<vmem>>[vector<16xi32>], vector<16xf32>,
        %parallel_loop3A_900 = arith.constant 6 : i32
        %parallel_loop3A_901 = arith.index_cast %parallel_loop3A_319 : i32 to index
        %parallel_loop3A_902 = arith.index_cast %parallel_loop3A_900 : i32 to index
        %parallel_loop3A_903 = arith.constant 64 : index
        %parallel_loop3A_904 = tpu.vector_load %arg9[%parallel_loop3A_901, %parallel_loop3A_902, %parallel_loop3A_903] {strides = array<i32>} : memref<32x8x128xf32, #tpu.memory_space<vmem>>, vector<16xf32>,
        tpu.vector_store %arg9[%parallel_loop3A_901, %parallel_loop3A_902, %parallel_loop3A_903], %parallel_loop3A_899 {strides = array<i32>} : memref<32x8x128xf32, #tpu.memory_space<vmem>>, vector<16xf32>,
        %parallel_loop3A_905 = tpu.memref_slice %arg5[%parallel_loop3A_869] : memref<1280xf32, #tpu.memory_space<vmem>> -> memref<40xf32, #tpu.memory_space<vmem>>
        %parallel_loop3A_906 = tpu.vector_load_idx %parallel_loop3A_905[%parallel_loop3A_469] : memref<40xf32, #tpu.memory_space<vmem>>[vector<16xi32>], vector<16xf32>,
        %parallel_loop3A_907 = arith.constant 6 : i32
        %parallel_loop3A_908 = arith.index_cast %parallel_loop3A_319 : i32 to index
        %parallel_loop3A_909 = arith.index_cast %parallel_loop3A_907 : i32 to index
        %parallel_loop3A_910 = arith.constant 80 : index
        %parallel_loop3A_911 = tpu.vector_load %arg9[%parallel_loop3A_908, %parallel_loop3A_909, %parallel_loop3A_910] {strides = array<i32>} : memref<32x8x128xf32, #tpu.memory_space<vmem>>, vector<16xf32>,
        tpu.vector_store %arg9[%parallel_loop3A_908, %parallel_loop3A_909, %parallel_loop3A_910], %parallel_loop3A_906 {strides = array<i32>} : memref<32x8x128xf32, #tpu.memory_space<vmem>>, vector<16xf32>,
        %parallel_loop3A_912 = tpu.memref_slice %arg5[%parallel_loop3A_869] : memref<1280xf32, #tpu.memory_space<vmem>> -> memref<40xf32, #tpu.memory_space<vmem>>
        %parallel_loop3A_913 = tpu.vector_load_idx %parallel_loop3A_912[%parallel_loop3A_494] : memref<40xf32, #tpu.memory_space<vmem>>[vector<16xi32>], vector<16xf32>,
        %parallel_loop3A_914 = arith.constant 6 : i32
        %parallel_loop3A_915 = arith.index_cast %parallel_loop3A_319 : i32 to index
        %parallel_loop3A_916 = arith.index_cast %parallel_loop3A_914 : i32 to index
        %parallel_loop3A_917 = arith.constant 96 : index
        %parallel_loop3A_918 = tpu.vector_load %arg9[%parallel_loop3A_915, %parallel_loop3A_916, %parallel_loop3A_917] {strides = array<i32>} : memref<32x8x128xf32, #tpu.memory_space<vmem>>, vector<16xf32>,
        tpu.vector_store %arg9[%parallel_loop3A_915, %parallel_loop3A_916, %parallel_loop3A_917], %parallel_loop3A_913 {strides = array<i32>} : memref<32x8x128xf32, #tpu.memory_space<vmem>>, vector<16xf32>,
        %parallel_loop3A_919 = tpu.memref_slice %arg5[%parallel_loop3A_869] : memref<1280xf32, #tpu.memory_space<vmem>> -> memref<40xf32, #tpu.memory_space<vmem>>
        %parallel_loop3A_920 = tpu.vector_load_idx %parallel_loop3A_919[%parallel_loop3A_519] : memref<40xf32, #tpu.memory_space<vmem>>[vector<16xi32>], vector<16xf32>,
        %parallel_loop3A_921 = arith.constant 6 : i32
        %parallel_loop3A_922 = arith.index_cast %parallel_loop3A_319 : i32 to index
        %parallel_loop3A_923 = arith.index_cast %parallel_loop3A_921 : i32 to index
        %parallel_loop3A_924 = arith.constant 112 : index
        %parallel_loop3A_925 = tpu.vector_load %arg9[%parallel_loop3A_922, %parallel_loop3A_923, %parallel_loop3A_924] {strides = array<i32>} : memref<32x8x128xf32, #tpu.memory_space<vmem>>, vector<16xf32>,
        tpu.vector_store %arg9[%parallel_loop3A_922, %parallel_loop3A_923, %parallel_loop3A_924], %parallel_loop3A_920 {strides = array<i32>} : memref<32x8x128xf32, #tpu.memory_space<vmem>>, vector<16xf32>,
        %parallel_loop3A_926 = arith.constant 280 : i32
        %parallel_loop3A_927 = arith.addi %mul3A_34, %parallel_loop3A_926 : i32
        %parallel_loop3A_928 = tpu.memref_slice %arg5[%parallel_loop3A_927] : memref<1280xf32, #tpu.memory_space<vmem>> -> memref<40xf32, #tpu.memory_space<vmem>>
        %parallel_loop3A_929 = tpu.vector_load_idx %parallel_loop3A_928[%parallel_loop3A_344] : memref<40xf32, #tpu.memory_space<vmem>>[vector<16xi32>], vector<16xf32>,
        %parallel_loop3A_930 = arith.constant 7 : i32
        %parallel_loop3A_931 = arith.index_cast %parallel_loop3A_319 : i32 to index
        %parallel_loop3A_932 = arith.index_cast %parallel_loop3A_930 : i32 to index
        %parallel_loop3A_933 = arith.constant 0 : index
        %parallel_loop3A_934 = tpu.vector_load %arg9[%parallel_loop3A_931, %parallel_loop3A_932, %parallel_loop3A_933] {strides = array<i32>} : memref<32x8x128xf32, #tpu.memory_space<vmem>>, vector<16xf32>,
        tpu.vector_store %arg9[%parallel_loop3A_931, %parallel_loop3A_932, %parallel_loop3A_933], %parallel_loop3A_929 {strides = array<i32>} : memref<32x8x128xf32, #tpu.memory_space<vmem>>, vector<16xf32>,
        %parallel_loop3A_935 = tpu.memref_slice %arg5[%parallel_loop3A_927] : memref<1280xf32, #tpu.memory_space<vmem>> -> memref<40xf32, #tpu.memory_space<vmem>>
        %parallel_loop3A_936 = tpu.vector_load_idx %parallel_loop3A_935[%parallel_loop3A_369] : memref<40xf32, #tpu.memory_space<vmem>>[vector<16xi32>], vector<16xf32>,
        %parallel_loop3A_937 = arith.constant 7 : i32
        %parallel_loop3A_938 = arith.index_cast %parallel_loop3A_319 : i32 to index
        %parallel_loop3A_939 = arith.index_cast %parallel_loop3A_937 : i32 to index
        %parallel_loop3A_940 = arith.constant 16 : index
        %parallel_loop3A_941 = tpu.vector_load %arg9[%parallel_loop3A_938, %parallel_loop3A_939, %parallel_loop3A_940] {strides = array<i32>} : memref<32x8x128xf32, #tpu.memory_space<vmem>>, vector<16xf32>,
        tpu.vector_store %arg9[%parallel_loop3A_938, %parallel_loop3A_939, %parallel_loop3A_940], %parallel_loop3A_936 {strides = array<i32>} : memref<32x8x128xf32, #tpu.memory_space<vmem>>, vector<16xf32>,
        %parallel_loop3A_942 = tpu.memref_slice %arg5[%parallel_loop3A_927] : memref<1280xf32, #tpu.memory_space<vmem>> -> memref<40xf32, #tpu.memory_space<vmem>>
        %parallel_loop3A_943 = tpu.vector_load_idx %parallel_loop3A_942[%parallel_loop3A_394] : memref<40xf32, #tpu.memory_space<vmem>>[vector<16xi32>], vector<16xf32>,
        %parallel_loop3A_944 = arith.constant 7 : i32
        %parallel_loop3A_945 = arith.index_cast %parallel_loop3A_319 : i32 to index
        %parallel_loop3A_946 = arith.index_cast %parallel_loop3A_944 : i32 to index
        %parallel_loop3A_947 = arith.constant 32 : index
        %parallel_loop3A_948 = tpu.vector_load %arg9[%parallel_loop3A_945, %parallel_loop3A_946, %parallel_loop3A_947] {strides = array<i32>} : memref<32x8x128xf32, #tpu.memory_space<vmem>>, vector<16xf32>,
        tpu.vector_store %arg9[%parallel_loop3A_945, %parallel_loop3A_946, %parallel_loop3A_947], %parallel_loop3A_943 {strides = array<i32>} : memref<32x8x128xf32, #tpu.memory_space<vmem>>, vector<16xf32>,
        %parallel_loop3A_949 = tpu.memref_slice %arg5[%parallel_loop3A_927] : memref<1280xf32, #tpu.memory_space<vmem>> -> memref<40xf32, #tpu.memory_space<vmem>>
        %parallel_loop3A_950 = tpu.vector_load_idx %parallel_loop3A_949[%parallel_loop3A_419] : memref<40xf32, #tpu.memory_space<vmem>>[vector<16xi32>], vector<16xf32>,
        %parallel_loop3A_951 = arith.constant 7 : i32
        %parallel_loop3A_952 = arith.index_cast %parallel_loop3A_319 : i32 to index
        %parallel_loop3A_953 = arith.index_cast %parallel_loop3A_951 : i32 to index
        %parallel_loop3A_954 = arith.constant 48 : index
        %parallel_loop3A_955 = tpu.vector_load %arg9[%parallel_loop3A_952, %parallel_loop3A_953, %parallel_loop3A_954] {strides = array<i32>} : memref<32x8x128xf32, #tpu.memory_space<vmem>>, vector<16xf32>,
        tpu.vector_store %arg9[%parallel_loop3A_952, %parallel_loop3A_953, %parallel_loop3A_954], %parallel_loop3A_950 {strides = array<i32>} : memref<32x8x128xf32, #tpu.memory_space<vmem>>, vector<16xf32>,
        %parallel_loop3A_956 = tpu.memref_slice %arg5[%parallel_loop3A_927] : memref<1280xf32, #tpu.memory_space<vmem>> -> memref<40xf32, #tpu.memory_space<vmem>>
        %parallel_loop3A_957 = tpu.vector_load_idx %parallel_loop3A_956[%parallel_loop3A_444] : memref<40xf32, #tpu.memory_space<vmem>>[vector<16xi32>], vector<16xf32>,
        %parallel_loop3A_958 = arith.constant 7 : i32
        %parallel_loop3A_959 = arith.index_cast %parallel_loop3A_319 : i32 to index
        %parallel_loop3A_960 = arith.index_cast %parallel_loop3A_958 : i32 to index
        %parallel_loop3A_961 = arith.constant 64 : index
        %parallel_loop3A_962 = tpu.vector_load %arg9[%parallel_loop3A_959, %parallel_loop3A_960, %parallel_loop3A_961] {strides = array<i32>} : memref<32x8x128xf32, #tpu.memory_space<vmem>>, vector<16xf32>,
        tpu.vector_store %arg9[%parallel_loop3A_959, %parallel_loop3A_960, %parallel_loop3A_961], %parallel_loop3A_957 {strides = array<i32>} : memref<32x8x128xf32, #tpu.memory_space<vmem>>, vector<16xf32>,
        %parallel_loop3A_963 = tpu.memref_slice %arg5[%parallel_loop3A_927] : memref<1280xf32, #tpu.memory_space<vmem>> -> memref<40xf32, #tpu.memory_space<vmem>>
        %parallel_loop3A_964 = tpu.vector_load_idx %parallel_loop3A_963[%parallel_loop3A_469] : memref<40xf32, #tpu.memory_space<vmem>>[vector<16xi32>], vector<16xf32>,
        %parallel_loop3A_965 = arith.constant 7 : i32
        %parallel_loop3A_966 = arith.index_cast %parallel_loop3A_319 : i32 to index
        %parallel_loop3A_967 = arith.index_cast %parallel_loop3A_965 : i32 to index
        %parallel_loop3A_968 = arith.constant 80 : index
        %parallel_loop3A_969 = tpu.vector_load %arg9[%parallel_loop3A_966, %parallel_loop3A_967, %parallel_loop3A_968] {strides = array<i32>} : memref<32x8x128xf32, #tpu.memory_space<vmem>>, vector<16xf32>,
        tpu.vector_store %arg9[%parallel_loop3A_966, %parallel_loop3A_967, %parallel_loop3A_968], %parallel_loop3A_964 {strides = array<i32>} : memref<32x8x128xf32, #tpu.memory_space<vmem>>, vector<16xf32>,
        %parallel_loop3A_970 = tpu.memref_slice %arg5[%parallel_loop3A_927] : memref<1280xf32, #tpu.memory_space<vmem>> -> memref<40xf32, #tpu.memory_space<vmem>>
        %parallel_loop3A_971 = tpu.vector_load_idx %parallel_loop3A_970[%parallel_loop3A_494] : memref<40xf32, #tpu.memory_space<vmem>>[vector<16xi32>], vector<16xf32>,
        %parallel_loop3A_972 = arith.constant 7 : i32
        %parallel_loop3A_973 = arith.index_cast %parallel_loop3A_319 : i32 to index
        %parallel_loop3A_974 = arith.index_cast %parallel_loop3A_972 : i32 to index
        %parallel_loop3A_975 = arith.constant 96 : index
        %parallel_loop3A_976 = tpu.vector_load %arg9[%parallel_loop3A_973, %parallel_loop3A_974, %parallel_loop3A_975] {strides = array<i32>} : memref<32x8x128xf32, #tpu.memory_space<vmem>>, vector<16xf32>,
        tpu.vector_store %arg9[%parallel_loop3A_973, %parallel_loop3A_974, %parallel_loop3A_975], %parallel_loop3A_971 {strides = array<i32>} : memref<32x8x128xf32, #tpu.memory_space<vmem>>, vector<16xf32>,
        %parallel_loop3A_977 = tpu.memref_slice %arg5[%parallel_loop3A_927] : memref<1280xf32, #tpu.memory_space<vmem>> -> memref<40xf32, #tpu.memory_space<vmem>>
        %parallel_loop3A_978 = tpu.vector_load_idx %parallel_loop3A_977[%parallel_loop3A_519] : memref<40xf32, #tpu.memory_space<vmem>>[vector<16xi32>], vector<16xf32>,
        %parallel_loop3A_979 = arith.constant 7 : i32
        %parallel_loop3A_980 = arith.index_cast %parallel_loop3A_319 : i32 to index
        %parallel_loop3A_981 = arith.index_cast %parallel_loop3A_979 : i32 to index
        %parallel_loop3A_982 = arith.constant 112 : index
        %parallel_loop3A_983 = tpu.vector_load %arg9[%parallel_loop3A_980, %parallel_loop3A_981, %parallel_loop3A_982] {strides = array<i32>} : memref<32x8x128xf32, #tpu.memory_space<vmem>>, vector<16xf32>,
        tpu.vector_store %arg9[%parallel_loop3A_980, %parallel_loop3A_981, %parallel_loop3A_982], %parallel_loop3A_978 {strides = array<i32>} : memref<32x8x128xf32, #tpu.memory_space<vmem>>, vector<16xf32>,
      } {sc.loop_unroll_factor = 1 : i64, sc.parallel_access}
      %jit3A_261 = arith.constant 4 : i32
      %div3A_262 = arith.divsi %add3A_242, %jit3A_261 : i32
      %sign3A_263 = arith.constant 0 : i32
      %sign3A_264 = arith.cmpi sgt, %add3A_242, %sign3A_263 : i32
      %sign3A_265 = arith.extui %sign3A_264 : i1 to i32
      %sign3A_266 = arith.constant 0 : i32
      %sign3A_267 = arith.cmpi slt, %add3A_242, %sign3A_266 : i32
      %sign3A_268 = arith.extui %sign3A_267 : i1 to i32
      %sign3A_269 = arith.subi %sign3A_265, %sign3A_268 : i32
      %sign3A_270 = arith.constant 0 : i32
      %sign3A_271 = arith.cmpi sgt, %jit3A_261, %sign3A_270 : i32
      %sign3A_272 = arith.extui %sign3A_271 : i1 to i32
      %sign3A_273 = arith.constant 0 : i32
      %sign3A_274 = arith.cmpi slt, %jit3A_261, %sign3A_273 : i32
      %sign3A_275 = arith.extui %sign3A_274 : i1 to i32
      %sign3A_276 = arith.subi %sign3A_272, %sign3A_275 : i32
      %ne3A_277 = arith.cmpi ne, %sign3A_269, %sign3A_276 : i32
      %rem3A_278 = arith.remsi %add3A_242, %jit3A_261 : i32
      %ne3A_279 = arith.constant 0 : i32
      %ne3A_280 = arith.cmpi ne, %rem3A_278, %ne3A_279 : i32
      %and3A_281 = arith.andi %ne3A_277, %ne3A_280 : i1
      %sub3A_282 = arith.constant 1 : i32
      %sub3A_283 = arith.subi %div3A_262, %sub3A_282 : i32
      %select_n3A_284 = arith.select %and3A_281, %sub3A_283, %div3A_262 : i32
      %add3A_285 = arith.addi %mul3A_32, %select_n3A_284 : i32
      %jit3A_286 = arith.constant 4 : i32
      %eq3A_287 = arith.constant 0 : i32
      %eq3A_288 = arith.cmpi eq, %jit3A_286, %eq3A_287 : i32
      %jit3A_289 = arith.constant 1 : i32
      %select_n3A_290 = arith.select %eq3A_288, %jit3A_289, %jit3A_286 : i32
      %rem3A_291 = arith.remsi %add3A_242, %select_n3A_290 : i32
      %ne3A_292 = arith.constant 0 : i32
      %ne3A_293 = arith.cmpi ne, %rem3A_291, %ne3A_292 : i32
      %lt3A_294 = arith.constant 0 : i32
      %lt3A_295 = arith.cmpi slt, %rem3A_291, %lt3A_294 : i32
      %lt3A_296 = arith.constant 0 : i32
      %lt3A_297 = arith.cmpi slt, %select_n3A_290, %lt3A_296 : i32
      %ne3A_298 = arith.xori %lt3A_295, %lt3A_297 : i1
      %and3A_299 = arith.andi %ne3A_298, %ne3A_293 : i1
      %add3A_300 = arith.addi %rem3A_291, %select_n3A_290 : i32
      %select_n3A_301 = arith.select %and3A_299, %add3A_300, %rem3A_291 : i32
      %mul3A_302 = arith.constant 32 : i32
      %mul3A_303 = arith.muli %select_n3A_301, %mul3A_302 : i32
      %dma_start3A_304 = arith.constant 0 : i32
      %dma_start3A_305 = arith.constant 0 : i32
      %dma_start3A_306 = tpu.memref_slice %arg4[%add3A_285, %select_n3A, %mul3A_303, %dma_start3A_304, %dma_start3A_305] : memref<200x4x128x8x128xf32, #tpu.memory_space<hbm>> -> memref<1x1x32x8x128xf32, #tpu.memory_space<hbm>>
      %dma_start3A_307 = tpu.memref_squeeze %dma_start3A_306 : memref<1x1x32x8x128xf32, #tpu.memory_space<hbm>> -> memref<32x8x128xf32, #tpu.memory_space<hbm>>
      %dma_start3A_308 = arith.constant 0 : i32
      %dma_start3A_309 = arith.constant 0 : i32
      %dma_start3A_310 = tpu.memref_slice %arg4[%add3A_285, %select_n3A, %mul3A_303, %dma_start3A_308, %dma_start3A_309] : memref<200x4x128x8x128xf32, #tpu.memory_space<hbm>> -> memref<1x1x32x8x128xf32, #tpu.memory_space<hbm>>
      %dma_start3A_311 = tpu.memref_squeeze %dma_start3A_310 : memref<1x1x32x8x128xf32, #tpu.memory_space<hbm>> -> memref<32x8x128xf32, #tpu.memory_space<hbm>>
      tpu.enqueue_dma source(%arg9 : memref<32x8x128xf32, #tpu.memory_space<vmem>>) target(%dma_start3A_311 : memref<32x8x128xf32, #tpu.memory_space<hbm>>) target_semaphore(%arg13 : memref<!tpu.dma_semaphore, #tpu.memory_space<semaphore_mem>>)
      %add3A_312 = arith.constant 2 : i32
      %add3A_313 = arith.addi %add3A_242, %add3A_312 : i32
      %lt3A_314 = arith.constant 100 : i32
      %lt3A_315 = arith.cmpi slt, %add3A_313, %lt3A_314 : i32
      %convert_element_type3A_316 = arith.extui %lt3A_315 : i1 to i32
      %cond3A_317 = arith.constant 0 : i32
      %cond3A_318 = arith.cmpi ne, %convert_element_type3A_316, %cond3A_317 : i32
      scf.if %cond3A_318 {
        %add3A_319 = arith.constant 2 : i32
        %add3A_320 = arith.addi %add3A_242, %add3A_319 : i32
        %jit3A_321 = arith.constant 4 : i32
        %div3A_322 = arith.divsi %add3A_320, %jit3A_321 : i32
        %sign3A_323 = arith.constant 0 : i32
        %sign3A_324 = arith.cmpi sgt, %add3A_320, %sign3A_323 : i32
        %sign3A_325 = arith.extui %sign3A_324 : i1 to i32
        %sign3A_326 = arith.constant 0 : i32
        %sign3A_327 = arith.cmpi slt, %add3A_320, %sign3A_326 : i32
        %sign3A_328 = arith.extui %sign3A_327 : i1 to i32
        %sign3A_329 = arith.subi %sign3A_325, %sign3A_328 : i32
        %sign3A_330 = arith.constant 0 : i32
        %sign3A_331 = arith.cmpi sgt, %jit3A_321, %sign3A_330 : i32
        %sign3A_332 = arith.extui %sign3A_331 : i1 to i32
        %sign3A_333 = arith.constant 0 : i32
        %sign3A_334 = arith.cmpi slt, %jit3A_321, %sign3A_333 : i32
        %sign3A_335 = arith.extui %sign3A_334 : i1 to i32
        %sign3A_336 = arith.subi %sign3A_332, %sign3A_335 : i32
        %ne3A_337 = arith.cmpi ne, %sign3A_329, %sign3A_336 : i32
        %rem3A_338 = arith.remsi %add3A_320, %jit3A_321 : i32
        %ne3A_339 = arith.constant 0 : i32
        %ne3A_340 = arith.cmpi ne, %rem3A_338, %ne3A_339 : i32
        %and3A_341 = arith.andi %ne3A_337, %ne3A_340 : i1
        %sub3A_342 = arith.constant 1 : i32
        %sub3A_343 = arith.subi %div3A_322, %sub3A_342 : i32
        %select_n3A_344 = arith.select %and3A_341, %sub3A_343, %div3A_322 : i32
        %add3A_345 = arith.addi %mul3A_32, %select_n3A_344 : i32
        %jit3A_346 = arith.constant 4 : i32
        %eq3A_347 = arith.constant 0 : i32
        %eq3A_348 = arith.cmpi eq, %jit3A_346, %eq3A_347 : i32
        %jit3A_349 = arith.constant 1 : i32
        %select_n3A_350 = arith.select %eq3A_348, %jit3A_349, %jit3A_346 : i32
        %rem3A_351 = arith.remsi %add3A_320, %select_n3A_350 : i32
        %ne3A_352 = arith.constant 0 : i32
        %ne3A_353 = arith.cmpi ne, %rem3A_351, %ne3A_352 : i32
        %lt3A_354 = arith.constant 0 : i32
        %lt3A_355 = arith.cmpi slt, %rem3A_351, %lt3A_354 : i32
        %lt3A_356 = arith.constant 0 : i32
        %lt3A_357 = arith.cmpi slt, %select_n3A_350, %lt3A_356 : i32
        %ne3A_358 = arith.xori %lt3A_355, %lt3A_357 : i1
        %and3A_359 = arith.andi %ne3A_358, %ne3A_353 : i1
        %add3A_360 = arith.addi %rem3A_351, %select_n3A_350 : i32
        %select_n3A_361 = arith.select %and3A_359, %add3A_360, %rem3A_351 : i32
        %mul3A_362 = arith.constant 32 : i32
        %mul3A_363 = arith.muli %select_n3A_361, %mul3A_362 : i32
        %jit3A_364 = arith.constant 8 : i32
        %div3A_365 = arith.divsi %add3A_345, %jit3A_364 : i32
        %sign3A_366 = arith.constant 0 : i32
        %sign3A_367 = arith.cmpi sgt, %add3A_345, %sign3A_366 : i32
        %sign3A_368 = arith.extui %sign3A_367 : i1 to i32
        %sign3A_369 = arith.constant 0 : i32
        %sign3A_370 = arith.cmpi slt, %add3A_345, %sign3A_369 : i32
        %sign3A_371 = arith.extui %sign3A_370 : i1 to i32
        %sign3A_372 = arith.subi %sign3A_368, %sign3A_371 : i32
        %sign3A_373 = arith.constant 0 : i32
        %sign3A_374 = arith.cmpi sgt, %jit3A_364, %sign3A_373 : i32
        %sign3A_375 = arith.extui %sign3A_374 : i1 to i32
        %sign3A_376 = arith.constant 0 : i32
        %sign3A_377 = arith.cmpi slt, %jit3A_364, %sign3A_376 : i32
        %sign3A_378 = arith.extui %sign3A_377 : i1 to i32
        %sign3A_379 = arith.subi %sign3A_375, %sign3A_378 : i32
        %ne3A_380 = arith.cmpi ne, %sign3A_372, %sign3A_379 : i32
        %rem3A_381 = arith.remsi %add3A_345, %jit3A_364 : i32
        %ne3A_382 = arith.constant 0 : i32
        %ne3A_383 = arith.cmpi ne, %rem3A_381, %ne3A_382 : i32
        %and3A_384 = arith.andi %ne3A_380, %ne3A_383 : i1
        %sub3A_385 = arith.constant 1 : i32
        %sub3A_386 = arith.subi %div3A_365, %sub3A_385 : i32
        %select_n3A_387 = arith.select %and3A_384, %sub3A_386, %div3A_365 : i32
        %jit3A_388 = arith.constant 8 : i32
        %eq3A_389 = arith.constant 0 : i32
        %eq3A_390 = arith.cmpi eq, %jit3A_388, %eq3A_389 : i32
        %jit3A_391 = arith.constant 1 : i32
        %select_n3A_392 = arith.select %eq3A_390, %jit3A_391, %jit3A_388 : i32
        %rem3A_393 = arith.remsi %add3A_345, %select_n3A_392 : i32
        %ne3A_394 = arith.constant 0 : i32
        %ne3A_395 = arith.cmpi ne, %rem3A_393, %ne3A_394 : i32
        %lt3A_396 = arith.constant 0 : i32
        %lt3A_397 = arith.cmpi slt, %rem3A_393, %lt3A_396 : i32
        %lt3A_398 = arith.constant 0 : i32
        %lt3A_399 = arith.cmpi slt, %select_n3A_392, %lt3A_398 : i32
        %ne3A_400 = arith.xori %lt3A_397, %lt3A_399 : i1
        %and3A_401 = arith.andi %ne3A_400, %ne3A_395 : i1
        %add3A_402 = arith.addi %rem3A_393, %select_n3A_392 : i32
        %select_n3A_403 = arith.select %and3A_401, %add3A_402, %rem3A_393 : i32
        %dma_start3A_404 = arith.constant 0 : i32
        %dma_start3A_405 = tpu.memref_slice %arg2[%select_n3A_387, %mul3A_363, %select_n3A_403, %dma_start3A_404] : memref<25x128x8x128xf32, #tpu.memory_space<hbm>> -> memref<1x32x1x128xf32, #tpu.memory_space<hbm>>
        %dma_start3A_406 = tpu.memref_squeeze %dma_start3A_405 : memref<1x32x1x128xf32, #tpu.memory_space<hbm>> -> memref<32x128xf32, #tpu.memory_space<hbm>>
        %dma_start3A_407 = arith.constant 0 : i32
        %dma_start3A_408 = tpu.memref_slice %arg2[%select_n3A_387, %mul3A_363, %select_n3A_403, %dma_start3A_407] : memref<25x128x8x128xf32, #tpu.memory_space<hbm>> -> memref<1x32x1x128xf32, #tpu.memory_space<hbm>>
        %dma_start3A_409 = tpu.memref_squeeze %dma_start3A_408 : memref<1x32x1x128xf32, #tpu.memory_space<hbm>> -> memref<32x128xf32, #tpu.memory_space<hbm>>
        tpu.enqueue_dma source(%dma_start3A_409 : memref<32x128xf32, #tpu.memory_space<hbm>>) target(%arg7 : memref<32x128xf32, #tpu.memory_space<vmem>>) target_semaphore(%arg11 : memref<!tpu.dma_semaphore, #tpu.memory_space<semaphore_mem>>)
      } else {
      }
    }
    %scan3A_138 = arith.constant 50 : i32
    %dma_wait3A = arith.constant 0 : i32
    %dma_wait3A_139 = arith.constant 0 : i32
    %dma_wait3A_140 = arith.constant 0 : i32
    %dma_wait3A_141 = arith.constant 0 : i32
    %dma_wait3A_142 = arith.constant 0 : i32
    %dma_wait3A_143 = tpu.memref_slice %arg4[%dma_wait3A, %dma_wait3A_139, %dma_wait3A_140, %dma_wait3A_141, %dma_wait3A_142] : memref<200x4x128x8x128xf32, #tpu.memory_space<hbm>> -> memref<1x1x32x8x128xf32, #tpu.memory_space<hbm>>
    %dma_wait3A_144 = tpu.memref_squeeze %dma_wait3A_143 : memref<1x1x32x8x128xf32, #tpu.memory_space<hbm>> -> memref<32x8x128xf32, #tpu.memory_space<hbm>>
    %dma_wait3A_145 = arith.constant 0 : i32
    %dma_wait3A_146 = arith.constant 0 : i32
    %dma_wait3A_147 = arith.constant 0 : i32
    %dma_wait3A_148 = tpu.memref_slice %arg4[%dma_wait3A, %dma_wait3A_139, %dma_wait3A_145, %dma_wait3A_146, %dma_wait3A_147] : memref<200x4x128x8x128xf32, #tpu.memory_space<hbm>> -> memref<1x1x32x8x128xf32, #tpu.memory_space<hbm>>
    %dma_wait3A_149 = tpu.memref_squeeze %dma_wait3A_148 : memref<1x1x32x8x128xf32, #tpu.memory_space<hbm>> -> memref<32x8x128xf32, #tpu.memory_space<hbm>>
    tpu.wait_dma2 semaphore(%arg12 : memref<!tpu.dma_semaphore, #tpu.memory_space<semaphore_mem>>) src(%arg8 : memref<32x8x128xf32, #tpu.memory_space<vmem>>) dst(%dma_wait3A_149 : memref<32x8x128xf32, #tpu.memory_space<hbm>>)
    %dma_wait3A_150 = arith.constant 0 : i32
    %dma_wait3A_151 = arith.constant 0 : i32
    %dma_wait3A_152 = arith.constant 0 : i32
    %dma_wait3A_153 = arith.constant 0 : i32
    %dma_wait3A_154 = arith.constant 0 : i32
    %dma_wait3A_155 = tpu.memref_slice %arg4[%dma_wait3A_150, %dma_wait3A_151, %dma_wait3A_152, %dma_wait3A_153, %dma_wait3A_154] : memref<200x4x128x8x128xf32, #tpu.memory_space<hbm>> -> memref<1x1x32x8x128xf32, #tpu.memory_space<hbm>>
    %dma_wait3A_156 = tpu.memref_squeeze %dma_wait3A_155 : memref<1x1x32x8x128xf32, #tpu.memory_space<hbm>> -> memref<32x8x128xf32, #tpu.memory_space<hbm>>
    %dma_wait3A_157 = arith.constant 0 : i32
    %dma_wait3A_158 = arith.constant 0 : i32
    %dma_wait3A_159 = arith.constant 0 : i32
    %dma_wait3A_160 = tpu.memref_slice %arg4[%dma_wait3A_150, %dma_wait3A_151, %dma_wait3A_157, %dma_wait3A_158, %dma_wait3A_159] : memref<200x4x128x8x128xf32, #tpu.memory_space<hbm>> -> memref<1x1x32x8x128xf32, #tpu.memory_space<hbm>>
    %dma_wait3A_161 = tpu.memref_squeeze %dma_wait3A_160 : memref<1x1x32x8x128xf32, #tpu.memory_space<hbm>> -> memref<32x8x128xf32, #tpu.memory_space<hbm>>
    tpu.wait_dma2 semaphore(%arg13 : memref<!tpu.dma_semaphore, #tpu.memory_space<semaphore_mem>>) src(%arg9 : memref<32x8x128xf32, #tpu.memory_space<vmem>>) dst(%dma_wait3A_161 : memref<32x8x128xf32, #tpu.memory_space<hbm>>)
    return
  }
}

</mosaic_0001>

<sc_bundles>
// kernel: kernel.3.cloned.1.call-start
scs
__scs_entry_jumppad:
0x0: {  	(pc) =	sbr.rel $0x88, $3  }
0x1: {  	(tag) =	ssettag $0x0;
	lr =	simm.s32 $0x1  }
0x2: {  	[smem:$0x3F9F] =	sst lr;
	_ =	strace $0xD0000000  }
0x3: {  	_ = 	snop  }
0x4: {  	_ = 	snop  }
0x5: {  	_ = 	snop  }
0x6: {  	_ = 	snop  }
0x7: {  	_ = 	snop  }
__scs_overlays_trampoline_lowered:
0x8: {  	[smem:$0x3FAE] =	sst s0  }
0x9: {  	[smem:$0x3FAF] =	sst s1  }
0xa: {  	[smem:$0x3FB0] =	sst s2  }
0xb: {  	[smem:$0x3FB1] =	sst s3  }
0xc: {  	[smem:$0x3FB2] =	sst s4  }
0xd: {  	[smem:$0x3FB3] =	sst s5  }
0xe: {  	[smem:$0x3FB4] =	sst s6  }
0xf: {  	[smem:$0x3FB5] =	sst s7  }
0x10: {  	[smem:$0x3FB6] =	sst s8  }
0x11: {  	[smem:$0x3FB7] =	sst s9;
	s0 =	simm.s32 @!p0 $0x0  }
0x12: {  	s1 =	sld [smem:$0x3F9D];
	s0 =	simm.s32 @p0 $0x1  }
0x13: {  	[smem:$0x3FB8] =	sst s0;
	s0 =	simm.s32 @!p1 $0x0  }
0x14: {  	s2 =	sld [smem:$0x3F9C];
	s0 =	simm.s32 @p1 $0x1  }
0x15: {  	[smem:$0x3FB9] =	sst s0;
	s0 =	simm.s32 @!p2 $0x0  }
0x16: {  	s3 =	sld [smem:$0x3FDB];
	s0 =	simm.s32 @p2 $0x1  }
0x17: {  	s4 =	simm.s32 $0x1BF5;
	[smem:$0x3FBB] =	sst s0  }
0x18: {  	s0 =	sld [smem:$0x3F9E];
	_ =	swait.ge [sflag:s4], $0x0  }
0x19: {  	s7 =	sld [smem:$0x3F9F]  }
0x1a: {  	s8 =	sadd.s32 $0xFFFFE003, lr  }
0x1b: {  	s9 =	sadd.s32 $0xFFFFFEF7, lr;
	s5 =	simm.s32 $0xFFFFFFFF;
	p2 =	slt.u32 s8, $0xFFFFF086  }
0x1c: {  	p1 =	slt.u32 s9, $0xF7A;
	s5 =	simm.s32 @!p2 $0x0  }
0x1d: {  	s5 =	simm.s32 @p1 $0x1;
	p0 =	seq.s32 s7, s2  }
0x1e: {  	s7 =	smul.u32 @!p0 $0xF7A, s2;
	p2 =	seq.s32 @!p0 s5, $0x0  }
0x1f: {  	s9 =	smul.u32 $0xF7A, s1;
	s8 =	simm.s32 @!p0 $0x1BF5;
	p2 =	por !p2, p0  }
0x20: {  	[sflag:s8] =	ssyncset.s32 @!p0 $0xFFFFF086;
	s6 =	sadd.s32 @!p0 s3, s7;
	s7 =	simm.s32 @!p0 $0x108  }
0x21: {  	s3 =	sadd.s32 s3, s9;
	s6 =	sadd.s32 @!p0 $0x88, s6;
	s7 =	simm.s32 @p2 $0x1082  }
0x22: {  	[simem:s7], [sflag:s8] =	dma.local @!p0 [hbm:s6], $0xF7A  }
0x23: {  	s9 =	sor.u32 $0xD0000000, s2;
	s6 =	simm.s32 $0x108;
	_ =	swait.ge @!p0 [sflag:s8], $0x0  }
0x24: {  	s3 =	sadd.s32 $0x88, s3;
	s6 =	simm.s32 @!p1 $0x1082;
	[sflag:s4] =	ssyncset.s32 $0xFFFFF086  }
0x25: {  	[simem:s6], [sflag:s4] =	dma.local [hbm:s3], $0xF7A  }
0x26: {  	[smem:$0x3F9F] =	sst s1;
	(tag) =	ssettag s2;
	_ =	strace s9  }
0x27: {  	s1 =	sld [smem:$0x3FAF]  }
0x28: {  	s2 =	sld [smem:$0x3FB0]  }
0x29: {  	s4 =	sld [smem:$0x3FB2]  }
0x2a: {  	p0 =	seq.s32 s5, $0x0;
	s5 =	sld [smem:$0x3FB3]  }
0x2b: {  	s6 =	sld [smem:$0x3FB4]  }
0x2c: {  	s7 =	sld [smem:$0x3FB5]  }
0x2d: {  	s3 =	simm.s32 $0x108;
	s8 =	sld [smem:$0x3FB6]  }
0x2e: {  	s3 =	simm.s32 @!p0 $0x1082;
	s9 =	sld [smem:$0x3FB7]  }
0x2f: {  	lr =	sadd.s32 s0, s3;
	s0 =	sld [smem:$0x3FAE]  }
0x30: {  	s3 =	sld [smem:$0x3FB1]  }
0x31: {  	[smem:$0x3FBA] =	sst s10  }
0x32: {  	s10 =	sld [smem:$0x3FB8];
	_ =	sdelay $0x3  }
0x33: {  	p0 =	seq.s32 s10, $0x1;
	s10 =	sld [smem:$0x3FBA];
	_ =	sdelay $0x3  }
0x34: {  	[smem:$0x3FBA] =	sst s10  }
0x35: {  	s10 =	sld [smem:$0x3FB9];
	_ =	sdelay $0x3  }
0x36: {  	p1 =	seq.s32 s10, $0x1;
	s10 =	sld [smem:$0x3FBA];
	_ =	sdelay $0x3  }
0x37: {  	[smem:$0x3FBA] =	sst s10  }
0x38: {  	s10 =	sld [smem:$0x3FBB]  }
0x39: {  	_ = 	snop;
	(pc) =	sbr.ind lr, $3  }
0x3a: {  	_ = 	snop  }
0x3b: {  	_ = 	snop  }
0x3c: {  	p2 =	seq.s32 s10, $0x1;
	s10 =	sld [smem:$0x3FBA]  }
0x3d: {  	_ =	shalt  }
0x3e: {  	_ =	shalt  }
0x3f: {  	_ =	shalt  }
0x40: {  	_ =	shalt  }
0x41: {  	_ =	shalt  }
0x42: {  	_ =	shalt  }
0x43: {  	_ =	shalt  }
0x44: {  	_ =	shalt  }
0x45: {  	_ =	shalt  }
0x46: {  	_ =	shalt  }
0x47: {  	_ =	shalt  }
0x48: {  	_ =	shalt  }
0x49: {  	_ =	shalt  }
0x4a: {  	_ =	shalt  }
0x4b: {  	_ =	shalt  }
0x4c: {  	_ =	shalt  }
0x4d: {  	_ =	shalt  }
0x4e: {  	_ =	shalt  }
0x4f: {  	_ =	shalt  }
0x50: {  	_ =	shalt  }
0x51: {  	_ =	shalt  }
0x52: {  	_ =	shalt  }
0x53: {  	_ =	shalt  }
0x54: {  	_ =	shalt  }
0x55: {  	_ =	shalt  }
0x56: {  	_ =	shalt  }
0x57: {  	_ =	shalt  }
0x58: {  	_ =	shalt  }
0x59: {  	_ =	shalt  }
0x5a: {  	_ =	shalt  }
0x5b: {  	_ =	shalt  }
0x5c: {  	_ =	shalt  }
0x5d: {  	_ =	shalt  }
0x5e: {  	_ =	shalt  }
0x5f: {  	_ =	shalt  }
0x60: {  	_ =	shalt  }
0x61: {  	_ =	shalt  }
0x62: {  	_ =	shalt  }
0x63: {  	_ =	shalt  }
0x64: {  	_ =	shalt  }
0x65: {  	_ =	shalt  }
0x66: {  	_ =	shalt  }
0x67: {  	_ =	shalt  }
0x68: {  	_ =	shalt  }
0x69: {  	_ =	shalt  }
0x6a: {  	_ =	shalt  }
0x6b: {  	_ =	shalt  }
0x6c: {  	_ =	shalt  }
0x6d: {  	_ =	shalt  }
0x6e: {  	_ =	shalt  }
0x6f: {  	_ =	shalt  }
0x70: {  	_ =	shalt  }
0x71: {  	_ =	shalt  }
0x72: {  	_ =	shalt  }
0x73: {  	_ =	shalt  }
0x74: {  	_ =	shalt  }
0x75: {  	_ =	shalt  }
0x76: {  	_ =	shalt  }
0x77: {  	_ =	shalt  }
0x78: {  	_ =	shalt  }
0x79: {  	_ =	shalt  }
0x7a: {  	_ =	shalt  }
0x7b: {  	_ =	shalt  }
0x7c: {  	_ =	shalt  }
0x7d: {  	_ =	shalt  }
0x7e: {  	_ =	shalt  }
0x7f: {  	_ =	shalt  }
0x80: {  	_ =	shalt  }
0x81: {  	_ =	shalt  }
0x82: {  	_ =	shalt  }
0x83: {  	_ =	shalt  }
0x84: {  	_ =	shalt  }
0x85: {  	_ =	shalt  }
0x86: {  	_ =	shalt  }
0x87: {  	_ =	shalt  }
.Lfunc_end0:
.L_simem_size_0:
called_computation_lowered:
.L_overlay_start_0:
0x88: {  	s2 =	sld [smem:$0x3FD9]  }
0x89: {  	s3 =	sld [smem:$0x3FFE];
	_ =	sdelay $0x1  }
0x8a: {  	s1 =	srdreg.scid  }
0x8b: {  	s0 =	sand.u32 $0x1, s1  }
0x8c: {  	s17 =	sshll.u32 s0, $0xA;
	s2 =	sadd.s32 s3, s2  }
0x8d: {  	s2 =	sadd.s32 s2, s17  }
0x8e: {  	[smem:$0x3FC6] =	sst s2  }
0x8f: {  	_ = 	snop  }
0x90: {  	s2 =	sld [smem:$0x3FC9]  }
0x91: {  	s18 =	sld [smem:$0x3FD0];
	(tm) =	ssettm $0x1  }
0x92: {  	s4 =	sld [smem:$0x3FFB];
	_ =	sdelay $0x3  }
0x93: {  	_ =	strace s4  }
0x94: {  	s4 =	sld [smem:$0x3FFC];
	_ =	sdelay $0x3  }
0x95: {  	_ =	strace s4  }
0x96: {  	s4 =	sld [smem:$0x3FFD];
	_ =	sdelay $0x3  }
0x97: {  	_ =	strace s4  }
0x98: {  	_ =	strace $0x8FFFFFFF  }
0x99: {  	s19 =	sld [smem:$0x3FDB];
	_ =	sdelay $0x1  }
0x9a: {  	s5 =	simm.s32 $_scs_section_size  }
0x9b: {  	s6 =	simm.s32 $_size__tile_overlayer_lowered;
	s7 =	simm.s32 $_tile_overlayer_lowered  }
0x9c: {  	s22 =	simm.s32 $0x1BFF;
	s21 =	sshll.u32 s7, $0x1;
	s4 =	sadd.s32 s5, s19  }
0x9d: {  	s8 =	simm.s32 $0x0;
	s20 =	sshll.u32 s6, $0x1;
	s6 =	sadd.s32 s21, s4  }
0x9e: {  	[timem:s8], [sflag:s22] =	dma.local [hbm:s6], s20  }
0x9f: {  	_ =	swait.ge [sflag:s22], s20  }
0xa0: {  	s5 =	ssub.s32 $0x0, s20;
	[sflag:s22] =	ssyncset.done $0x0  }
0xa1: {  	[sflag:s22] =	ssyncadd.s32 s5;
	_ =	sdelay $0x1  }
0xa2: {  	s23 =	simm.s32 $0x1B8B  }
0xa3: {  	_ =	swait.ge [sflag:s23], $0x1  }
0xa4: {  	[sflag:s23] =	ssyncset.done $0x0  }
0xa5: {  	s25 =	simm.s32 $0x1B8E;
	s24 =	sld [smem:$0x3FFE];
	[sflag:s23] =	ssyncadd.s32 $0xFFFFFFFF  }
0xa6: {  	s26 =	simm.s32 $execute0_lowered;
	[smem:$0x3FD2] =	sst s25  }
0xa7: {  	s6 =	sshll.u32 s26, $0x1;
	_ =	strace $0x80000046;
	[dreg:$0x1] =	wrdreg $0xFFFFFFFF  }
0xa8: {  	s28 =	simm.s32 $_size_execute0_lowered;
	s4 =	sadd.s32 s4, s6;
	[dreg:$0x0] =	wrdreg $0x0  }
0xa9: {  	s6 =	sshll.u32 s28, $0x1;
	[dreg:$0x2] =	wrdreg s4  }
0xaa: {  	[dreg:$0x3] =	wrdreg s6  }
0xab: {  	[dreg:$0x4] =	wrdreg $0xC0  }
0xac: {  	_ =	task [dreg:s8], $0x5FFFF  }
0xad: {  	[dreg:$0x1] =	wrdreg $0xFFFFFFFF  }
0xae: {  	[dreg:$0x0] =	wrdreg $0x60  }
0xaf: {  	[dreg:$0x2] =	wrdreg s2  }
0xb0: {  	[dreg:$0x3] =	wrdreg s24  }
0xb1: {  	[dreg:$0x4] =	wrdreg s18  }
0xb2: {  	[dreg:$0x5] =	wrdreg $0x9  }
0xb3: {  	_ =	task.clear_ibuf [dreg:s8], $0x6FFFF;
	_ =	strace $0x90000046  }
0xb4: {  	s29 =	simm.s32 $0x9;
	_ =	strace $0x80000048  }
0xb5: {  	_ =	swait.ge [sflag:s29], $0x1  }
0xb6: {  	[sflag:s29] =	ssyncadd.s32 $0xFFFFFFFF  }
0xb7: {  	_ =	strace $0x90000048  }
0xb8: {  	_ =	sfence  }
0xb9: {  	s30 =	sld [smem:$0x0];
	_ =	sdelay $0x2  }
0xba: {  	s31 =	sshll.u32 s1, $0xD;
	s1 =	sshrl.u32 s1, $0x2  }
0xbb: {  	s3 =	sand.u32 $0x4000, s31;
	s1 =	sadd.s32 s1, s30  }
0xbc: {  	s0 =	sor.u32 s3, s0;
	s1 =	sshll.u32 s1, $0x11  }
0xbd: {  	s0 =	sor.u32 s1, s0  }
0xbe: {  	s0 =	sadd.s32 $0x8F2B, s0  }
0xbf: {  	[sflag:s0] =	ssyncadd.remote.s32 $0x1  }
0xc0: {  	_ =	sfence.sel $0xFFFF  }
0xc1: {  	[dreg:$0x0] =	wrdreg $0xFFFFFFFF;
	(pc) =	sbr.abs _section_cstart, $3  }
0xc2: {  	[dreg:$0x1] =	wrdreg $0xFFFFFFFF  }
0xc3: {  	_ =	task.clear_ibuf [dreg:s8], $0x2FFFF;
	_ =	strace $0x9FFFFFFF  }
0xc4: {  	(tm) =	ssettm $0x7FFFFFFF  }
0xc5: {  	_ =	shalt  }
tec
execute0_lowered:
.L_overlay_start_1:
0x0: {  	(tag) =	ssettag $0x1  }
0x1: {  	s8 =	rddreg [dreg:$0x0]  }
0x2: {  	s6 =	stileid.u32;
	s0 =	rddreg [dreg:$0x1]  }
0x3: {  	s1 =	srdreg.scid;
	s3 =	rddreg [dreg:$0x2];
	s4 =	simm.s32 $0x0  }
0x4: {  	s21 =	simm.s32 $0x80;
	s22 =	simm.s32 $0x400;
	s25 =	simm.s32 $0x1  }
0x5: {  	s28 =	simm.s32 $0x2;
	s29 =	simm.s32 $0x4;
	s2 =	sshll.u32 s6, $0x1  }
0x6: {  	s1 =	sand.u32 $0x1, s1;
	[smem:$0x7FF] =	sst s4;
	s6 =	sshrl.u32 s6, $0x2  }
0x7: {  	s0 =	sadd.s32 $0x400, s0;
	s2 =	sand.u32 $0x6, s2;
	_ =	strace $0x80000047  }
0x8: {  	s26 =	smul.u32 $0x500, s6;
	s2 =	sor.u32 s1, s2;
	s1 =	ssub.s32 $0x2, s1  }
0x9: {  	s16 =	sshll.u32 s6, $0x11;
	s5 =	smul.u32 $0x64000, s2;
	s30 =	sshrl.u32 s1, $0x1  }
0xa: {  	[dreg:$0x4] =	wrdreg s0;
	s18 =	sor.u32 $0x8000, s16;
	s0 =	ssub.s32 s1, s30  }
0xb: {  	s7 =	sshll.u32 s2, $0x7;
	s5 =	sand.u32 $0x3E0000, s5;
	s0 =	smax.u32 s0, $0x1  }
0xc: {  	s5 =	sor.u32 s7, s5;
	s7 =	sshrl.u32 s26, $0x2;
	[dreg:$0x7] =	wrdreg s0  }
.Ltmp0:
0xd: {  	s5 =	sshrl.u32 s5, $0x3;
	s10 =	sor.u32 $0x28, s7;
	(pc) =	sbr.rel .LBB2_1-.Ltmp0, $4  }
0xe: {  	s11 =	sadd.s32 $0x50, s7;
	s12 =	sadd.s32 $0x78, s7;
	s13 =	sadd.s32 $0xA0, s7  }
0xf: {  	s14 =	sadd.s32 $0xC8, s7;
	s15 =	sadd.s32 $0xF0, s7;
	s31 =	sadd.s32 s8, s5  }
0x10: {  	s17 =	sadd.s32 $0x118, s7;
	[dreg:$0x5] =	wrdreg s31;
	s1 =	sadd.s32 $0x1000, s31  }
0x11: {  	s8 =	smul.u32 $0x19, s2;
	[dreg:$0x6] =	wrdreg s1;
	s1 =	simm.s32 $0x0  }
.LBB2_12:
0x12: {  	s0 =	simm.s32 $0x3  }
0x13: {  	_ =	swait.ge [sflag:s0], $0x8000  }
0x14: {  	[sflag:s0] =	ssyncset.done $0x0  }
0x15: {  	[sflag:s0] =	ssyncadd.s32 $0xFFFF8000  }
0x16: {  	_ =	swait.ge [sflag:s29], $0x8000  }
0x17: {  	s1 =	rddreg [dreg:$0x8]  }
0x18: {  	s31 =	rddreg [dreg:$0x7];
	s1 =	sadd.s32 $0x1, s1  }
0x19: {  	p0 =	sne.s32 s1, s31  }
.Ltmp1:
0x1a: {  	_ = 	snop;
	(pc) =	sbr.rel @!p0 .LBB2_13-.Ltmp1, $3  }
0x1b: {  	_ =	sdelay $0x1  }
0x1c: {  	[sflag:s29] =	ssyncset.done $0x0  }
0x1d: {  	[sflag:s29] =	ssyncadd.s32 $0xFFFF8000  }
.LBB2_1:
0x1e: {  	[dreg:$0x8] =	wrdreg s1  }
0x1f: {  	s0 =	rddreg [dreg:$0x4];
	s23 =	simm.s32 $0x5  }
0x20: {  	[tilespmem:s4], [sflag:$0x5] =	stream.linear.gather [hbm4b:s0+s4], $0x500, $0x38;
	[tilespmem:$0x12500] =	vst v63  }
0x21: {  	_ =	swait.ge [sflag:s23], $0x500  }
0x22: {  	[sflag:s23] =	ssyncset.done $0x0  }
0x23: {  	s26 =	simm.s32 $0x500;
	s24 =	rddreg [dreg:$0x5];
	[sflag:s23] =	ssyncadd.s32 $0xFFFFFB00  }
0x24: {  	[tilespmem:s26], [sflag:$0x1] =	stream.strided.gather [hbm4b:s24+s21], $0x1000, s22, s21, $0x38;
	[tilespmem:$0x12500] =	vst v63  }
0x25: {  	s31 =	simm.s32 $0x1500;
	s0 =	simm.s32 $0x0;
	s30 =	rddreg [dreg:$0x6]  }
0x26: {  	[tilespmem:s31], [sflag:$0x2] =	stream.strided.gather [hbm4b:s30+s21], $0x1000, s22, s21, $0x38;
	[tilespmem:$0x12500] =	vst v63  }
.LBB2_2:
0x27: {  	_ =	swait.ge [sflag:s25], $0x1000  }
0x28: {  	p0 =	seq.s32 s0, $0x0;
	[sflag:s25] =	ssyncset.done $0x0  }
0x29: {  	s1 =	simm.s32 @!p0 $0x3;
	[sflag:s25] =	ssyncadd.s32 $0xFFFFF000  }
0x2a: {  	_ =	swait.ge @!p0 [sflag:s1], $0x8000  }
0x2b: {  	[sflag:s1] =	ssyncset.done @!p0 $0x0  }
0x2c: {  	s19 =	simm.s32 $0x0;
	[sflag:s1] =	ssyncadd.s32 @!p0 $0xFFFF8000  }
0x2d: {  	v0 =	vld [tilespmem:s19+$0x500];
	_ =	sdelay $0x4  }
0x2e: {  	v0 =	vmul.f32 $3.500000000e+01, v0  }
0x2f: {  	v1 =	vld [tilespmem:s19+$0x510]  }
0x30: {  	v0 =	vadd.f32 $3.600000000e+01, v0;
	_ =	sdelay $0x1  }
0x31: {  	v0 =	vadd.f32 $1.258291200e+07, v0;
	_ =	sdelay $0x1  }
0x32: {  	v1 =	vmul.f32 $3.500000000e+01, v1;
	v0 =	vadd.f32 $-1.258291200e+07, v0  }
0x33: {  	v2 =	vld [tilespmem:s19+$0x520]  }
0x34: {  	v1 =	vadd.f32 $3.600000000e+01, v1;
	v0 =	vadd.f32 $-3.600000000e+01, v0;
	_ =	sdelay $0x1  }
0x35: {  	v1 =	vadd.f32 $1.258291200e+07, v1;
	v0 =	vmax.f32 v0, $0.0e+00  }
0x36: {  	v0 =	vmin.f32 v0, $3.500000000e+01  }
0x37: {  	v2 =	vmul.f32 $3.500000000e+01, v2;
	v1 =	vadd.f32 $-1.258291200e+07, v1;
	v0 =	vtrunc.f32 v0  }
0x38: {  	v3 =	vld [tilespmem:s19+$0x530];
	v42 =	vcvt.f32.s32 v0  }
0x39: {  	v0 =	vadd.f32 $-3.600000000e+01, v1;
	v1 =	vadd.f32 $3.600000000e+01, v2;
	_ =	sdelay $0x1  }
0x3a: {  	v0 =	vmax.f32 v0, $0.0e+00;
	v1 =	vadd.f32 $1.258291200e+07, v1  }
0x3b: {  	v0 =	vmin.f32 v0, $3.500000000e+01  }
0x3c: {  	v3 =	vmul.f32 $3.500000000e+01, v3;
	v2 =	vld [tilespmem:s19+$0x540];
	v0 =	vtrunc.f32 v0;
	v1 =	vadd.f32 $-1.258291200e+07, v1  }
0x3d: {  	v41 =	vcvt.f32.s32 v0;
	v4 =	vld.idx.msk [tilespmem:v42+s7+$0x0], $0xffff  }
0x3e: {  	v0 =	vadd.f32 $-3.600000000e+01, v1;
	v1 =	vadd.f32 $3.600000000e+01, v3;
	_ =	sdelay $0x1  }
0x3f: {  	v5 =	vld [tilespmem:s19+$0x560];
	v0 =	vmax.f32 v0, $0.0e+00;
	v1 =	vadd.f32 $1.258291200e+07, v1  }
0x40: {  	s6 =	simm.s32 $0x2700;
	v6 =	vld [tilespmem:s19+$0x570];
	v0 =	vmin.f32 v0, $3.500000000e+01  }
0x41: {  	v2 =	vmul.f32 $3.500000000e+01, v2;
	v3 =	vld [tilespmem:s19+$0x550];
	v0 =	vtrunc.f32 v0;
	v1 =	vadd.f32 $-1.258291200e+07, v1;
	[tilespmem:s6+$0xFFFFFE00] =	vst v4  }
0x42: {  	v40 =	vcvt.f32.s32 v0;
	v4 =	vld.idx.msk [tilespmem:v41+s7+$0x0], $0xffff  }
0x43: {  	v0 =	vadd.f32 $-3.600000000e+01, v1;
	v1 =	vadd.f32 $3.600000000e+01, v2;
	_ =	sdelay $0x1  }
0x44: {  	v0 =	vmax.f32 v0, $0.0e+00;
	v1 =	vadd.f32 $1.258291200e+07, v1  }
0x45: {  	v0 =	vmin.f32 v0, $3.500000000e+01  }
0x46: {  	v2 =	vmul.f32 $3.500000000e+01, v3;
	v0 =	vtrunc.f32 v0;
	v1 =	vadd.f32 $-1.258291200e+07, v1;
	[tilespmem:s6+$0xFFFFFE10] =	vst v4  }
0x47: {  	v12 =	vcvt.f32.s32 v0;
	v3 =	vld.idx.msk [tilespmem:v40+s7+$0x0], $0xffff  }
0x48: {  	v0 =	vadd.f32 $-3.600000000e+01, v1;
	v1 =	vadd.f32 $3.600000000e+01, v2;
	_ =	sdelay $0x1  }
0x49: {  	v0 =	vmax.f32 v0, $0.0e+00;
	v1 =	vadd.f32 $1.258291200e+07, v1  }
0x4a: {  	v0 =	vmin.f32 v0, $3.500000000e+01  }
0x4b: {  	v2 =	vmul.f32 $3.500000000e+01, v5;
	v0 =	vtrunc.f32 v0;
	v1 =	vadd.f32 $-1.258291200e+07, v1;
	[tilespmem:s6+$0xFFFFFE20] =	vst v3  }
0x4c: {  	v11 =	vcvt.f32.s32 v0;
	v3 =	vld.idx.msk [tilespmem:v12+s7+$0x0], $0xffff  }
0x4d: {  	v0 =	vadd.f32 $-3.600000000e+01, v1;
	v1 =	vadd.f32 $3.600000000e+01, v2;
	_ =	sdelay $0x1  }
0x4e: {  	v0 =	vmax.f32 v0, $0.0e+00;
	v1 =	vadd.f32 $1.258291200e+07, v1  }
0x4f: {  	v0 =	vmin.f32 v0, $3.500000000e+01  }
0x50: {  	v2 =	vmul.f32 $3.500000000e+01, v6;
	v0 =	vtrunc.f32 v0;
	v1 =	vadd.f32 $-1.258291200e+07, v1;
	[tilespmem:s6+$0xFFFFFE30] =	vst v3  }
0x51: {  	v10 =	vcvt.f32.s32 v0;
	v3 =	vld.idx.msk [tilespmem:v11+s7+$0x0], $0xffff  }
0x52: {  	v0 =	vadd.f32 $-3.600000000e+01, v1;
	v1 =	vadd.f32 $3.600000000e+01, v2;
	_ =	sdelay $0x1  }
0x53: {  	v0 =	vmax.f32 v0, $0.0e+00;
	v1 =	vadd.f32 $1.258291200e+07, v1  }
0x54: {  	v0 =	vmin.f32 v0, $3.500000000e+01  }
0x55: {  	v0 =	vtrunc.f32 v0;
	v1 =	vadd.f32 $-1.258291200e+07, v1;
	[tilespmem:s6+$0xFFFFFE40] =	vst v3  }
0x56: {  	v9 =	vcvt.f32.s32 v0;
	v2 =	vld.idx.msk [tilespmem:v10+s7+$0x0], $0xffff  }
0x57: {  	v0 =	vadd.f32 $-3.600000000e+01, v1;
	_ =	sdelay $0x1  }
0x58: {  	v0 =	vmax.f32 v0, $0.0e+00  }
0x59: {  	v0 =	vmin.f32 v0, $3.500000000e+01  }
0x5a: {  	v0 =	vtrunc.f32 v0;
	[tilespmem:s6+$0xFFFFFE50] =	vst v2  }
0x5b: {  	v8 =	vcvt.f32.s32 v0;
	v1 =	vld.idx.msk [tilespmem:v9+s7+$0x0], $0xffff  }
0x5c: {  	s20 =	simm.s32 $0x80  }
0x5d: {  	v0 =	vld [tilespmem:s20+$0x500];
	_ =	sdelay $0x2  }
0x5e: {  	[tilespmem:s6+$0xFFFFFE60] =	vst v1  }
0x5f: {  	v1 =	vld.idx.msk [tilespmem:v8+s7+$0x0], $0xffff  }
0x60: {  	v0 =	vmul.f32 $3.500000000e+01, v0  }
0x61: {  	v2 =	vld [tilespmem:s20+$0x510]  }
0x62: {  	v0 =	vadd.f32 $3.600000000e+01, v0;
	_ =	sdelay $0x1  }
0x63: {  	v0 =	vadd.f32 $1.258291200e+07, v0;
	[tilespmem:s6+$0xFFFFFE70] =	vst v1  }
0x64: {  	v1 =	vld.idx.msk [tilespmem:v42+s10+$0x0], $0xffff  }
0x65: {  	v2 =	vmul.f32 $3.500000000e+01, v2;
	v0 =	vadd.f32 $-1.258291200e+07, v0  }
0x66: {  	v3 =	vld [tilespmem:s20+$0x520]  }
0x67: {  	v2 =	vadd.f32 $3.600000000e+01, v2;
	v0 =	vadd.f32 $-3.600000000e+01, v0;
	_ =	sdelay $0x1  }
0x68: {  	v0 =	vmax.f32 v0, $0.0e+00;
	[tilespmem:s6+$0xFFFFFE80] =	vst v1;
	v1 =	vadd.f32 $1.258291200e+07, v2  }
0x69: {  	v0 =	vmin.f32 v0, $3.500000000e+01;
	v2 =	vld.idx.msk [tilespmem:v41+s10+$0x0], $0xffff  }
0x6a: {  	v3 =	vmul.f32 $3.500000000e+01, v3;
	v0 =	vtrunc.f32 v0;
	v1 =	vadd.f32 $-1.258291200e+07, v1  }
0x6b: {  	v4 =	vld [tilespmem:s20+$0x530];
	v0 =	vcvt.f32.s32 v0  }
0x6c: {  	v3 =	vadd.f32 $3.600000000e+01, v3;
	v1 =	vadd.f32 $-3.600000000e+01, v1;
	_ =	sdelay $0x1  }
0x6d: {  	[tilespmem:s6+$0xFFFFFE90] =	vst v2;
	v1 =	vmax.f32 v1, $0.0e+00;
	v2 =	vadd.f32 $1.258291200e+07, v3  }
0x6e: {  	v3 =	vld.idx.msk [tilespmem:v40+s10+$0x0], $0xffff;
	v1 =	vmin.f32 v1, $3.500000000e+01  }
0x6f: {  	v5 =	vld [tilespmem:s20+$0x540];
	v4 =	vmul.f32 $3.500000000e+01, v4;
	v1 =	vtrunc.f32 v1;
	v2 =	vadd.f32 $-1.258291200e+07, v2  }
0x70: {  	v6 =	vld.idx.msk [tilespmem:v0+s7+$0x0], $0xffff;
	v1 =	vcvt.f32.s32 v1  }
0x71: {  	v4 =	vadd.f32 $3.600000000e+01, v4;
	v2 =	vadd.f32 $-3.600000000e+01, v2  }
0x72: {  	v7 =	vld [tilespmem:s20+$0x550]  }
0x73: {  	v13 =	vld [tilespmem:s20+$0x560];
	[tilespmem:s6+$0xFFFFFEA0] =	vst v3;
	v2 =	vmax.f32 v2, $0.0e+00;
	v3 =	vadd.f32 $1.258291200e+07, v4  }
0x74: {  	s9 =	simm.s32 $0x2B00;
	v4 =	vld.idx.msk [tilespmem:v12+s10+$0x0], $0xffff;
	v2 =	vmin.f32 v2, $3.500000000e+01  }
0x75: {  	v14 =	vld [tilespmem:s20+$0x570];
	v5 =	vmul.f32 $3.500000000e+01, v5;
	[tilespmem:s9+$0xFFFFFE00] =	vst v6;
	v2 =	vtrunc.f32 v2;
	v3 =	vadd.f32 $-1.258291200e+07, v3  }
0x76: {  	v6 =	vld.idx.msk [tilespmem:v1+s7+$0x0], $0xffff;
	v2 =	vcvt.f32.s32 v2  }
0x77: {  	v5 =	vadd.f32 $3.600000000e+01, v5;
	v3 =	vadd.f32 $-3.600000000e+01, v3;
	_ =	sdelay $0x1  }
0x78: {  	[tilespmem:s6+$0xFFFFFEB0] =	vst v4;
	v3 =	vmax.f32 v3, $0.0e+00;
	v4 =	vadd.f32 $1.258291200e+07, v5  }
0x79: {  	v5 =	vld.idx.msk [tilespmem:v11+s10+$0x0], $0xffff;
	v3 =	vmin.f32 v3, $3.500000000e+01  }
0x7a: {  	v7 =	vmul.f32 $3.500000000e+01, v7;
	[tilespmem:s9+$0xFFFFFE10] =	vst v6;
	v3 =	vtrunc.f32 v3;
	v6 =	vadd.f32 $-1.258291200e+07, v4  }
0x7b: {  	v15 =	vld.idx.msk [tilespmem:v2+s7+$0x0], $0xffff;
	v4 =	vcvt.f32.s32 v3  }
0x7c: {  	v3 =	vadd.f32 $-3.600000000e+01, v6;
	v6 =	vadd.f32 $3.600000000e+01, v7;
	_ =	sdelay $0x1  }
0x7d: {  	[tilespmem:s6+$0xFFFFFEC0] =	vst v5;
	v3 =	vmax.f32 v3, $0.0e+00;
	v5 =	vadd.f32 $1.258291200e+07, v6  }
0x7e: {  	v6 =	vld.idx.msk [tilespmem:v10+s10+$0x0], $0xffff;
	v3 =	vmin.f32 v3, $3.500000000e+01  }
0x7f: {  	v13 =	vmul.f32 $3.500000000e+01, v13;
	[tilespmem:s9+$0xFFFFFE20] =	vst v15;
	v3 =	vtrunc.f32 v3;
	v7 =	vadd.f32 $-1.258291200e+07, v5  }
0x80: {  	v15 =	vld.idx.msk [tilespmem:v4+s7+$0x0], $0xffff;
	v5 =	vcvt.f32.s32 v3  }
0x81: {  	v3 =	vadd.f32 $-3.600000000e+01, v7;
	v7 =	vadd.f32 $3.600000000e+01, v13;
	_ =	sdelay $0x1  }
0x82: {  	[tilespmem:s6+$0xFFFFFED0] =	vst v6;
	v3 =	vmax.f32 v3, $0.0e+00;
	v6 =	vadd.f32 $1.258291200e+07, v7  }
0x83: {  	v7 =	vld.idx.msk [tilespmem:v9+s10+$0x0], $0xffff;
	v3 =	vmin.f32 v3, $3.500000000e+01  }
0x84: {  	v14 =	vmul.f32 $3.500000000e+01, v14;
	[tilespmem:s9+$0xFFFFFE30] =	vst v15;
	v3 =	vtrunc.f32 v3;
	v13 =	vadd.f32 $-1.258291200e+07, v6  }
0x85: {  	v15 =	vld.idx.msk [tilespmem:v5+s7+$0x0], $0xffff;
	v6 =	vcvt.f32.s32 v3  }
0x86: {  	v3 =	vadd.f32 $-3.600000000e+01, v13;
	v13 =	vadd.f32 $3.600000000e+01, v14;
	_ =	sdelay $0x1  }
0x87: {  	[tilespmem:s6+$0xFFFFFEE0] =	vst v7;
	v3 =	vmax.f32 v3, $0.0e+00;
	v7 =	vadd.f32 $1.258291200e+07, v13  }
0x88: {  	v13 =	vld.idx.msk [tilespmem:v8+s10+$0x0], $0xffff;
	v3 =	vmin.f32 v3, $3.500000000e+01  }
0x89: {  	[tilespmem:s9+$0xFFFFFE40] =	vst v15;
	v3 =	vtrunc.f32 v3;
	v14 =	vadd.f32 $-1.258291200e+07, v7  }
0x8a: {  	v15 =	vld.idx.msk [tilespmem:v6+s7+$0x0], $0xffff;
	v7 =	vcvt.f32.s32 v3  }
0x8b: {  	v3 =	vadd.f32 $-3.600000000e+01, v14;
	_ =	sdelay $0x1  }
0x8c: {  	[tilespmem:s6+$0xFFFFFEF0] =	vst v13;
	v3 =	vmax.f32 v3, $0.0e+00  }
0x8d: {  	v13 =	vld.idx.msk [tilespmem:v42+s11+$0x0], $0xffff;
	v3 =	vmin.f32 v3, $3.500000000e+01  }
0x8e: {  	[tilespmem:s9+$0xFFFFFE50] =	vst v15;
	v3 =	vtrunc.f32 v3  }
0x8f: {  	v14 =	vld.idx.msk [tilespmem:v7+s7+$0x0], $0xffff;
	v3 =	vcvt.f32.s32 v3  }
0x90: {  	s23 =	simm.s32 $0x100  }
0x91: {  	v15 =	vld [tilespmem:s23+$0x500]  }
0x92: {  	[tilespmem:s6+$0xFFFFFF00] =	vst v13  }
0x93: {  	v13 =	vld.idx.msk [tilespmem:v41+s11+$0x0], $0xffff  }
0x94: {  	[tilespmem:s9+$0xFFFFFE60] =	vst v14  }
0x95: {  	v14 =	vld.idx.msk [tilespmem:v3+s7+$0x0], $0xffff  }
0x96: {  	v15 =	vmul.f32 $3.500000000e+01, v15  }
0x97: {  	v16 =	vld [tilespmem:s23+$0x510]  }
0x98: {  	[tilespmem:s6+$0xFFFFFF10] =	vst v13;
	v13 =	vadd.f32 $3.600000000e+01, v15  }
0x99: {  	v15 =	vld.idx.msk [tilespmem:v40+s11+$0x0], $0xffff  }
0x9a: {  	[tilespmem:s9+$0xFFFFFE70] =	vst v14;
	v13 =	vadd.f32 $1.258291200e+07, v13  }
0x9b: {  	v14 =	vld.idx.msk [tilespmem:v0+s10+$0x0], $0xffff  }
0x9c: {  	v16 =	vmul.f32 $3.500000000e+01, v16;
	v13 =	vadd.f32 $-1.258291200e+07, v13  }
0x9d: {  	v17 =	vld [tilespmem:s23+$0x520]  }
0x9e: {  	[tilespmem:s6+$0xFFFFFF20] =	vst v15;
	v13 =	vadd.f32 $-3.600000000e+01, v13;
	v15 =	vadd.f32 $3.600000000e+01, v16  }
0x9f: {  	v16 =	vld.idx.msk [tilespmem:v12+s11+$0x0], $0xffff  }
0xa0: {  	[tilespmem:s9+$0xFFFFFE80] =	vst v14;
	v13 =	vmax.f32 v13, $0.0e+00;
	v14 =	vadd.f32 $1.258291200e+07, v15  }
0xa1: {  	v15 =	vld.idx.msk [tilespmem:v1+s10+$0x0], $0xffff;
	v13 =	vmin.f32 v13, $3.500000000e+01  }
0xa2: {  	v17 =	vmul.f32 $3.500000000e+01, v17;
	v13 =	vtrunc.f32 v13;
	v14 =	vadd.f32 $-1.258291200e+07, v14  }
0xa3: {  	v18 =	vld [tilespmem:s23+$0x530];
	v13 =	vcvt.f32.s32 v13  }
0xa4: {  	[tilespmem:s6+$0xFFFFFF30] =	vst v16;
	v14 =	vadd.f32 $-3.600000000e+01, v14;
	v16 =	vadd.f32 $3.600000000e+01, v17  }
0xa5: {  	v17 =	vld.idx.msk [tilespmem:v11+s11+$0x0], $0xffff  }
0xa6: {  	[tilespmem:s9+$0xFFFFFE90] =	vst v15;
	v14 =	vmax.f32 v14, $0.0e+00;
	v15 =	vadd.f32 $1.258291200e+07, v16  }
0xa7: {  	v16 =	vld.idx.msk [tilespmem:v2+s10+$0x0], $0xffff;
	v14 =	vmin.f32 v14, $3.500000000e+01  }
0xa8: {  	v20 =	vld [tilespmem:s23+$0x540];
	v18 =	vmul.f32 $3.500000000e+01, v18;
	v14 =	vtrunc.f32 v14;
	v15 =	vadd.f32 $-1.258291200e+07, v15  }
0xa9: {  	v21 =	vld.idx.msk [tilespmem:v13+s7+$0x0], $0xffff;
	v14 =	vcvt.f32.s32 v14  }
0xaa: {  	v19 =	vld [tilespmem:s23+$0x550];
	[tilespmem:s6+$0xFFFFFF40] =	vst v17;
	v15 =	vadd.f32 $-3.600000000e+01, v15;
	v17 =	vadd.f32 $3.600000000e+01, v18  }
0xab: {  	v18 =	vld.idx.msk [tilespmem:v10+s11+$0x0], $0xffff  }
0xac: {  	v22 =	vld [tilespmem:s23+$0x560];
	[tilespmem:s9+$0xFFFFFEA0] =	vst v16;
	v15 =	vmax.f32 v15, $0.0e+00;
	v16 =	vadd.f32 $1.258291200e+07, v17  }
0xad: {  	s19 =	simm.s32 $0x2F00;
	v17 =	vld.idx.msk [tilespmem:v4+s10+$0x0], $0xffff;
	v15 =	vmin.f32 v15, $3.500000000e+01  }
0xae: {  	v23 =	vld [tilespmem:s23+$0x570];
	v20 =	vmul.f32 $3.500000000e+01, v20;
	[tilespmem:s19+$0xFFFFFE00] =	vst v21;
	v15 =	vtrunc.f32 v15;
	v16 =	vadd.f32 $-1.258291200e+07, v16  }
0xaf: {  	v21 =	vld.idx.msk [tilespmem:v14+s7+$0x0], $0xffff;
	v15 =	vcvt.f32.s32 v15  }
0xb0: {  	[tilespmem:s6+$0xFFFFFF50] =	vst v18;
	v16 =	vadd.f32 $-3.600000000e+01, v16;
	v18 =	vadd.f32 $3.600000000e+01, v20  }
0xb1: {  	v20 =	vld.idx.msk [tilespmem:v9+s11+$0x0], $0xffff  }
0xb2: {  	[tilespmem:s9+$0xFFFFFEB0] =	vst v17;
	v16 =	vmax.f32 v16, $0.0e+00;
	v17 =	vadd.f32 $1.258291200e+07, v18  }
0xb3: {  	v18 =	vld.idx.msk [tilespmem:v5+s10+$0x0], $0xffff;
	v16 =	vmin.f32 v16, $3.500000000e+01  }
0xb4: {  	v19 =	vmul.f32 $3.500000000e+01, v19;
	[tilespmem:s19+$0xFFFFFE10] =	vst v21;
	v16 =	vtrunc.f32 v16;
	v17 =	vadd.f32 $-1.258291200e+07, v17  }
0xb5: {  	v21 =	vld.idx.msk [tilespmem:v15+s7+$0x0], $0xffff;
	v16 =	vcvt.f32.s32 v16  }
0xb6: {  	v19 =	vadd.f32 $3.600000000e+01, v19;
	[tilespmem:s6+$0xFFFFFF60] =	vst v20;
	v17 =	vadd.f32 $-3.600000000e+01, v17  }
0xb7: {  	v20 =	vld.idx.msk [tilespmem:v8+s11+$0x0], $0xffff  }
0xb8: {  	[tilespmem:s9+$0xFFFFFEC0] =	vst v18;
	v17 =	vmax.f32 v17, $0.0e+00;
	v18 =	vadd.f32 $1.258291200e+07, v19  }
0xb9: {  	v19 =	vld.idx.msk [tilespmem:v6+s10+$0x0], $0xffff;
	v17 =	vmin.f32 v17, $3.500000000e+01  }
0xba: {  	[tilespmem:s19+$0xFFFFFE20] =	vst v21;
	v17 =	vtrunc.f32 v17;
	v18 =	vadd.f32 $-1.258291200e+07, v18;
	v21 =	vmul.f32 $3.500000000e+01, v22  }
0xbb: {  	v22 =	vld.idx.msk [tilespmem:v16+s7+$0x0], $0xffff;
	v17 =	vcvt.f32.s32 v17  }
0xbc: {  	[tilespmem:s6+$0xFFFFFF70] =	vst v20;
	v18 =	vadd.f32 $-3.600000000e+01, v18;
	v20 =	vadd.f32 $3.600000000e+01, v21  }
0xbd: {  	v21 =	vld.idx.msk [tilespmem:v42+s12+$0x0], $0xffff  }
0xbe: {  	[tilespmem:s9+$0xFFFFFED0] =	vst v19;
	v18 =	vmax.f32 v18, $0.0e+00;
	v19 =	vadd.f32 $1.258291200e+07, v20  }
0xbf: {  	v20 =	vld.idx.msk [tilespmem:v7+s10+$0x0], $0xffff;
	v18 =	vmin.f32 v18, $3.500000000e+01  }
0xc0: {  	[tilespmem:s19+$0xFFFFFE30] =	vst v22;
	v18 =	vtrunc.f32 v18;
	v19 =	vadd.f32 $-1.258291200e+07, v19;
	v22 =	vmul.f32 $3.500000000e+01, v23  }
0xc1: {  	v23 =	vld.idx.msk [tilespmem:v17+s7+$0x0], $0xffff;
	v18 =	vcvt.f32.s32 v18  }
0xc2: {  	[tilespmem:s6+$0xFFFFFF80] =	vst v21;
	v19 =	vadd.f32 $-3.600000000e+01, v19;
	v21 =	vadd.f32 $3.600000000e+01, v22  }
0xc3: {  	v22 =	vld.idx.msk [tilespmem:v41+s12+$0x0], $0xffff  }
0xc4: {  	[tilespmem:s9+$0xFFFFFEE0] =	vst v20;
	v19 =	vmax.f32 v19, $0.0e+00;
	v20 =	vadd.f32 $1.258291200e+07, v21  }
0xc5: {  	v21 =	vld.idx.msk [tilespmem:v3+s10+$0x0], $0xffff;
	v19 =	vmin.f32 v19, $3.500000000e+01  }
0xc6: {  	[tilespmem:s19+$0xFFFFFE40] =	vst v23;
	v19 =	vtrunc.f32 v19;
	v20 =	vadd.f32 $-1.258291200e+07, v20  }
0xc7: {  	v23 =	vld.idx.msk [tilespmem:v18+s7+$0x0], $0xffff;
	v19 =	vcvt.f32.s32 v19  }
0xc8: {  	[tilespmem:s6+$0xFFFFFF90] =	vst v22;
	v20 =	vadd.f32 $-3.600000000e+01, v20  }
0xc9: {  	v22 =	vld.idx.msk [tilespmem:v40+s12+$0x0], $0xffff  }
0xca: {  	[tilespmem:s9+$0xFFFFFEF0] =	vst v21;
	v20 =	vmax.f32 v20, $0.0e+00  }
0xcb: {  	v21 =	vld.idx.msk [tilespmem:v0+s11+$0x0], $0xffff;
	v20 =	vmin.f32 v20, $3.500000000e+01  }
0xcc: {  	[tilespmem:s19+$0xFFFFFE50] =	vst v23;
	v20 =	vtrunc.f32 v20  }
0xcd: {  	s24 =	simm.s32 $0x180;
	v23 =	vld.idx.msk [tilespmem:v19+s7+$0x0], $0xffff;
	v20 =	vcvt.f32.s32 v20  }
0xce: {  	v24 =	vld [tilespmem:s24+$0x500];
	[tilespmem:s6+$0xFFFFFFA0] =	vst v22  }
0xcf: {  	v22 =	vld.idx.msk [tilespmem:v12+s12+$0x0], $0xffff  }
0xd0: {  	[tilespmem:s9+$0xFFFFFF00] =	vst v21  }
0xd1: {  	v21 =	vld.idx.msk [tilespmem:v1+s11+$0x0], $0xffff  }
0xd2: {  	[tilespmem:s19+$0xFFFFFE60] =	vst v23  }
0xd3: {  	v24 =	vmul.f32 $3.500000000e+01, v24;
	v23 =	vld.idx.msk [tilespmem:v20+s7+$0x0], $0xffff  }
0xd4: {  	v25 =	vld [tilespmem:s24+$0x510];
	[tilespmem:s6+$0xFFFFFFB0] =	vst v22  }
0xd5: {  	v24 =	vadd.f32 $3.600000000e+01, v24;
	v22 =	vld.idx.msk [tilespmem:v11+s12+$0x0], $0xffff  }
0xd6: {  	[tilespmem:s9+$0xFFFFFF10] =	vst v21  }
0xd7: {  	v24 =	vadd.f32 $1.258291200e+07, v24;
	v21 =	vld.idx.msk [tilespmem:v2+s11+$0x0], $0xffff  }
0xd8: {  	[tilespmem:s19+$0xFFFFFE70] =	vst v23  }
0xd9: {  	v25 =	vmul.f32 $3.500000000e+01, v25;
	v24 =	vadd.f32 $-1.258291200e+07, v24;
	v23 =	vld.idx.msk [tilespmem:v13+s10+$0x0], $0xffff  }
0xda: {  	v26 =	vld [tilespmem:s24+$0x520];
	[tilespmem:s6+$0xFFFFFFC0] =	vst v22  }
0xdb: {  	v25 =	vadd.f32 $3.600000000e+01, v25;
	v24 =	vadd.f32 $-3.600000000e+01, v24;
	v22 =	vld.idx.msk [tilespmem:v10+s12+$0x0], $0xffff  }
0xdc: {  	[tilespmem:s9+$0xFFFFFF20] =	vst v21  }
0xdd: {  	v21 =	vmax.f32 v24, $0.0e+00;
	v24 =	vadd.f32 $1.258291200e+07, v25;
	v27 =	vld.idx.msk [tilespmem:v4+s11+$0x0], $0xffff  }
0xde: {  	v21 =	vmin.f32 v21, $3.500000000e+01;
	[tilespmem:s19+$0xFFFFFE80] =	vst v23  }
0xdf: {  	v25 =	vmul.f32 $3.500000000e+01, v26;
	v21 =	vtrunc.f32 v21;
	v24 =	vadd.f32 $-1.258291200e+07, v24;
	v23 =	vld.idx.msk [tilespmem:v14+s10+$0x0], $0xffff  }
0xe0: {  	v26 =	vld [tilespmem:s24+$0x530];
	v21 =	vcvt.f32.s32 v21;
	[tilespmem:s6+$0xFFFFFFD0] =	vst v22  }
0xe1: {  	v25 =	vadd.f32 $3.600000000e+01, v25;
	v24 =	vadd.f32 $-3.600000000e+01, v24;
	v22 =	vld.idx.msk [tilespmem:v9+s12+$0x0], $0xffff  }
0xe2: {  	v28 =	vld [tilespmem:s24+$0x550];
	[tilespmem:s9+$0xFFFFFF30] =	vst v27  }
0xe3: {  	v25 =	vadd.f32 $1.258291200e+07, v25;
	v24 =	vmax.f32 v24, $0.0e+00;
	v27 =	vld.idx.msk [tilespmem:v5+s11+$0x0], $0xffff  }
0xe4: {  	v29 =	vld [tilespmem:s24+$0x540];
	[tilespmem:s19+$0xFFFFFE90] =	vst v23;
	v23 =	vmin.f32 v24, $3.500000000e+01  }
0xe5: {  	v26 =	vmul.f32 $3.500000000e+01, v26;
	v25 =	vadd.f32 $-1.258291200e+07, v25;
	v24 =	vld.idx.msk [tilespmem:v15+s10+$0x0], $0xffff;
	v23 =	vtrunc.f32 v23  }
0xe6: {  	v30 =	vld.idx.msk [tilespmem:v21+s7+$0x0], $0xffff;
	[tilespmem:s6+$0xFFFFFFE0] =	vst v22;
	v22 =	vcvt.f32.s32 v23  }
0xe7: {  	v26 =	vadd.f32 $3.600000000e+01, v26;
	v25 =	vadd.f32 $-3.600000000e+01, v25;
	v23 =	vld.idx.msk [tilespmem:v8+s12+$0x0], $0xffff  }
0xe8: {  	v31 =	vld [tilespmem:s24+$0x560];
	[tilespmem:s9+$0xFFFFFF40] =	vst v27  }
0xe9: {  	v26 =	vadd.f32 $1.258291200e+07, v26;
	v25 =	vmax.f32 v25, $0.0e+00;
	v27 =	vld.idx.msk [tilespmem:v6+s11+$0x0], $0xffff  }
0xea: {  	v32 =	vld [tilespmem:s24+$0x570];
	s20 =	simm.s32 $0x3300;
	[tilespmem:s19+$0xFFFFFEA0] =	vst v24;
	v24 =	vmin.f32 v25, $3.500000000e+01  }
0xeb: {  	v29 =	vmul.f32 $3.500000000e+01, v29;
	v26 =	vadd.f32 $-1.258291200e+07, v26;
	[tilespmem:s20+$0xFFFFFE00] =	vst v30;
	v25 =	vld.idx.msk [tilespmem:v16+s10+$0x0], $0xffff;
	v24 =	vtrunc.f32 v24  }
0xec: {  	v30 =	vld.idx.msk [tilespmem:v22+s7+$0x0], $0xffff;
	[tilespmem:s6+$0xFFFFFFF0] =	vst v23;
	v23 =	vcvt.f32.s32 v24  }
0xed: {  	v29 =	vadd.f32 $3.600000000e+01, v29;
	v26 =	vadd.f32 $-3.600000000e+01, v26;
	v24 =	vld.idx.msk [tilespmem:v42+s13+$0x0], $0xffff  }
0xee: {  	[tilespmem:s9+$0xFFFFFF50] =	vst v27  }
0xef: {  	v29 =	vadd.f32 $1.258291200e+07, v29;
	v26 =	vmax.f32 v26, $0.0e+00;
	v27 =	vld.idx.msk [tilespmem:v7+s11+$0x0], $0xffff  }
0xf0: {  	[tilespmem:s19+$0xFFFFFEB0] =	vst v25;
	v25 =	vmin.f32 v26, $3.500000000e+01  }
0xf1: {  	v28 =	vmul.f32 $3.500000000e+01, v28;
	v29 =	vadd.f32 $-1.258291200e+07, v29;
	v26 =	vld.idx.msk [tilespmem:v17+s10+$0x0], $0xffff;
	[tilespmem:s20+$0xFFFFFE10] =	vst v30;
	v25 =	vtrunc.f32 v25  }
0xf2: {  	v30 =	vld.idx.msk [tilespmem:v23+s7+$0x0], $0xffff;
	[tilespmem:s6+$0x0] =	vst v24;
	v24 =	vcvt.f32.s32 v25  }
0xf3: {  	v28 =	vadd.f32 $3.600000000e+01, v28;
	v29 =	vadd.f32 $-3.600000000e+01, v29;
	v25 =	vld.idx.msk [tilespmem:v41+s13+$0x0], $0xffff  }
0xf4: {  	[tilespmem:s9+$0xFFFFFF60] =	vst v27  }
0xf5: {  	v28 =	vadd.f32 $1.258291200e+07, v28;
	v29 =	vmax.f32 v29, $0.0e+00;
	v27 =	vld.idx.msk [tilespmem:v3+s11+$0x0], $0xffff  }
0xf6: {  	[tilespmem:s19+$0xFFFFFEC0] =	vst v26;
	v26 =	vmin.f32 v29, $3.500000000e+01  }
0xf7: {  	v28 =	vadd.f32 $-1.258291200e+07, v28;
	v29 =	vld.idx.msk [tilespmem:v18+s10+$0x0], $0xffff;
	[tilespmem:s20+$0xFFFFFE20] =	vst v30;
	v26 =	vtrunc.f32 v26;
	v30 =	vmul.f32 $3.500000000e+01, v31  }
0xf8: {  	v31 =	vld.idx.msk [tilespmem:v24+s7+$0x0], $0xffff;
	[tilespmem:s6+$0x10] =	vst v25;
	v25 =	vcvt.f32.s32 v26  }
0xf9: {  	v28 =	vadd.f32 $-3.600000000e+01, v28;
	v26 =	vld.idx.msk [tilespmem:v40+s13+$0x0], $0xffff;
	v30 =	vadd.f32 $3.600000000e+01, v30  }
0xfa: {  	[tilespmem:s9+$0xFFFFFF70] =	vst v27  }
0xfb: {  	v28 =	vmax.f32 v28, $0.0e+00;
	v27 =	vld.idx.msk [tilespmem:v0+s12+$0x0], $0xffff;
	v30 =	vadd.f32 $1.258291200e+07, v30  }
0xfc: {  	v28 =	vmin.f32 v28, $3.500000000e+01;
	[tilespmem:s19+$0xFFFFFED0] =	vst v29  }
0xfd: {  	v28 =	vtrunc.f32 v28;
	v29 =	vld.idx.msk [tilespmem:v19+s10+$0x0], $0xffff;
	[tilespmem:s20+$0xFFFFFE30] =	vst v31;
	v30 =	vadd.f32 $-1.258291200e+07, v30;
	v31 =	vmul.f32 $3.500000000e+01, v32  }
0xfe: {  	v55 =	vld.idx.msk [tilespmem:v25+s7+$0x0], $0xffff;
	[tilespmem:s6+$0x20] =	vst v26;
	v26 =	vcvt.f32.s32 v28  }
0xff: {  	v28 =	vld.idx.msk [tilespmem:v12+s13+$0x0], $0xffff;
	v30 =	vadd.f32 $-3.600000000e+01, v30;
	v31 =	vadd.f32 $3.600000000e+01, v31  }
0x100: {  	[tilespmem:s9+$0xFFFFFF80] =	vst v27  }
0x101: {  	v33 =	vld.idx.msk [tilespmem:v1+s12+$0x0], $0xffff;
	v27 =	vmax.f32 v30, $0.0e+00;
	v30 =	vadd.f32 $1.258291200e+07, v31  }
0x102: {  	[tilespmem:s19+$0xFFFFFEE0] =	vst v29;
	v27 =	vmin.f32 v27, $3.500000000e+01  }
0x103: {  	v29 =	vld.idx.msk [tilespmem:v20+s10+$0x0], $0xffff;
	[tilespmem:s20+$0xFFFFFE40] =	vst v55;
	v27 =	vtrunc.f32 v27;
	v30 =	vadd.f32 $-1.258291200e+07, v30  }
0x104: {  	v31 =	vld.idx.msk [tilespmem:v26+s7+$0x0], $0xffff;
	[tilespmem:s6+$0x30] =	vst v28;
	v27 =	vcvt.f32.s32 v27  }
0x105: {  	v28 =	vld.idx.msk [tilespmem:v11+s13+$0x0], $0xffff;
	v30 =	vadd.f32 $-3.600000000e+01, v30  }
0x106: {  	[tilespmem:s9+$0xFFFFFF90] =	vst v33  }
0x107: {  	v56 =	vld.idx.msk [tilespmem:v2+s12+$0x0], $0xffff;
	v30 =	vmax.f32 v30, $0.0e+00  }
0x108: {  	[tilespmem:s19+$0xFFFFFEF0] =	vst v29;
	v29 =	vmin.f32 v30, $3.500000000e+01  }
0x109: {  	v30 =	vld.idx.msk [tilespmem:v13+s11+$0x0], $0xffff;
	[tilespmem:s20+$0xFFFFFE50] =	vst v31;
	v29 =	vtrunc.f32 v29  }
0x10a: {  	v31 =	vld.idx.msk [tilespmem:v27+s7+$0x0], $0xffff;
	[tilespmem:s6+$0x40] =	vst v28;
	v28 =	vcvt.f32.s32 v29  }
0x10b: {  	s26 =	simm.s32 $0x200;
	v29 =	vld.idx.msk [tilespmem:v10+s13+$0x0], $0xffff  }
0x10c: {  	v57 =	vld [tilespmem:s26+$0x500];
	[tilespmem:s9+$0xFFFFFFA0] =	vst v56  }
0x10d: {  	v32 =	vld.idx.msk [tilespmem:v4+s12+$0x0], $0xffff  }
0x10e: {  	[tilespmem:s19+$0xFFFFFF00] =	vst v30  }
0x10f: {  	v30 =	vld.idx.msk [tilespmem:v14+s11+$0x0], $0xffff;
	[tilespmem:s20+$0xFFFFFE60] =	vst v31  }
0x110: {  	v31 =	vld.idx.msk [tilespmem:v28+s7+$0x0], $0xffff;
	[tilespmem:s6+$0x50] =	vst v29  }
0x111: {  	v33 =	vmul.f32 $3.500000000e+01, v57;
	v29 =	vld.idx.msk [tilespmem:v9+s13+$0x0], $0xffff  }
0x112: {  	v34 =	vld [tilespmem:s26+$0x510];
	[tilespmem:s9+$0xFFFFFFB0] =	vst v32  }
0x113: {  	v33 =	vadd.f32 $3.600000000e+01, v33;
	v32 =	vld.idx.msk [tilespmem:v5+s12+$0x0], $0xffff  }
0x114: {  	v35 =	vld [tilespmem:s26+$0x550];
	[tilespmem:s19+$0xFFFFFF10] =	vst v30  }
0x115: {  	v30 =	vld.idx.msk [tilespmem:v15+s11+$0x0], $0xffff;
	[tilespmem:s20+$0xFFFFFE70] =	vst v31;
	v31 =	vadd.f32 $1.258291200e+07, v33  }
0x116: {  	v58 =	vld.idx.msk [tilespmem:v21+s10+$0x0], $0xffff;
	[tilespmem:s6+$0x60] =	vst v29  }
0x117: {  	v34 =	vmul.f32 $3.500000000e+01, v34;
	v29 =	vld.idx.msk [tilespmem:v8+s13+$0x0], $0xffff;
	v31 =	vadd.f32 $-1.258291200e+07, v31  }
0x118: {  	v36 =	vld [tilespmem:s26+$0x520];
	[tilespmem:s9+$0xFFFFFFC0] =	vst v32  }
0x119: {  	v34 =	vadd.f32 $3.600000000e+01, v34;
	v32 =	vld.idx.msk [tilespmem:v6+s12+$0x0], $0xffff;
	v31 =	vadd.f32 $-3.600000000e+01, v31  }
0x11a: {  	v37 =	vld [tilespmem:s26+$0x560];
	[tilespmem:s19+$0xFFFFFF20] =	vst v30  }
0x11b: {  	v59 =	vadd.f32 $1.258291200e+07, v34;
	v30 =	vld.idx.msk [tilespmem:v16+s11+$0x0], $0xffff;
	[tilespmem:s20+$0xFFFFFE80] =	vst v58;
	v31 =	vmax.f32 v31, $0.0e+00  }
0x11c: {  	v60 =	vld.idx.msk [tilespmem:v22+s10+$0x0], $0xffff;
	[tilespmem:s6+$0x70] =	vst v29;
	v29 =	vmin.f32 v31, $3.500000000e+01  }
0x11d: {  	v36 =	vmul.f32 $3.500000000e+01, v36;
	v33 =	vadd.f32 $-1.258291200e+07, v59;
	v31 =	vld.idx.msk [tilespmem:v42+s14+$0x0], $0xffff;
	v29 =	vtrunc.f32 v29  }
0x11e: {  	v38 =	vld [tilespmem:s26+$0x530];
	[tilespmem:s9+$0xFFFFFFD0] =	vst v32;
	v29 =	vcvt.f32.s32 v29  }
0x11f: {  	v36 =	vadd.f32 $3.600000000e+01, v36;
	v33 =	vadd.f32 $-3.600000000e+01, v33;
	v32 =	vld.idx.msk [tilespmem:v7+s12+$0x0], $0xffff  }
0x120: {  	v39 =	vld [tilespmem:s26+$0x540];
	[tilespmem:s19+$0xFFFFFF30] =	vst v30  }
0x121: {  	v61 =	vadd.f32 $1.258291200e+07, v36;
	v30 =	vmax.f32 v33, $0.0e+00;
	v43 =	vld.idx.msk [tilespmem:v17+s11+$0x0], $0xffff;
	[tilespmem:s20+$0xFFFFFE90] =	vst v60  }
0x122: {  	v30 =	vmin.f32 v30, $3.500000000e+01;
	v34 =	vld.idx.msk [tilespmem:v23+s10+$0x0], $0xffff;
	[tilespmem:s6+$0x80] =	vst v31  }
0x123: {  	v62 =	vmul.f32 $3.500000000e+01, v38;
	v33 =	vadd.f32 $-1.258291200e+07, v61;
	v30 =	vtrunc.f32 v30;
	v31 =	vld.idx.msk [tilespmem:v41+s14+$0x0], $0xffff  }
0x124: {  	v30 =	vcvt.f32.s32 v30;
	v63 =	vld.idx.msk [tilespmem:v29+s7+$0x0], $0xffff;
	[tilespmem:s9+$0xFFFFFFE0] =	vst v32  }
0x125: {  	v36 =	vadd.f32 $3.600000000e+01, v62;
	v33 =	vadd.f32 $-3.600000000e+01, v33;
	v32 =	vld.idx.msk [tilespmem:v3+s12+$0x0], $0xffff  }
0x126: {  	v46 =	vld [tilespmem:s26+$0x570];
	[tilespmem:s19+$0xFFFFFF40] =	vst v43  }
0x127: {  	v48 =	vadd.f32 $1.258291200e+07, v36;
	v33 =	vmax.f32 v33, $0.0e+00;
	v43 =	vld.idx.msk [tilespmem:v18+s11+$0x0], $0xffff;
	[tilespmem:s20+$0xFFFFFEA0] =	vst v34  }
0x128: {  	s2 =	simm.s32 $0x3700;
	v49 =	vld.idx.msk [tilespmem:v24+s10+$0x0], $0xffff;
	[tilespmem:s6+$0x90] =	vst v31;
	v31 =	vmin.f32 v33, $3.500000000e+01  }
0x129: {  	v51 =	vmul.f32 $3.500000000e+01, v39;
	v34 =	vadd.f32 $-1.258291200e+07, v48;
	[tilespmem:s2+$0xFFFFFE00] =	vst v63;
	v50 =	vld.idx.msk [tilespmem:v40+s14+$0x0], $0xffff;
	v31 =	vtrunc.f32 v31  }
0x12a: {  	v52 =	vld.idx.msk [tilespmem:v30+s7+$0x0], $0xffff;
	[tilespmem:s9+$0xFFFFFFF0] =	vst v32;
	v31 =	vcvt.f32.s32 v31  }
0x12b: {  	v38 =	vadd.f32 $3.600000000e+01, v51;
	v34 =	vadd.f32 $-3.600000000e+01, v34;
	v32 =	vld.idx.msk [tilespmem:v0+s13+$0x0], $0xffff  }
0x12c: {  	[tilespmem:s19+$0xFFFFFF50] =	vst v43  }
0x12d: {  	v53 =	vadd.f32 $1.258291200e+07, v38;
	v34 =	vmax.f32 v34, $0.0e+00;
	v43 =	vld.idx.msk [tilespmem:v19+s11+$0x0], $0xffff;
	[tilespmem:s20+$0xFFFFFEB0] =	vst v49  }
0x12e: {  	v55 =	vmin.f32 v34, $3.500000000e+01;
	v54 =	vld.idx.msk [tilespmem:v25+s10+$0x0], $0xffff;
	[tilespmem:s6+$0xA0] =	vst v50  }
0x12f: {  	v35 =	vmul.f32 $3.500000000e+01, v35;
	v36 =	vadd.f32 $-1.258291200e+07, v53;
	v33 =	vtrunc.f32 v55;
	[tilespmem:s2+$0xFFFFFE10] =	vst v52;
	v56 =	vld.idx.msk [tilespmem:v12+s14+$0x0], $0xffff  }
0x130: {  	v39 =	vld.idx.msk [tilespmem:v31+s7+$0x0], $0xffff;
	[tilespmem:s9+$0x0] =	vst v32;
	v32 =	vcvt.f32.s32 v33  }
0x131: {  	s31 =	simm.s32 $0x280;
	v35 =	vadd.f32 $3.600000000e+01, v35;
	v36 =	vadd.f32 $-3.600000000e+01, v36;
	v57 =	vld.idx.msk [tilespmem:v1+s13+$0x0], $0xffff  }
0x132: {  	v44 =	vld [tilespmem:s31+$0x550];
	[tilespmem:s19+$0xFFFFFF60] =	vst v43  }
0x133: {  	v35 =	vadd.f32 $1.258291200e+07, v35;
	v36 =	vmax.f32 v36, $0.0e+00;
	v43 =	vld.idx.msk [tilespmem:v20+s11+$0x0], $0xffff;
	[tilespmem:s20+$0xFFFFFEC0] =	vst v54  }
0x134: {  	v58 =	vmin.f32 v36, $3.500000000e+01;
	v38 =	vld.idx.msk [tilespmem:v26+s10+$0x0], $0xffff;
	[tilespmem:s6+$0xB0] =	vst v56  }
0x135: {  	v37 =	vmul.f32 $3.500000000e+01, v37;
	v35 =	vadd.f32 $-1.258291200e+07, v35;
	v34 =	vtrunc.f32 v58;
	[tilespmem:s2+$0xFFFFFE20] =	vst v39;
	v59 =	vld.idx.msk [tilespmem:v11+s14+$0x0], $0xffff  }
0x136: {  	v33 =	vcvt.f32.s32 v34;
	v39 =	vld.idx.msk [tilespmem:v32+s7+$0x0], $0xffff;
	[tilespmem:s9+$0x10] =	vst v57  }
0x137: {  	v37 =	vadd.f32 $3.600000000e+01, v37;
	v35 =	vadd.f32 $-3.600000000e+01, v35;
	v60 =	vld.idx.msk [tilespmem:v2+s13+$0x0], $0xffff  }
0x138: {  	v45 =	vld [tilespmem:s31+$0x560];
	[tilespmem:s19+$0xFFFFFF70] =	vst v43  }
0x139: {  	v37 =	vadd.f32 $1.258291200e+07, v37;
	v35 =	vmax.f32 v35, $0.0e+00;
	v43 =	vld.idx.msk [tilespmem:v13+s12+$0x0], $0xffff;
	[tilespmem:s20+$0xFFFFFED0] =	vst v38  }
0x13a: {  	v35 =	vmin.f32 v35, $3.500000000e+01;
	v38 =	vld.idx.msk [tilespmem:v27+s10+$0x0], $0xffff;
	[tilespmem:s6+$0xC0] =	vst v59  }
0x13b: {  	v37 =	vadd.f32 $-1.258291200e+07, v37;
	v35 =	vtrunc.f32 v35;
	v61 =	vmul.f32 $3.500000000e+01, v46;
	[tilespmem:s2+$0xFFFFFE30] =	vst v39;
	v36 =	vld.idx.msk [tilespmem:v10+s14+$0x0], $0xffff  }
0x13c: {  	v34 =	vcvt.f32.s32 v35;
	v62 =	vld.idx.msk [tilespmem:v33+s7+$0x0], $0xffff;
	[tilespmem:s9+$0x20] =	vst v60  }
0x13d: {  	v37 =	vadd.f32 $-3.600000000e+01, v37;
	v39 =	vadd.f32 $3.600000000e+01, v61;
	v63 =	vld.idx.msk [tilespmem:v4+s13+$0x0], $0xffff  }
0x13e: {  	v48 =	vld [tilespmem:s31+$0x570];
	[tilespmem:s19+$0xFFFFFF80] =	vst v43  }
0x13f: {  	v37 =	vmax.f32 v37, $0.0e+00;
	v47 =	vadd.f32 $1.258291200e+07, v39;
	v43 =	vld.idx.msk [tilespmem:v14+s12+$0x0], $0xffff;
	[tilespmem:s20+$0xFFFFFEE0] =	vst v38  }
0x140: {  	v50 =	vmin.f32 v37, $3.500000000e+01;
	v49 =	vld.idx.msk [tilespmem:v28+s10+$0x0], $0xffff;
	[tilespmem:s6+$0xD0] =	vst v36  }
0x141: {  	v38 =	vadd.f32 $-1.258291200e+07, v47;
	v36 =	vtrunc.f32 v50;
	[tilespmem:s2+$0xFFFFFE40] =	vst v62;
	v51 =	vld.idx.msk [tilespmem:v9+s14+$0x0], $0xffff  }
0x142: {  	v35 =	vcvt.f32.s32 v36;
	v46 =	vld.idx.msk [tilespmem:v34+s7+$0x0], $0xffff;
	[tilespmem:s9+$0x30] =	vst v63  }
0x143: {  	v38 =	vadd.f32 $-3.600000000e+01, v38;
	v52 =	vld.idx.msk [tilespmem:v5+s13+$0x0], $0xffff  }
0x144: {  	v50 =	vld [tilespmem:s31+$0x510];
	[tilespmem:s19+$0xFFFFFF90] =	vst v43  }
0x145: {  	v38 =	vmax.f32 v38, $0.0e+00;
	v43 =	vld.idx.msk [tilespmem:v15+s12+$0x0], $0xffff;
	[tilespmem:s20+$0xFFFFFEF0] =	vst v49  }
0x146: {  	v53 =	vmin.f32 v38, $3.500000000e+01;
	v39 =	vld.idx.msk [tilespmem:v21+s11+$0x0], $0xffff;
	[tilespmem:s6+$0xE0] =	vst v51  }
0x147: {  	v37 =	vtrunc.f32 v53;
	[tilespmem:s2+$0xFFFFFE50] =	vst v46;
	v54 =	vld.idx.msk [tilespmem:v8+s14+$0x0], $0xffff  }
0x148: {  	v36 =	vcvt.f32.s32 v37;
	v46 =	vld.idx.msk [tilespmem:v35+s7+$0x0], $0xffff;
	[tilespmem:s9+$0x40] =	vst v52  }
0x149: {  	v55 =	vld.idx.msk [tilespmem:v6+s13+$0x0], $0xffff  }
0x14a: {  	v49 =	vld [tilespmem:s31+$0x500];
	[tilespmem:s19+$0xFFFFFFA0] =	vst v43  }
0x14b: {  	v43 =	vld.idx.msk [tilespmem:v16+s12+$0x0], $0xffff;
	[tilespmem:s20+$0xFFFFFF00] =	vst v39  }
0x14c: {  	v39 =	vld.idx.msk [tilespmem:v22+s11+$0x0], $0xffff;
	[tilespmem:s6+$0xF0] =	vst v54  }
0x14d: {  	[tilespmem:s2+$0xFFFFFE60] =	vst v46;
	v38 =	vld.idx.msk [tilespmem:v42+s15+$0x0], $0xffff  }
0x14e: {  	v46 =	vld.idx.msk [tilespmem:v36+s7+$0x0], $0xffff;
	[tilespmem:s9+$0x50] =	vst v55  }
0x14f: {  	v49 =	vmul.f32 $3.500000000e+01, v49;
	v37 =	vld.idx.msk [tilespmem:v7+s13+$0x0], $0xffff  }
0x150: {  	v51 =	vld [tilespmem:s31+$0x520];
	[tilespmem:s19+$0xFFFFFFB0] =	vst v43  }
0x151: {  	v56 =	vadd.f32 $3.600000000e+01, v49;
	v43 =	vld.idx.msk [tilespmem:v17+s12+$0x0], $0xffff;
	[tilespmem:s20+$0xFFFFFF10] =	vst v39  }
0x152: {  	v57 =	vld.idx.msk [tilespmem:v23+s11+$0x0], $0xffff;
	[tilespmem:s6+$0x100] =	vst v38  }
0x153: {  	v39 =	vadd.f32 $1.258291200e+07, v56;
	[tilespmem:s2+$0xFFFFFE70] =	vst v46;
	v38 =	vld.idx.msk [tilespmem:v41+s15+$0x0], $0xffff  }
0x154: {  	v50 =	vmul.f32 $3.500000000e+01, v50;
	v46 =	vld.idx.msk [tilespmem:v29+s10+$0x0], $0xffff;
	[tilespmem:s9+$0x60] =	vst v37  }
0x155: {  	v39 =	vadd.f32 $-1.258291200e+07, v39;
	v37 =	vld.idx.msk [tilespmem:v3+s13+$0x0], $0xffff  }
0x156: {  	v47 =	vld [tilespmem:s31+$0x540];
	v58 =	vadd.f32 $3.600000000e+01, v50;
	[tilespmem:s19+$0xFFFFFFC0] =	vst v43  }
0x157: {  	v39 =	vadd.f32 $-3.600000000e+01, v39;
	v43 =	vld.idx.msk [tilespmem:v18+s12+$0x0], $0xffff;
	[tilespmem:s20+$0xFFFFFF20] =	vst v57  }
0x158: {  	v60 =	vadd.f32 $1.258291200e+07, v58;
	v51 =	vmul.f32 $3.500000000e+01, v51;
	v59 =	vld.idx.msk [tilespmem:v24+s11+$0x0], $0xffff;
	[tilespmem:s6+$0x110] =	vst v38  }
0x159: {  	v39 =	vmax.f32 v39, $0.0e+00;
	[tilespmem:s2+$0xFFFFFE80] =	vst v46;
	v38 =	vld.idx.msk [tilespmem:v40+s15+$0x0], $0xffff  }
0x15a: {  	v56 =	vadd.f32 $3.600000000e+01, v51;
	v62 =	vmin.f32 v39, $3.500000000e+01;
	v46 =	vadd.f32 $-1.258291200e+07, v60;
	v61 =	vld.idx.msk [tilespmem:v30+s10+$0x0], $0xffff;
	[tilespmem:s9+$0x70] =	vst v37  }
0x15b: {  	v37 =	vtrunc.f32 v62;
	v63 =	vld.idx.msk [tilespmem:v0+s14+$0x0], $0xffff  }
0x15c: {  	v52 =	vld [tilespmem:s31+$0x530];
	v60 =	vadd.f32 $1.258291200e+07, v56;
	v37 =	vcvt.f32.s32 v37;
	v46 =	vadd.f32 $-3.600000000e+01, v46;
	[tilespmem:s19+$0xFFFFFFD0] =	vst v43  }
0x15d: {  	v43 =	vld.idx.msk [tilespmem:v19+s12+$0x0], $0xffff;
	[tilespmem:s20+$0xFFFFFF30] =	vst v59  }
0x15e: {  	v59 =	vmax.f32 v46, $0.0e+00;
	v46 =	vadd.f32 $-1.258291200e+07, v60;
	v57 =	vld.idx.msk [tilespmem:v25+s11+$0x0], $0xffff;
	[tilespmem:s6+$0x120] =	vst v38  }
0x15f: {  	[tilespmem:s2+$0xFFFFFE90] =	vst v61;
	v58 =	vld.idx.msk [tilespmem:v12+s15+$0x0], $0xffff  }
0x160: {  	v46 =	vadd.f32 $-3.600000000e+01, v46;
	v61 =	vld.idx.msk [tilespmem:v31+s10+$0x0], $0xffff;
	[tilespmem:s9+$0x80] =	vst v63  }
0x161: {  	v47 =	vmul.f32 $3.500000000e+01, v47;
	v38 =	vmin.f32 v59, $3.500000000e+01;
	v39 =	vld.idx.msk [tilespmem:v1+s14+$0x0], $0xffff  }
0x162: {  	s26 =	simm.s32 $0x300;
	v62 =	vmul.f32 $3.500000000e+01, v52;
	v38 =	vtrunc.f32 v38;
	v53 =	vld.idx.msk [tilespmem:v37+s7+$0x0], $0xffff;
	v46 =	vmax.f32 v46, $0.0e+00  }
0x163: {  	v47 =	vadd.f32 $3.600000000e+01, v47;
	v38 =	vcvt.f32.s32 v38;
	[tilespmem:s19+$0xFFFFFFE0] =	vst v43;
	v55 =	vmin.f32 v46, $3.500000000e+01;
	v46 =	vld [tilespmem:s26+$0x550]  }
0x164: {  	v43 =	vadd.f32 $3.600000000e+01, v62;
	v63 =	vld.idx.msk [tilespmem:v20+s12+$0x0], $0xffff;
	[tilespmem:s20+$0xFFFFFF40] =	vst v57  }
0x165: {  	v57 =	vadd.f32 $1.258291200e+07, v47;
	v47 =	vld [tilespmem:s26+$0x560];
	[tilespmem:s6+$0x130] =	vst v58  }
0x166: {  	v51 =	vld.idx.msk [tilespmem:v26+s11+$0x0], $0xffff;
	v43 =	vadd.f32 $1.258291200e+07, v43;
	[tilespmem:s2+$0xFFFFFEA0] =	vst v61  }
0x167: {  	s24 =	simm.s32 $0x3B00;
	v49 =	vld.idx.msk [tilespmem:v11+s15+$0x0], $0xffff;
	[tilespmem:s9+$0x90] =	vst v39  }
0x168: {  	v50 =	vld.idx.msk [tilespmem:v32+s10+$0x0], $0xffff;
	[tilespmem:s24+$0xFFFFFE00] =	vst v53;
	v39 =	vtrunc.f32 v55;
	v43 =	vadd.f32 $-1.258291200e+07, v43  }
0x169: {  	v53 =	vld.idx.msk [tilespmem:v38+s7+$0x0], $0xffff;
	v39 =	vcvt.f32.s32 v39  }
0x16a: {  	v56 =	vld.idx.msk [tilespmem:v2+s14+$0x0], $0xffff;
	[tilespmem:s19+$0xFFFFFFF0] =	vst v63;
	v43 =	vadd.f32 $-3.600000000e+01, v43  }
0x16b: {  	v52 =	vld.idx.msk [tilespmem:v13+s13+$0x0], $0xffff;
	[tilespmem:s20+$0xFFFFFF50] =	vst v51  }
0x16c: {  	v51 =	vld.idx.msk [tilespmem:v27+s11+$0x0], $0xffff;
	[tilespmem:s6+$0x140] =	vst v49;
	v43 =	vmax.f32 v43, $0.0e+00  }
0x16d: {  	[tilespmem:s2+$0xFFFFFEB0] =	vst v50;
	v49 =	vld.idx.msk [tilespmem:v10+s15+$0x0], $0xffff;
	v43 =	vmin.f32 v43, $3.500000000e+01  }
0x16e: {  	v59 =	vadd.f32 $-1.258291200e+07, v57;
	v50 =	vld.idx.msk [tilespmem:v33+s10+$0x0], $0xffff;
	[tilespmem:s24+$0xFFFFFE10] =	vst v53;
	v43 =	vtrunc.f32 v43  }
0x16f: {  	[tilespmem:s9+$0xA0] =	vst v56;
	v53 =	vld.idx.msk [tilespmem:v39+s7+$0x0], $0xffff;
	v43 =	vcvt.f32.s32 v43  }
0x170: {  	v60 =	vadd.f32 $-3.600000000e+01, v59;
	v58 =	vld.idx.msk [tilespmem:v4+s14+$0x0], $0xffff;
	[tilespmem:s19+$0x0] =	vst v52  }
0x171: {  	v44 =	vmul.f32 $3.500000000e+01, v44;
	v54 =	vld.idx.msk [tilespmem:v14+s13+$0x0], $0xffff;
	[tilespmem:s20+$0xFFFFFF60] =	vst v51  }
0x172: {  	v62 =	vmax.f32 v60, $0.0e+00;
	v61 =	vld.idx.msk [tilespmem:v28+s11+$0x0], $0xffff;
	[tilespmem:s6+$0x150] =	vst v49  }
0x173: {  	v44 =	vadd.f32 $3.600000000e+01, v44;
	v56 =	vmin.f32 v62, $3.500000000e+01;
	[tilespmem:s2+$0xFFFFFEC0] =	vst v50;
	v49 =	vld.idx.msk [tilespmem:v9+s15+$0x0], $0xffff  }
0x174: {  	v59 =	vtrunc.f32 v56;
	v63 =	vld.idx.msk [tilespmem:v34+s10+$0x0], $0xffff;
	[tilespmem:s24+$0xFFFFFE20] =	vst v53  }
0x175: {  	v57 =	vadd.f32 $1.258291200e+07, v44;
	v44 =	vcvt.f32.s32 v59;
	[tilespmem:s9+$0xB0] =	vst v58;
	v55 =	vld.idx.msk [tilespmem:v43+s7+$0x0], $0xffff  }
0x176: {  	v58 =	vld.idx.msk [tilespmem:v5+s14+$0x0], $0xffff;
	[tilespmem:s19+$0x10] =	vst v54  }
0x177: {  	v45 =	vmul.f32 $3.500000000e+01, v45;
	v50 =	vadd.f32 $-1.258291200e+07, v57;
	v54 =	vld.idx.msk [tilespmem:v15+s13+$0x0], $0xffff;
	[tilespmem:s20+$0xFFFFFF70] =	vst v61  }
0x178: {  	v52 =	vld.idx.msk [tilespmem:v21+s12+$0x0], $0xffff;
	[tilespmem:s6+$0x160] =	vst v49  }
0x179: {  	v45 =	vadd.f32 $3.600000000e+01, v45;
	v50 =	vadd.f32 $-3.600000000e+01, v50;
	[tilespmem:s2+$0xFFFFFED0] =	vst v63;
	v49 =	vld.idx.msk [tilespmem:v8+s15+$0x0], $0xffff  }
0x17a: {  	v51 =	vld.idx.msk [tilespmem:v35+s10+$0x0], $0xffff;
	[tilespmem:s24+$0xFFFFFE30] =	vst v55  }
0x17b: {  	v60 =	vadd.f32 $1.258291200e+07, v45;
	v50 =	vmax.f32 v50, $0.0e+00;
	[tilespmem:s9+$0xC0] =	vst v58;
	v62 =	vld.idx.msk [tilespmem:v44+s7+$0x0], $0xffff  }
0x17c: {  	v53 =	vld [tilespmem:s26+$0x570];
	v50 =	vmin.f32 v50, $3.500000000e+01;
	[tilespmem:s19+$0x20] =	vst v54  }
0x17d: {  	v61 =	vtrunc.f32 v50;
	v63 =	vadd.f32 $-1.258291200e+07, v60;
	v55 =	vld.idx.msk [tilespmem:v6+s14+$0x0], $0xffff;
	[tilespmem:s20+$0xFFFFFF80] =	vst v52  }
0x17e: {  	v48 =	vmul.f32 $3.500000000e+01, v48;
	v45 =	vcvt.f32.s32 v61;
	v60 =	vld.idx.msk [tilespmem:v22+s12+$0x0], $0xffff;
	[tilespmem:s6+$0x170] =	vst v49  }
0x17f: {  	v59 =	vadd.f32 $-3.600000000e+01, v63;
	[tilespmem:s2+$0xFFFFFEE0] =	vst v51;
	v49 =	vld.idx.msk [tilespmem:v42+s17+$0x0], $0xffff  }
0x180: {  	v56 =	vld.idx.msk [tilespmem:v16+s13+$0x0], $0xffff;
	[tilespmem:s24+$0xFFFFFE40] =	vst v62;
	v62 =	vadd.f32 $3.600000000e+01, v48  }
0x181: {  	v61 =	vmax.f32 v59, $0.0e+00;
	v51 =	vld.idx.msk [tilespmem:v36+s10+$0x0], $0xffff  }
0x182: {  	v42 =	vmin.f32 v61, $3.500000000e+01;
	[tilespmem:s9+$0xD0] =	vst v55;
	v48 =	vld [tilespmem:s26+$0x540];
	v63 =	vadd.f32 $1.258291200e+07, v62  }
0x183: {  	v42 =	vtrunc.f32 v42;
	v50 =	vld.idx.msk [tilespmem:v7+s14+$0x0], $0xffff;
	[tilespmem:s20+$0xFFFFFF90] =	vst v60  }
0x184: {  	v52 =	vld.idx.msk [tilespmem:v45+s7+$0x0], $0xffff;
	v42 =	vcvt.f32.s32 v42;
	[tilespmem:s6+$0x180] =	vst v49;
	v60 =	vadd.f32 $-1.258291200e+07, v63  }
0x185: {  	[tilespmem:s19+$0x30] =	vst v56;
	v57 =	vld.idx.msk [tilespmem:v41+s17+$0x0], $0xffff  }
0x186: {  	v56 =	vld.idx.msk [tilespmem:v17+s13+$0x0], $0xffff;
	v62 =	vadd.f32 $-3.600000000e+01, v60  }
0x187: {  	v55 =	vld.idx.msk [tilespmem:v23+s12+$0x0], $0xffff;
	[tilespmem:s2+$0xFFFFFEF0] =	vst v51  }
0x188: {  	v61 =	vld.idx.msk [tilespmem:v29+s11+$0x0], $0xffff;
	[tilespmem:s9+$0xE0] =	vst v50;
	v63 =	vmax.f32 v62, $0.0e+00  }
0x189: {  	[tilespmem:s24+$0xFFFFFE50] =	vst v52;
	v58 =	vld.idx.msk [tilespmem:v3+s14+$0x0], $0xffff;
	v50 =	vmin.f32 v63, $3.500000000e+01  }
0x18a: {  	v51 =	vld.idx.msk [tilespmem:v42+s7+$0x0], $0xffff;
	[tilespmem:s6+$0x190] =	vst v57;
	v50 =	vtrunc.f32 v50  }
0x18b: {  	[tilespmem:s19+$0x40] =	vst v56;
	v57 =	vld.idx.msk [tilespmem:v40+s17+$0x0], $0xffff;
	v40 =	vcvt.f32.s32 v50  }
0x18c: {  	v41 =	vld.idx.msk [tilespmem:v18+s13+$0x0], $0xffff  }
0x18d: {  	v49 =	vld [tilespmem:s26+$0x500];
	[tilespmem:s20+$0xFFFFFFA0] =	vst v55  }
0x18e: {  	v52 =	vld.idx.msk [tilespmem:v24+s12+$0x0], $0xffff;
	[tilespmem:s2+$0xFFFFFF00] =	vst v61  }
0x18f: {  	s5 =	sshll.u32 s0, $0x1;
	s30 =	simm.s32 $0xE00;
	s23 =	simm.s32 $0x3B00;
	v50 =	vld.idx.msk [tilespmem:v30+s11+$0x0], $0xffff;
	[tilespmem:s9+$0xF0] =	vst v58  }
.LBB2_3:
0x190: {  	p1 =	sne.s32 s30, $0x3E00;
	[tilespmem:s24+$0xFFFFFE60] =	vst v51;
	v51 =	vld.idx.msk [tilespmem:v0+s15+$0x0], $0xffff  }
0x191: {  	v54 =	vld.idx.msk [tilespmem:v40+s7+$0x0], $0xffff;
	[tilespmem:s19+$0x50] =	vst v41  }
0x192: {  	v41 =	vld.idx.msk [tilespmem:v19+s13+$0x0], $0xffff  }
0x193: {  	v55 =	vld [tilespmem:s26+$0x510];
	[tilespmem:s20+$0xFFFFFFB0] =	vst v52  }
0x194: {  	v52 =	vld.idx.msk [tilespmem:v25+s12+$0x0], $0xffff;
	[tilespmem:s6+$0x1A0] =	vst v57  }
0x195: {  	v49 =	vmul.f32 $3.500000000e+01, v49;
	[tilespmem:s2+$0xFFFFFF10] =	vst v50;
	v50 =	vld.idx.msk [tilespmem:v12+s17+$0x0], $0xffff;
	v12 =	vmovc v4;
	v4 =	vmovc v16;
	v16 =	vmov v24;
	v24 =	vmov v32  }
0x196: {  	v32 =	vmov v43;
	v56 =	vld.idx.msk [tilespmem:v31+s11+$0x0], $0xffff;
	[tilespmem:s9+$0x100] =	vst v51  }
0x197: {  	v43 =	vadd.f32 $3.600000000e+01, v49;
	[tilespmem:s24+$0xFFFFFE70] =	vst v54;
	v49 =	vld.idx.msk [tilespmem:v1+s15+$0x0], $0xffff  }
0x198: {  	v51 =	vld.idx.msk [tilespmem:v37+s10+$0x0], $0xffff;
	[tilespmem:s19+$0x60] =	vst v41  }
0x199: {  	v41 =	vadd.f32 $1.258291200e+07, v43;
	v43 =	vld.idx.msk [tilespmem:v20+s13+$0x0], $0xffff  }
0x19a: {  	v54 =	vld [tilespmem:s26+$0x520];
	[tilespmem:s20+$0xFFFFFFC0] =	vst v52  }
0x19b: {  	v41 =	vadd.f32 $-1.258291200e+07, v41;
	v52 =	vld.idx.msk [tilespmem:v26+s12+$0x0], $0xffff;
	[tilespmem:s6+$0x1B0] =	vst v50  }
0x19c: {  	v50 =	vmul.f32 $3.500000000e+01, v55;
	[tilespmem:s2+$0xFFFFFF20] =	vst v56;
	v55 =	vld.idx.msk [tilespmem:v11+s17+$0x0], $0xffff;
	v11 =	vmovc v5;
	v5 =	vmovc v17;
	v17 =	vmov v25;
	v25 =	vmov v33  }
0x19d: {  	v41 =	vadd.f32 $-3.600000000e+01, v41;
	v33 =	vmov v44;
	v56 =	vld.idx.msk [tilespmem:v24+s11+$0x0], $0xffff;
	[tilespmem:s9+$0x110] =	vst v49  }
0x19e: {  	v44 =	vadd.f32 $3.600000000e+01, v50;
	[tilespmem:s24+$0xFFFFFE80] =	vst v51;
	v49 =	vld.idx.msk [tilespmem:v2+s15+$0x0], $0xffff  }
0x19f: {  	v41 =	vmax.f32 v41, $0.0e+00;
	v50 =	vld.idx.msk [tilespmem:v38+s10+$0x0], $0xffff;
	[tilespmem:s19+$0x70] =	vst v43  }
0x1a0: {  	v41 =	vmin.f32 v41, $3.500000000e+01;
	v43 =	vadd.f32 $1.258291200e+07, v44;
	v44 =	vld.idx.msk [tilespmem:v13+s14+$0x0], $0xffff  }
0x1a1: {  	v41 =	vtrunc.f32 v41;
	v51 =	vld [tilespmem:s26+$0x530];
	[tilespmem:s20+$0xFFFFFFD0] =	vst v52  }
0x1a2: {  	v41 =	vcvt.f32.s32 v41;
	v43 =	vadd.f32 $-1.258291200e+07, v43;
	v52 =	vld.idx.msk [tilespmem:v27+s12+$0x0], $0xffff;
	[tilespmem:s6+$0x1C0] =	vst v55  }
0x1a3: {  	v54 =	vmul.f32 $3.500000000e+01, v54;
	[tilespmem:s2+$0xFFFFFF30] =	vst v56;
	v55 =	vld.idx.msk [tilespmem:v10+s17+$0x0], $0xffff;
	v10 =	vmovc v6;
	v6 =	vmovc v18;
	v18 =	vmov v26;
	v26 =	vmov v34  }
0x1a4: {  	v43 =	vadd.f32 $-3.600000000e+01, v43;
	v34 =	vmov v45;
	v56 =	vld.idx.msk [tilespmem:v25+s11+$0x0], $0xffff;
	[tilespmem:s9+$0x120] =	vst v49  }
0x1a5: {  	v45 =	vadd.f32 $3.600000000e+01, v54;
	[tilespmem:s24+$0xFFFFFE90] =	vst v50;
	v50 =	vld.idx.msk [tilespmem:v12+s15+$0x0], $0xffff  }
0x1a6: {  	v43 =	vmax.f32 v43, $0.0e+00;
	v54 =	vld.idx.msk [tilespmem:v39+s10+$0x0], $0xffff;
	[tilespmem:s19+$0x80] =	vst v44  }
0x1a7: {  	v43 =	vmin.f32 v43, $3.500000000e+01;
	v44 =	vadd.f32 $1.258291200e+07, v45;
	v45 =	vld.idx.msk [tilespmem:v14+s14+$0x0], $0xffff  }
0x1a8: {  	v43 =	vtrunc.f32 v43;
	v57 =	vld.idx.msk [tilespmem:v41+s7+$0x0], $0xffff;
	[tilespmem:s20+$0xFFFFFFE0] =	vst v52  }
0x1a9: {  	v49 =	vcvt.f32.s32 v43;
	v43 =	vadd.f32 $-1.258291200e+07, v44;
	v44 =	vld.idx.msk [tilespmem:v28+s12+$0x0], $0xffff;
	[tilespmem:s6+$0x1D0] =	vst v55  }
0x1aa: {  	v51 =	vmul.f32 $3.500000000e+01, v51;
	[tilespmem:s2+$0xFFFFFF40] =	vst v56;
	v52 =	vld.idx.msk [tilespmem:v9+s17+$0x0], $0xffff;
	v9 =	vmovc v7;
	v7 =	vmovc v19;
	v19 =	vmov v27;
	v27 =	vmov v35  }
0x1ab: {  	v43 =	vadd.f32 $-3.600000000e+01, v43;
	v35 =	vmov v42;
	v55 =	vld.idx.msk [tilespmem:v26+s11+$0x0], $0xffff;
	[tilespmem:s9+$0x130] =	vst v50  }
0x1ac: {  	v42 =	vadd.f32 $3.600000000e+01, v51;
	[tilespmem:s24+$0xFFFFFEA0] =	vst v54;
	v51 =	vld.idx.msk [tilespmem:v11+s15+$0x0], $0xffff  }
0x1ad: {  	v43 =	vmax.f32 v43, $0.0e+00;
	s24 =	sadd.s32 $0x400, s24;
	v54 =	vld.idx.msk [tilespmem:v32+s10+$0x0], $0xffff;
	[tilespmem:s19+$0x90] =	vst v45  }
0x1ae: {  	v42 =	vadd.f32 $1.258291200e+07, v42;
	v43 =	vmin.f32 v43, $3.500000000e+01;
	[tilespmem:s24+$0xFFFFFE00] =	vst v57;
	v45 =	vld.idx.msk [tilespmem:v15+s14+$0x0], $0xffff  }
0x1af: {  	v43 =	vtrunc.f32 v43;
	v56 =	vld.idx.msk [tilespmem:v49+s7+$0x0], $0xffff;
	[tilespmem:s20+$0xFFFFFFF0] =	vst v44  }
0x1b0: {  	v42 =	vadd.f32 $-1.258291200e+07, v42;
	v50 =	vcvt.f32.s32 v43;
	v43 =	vld.idx.msk [tilespmem:v21+s13+$0x0], $0xffff;
	[tilespmem:s6+$0x1E0] =	vst v52  }
0x1b1: {  	v44 =	vmul.f32 $3.500000000e+01, v48;
	[tilespmem:s2+$0xFFFFFF50] =	vst v55;
	v48 =	vld.idx.msk [tilespmem:v8+s17+$0x0], $0xffff;
	v8 =	vmovc v3;
	v3 =	vmovc v20;
	v20 =	vmov v28;
	v28 =	vmov v36  }
0x1b2: {  	v42 =	vadd.f32 $-3.600000000e+01, v42;
	v36 =	vmov v40;
	v52 =	vld.idx.msk [tilespmem:v27+s11+$0x0], $0xffff;
	[tilespmem:s9+$0x140] =	vst v51  }
0x1b3: {  	v40 =	vadd.f32 $3.600000000e+01, v44;
	[tilespmem:s23+$0xFFFFFEB0] =	vst v54;
	v44 =	vld.idx.msk [tilespmem:v10+s15+$0x0], $0xffff  }
0x1b4: {  	v42 =	vmax.f32 v42, $0.0e+00;
	v51 =	vld.idx.msk [tilespmem:v33+s10+$0x0], $0xffff;
	[tilespmem:s19+$0xA0] =	vst v45  }
0x1b5: {  	v42 =	vmin.f32 v42, $3.500000000e+01;
	v40 =	vadd.f32 $1.258291200e+07, v40;
	[tilespmem:s24+$0xFFFFFE10] =	vst v56;
	v45 =	vld.idx.msk [tilespmem:v4+s14+$0x0], $0xffff  }
0x1b6: {  	v42 =	vtrunc.f32 v42;
	v54 =	vld.idx.msk [tilespmem:v50+s7+$0x0], $0xffff;
	[tilespmem:s20+$0x0] =	vst v43  }
0x1b7: {  	s26 =	sshra.s32 s30, $0x2;
	v40 =	vadd.f32 $-1.258291200e+07, v40;
	v43 =	vcvt.f32.s32 v42;
	v42 =	vld.idx.msk [tilespmem:v22+s13+$0x0], $0xffff;
	[tilespmem:s6+$0x1F0] =	vst v48;
	s6 =	smov.u32 s9;
	s9 =	smov.u32 s19  }
0x1b8: {  	v48 =	vmul.f32 $3.500000000e+01, v46;
	s19 =	smov.u32 s20;
	s20 =	smov.u32 s2;
	v46 =	vld [tilespmem:s26+$0x550];
	[tilespmem:s2+$0xFFFFFF60] =	vst v52;
	s2 =	smov.u32 s23  }
0x1b9: {  	v40 =	vadd.f32 $-3.600000000e+01, v40;
	s23 =	smov.u32 s24;
	v52 =	vld.idx.msk [tilespmem:v28+s11+$0x0], $0xffff;
	[tilespmem:s6+$0x150] =	vst v44  }
0x1ba: {  	v44 =	vadd.f32 $3.600000000e+01, v48;
	[tilespmem:s2+$0xFFFFFEC0] =	vst v51;
	v48 =	vld.idx.msk [tilespmem:v9+s15+$0x0], $0xffff  }
0x1bb: {  	v40 =	vmax.f32 v40, $0.0e+00;
	v51 =	vld.idx.msk [tilespmem:v34+s10+$0x0], $0xffff;
	[tilespmem:s9+$0xB0] =	vst v45  }
0x1bc: {  	v40 =	vmin.f32 v40, $3.500000000e+01;
	v45 =	vadd.f32 $1.258291200e+07, v44;
	[tilespmem:s24+$0xFFFFFE20] =	vst v54;
	v54 =	vld.idx.msk [tilespmem:v5+s14+$0x0], $0xffff  }
0x1bd: {  	v40 =	vtrunc.f32 v40;
	v55 =	vld.idx.msk [tilespmem:v43+s7+$0x0], $0xffff;
	[tilespmem:s19+$0x10] =	vst v42  }
0x1be: {  	v44 =	vcvt.f32.s32 v40;
	v40 =	vadd.f32 $-1.258291200e+07, v45;
	v42 =	vld.idx.msk [tilespmem:v23+s13+$0x0], $0xffff  }
0x1bf: {  	v45 =	vmul.f32 $3.500000000e+01, v47;
	v47 =	vld [tilespmem:s26+$0x560];
	[tilespmem:s20+$0xFFFFFF70] =	vst v52  }
0x1c0: {  	v40 =	vadd.f32 $-3.600000000e+01, v40;
	v52 =	vld.idx.msk [tilespmem:v29+s12+$0x0], $0xffff;
	[tilespmem:s6+$0x160] =	vst v48  }
0x1c1: {  	v45 =	vadd.f32 $3.600000000e+01, v45;
	[tilespmem:s2+$0xFFFFFED0] =	vst v51;
	v48 =	vld.idx.msk [tilespmem:v8+s15+$0x0], $0xffff  }
0x1c2: {  	v40 =	vmax.f32 v40, $0.0e+00;
	v51 =	vld.idx.msk [tilespmem:v35+s10+$0x0], $0xffff;
	[tilespmem:s9+$0xC0] =	vst v54  }
0x1c3: {  	v40 =	vmin.f32 v40, $3.500000000e+01;
	v54 =	vadd.f32 $1.258291200e+07, v45;
	[tilespmem:s24+$0xFFFFFE30] =	vst v55;
	v55 =	vld.idx.msk [tilespmem:v6+s14+$0x0], $0xffff  }
0x1c4: {  	v40 =	vtrunc.f32 v40;
	v56 =	vld.idx.msk [tilespmem:v44+s7+$0x0], $0xffff;
	[tilespmem:s19+$0x20] =	vst v42  }
0x1c5: {  	v45 =	vcvt.f32.s32 v40;
	v40 =	vadd.f32 $-1.258291200e+07, v54;
	v42 =	vld.idx.msk [tilespmem:v16+s13+$0x0], $0xffff  }
0x1c6: {  	v54 =	vmul.f32 $3.500000000e+01, v53;
	v53 =	vld [tilespmem:s26+$0x570];
	[tilespmem:s20+$0xFFFFFF80] =	vst v52  }
0x1c7: {  	v40 =	vadd.f32 $-3.600000000e+01, v40;
	v52 =	vld.idx.msk [tilespmem:v30+s12+$0x0], $0xffff;
	[tilespmem:s6+$0x170] =	vst v48  }
0x1c8: {  	v48 =	vadd.f32 $3.600000000e+01, v54;
	[tilespmem:s2+$0xFFFFFEE0] =	vst v51;
	v51 =	vld.idx.msk [tilespmem:v0+s17+$0x0], $0xffff;
	v0 =	vmovc v13;
	v13 =	vmovc v21;
	v21 =	vmov v29;
	v29 =	vmov v37  }
0x1c9: {  	v40 =	vmax.f32 v40, $0.0e+00;
	v37 =	vmov v41;
	v54 =	vld.idx.msk [tilespmem:v36+s10+$0x0], $0xffff;
	[tilespmem:s9+$0xD0] =	vst v55  }
0x1ca: {  	v40 =	vmin.f32 v40, $3.500000000e+01;
	v41 =	vadd.f32 $1.258291200e+07, v48;
	[tilespmem:s24+$0xFFFFFE40] =	vst v56;
	v55 =	vld.idx.msk [tilespmem:v7+s14+$0x0], $0xffff  }
0x1cb: {  	v40 =	vtrunc.f32 v40;
	v56 =	vld.idx.msk [tilespmem:v45+s7+$0x0], $0xffff;
	[tilespmem:s19+$0x30] =	vst v42  }
0x1cc: {  	v42 =	vcvt.f32.s32 v40;
	v40 =	vadd.f32 $-1.258291200e+07, v41;
	v41 =	vld.idx.msk [tilespmem:v17+s13+$0x0], $0xffff  }
0x1cd: {  	v48 =	vld [tilespmem:s26+$0x540];
	[tilespmem:s20+$0xFFFFFF90] =	vst v52  }
0x1ce: {  	v40 =	vadd.f32 $-3.600000000e+01, v40;
	v52 =	vld.idx.msk [tilespmem:v31+s12+$0x0], $0xffff;
	[tilespmem:s6+$0x180] =	vst v51  }
0x1cf: {  	[tilespmem:s2+$0xFFFFFEF0] =	vst v54;
	v54 =	vld.idx.msk [tilespmem:v1+s17+$0x0], $0xffff;
	v1 =	vmovc v14;
	v14 =	vmovc v22;
	v22 =	vmov v30;
	v30 =	vmov v38;
	v38 =	vmov v49  }
0x1d0: {  	v40 =	vmax.f32 v40, $0.0e+00;
	v57 =	vld.idx.msk [tilespmem:v29+s11+$0x0], $0xffff;
	[tilespmem:s9+$0xE0] =	vst v55  }
0x1d1: {  	v40 =	vmin.f32 v40, $3.500000000e+01;
	[tilespmem:s24+$0xFFFFFE50] =	vst v56;
	v55 =	vld.idx.msk [tilespmem:v3+s14+$0x0], $0xffff  }
0x1d2: {  	v40 =	vtrunc.f32 v40;
	v51 =	vld.idx.msk [tilespmem:v42+s7+$0x0], $0xffff;
	[tilespmem:s19+$0x40] =	vst v41  }
.Ltmp2:
0x1d3: {  	v40 =	vcvt.f32.s32 v40;
	v41 =	vld.idx.msk [tilespmem:v18+s13+$0x0], $0xffff;
	(pc) =	sbr.rel @p1 .LBB2_3-.Ltmp2, $4  }
0x1d4: {  	v49 =	vld [tilespmem:s26+$0x500];
	[tilespmem:s20+$0xFFFFFFA0] =	vst v52  }
0x1d5: {  	v52 =	vld.idx.msk [tilespmem:v24+s12+$0x0], $0xffff;
	[tilespmem:s6+$0x190] =	vst v54  }
0x1d6: {  	[tilespmem:s2+$0xFFFFFF00] =	vst v57;
	v57 =	vld.idx.msk [tilespmem:v2+s17+$0x0], $0xffff;
	v2 =	vmovc v15;
	v15 =	vmovc v23;
	v23 =	vmov v31;
	v31 =	vmov v39;
	v39 =	vmov v50  }
0x1d7: {  	s30 =	sadd.s32 $0x200, s30;
	v50 =	vld.idx.msk [tilespmem:v30+s11+$0x0], $0xffff;
	[tilespmem:s9+$0xF0] =	vst v55  }
0x1d8: {  	_ = 	snop  }
0x1d9: {  	v49 =	vmul.f32 $3.500000000e+01, v49  }
0x1da: {  	v58 =	vld [tilespmem:s26+$0x510]  }
0x1db: {  	[tilespmem:s24+$0xFFFFFE60] =	vst v51;
	v49 =	vadd.f32 $3.600000000e+01, v49  }
0x1dc: {  	v54 =	vld.idx.msk [tilespmem:v0+s15+$0x0], $0xffff;
	[tilespmem:s19+$0x50] =	vst v41  }
0x1dd: {  	v59 =	vld.idx.msk [tilespmem:v40+s7+$0x0], $0xffff;
	[tilespmem:s20+$0xFFFFFFB0] =	vst v52;
	v61 =	vadd.f32 $1.258291200e+07, v49  }
0x1de: {  	v55 =	vld.idx.msk [tilespmem:v19+s13+$0x0], $0xffff;
	[tilespmem:s6+$0x1A0] =	vst v57  }
0x1df: {  	v56 =	vld.idx.msk [tilespmem:v25+s12+$0x0], $0xffff;
	[tilespmem:s2+$0xFFFFFF10] =	vst v50;
	v62 =	vmul.f32 $3.500000000e+01, v58;
	v41 =	vadd.f32 $-1.258291200e+07, v61  }
0x1e0: {  	v50 =	vld [tilespmem:s26+$0x520]  }
0x1e1: {  	v49 =	vadd.f32 $3.600000000e+01, v62;
	v41 =	vadd.f32 $-3.600000000e+01, v41;
	_ =	sdelay $0x1  }
0x1e2: {  	v49 =	vadd.f32 $1.258291200e+07, v49;
	v41 =	vmax.f32 v41, $0.0e+00  }
0x1e3: {  	v41 =	vmin.f32 v41, $3.500000000e+01  }
0x1e4: {  	v50 =	vmul.f32 $3.500000000e+01, v50;
	v49 =	vadd.f32 $-1.258291200e+07, v49;
	v41 =	vtrunc.f32 v41  }
0x1e5: {  	v63 =	vld [tilespmem:s26+$0x530];
	v52 =	vcvt.f32.s32 v41  }
0x1e6: {  	v58 =	vadd.f32 $3.600000000e+01, v50;
	v57 =	vadd.f32 $-3.600000000e+01, v49;
	_ =	sdelay $0x1  }
0x1e7: {  	v49 =	vadd.f32 $1.258291200e+07, v58;
	v41 =	vmax.f32 v57, $0.0e+00  }
0x1e8: {  	v41 =	vmin.f32 v41, $3.500000000e+01  }
0x1e9: {  	v51 =	vmul.f32 $3.500000000e+01, v63;
	v49 =	vadd.f32 $-1.258291200e+07, v49;
	v41 =	vtrunc.f32 v41  }
0x1ea: {  	v50 =	vcvt.f32.s32 v41;
	v60 =	vld.idx.msk [tilespmem:v52+s7+$0x0], $0xffff  }
0x1eb: {  	v62 =	vadd.f32 $3.600000000e+01, v51;
	v61 =	vadd.f32 $-3.600000000e+01, v49;
	_ =	sdelay $0x1  }
0x1ec: {  	v49 =	vadd.f32 $1.258291200e+07, v62;
	v41 =	vmax.f32 v61, $0.0e+00  }
0x1ed: {  	s26 =	sadd.s32 $0x400, s24;
	v41 =	vmin.f32 v41, $3.500000000e+01  }
0x1ee: {  	v48 =	vmul.f32 $3.500000000e+01, v48;
	v49 =	vadd.f32 $-1.258291200e+07, v49;
	v41 =	vtrunc.f32 v41;
	[tilespmem:s26+$0xFFFFFE00] =	vst v60  }
0x1ef: {  	v51 =	vcvt.f32.s32 v41;
	v57 =	vld.idx.msk [tilespmem:v50+s7+$0x0], $0xffff  }
0x1f0: {  	v48 =	vadd.f32 $3.600000000e+01, v48;
	v63 =	vadd.f32 $-3.600000000e+01, v49;
	_ =	sdelay $0x1  }
0x1f1: {  	v48 =	vadd.f32 $1.258291200e+07, v48;
	v41 =	vmax.f32 v63, $0.0e+00  }
0x1f2: {  	v41 =	vmin.f32 v41, $3.500000000e+01  }
0x1f3: {  	v46 =	vmul.f32 $3.500000000e+01, v46;
	v48 =	vadd.f32 $-1.258291200e+07, v48;
	v41 =	vtrunc.f32 v41;
	[tilespmem:s26+$0xFFFFFE10] =	vst v57  }
0x1f4: {  	v49 =	vcvt.f32.s32 v41;
	v57 =	vld.idx.msk [tilespmem:v51+s7+$0x0], $0xffff  }
0x1f5: {  	v46 =	vadd.f32 $3.600000000e+01, v46;
	v48 =	vadd.f32 $-3.600000000e+01, v48;
	_ =	sdelay $0x1  }
0x1f6: {  	v46 =	vadd.f32 $1.258291200e+07, v46;
	v41 =	vmax.f32 v48, $0.0e+00  }
0x1f7: {  	v41 =	vmin.f32 v41, $3.500000000e+01  }
0x1f8: {  	v47 =	vmul.f32 $3.500000000e+01, v47;
	v46 =	vadd.f32 $-1.258291200e+07, v46;
	v41 =	vtrunc.f32 v41;
	[tilespmem:s26+$0xFFFFFE20] =	vst v57  }
0x1f9: {  	v48 =	vcvt.f32.s32 v41;
	v57 =	vld.idx.msk [tilespmem:v49+s7+$0x0], $0xffff  }
0x1fa: {  	v58 =	vadd.f32 $-3.600000000e+01, v46;
	v60 =	vadd.f32 $3.600000000e+01, v47;
	_ =	sdelay $0x1  }
0x1fb: {  	v46 =	vadd.f32 $1.258291200e+07, v60;
	v41 =	vmax.f32 v58, $0.0e+00  }
0x1fc: {  	v41 =	vmin.f32 v41, $3.500000000e+01  }
0x1fd: {  	v53 =	vmul.f32 $3.500000000e+01, v53;
	v46 =	vadd.f32 $-1.258291200e+07, v46;
	v41 =	vtrunc.f32 v41;
	[tilespmem:s26+$0xFFFFFE30] =	vst v57  }
0x1fe: {  	v47 =	vcvt.f32.s32 v41;
	v57 =	vld.idx.msk [tilespmem:v48+s7+$0x0], $0xffff  }
0x1ff: {  	v62 =	vadd.f32 $3.600000000e+01, v53;
	v61 =	vadd.f32 $-3.600000000e+01, v46;
	_ =	sdelay $0x1  }
0x200: {  	v46 =	vadd.f32 $1.258291200e+07, v62;
	v41 =	vmax.f32 v61, $0.0e+00  }
0x201: {  	v41 =	vmin.f32 v41, $3.500000000e+01  }
0x202: {  	v63 =	vadd.f32 $-1.258291200e+07, v46;
	v41 =	vtrunc.f32 v41;
	[tilespmem:s26+$0xFFFFFE40] =	vst v57  }
0x203: {  	v46 =	vcvt.f32.s32 v41;
	v57 =	vld.idx.msk [tilespmem:v47+s7+$0x0], $0xffff  }
0x204: {  	v53 =	vadd.f32 $-3.600000000e+01, v63;
	_ =	sdelay $0x1  }
0x205: {  	v41 =	vmax.f32 v53, $0.0e+00  }
0x206: {  	v41 =	vmin.f32 v41, $3.500000000e+01  }
0x207: {  	v41 =	vtrunc.f32 v41;
	[tilespmem:s26+$0xFFFFFE50] =	vst v57  }
0x208: {  	v41 =	vcvt.f32.s32 v41;
	v58 =	vld.idx.msk [tilespmem:v46+s7+$0x0], $0xffff;
	_ =	sdelay $0x4  }
0x209: {  	[tilespmem:s26+$0xFFFFFE60] =	vst v58  }
0x20a: {  	v53 =	vld.idx.msk [tilespmem:v41+s7+$0x0], $0xffff;
	_ =	sdelay $0x3  }
0x20b: {  	[tilespmem:s24+$0xFFFFFE70] =	vst v59  }
0x20c: {  	v60 =	vld.idx.msk [tilespmem:v37+s10+$0x0], $0xffff;
	[tilespmem:s26+$0xFFFFFE70] =	vst v53  }
0x20d: {  	v53 =	vld.idx.msk [tilespmem:v52+s10+$0x0], $0xffff;
	_ =	sdelay $0x3  }
0x20e: {  	[tilespmem:s24+$0xFFFFFE80] =	vst v60  }
0x20f: {  	v57 =	vld.idx.msk [tilespmem:v38+s10+$0x0], $0xffff;
	[tilespmem:s26+$0xFFFFFE80] =	vst v53  }
0x210: {  	v53 =	vld.idx.msk [tilespmem:v50+s10+$0x0], $0xffff;
	_ =	sdelay $0x3  }
0x211: {  	[tilespmem:s24+$0xFFFFFE90] =	vst v57  }
0x212: {  	v57 =	vld.idx.msk [tilespmem:v39+s10+$0x0], $0xffff;
	[tilespmem:s26+$0xFFFFFE90] =	vst v53  }
0x213: {  	v53 =	vld.idx.msk [tilespmem:v51+s10+$0x0], $0xffff;
	_ =	sdelay $0x3  }
0x214: {  	[tilespmem:s24+$0xFFFFFEA0] =	vst v57  }
0x215: {  	v57 =	vld.idx.msk [tilespmem:v43+s10+$0x0], $0xffff;
	[tilespmem:s26+$0xFFFFFEA0] =	vst v53  }
0x216: {  	v53 =	vld.idx.msk [tilespmem:v49+s10+$0x0], $0xffff;
	_ =	sdelay $0x3  }
0x217: {  	[tilespmem:s23+$0xFFFFFEB0] =	vst v57  }
0x218: {  	v57 =	vld.idx.msk [tilespmem:v44+s10+$0x0], $0xffff;
	[tilespmem:s26+$0xFFFFFEB0] =	vst v53  }
0x219: {  	v53 =	vld.idx.msk [tilespmem:v48+s10+$0x0], $0xffff;
	_ =	sdelay $0x3  }
0x21a: {  	[tilespmem:s23+$0xFFFFFEC0] =	vst v57  }
0x21b: {  	v57 =	vld.idx.msk [tilespmem:v45+s10+$0x0], $0xffff;
	[tilespmem:s26+$0xFFFFFEC0] =	vst v53  }
0x21c: {  	v53 =	vld.idx.msk [tilespmem:v47+s10+$0x0], $0xffff;
	_ =	sdelay $0x3  }
0x21d: {  	[tilespmem:s23+$0xFFFFFED0] =	vst v57  }
0x21e: {  	v57 =	vld.idx.msk [tilespmem:v42+s10+$0x0], $0xffff;
	[tilespmem:s26+$0xFFFFFED0] =	vst v53  }
0x21f: {  	v53 =	vld.idx.msk [tilespmem:v46+s10+$0x0], $0xffff;
	_ =	sdelay $0x3  }
0x220: {  	[tilespmem:s23+$0xFFFFFEE0] =	vst v57  }
0x221: {  	v57 =	vld.idx.msk [tilespmem:v40+s10+$0x0], $0xffff;
	[tilespmem:s26+$0xFFFFFEE0] =	vst v53  }
0x222: {  	v53 =	vld.idx.msk [tilespmem:v41+s10+$0x0], $0xffff;
	_ =	sdelay $0x3  }
0x223: {  	[tilespmem:s23+$0xFFFFFEF0] =	vst v57  }
0x224: {  	v57 =	vld.idx.msk [tilespmem:v37+s11+$0x0], $0xffff;
	[tilespmem:s26+$0xFFFFFEF0] =	vst v53  }
0x225: {  	v53 =	vld.idx.msk [tilespmem:v52+s11+$0x0], $0xffff;
	_ =	sdelay $0x3  }
0x226: {  	[tilespmem:s23+$0xFFFFFF00] =	vst v57  }
0x227: {  	v57 =	vld.idx.msk [tilespmem:v38+s11+$0x0], $0xffff;
	[tilespmem:s26+$0xFFFFFF00] =	vst v53  }
0x228: {  	v53 =	vld.idx.msk [tilespmem:v50+s11+$0x0], $0xffff;
	_ =	sdelay $0x2  }
0x229: {  	v61 =	vld.idx.msk [tilespmem:v31+s11+$0x0], $0xffff  }
0x22a: {  	[tilespmem:s23+$0xFFFFFF10] =	vst v57  }
0x22b: {  	v57 =	vld.idx.msk [tilespmem:v39+s11+$0x0], $0xffff;
	[tilespmem:s26+$0xFFFFFF10] =	vst v53  }
0x22c: {  	v53 =	vld.idx.msk [tilespmem:v51+s11+$0x0], $0xffff;
	_ =	sdelay $0x1  }
0x22d: {  	[tilespmem:s2+$0xFFFFFF20] =	vst v61  }
0x22e: {  	v58 =	vld.idx.msk [tilespmem:v32+s11+$0x0], $0xffff  }
0x22f: {  	[tilespmem:s23+$0xFFFFFF20] =	vst v57  }
0x230: {  	v57 =	vld.idx.msk [tilespmem:v43+s11+$0x0], $0xffff;
	[tilespmem:s26+$0xFFFFFF20] =	vst v53  }
0x231: {  	v53 =	vld.idx.msk [tilespmem:v49+s11+$0x0], $0xffff;
	_ =	sdelay $0x1  }
0x232: {  	[tilespmem:s2+$0xFFFFFF30] =	vst v58  }
0x233: {  	v58 =	vld.idx.msk [tilespmem:v33+s11+$0x0], $0xffff  }
0x234: {  	[tilespmem:s23+$0xFFFFFF30] =	vst v57  }
0x235: {  	v57 =	vld.idx.msk [tilespmem:v44+s11+$0x0], $0xffff;
	[tilespmem:s26+$0xFFFFFF30] =	vst v53  }
0x236: {  	v53 =	vld.idx.msk [tilespmem:v48+s11+$0x0], $0xffff;
	_ =	sdelay $0x1  }
0x237: {  	[tilespmem:s2+$0xFFFFFF40] =	vst v58  }
0x238: {  	v58 =	vld.idx.msk [tilespmem:v34+s11+$0x0], $0xffff  }
0x239: {  	[tilespmem:s23+$0xFFFFFF40] =	vst v57  }
0x23a: {  	v57 =	vld.idx.msk [tilespmem:v45+s11+$0x0], $0xffff;
	[tilespmem:s26+$0xFFFFFF40] =	vst v53  }
0x23b: {  	v53 =	vld.idx.msk [tilespmem:v47+s11+$0x0], $0xffff;
	_ =	sdelay $0x1  }
0x23c: {  	[tilespmem:s2+$0xFFFFFF50] =	vst v58  }
0x23d: {  	v58 =	vld.idx.msk [tilespmem:v35+s11+$0x0], $0xffff  }
0x23e: {  	[tilespmem:s23+$0xFFFFFF50] =	vst v57  }
0x23f: {  	v57 =	vld.idx.msk [tilespmem:v42+s11+$0x0], $0xffff;
	[tilespmem:s26+$0xFFFFFF50] =	vst v53  }
0x240: {  	v53 =	vld.idx.msk [tilespmem:v46+s11+$0x0], $0xffff;
	_ =	sdelay $0x1  }
0x241: {  	[tilespmem:s2+$0xFFFFFF60] =	vst v58  }
0x242: {  	v58 =	vld.idx.msk [tilespmem:v36+s11+$0x0], $0xffff  }
0x243: {  	[tilespmem:s23+$0xFFFFFF60] =	vst v57  }
0x244: {  	v57 =	vld.idx.msk [tilespmem:v40+s11+$0x0], $0xffff;
	[tilespmem:s26+$0xFFFFFF60] =	vst v53  }
0x245: {  	v53 =	vld.idx.msk [tilespmem:v41+s11+$0x0], $0xffff;
	_ =	sdelay $0x1  }
0x246: {  	[tilespmem:s2+$0xFFFFFF70] =	vst v58  }
0x247: {  	v58 =	vld.idx.msk [tilespmem:v29+s12+$0x0], $0xffff  }
0x248: {  	[tilespmem:s23+$0xFFFFFF70] =	vst v57  }
0x249: {  	v57 =	vld.idx.msk [tilespmem:v37+s12+$0x0], $0xffff;
	[tilespmem:s26+$0xFFFFFF70] =	vst v53  }
0x24a: {  	v53 =	vld.idx.msk [tilespmem:v52+s12+$0x0], $0xffff;
	_ =	sdelay $0x1  }
0x24b: {  	[tilespmem:s2+$0xFFFFFF80] =	vst v58  }
0x24c: {  	v58 =	vld.idx.msk [tilespmem:v30+s12+$0x0], $0xffff  }
0x24d: {  	[tilespmem:s23+$0xFFFFFF80] =	vst v57  }
0x24e: {  	v57 =	vld.idx.msk [tilespmem:v38+s12+$0x0], $0xffff;
	[tilespmem:s26+$0xFFFFFF80] =	vst v53  }
0x24f: {  	v53 =	vld.idx.msk [tilespmem:v50+s12+$0x0], $0xffff;
	_ =	sdelay $0x1  }
0x250: {  	[tilespmem:s2+$0xFFFFFF90] =	vst v58  }
0x251: {  	v58 =	vld.idx.msk [tilespmem:v31+s12+$0x0], $0xffff  }
0x252: {  	[tilespmem:s23+$0xFFFFFF90] =	vst v57  }
0x253: {  	v57 =	vld.idx.msk [tilespmem:v39+s12+$0x0], $0xffff;
	[tilespmem:s26+$0xFFFFFF90] =	vst v53  }
0x254: {  	v53 =	vld.idx.msk [tilespmem:v51+s12+$0x0], $0xffff;
	_ =	sdelay $0x1  }
0x255: {  	[tilespmem:s2+$0xFFFFFFA0] =	vst v58  }
0x256: {  	v58 =	vld.idx.msk [tilespmem:v32+s12+$0x0], $0xffff  }
0x257: {  	[tilespmem:s23+$0xFFFFFFA0] =	vst v57  }
0x258: {  	v57 =	vld.idx.msk [tilespmem:v43+s12+$0x0], $0xffff;
	[tilespmem:s26+$0xFFFFFFA0] =	vst v53  }
0x259: {  	v53 =	vld.idx.msk [tilespmem:v49+s12+$0x0], $0xffff;
	_ =	sdelay $0x1  }
0x25a: {  	[tilespmem:s2+$0xFFFFFFB0] =	vst v58  }
0x25b: {  	v58 =	vld.idx.msk [tilespmem:v33+s12+$0x0], $0xffff  }
0x25c: {  	[tilespmem:s23+$0xFFFFFFB0] =	vst v57  }
0x25d: {  	v57 =	vld.idx.msk [tilespmem:v44+s12+$0x0], $0xffff;
	[tilespmem:s26+$0xFFFFFFB0] =	vst v53  }
0x25e: {  	v53 =	vld.idx.msk [tilespmem:v48+s12+$0x0], $0xffff  }
0x25f: {  	[tilespmem:s20+$0xFFFFFFC0] =	vst v56  }
0x260: {  	v56 =	vld.idx.msk [tilespmem:v26+s12+$0x0], $0xffff;
	[tilespmem:s2+$0xFFFFFFC0] =	vst v58  }
0x261: {  	v58 =	vld.idx.msk [tilespmem:v34+s12+$0x0], $0xffff  }
0x262: {  	[tilespmem:s23+$0xFFFFFFC0] =	vst v57  }
0x263: {  	v57 =	vld.idx.msk [tilespmem:v45+s12+$0x0], $0xffff;
	[tilespmem:s26+$0xFFFFFFC0] =	vst v53  }
0x264: {  	v53 =	vld.idx.msk [tilespmem:v47+s12+$0x0], $0xffff  }
0x265: {  	[tilespmem:s20+$0xFFFFFFD0] =	vst v56  }
0x266: {  	v56 =	vld.idx.msk [tilespmem:v27+s12+$0x0], $0xffff;
	[tilespmem:s2+$0xFFFFFFD0] =	vst v58  }
0x267: {  	v58 =	vld.idx.msk [tilespmem:v35+s12+$0x0], $0xffff  }
0x268: {  	[tilespmem:s23+$0xFFFFFFD0] =	vst v57  }
0x269: {  	v57 =	vld.idx.msk [tilespmem:v42+s12+$0x0], $0xffff;
	[tilespmem:s26+$0xFFFFFFD0] =	vst v53  }
0x26a: {  	v53 =	vld.idx.msk [tilespmem:v46+s12+$0x0], $0xffff  }
0x26b: {  	[tilespmem:s20+$0xFFFFFFE0] =	vst v56  }
0x26c: {  	v56 =	vld.idx.msk [tilespmem:v28+s12+$0x0], $0xffff;
	[tilespmem:s2+$0xFFFFFFE0] =	vst v58  }
0x26d: {  	v58 =	vld.idx.msk [tilespmem:v36+s12+$0x0], $0xffff  }
0x26e: {  	[tilespmem:s23+$0xFFFFFFE0] =	vst v57  }
0x26f: {  	v57 =	vld.idx.msk [tilespmem:v40+s12+$0x0], $0xffff;
	[tilespmem:s26+$0xFFFFFFE0] =	vst v53  }
0x270: {  	v53 =	vld.idx.msk [tilespmem:v41+s12+$0x0], $0xffff  }
0x271: {  	[tilespmem:s20+$0xFFFFFFF0] =	vst v56  }
0x272: {  	v56 =	vld.idx.msk [tilespmem:v21+s13+$0x0], $0xffff;
	[tilespmem:s2+$0xFFFFFFF0] =	vst v58  }
0x273: {  	v58 =	vld.idx.msk [tilespmem:v29+s13+$0x0], $0xffff  }
0x274: {  	[tilespmem:s23+$0xFFFFFFF0] =	vst v57  }
0x275: {  	v57 =	vld.idx.msk [tilespmem:v37+s13+$0x0], $0xffff;
	[tilespmem:s26+$0xFFFFFFF0] =	vst v53  }
0x276: {  	v53 =	vld.idx.msk [tilespmem:v52+s13+$0x0], $0xffff  }
0x277: {  	[tilespmem:s20+$0x0] =	vst v56  }
0x278: {  	v56 =	vld.idx.msk [tilespmem:v22+s13+$0x0], $0xffff;
	[tilespmem:s2+$0x0] =	vst v58  }
0x279: {  	v58 =	vld.idx.msk [tilespmem:v30+s13+$0x0], $0xffff  }
0x27a: {  	[tilespmem:s23+$0x0] =	vst v57  }
0x27b: {  	v57 =	vld.idx.msk [tilespmem:v38+s13+$0x0], $0xffff;
	[tilespmem:s26+$0x0] =	vst v53  }
0x27c: {  	v53 =	vld.idx.msk [tilespmem:v50+s13+$0x0], $0xffff  }
0x27d: {  	[tilespmem:s20+$0x10] =	vst v56  }
0x27e: {  	v56 =	vld.idx.msk [tilespmem:v23+s13+$0x0], $0xffff;
	[tilespmem:s2+$0x10] =	vst v58  }
0x27f: {  	v58 =	vld.idx.msk [tilespmem:v31+s13+$0x0], $0xffff  }
0x280: {  	[tilespmem:s23+$0x10] =	vst v57  }
0x281: {  	v57 =	vld.idx.msk [tilespmem:v39+s13+$0x0], $0xffff;
	[tilespmem:s26+$0x10] =	vst v53  }
0x282: {  	v53 =	vld.idx.msk [tilespmem:v51+s13+$0x0], $0xffff  }
0x283: {  	[tilespmem:s20+$0x20] =	vst v56  }
0x284: {  	v56 =	vld.idx.msk [tilespmem:v24+s13+$0x0], $0xffff;
	[tilespmem:s2+$0x20] =	vst v58  }
0x285: {  	v58 =	vld.idx.msk [tilespmem:v32+s13+$0x0], $0xffff  }
0x286: {  	[tilespmem:s23+$0x20] =	vst v57  }
0x287: {  	v57 =	vld.idx.msk [tilespmem:v43+s13+$0x0], $0xffff;
	[tilespmem:s26+$0x20] =	vst v53  }
0x288: {  	v53 =	vld.idx.msk [tilespmem:v49+s13+$0x0], $0xffff  }
0x289: {  	[tilespmem:s20+$0x30] =	vst v56  }
0x28a: {  	v56 =	vld.idx.msk [tilespmem:v25+s13+$0x0], $0xffff;
	[tilespmem:s2+$0x30] =	vst v58  }
0x28b: {  	v58 =	vld.idx.msk [tilespmem:v33+s13+$0x0], $0xffff  }
0x28c: {  	[tilespmem:s23+$0x30] =	vst v57  }
0x28d: {  	v57 =	vld.idx.msk [tilespmem:v44+s13+$0x0], $0xffff;
	[tilespmem:s26+$0x30] =	vst v53  }
0x28e: {  	v53 =	vld.idx.msk [tilespmem:v48+s13+$0x0], $0xffff  }
0x28f: {  	[tilespmem:s20+$0x40] =	vst v56  }
0x290: {  	v56 =	vld.idx.msk [tilespmem:v26+s13+$0x0], $0xffff;
	[tilespmem:s2+$0x40] =	vst v58  }
0x291: {  	v58 =	vld.idx.msk [tilespmem:v34+s13+$0x0], $0xffff  }
0x292: {  	[tilespmem:s23+$0x40] =	vst v57  }
0x293: {  	v57 =	vld.idx.msk [tilespmem:v45+s13+$0x0], $0xffff;
	[tilespmem:s26+$0x40] =	vst v53  }
0x294: {  	v53 =	vld.idx.msk [tilespmem:v47+s13+$0x0], $0xffff  }
0x295: {  	[tilespmem:s20+$0x50] =	vst v56  }
0x296: {  	v56 =	vld.idx.msk [tilespmem:v27+s13+$0x0], $0xffff;
	[tilespmem:s2+$0x50] =	vst v58  }
0x297: {  	v58 =	vld.idx.msk [tilespmem:v35+s13+$0x0], $0xffff  }
0x298: {  	[tilespmem:s23+$0x50] =	vst v57  }
0x299: {  	v57 =	vld.idx.msk [tilespmem:v42+s13+$0x0], $0xffff;
	[tilespmem:s26+$0x50] =	vst v53  }
0x29a: {  	[tilespmem:s19+$0x60] =	vst v55;
	v53 =	vld.idx.msk [tilespmem:v46+s13+$0x0], $0xffff  }
0x29b: {  	v55 =	vld.idx.msk [tilespmem:v20+s13+$0x0], $0xffff;
	[tilespmem:s20+$0x60] =	vst v56  }
0x29c: {  	v56 =	vld.idx.msk [tilespmem:v28+s13+$0x0], $0xffff;
	[tilespmem:s2+$0x60] =	vst v58  }
0x29d: {  	v58 =	vld.idx.msk [tilespmem:v36+s13+$0x0], $0xffff  }
0x29e: {  	[tilespmem:s23+$0x60] =	vst v57  }
0x29f: {  	v57 =	vld.idx.msk [tilespmem:v40+s13+$0x0], $0xffff;
	[tilespmem:s26+$0x60] =	vst v53  }
0x2a0: {  	[tilespmem:s19+$0x70] =	vst v55;
	v53 =	vld.idx.msk [tilespmem:v41+s13+$0x0], $0xffff  }
0x2a1: {  	v55 =	vld.idx.msk [tilespmem:v13+s14+$0x0], $0xffff;
	[tilespmem:s20+$0x70] =	vst v56  }
0x2a2: {  	v56 =	vld.idx.msk [tilespmem:v21+s14+$0x0], $0xffff;
	[tilespmem:s2+$0x70] =	vst v58  }
0x2a3: {  	v58 =	vld.idx.msk [tilespmem:v29+s14+$0x0], $0xffff  }
0x2a4: {  	[tilespmem:s23+$0x70] =	vst v57  }
0x2a5: {  	v57 =	vld.idx.msk [tilespmem:v37+s14+$0x0], $0xffff;
	[tilespmem:s26+$0x70] =	vst v53  }
0x2a6: {  	[tilespmem:s19+$0x80] =	vst v55;
	v53 =	vld.idx.msk [tilespmem:v52+s14+$0x0], $0xffff  }
0x2a7: {  	v55 =	vld.idx.msk [tilespmem:v14+s14+$0x0], $0xffff;
	[tilespmem:s20+$0x80] =	vst v56  }
0x2a8: {  	v56 =	vld.idx.msk [tilespmem:v22+s14+$0x0], $0xffff;
	[tilespmem:s2+$0x80] =	vst v58  }
0x2a9: {  	v58 =	vld.idx.msk [tilespmem:v30+s14+$0x0], $0xffff  }
0x2aa: {  	[tilespmem:s23+$0x80] =	vst v57  }
0x2ab: {  	v57 =	vld.idx.msk [tilespmem:v38+s14+$0x0], $0xffff;
	[tilespmem:s26+$0x80] =	vst v53  }
0x2ac: {  	[tilespmem:s19+$0x90] =	vst v55;
	v53 =	vld.idx.msk [tilespmem:v50+s14+$0x0], $0xffff  }
0x2ad: {  	v55 =	vld.idx.msk [tilespmem:v15+s14+$0x0], $0xffff;
	[tilespmem:s20+$0x90] =	vst v56  }
0x2ae: {  	v56 =	vld.idx.msk [tilespmem:v23+s14+$0x0], $0xffff;
	[tilespmem:s2+$0x90] =	vst v58  }
0x2af: {  	v58 =	vld.idx.msk [tilespmem:v31+s14+$0x0], $0xffff  }
0x2b0: {  	[tilespmem:s23+$0x90] =	vst v57  }
0x2b1: {  	v57 =	vld.idx.msk [tilespmem:v39+s14+$0x0], $0xffff;
	[tilespmem:s26+$0x90] =	vst v53  }
0x2b2: {  	[tilespmem:s19+$0xA0] =	vst v55;
	v53 =	vld.idx.msk [tilespmem:v51+s14+$0x0], $0xffff  }
0x2b3: {  	v55 =	vld.idx.msk [tilespmem:v16+s14+$0x0], $0xffff;
	[tilespmem:s20+$0xA0] =	vst v56  }
0x2b4: {  	v56 =	vld.idx.msk [tilespmem:v24+s14+$0x0], $0xffff;
	[tilespmem:s2+$0xA0] =	vst v58  }
0x2b5: {  	v62 =	vld.idx.msk [tilespmem:v32+s14+$0x0], $0xffff  }
0x2b6: {  	[tilespmem:s23+$0xA0] =	vst v57  }
0x2b7: {  	v63 =	vld.idx.msk [tilespmem:v43+s14+$0x0], $0xffff;
	[tilespmem:s26+$0xA0] =	vst v53  }
0x2b8: {  	[tilespmem:s19+$0xB0] =	vst v55;
	v60 =	vld.idx.msk [tilespmem:v49+s14+$0x0], $0xffff  }
0x2b9: {  	v55 =	vld.idx.msk [tilespmem:v17+s14+$0x0], $0xffff;
	[tilespmem:s20+$0xB0] =	vst v56  }
0x2ba: {  	v56 =	vld.idx.msk [tilespmem:v25+s14+$0x0], $0xffff;
	[tilespmem:s2+$0xB0] =	vst v62  }
0x2bb: {  	[tilespmem:s9+$0x100] =	vst v54;
	v61 =	vld.idx.msk [tilespmem:v33+s14+$0x0], $0xffff  }
0x2bc: {  	v12 =	vld.idx.msk [tilespmem:v12+s17+$0x0], $0xffff;
	[tilespmem:s23+$0xB0] =	vst v63  }
0x2bd: {  	v62 =	vld.idx.msk [tilespmem:v44+s14+$0x0], $0xffff;
	[tilespmem:s26+$0xB0] =	vst v60  }
0x2be: {  	[tilespmem:s19+$0xC0] =	vst v55;
	v63 =	vld.idx.msk [tilespmem:v48+s14+$0x0], $0xffff  }
0x2bf: {  	[tilespmem:s20+$0xC0] =	vst v56;
	v60 =	vld.idx.msk [tilespmem:v1+s15+$0x0], $0xffff  }
0x2c0: {  	[tilespmem:s2+$0xC0] =	vst v61;
	v61 =	vld.idx.msk [tilespmem:v26+s14+$0x0], $0xffff  }
0x2c1: {  	[tilespmem:s6+$0x1B0] =	vst v12;
	v56 =	vld.idx.msk [tilespmem:v18+s14+$0x0], $0xffff  }
0x2c2: {  	[tilespmem:s23+$0xC0] =	vst v62;
	v62 =	vld.idx.msk [tilespmem:v34+s14+$0x0], $0xffff  }
0x2c3: {  	[tilespmem:s26+$0xC0] =	vst v63;
	v63 =	vld.idx.msk [tilespmem:v45+s14+$0x0], $0xffff  }
0x2c4: {  	[tilespmem:s9+$0x110] =	vst v60;
	v60 =	vld.idx.msk [tilespmem:v47+s14+$0x0], $0xffff  }
0x2c5: {  	v11 =	vld.idx.msk [tilespmem:v11+s17+$0x0], $0xffff;
	[tilespmem:s20+$0xD0] =	vst v61  }
0x2c6: {  	[tilespmem:s19+$0xD0] =	vst v56;
	v53 =	vld.idx.msk [tilespmem:v27+s14+$0x0], $0xffff  }
0x2c7: {  	v56 =	vld.idx.msk [tilespmem:v19+s14+$0x0], $0xffff;
	[tilespmem:s2+$0xD0] =	vst v62  }
0x2c8: {  	v54 =	vld.idx.msk [tilespmem:v35+s14+$0x0], $0xffff;
	[tilespmem:s23+$0xD0] =	vst v63  }
0x2c9: {  	v12 =	vld.idx.msk [tilespmem:v42+s14+$0x0], $0xffff;
	[tilespmem:s26+$0xD0] =	vst v60  }
0x2ca: {  	[tilespmem:s6+$0x1C0] =	vst v11;
	v61 =	vld.idx.msk [tilespmem:v46+s14+$0x0], $0xffff  }
0x2cb: {  	v10 =	vld.idx.msk [tilespmem:v10+s17+$0x0], $0xffff;
	[tilespmem:s20+$0xE0] =	vst v53  }
0x2cc: {  	[tilespmem:s19+$0xE0] =	vst v56;
	v53 =	vld.idx.msk [tilespmem:v28+s14+$0x0], $0xffff  }
0x2cd: {  	v56 =	vld.idx.msk [tilespmem:v20+s14+$0x0], $0xffff;
	[tilespmem:s2+$0xE0] =	vst v54  }
0x2ce: {  	v54 =	vld.idx.msk [tilespmem:v36+s14+$0x0], $0xffff;
	[tilespmem:s23+$0xE0] =	vst v12  }
0x2cf: {  	v12 =	vld.idx.msk [tilespmem:v40+s14+$0x0], $0xffff;
	[tilespmem:s26+$0xE0] =	vst v61  }
0x2d0: {  	[tilespmem:s6+$0x1D0] =	vst v10;
	v11 =	vld.idx.msk [tilespmem:v41+s14+$0x0], $0xffff  }
0x2d1: {  	v9 =	vld.idx.msk [tilespmem:v9+s17+$0x0], $0xffff;
	[tilespmem:s20+$0xF0] =	vst v53  }
0x2d2: {  	[tilespmem:s19+$0xF0] =	vst v56;
	v53 =	vld.idx.msk [tilespmem:v21+s15+$0x0], $0xffff  }
0x2d3: {  	[tilespmem:s2+$0xF0] =	vst v54;
	v63 =	vld.idx.msk [tilespmem:v13+s15+$0x0], $0xffff  }
0x2d4: {  	v54 =	vld.idx.msk [tilespmem:v29+s15+$0x0], $0xffff;
	[tilespmem:s23+$0xF0] =	vst v12  }
0x2d5: {  	v12 =	vld.idx.msk [tilespmem:v37+s15+$0x0], $0xffff;
	[tilespmem:s26+$0xF0] =	vst v11  }
0x2d6: {  	[tilespmem:s6+$0x1E0] =	vst v9;
	v57 =	vld.idx.msk [tilespmem:v52+s15+$0x0], $0xffff  }
0x2d7: {  	v8 =	vld.idx.msk [tilespmem:v8+s17+$0x0], $0xffff;
	[tilespmem:s20+$0x100] =	vst v53  }
0x2d8: {  	v53 =	vld.idx.msk [tilespmem:v22+s15+$0x0], $0xffff;
	[tilespmem:s19+$0x100] =	vst v63  }
0x2d9: {  	[tilespmem:s2+$0x100] =	vst v54;
	v55 =	vld.idx.msk [tilespmem:v14+s15+$0x0], $0xffff  }
0x2da: {  	v54 =	vld.idx.msk [tilespmem:v30+s15+$0x0], $0xffff;
	[tilespmem:s23+$0x100] =	vst v12  }
0x2db: {  	v12 =	vld.idx.msk [tilespmem:v38+s15+$0x0], $0xffff;
	[tilespmem:s26+$0x100] =	vst v57  }
0x2dc: {  	[tilespmem:s6+$0x1F0] =	vst v8;
	v10 =	vld.idx.msk [tilespmem:v50+s15+$0x0], $0xffff  }
0x2dd: {  	v62 =	vld.idx.msk [tilespmem:v2+s15+$0x0], $0xffff;
	[tilespmem:s20+$0x110] =	vst v53  }
0x2de: {  	v53 =	vld.idx.msk [tilespmem:v23+s15+$0x0], $0xffff;
	[tilespmem:s19+$0x110] =	vst v55  }
0x2df: {  	[tilespmem:s2+$0x110] =	vst v54;
	v59 =	vld.idx.msk [tilespmem:v15+s15+$0x0], $0xffff  }
0x2e0: {  	v54 =	vld.idx.msk [tilespmem:v31+s15+$0x0], $0xffff;
	[tilespmem:s23+$0x110] =	vst v12  }
0x2e1: {  	v12 =	vld.idx.msk [tilespmem:v39+s15+$0x0], $0xffff;
	[tilespmem:s26+$0x110] =	vst v10  }
0x2e2: {  	[tilespmem:s9+$0x120] =	vst v62;
	v60 =	vld.idx.msk [tilespmem:v51+s15+$0x0], $0xffff  }
0x2e3: {  	v58 =	vld.idx.msk [tilespmem:v4+s15+$0x0], $0xffff;
	[tilespmem:s20+$0x120] =	vst v53  }
0x2e4: {  	v53 =	vld.idx.msk [tilespmem:v24+s15+$0x0], $0xffff;
	[tilespmem:s19+$0x120] =	vst v59  }
0x2e5: {  	[tilespmem:s2+$0x120] =	vst v54;
	v11 =	vld.idx.msk [tilespmem:v16+s15+$0x0], $0xffff  }
0x2e6: {  	v54 =	vld.idx.msk [tilespmem:v32+s15+$0x0], $0xffff;
	[tilespmem:s23+$0x120] =	vst v12  }
0x2e7: {  	v12 =	vld.idx.msk [tilespmem:v43+s15+$0x0], $0xffff;
	[tilespmem:s26+$0x120] =	vst v60  }
0x2e8: {  	[tilespmem:s9+$0x130] =	vst v58;
	v9 =	vld.idx.msk [tilespmem:v49+s15+$0x0], $0xffff  }
0x2e9: {  	v61 =	vld.idx.msk [tilespmem:v5+s15+$0x0], $0xffff;
	[tilespmem:s20+$0x130] =	vst v53  }
0x2ea: {  	v63 =	vld.idx.msk [tilespmem:v25+s15+$0x0], $0xffff;
	[tilespmem:s19+$0x130] =	vst v11  }
0x2eb: {  	[tilespmem:s2+$0x130] =	vst v54;
	v62 =	vld.idx.msk [tilespmem:v17+s15+$0x0], $0xffff  }
0x2ec: {  	v56 =	vld.idx.msk [tilespmem:v33+s15+$0x0], $0xffff;
	[tilespmem:s23+$0x130] =	vst v12  }
0x2ed: {  	v12 =	vld.idx.msk [tilespmem:v44+s15+$0x0], $0xffff;
	[tilespmem:s26+$0x130] =	vst v9  }
0x2ee: {  	[tilespmem:s9+$0x140] =	vst v61;
	v57 =	vld.idx.msk [tilespmem:v48+s15+$0x0], $0xffff  }
0x2ef: {  	v58 =	vld.idx.msk [tilespmem:v6+s15+$0x0], $0xffff;
	[tilespmem:s20+$0x140] =	vst v63  }
0x2f0: {  	v11 =	vld.idx.msk [tilespmem:v26+s15+$0x0], $0xffff;
	[tilespmem:s19+$0x140] =	vst v62  }
0x2f1: {  	[tilespmem:s2+$0x140] =	vst v56;
	v10 =	vld.idx.msk [tilespmem:v18+s15+$0x0], $0xffff  }
0x2f2: {  	v53 =	vld.idx.msk [tilespmem:v34+s15+$0x0], $0xffff;
	[tilespmem:s23+$0x140] =	vst v12  }
0x2f3: {  	v12 =	vld.idx.msk [tilespmem:v45+s15+$0x0], $0xffff;
	[tilespmem:s26+$0x140] =	vst v57  }
0x2f4: {  	[tilespmem:s9+$0x150] =	vst v58;
	v8 =	vld.idx.msk [tilespmem:v47+s15+$0x0], $0xffff  }
0x2f5: {  	[tilespmem:s20+$0x150] =	vst v11;
	v9 =	vld.idx.msk [tilespmem:v7+s15+$0x0], $0xffff  }
0x2f6: {  	v11 =	vld.idx.msk [tilespmem:v27+s15+$0x0], $0xffff;
	[tilespmem:s19+$0x150] =	vst v10  }
0x2f7: {  	[tilespmem:s2+$0x150] =	vst v53;
	v10 =	vld.idx.msk [tilespmem:v19+s15+$0x0], $0xffff  }
0x2f8: {  	v53 =	vld.idx.msk [tilespmem:v35+s15+$0x0], $0xffff;
	[tilespmem:s23+$0x150] =	vst v12  }
0x2f9: {  	v12 =	vld.idx.msk [tilespmem:v42+s15+$0x0], $0xffff;
	[tilespmem:s26+$0x150] =	vst v8  }
0x2fa: {  	[tilespmem:s9+$0x160] =	vst v9;
	v8 =	vld.idx.msk [tilespmem:v46+s15+$0x0], $0xffff  }
0x2fb: {  	[tilespmem:s20+$0x160] =	vst v11;
	v9 =	vld.idx.msk [tilespmem:v3+s15+$0x0], $0xffff  }
0x2fc: {  	v11 =	vld.idx.msk [tilespmem:v28+s15+$0x0], $0xffff;
	[tilespmem:s19+$0x160] =	vst v10  }
0x2fd: {  	[tilespmem:s2+$0x160] =	vst v53;
	v10 =	vld.idx.msk [tilespmem:v20+s15+$0x0], $0xffff  }
0x2fe: {  	v53 =	vld.idx.msk [tilespmem:v36+s15+$0x0], $0xffff;
	[tilespmem:s23+$0x160] =	vst v12  }
0x2ff: {  	v12 =	vld.idx.msk [tilespmem:v40+s15+$0x0], $0xffff;
	[tilespmem:s26+$0x160] =	vst v8  }
0x300: {  	[tilespmem:s9+$0x170] =	vst v9;
	v8 =	vld.idx.msk [tilespmem:v41+s15+$0x0], $0xffff  }
0x301: {  	[tilespmem:s20+$0x170] =	vst v11;
	v59 =	vld.idx.msk [tilespmem:v0+s17+$0x0], $0xffff  }
0x302: {  	v61 =	vld.idx.msk [tilespmem:v21+s17+$0x0], $0xffff;
	[tilespmem:s19+$0x170] =	vst v10  }
0x303: {  	[tilespmem:s2+$0x170] =	vst v53;
	v60 =	vld.idx.msk [tilespmem:v13+s17+$0x0], $0xffff  }
0x304: {  	v62 =	vld.idx.msk [tilespmem:v29+s17+$0x0], $0xffff;
	[tilespmem:s23+$0x170] =	vst v12  }
0x305: {  	v12 =	vld.idx.msk [tilespmem:v37+s17+$0x0], $0xffff;
	[tilespmem:s26+$0x170] =	vst v8  }
0x306: {  	[tilespmem:s9+$0x180] =	vst v59;
	v63 =	vld.idx.msk [tilespmem:v52+s17+$0x0], $0xffff  }
0x307: {  	[tilespmem:s20+$0x180] =	vst v61;
	v13 =	vld.idx.msk [tilespmem:v1+s17+$0x0], $0xffff  }
0x308: {  	v29 =	vld.idx.msk [tilespmem:v22+s17+$0x0], $0xffff;
	[tilespmem:s19+$0x180] =	vst v60  }
0x309: {  	[tilespmem:s2+$0x180] =	vst v62;
	v21 =	vld.idx.msk [tilespmem:v14+s17+$0x0], $0xffff  }
0x30a: {  	v37 =	vld.idx.msk [tilespmem:v30+s17+$0x0], $0xffff;
	[tilespmem:s23+$0x180] =	vst v12  }
0x30b: {  	v38 =	vld.idx.msk [tilespmem:v38+s17+$0x0], $0xffff;
	[tilespmem:s26+$0x180] =	vst v63  }
0x30c: {  	[tilespmem:s9+$0x190] =	vst v13;
	v0 =	vld.idx.msk [tilespmem:v50+s17+$0x0], $0xffff  }
0x30d: {  	[tilespmem:s20+$0x190] =	vst v29;
	v1 =	vld.idx.msk [tilespmem:v2+s17+$0x0], $0xffff  }
0x30e: {  	[tilespmem:s19+$0x190] =	vst v21;
	v52 =	vld.idx.msk [tilespmem:v23+s17+$0x0], $0xffff  }
0x30f: {  	[tilespmem:s2+$0x190] =	vst v37;
	v50 =	vld.idx.msk [tilespmem:v15+s17+$0x0], $0xffff  }
0x310: {  	v53 =	vld.idx.msk [tilespmem:v31+s17+$0x0], $0xffff;
	[tilespmem:s23+$0x190] =	vst v38  }
0x311: {  	v54 =	vld.idx.msk [tilespmem:v39+s17+$0x0], $0xffff;
	[tilespmem:s26+$0x190] =	vst v0  }
0x312: {  	[tilespmem:s9+$0x1A0] =	vst v1;
	v0 =	vld.idx.msk [tilespmem:v51+s17+$0x0], $0xffff  }
0x313: {  	v1 =	vld.idx.msk [tilespmem:v4+s17+$0x0], $0xffff;
	[tilespmem:s20+$0x1A0] =	vst v52  }
0x314: {  	v55 =	vld.idx.msk [tilespmem:v24+s17+$0x0], $0xffff;
	[tilespmem:s19+$0x1A0] =	vst v50  }
0x315: {  	[tilespmem:s2+$0x1A0] =	vst v53;
	v2 =	vld.idx.msk [tilespmem:v16+s17+$0x0], $0xffff  }
0x316: {  	v56 =	vld.idx.msk [tilespmem:v32+s17+$0x0], $0xffff;
	[tilespmem:s23+$0x1A0] =	vst v54  }
0x317: {  	v57 =	vld.idx.msk [tilespmem:v43+s17+$0x0], $0xffff;
	[tilespmem:s26+$0x1A0] =	vst v0  }
0x318: {  	[tilespmem:s9+$0x1B0] =	vst v1;
	v0 =	vld.idx.msk [tilespmem:v49+s17+$0x0], $0xffff  }
0x319: {  	v1 =	vld.idx.msk [tilespmem:v5+s17+$0x0], $0xffff;
	[tilespmem:s20+$0x1B0] =	vst v55  }
0x31a: {  	v4 =	vld.idx.msk [tilespmem:v25+s17+$0x0], $0xffff;
	[tilespmem:s19+$0x1B0] =	vst v2  }
0x31b: {  	[tilespmem:s2+$0x1B0] =	vst v56;
	v2 =	vld.idx.msk [tilespmem:v17+s17+$0x0], $0xffff  }
0x31c: {  	v58 =	vld.idx.msk [tilespmem:v33+s17+$0x0], $0xffff;
	[tilespmem:s23+$0x1B0] =	vst v57  }
0x31d: {  	v59 =	vld.idx.msk [tilespmem:v44+s17+$0x0], $0xffff;
	[tilespmem:s26+$0x1B0] =	vst v0  }
0x31e: {  	[tilespmem:s9+$0x1C0] =	vst v1;
	v0 =	vld.idx.msk [tilespmem:v48+s17+$0x0], $0xffff  }
0x31f: {  	v1 =	vld.idx.msk [tilespmem:v6+s17+$0x0], $0xffff;
	[tilespmem:s20+$0x1C0] =	vst v4  }
0x320: {  	v4 =	vld.idx.msk [tilespmem:v26+s17+$0x0], $0xffff;
	[tilespmem:s19+$0x1C0] =	vst v2  }
0x321: {  	[tilespmem:s2+$0x1C0] =	vst v58;
	v2 =	vld.idx.msk [tilespmem:v18+s17+$0x0], $0xffff  }
0x322: {  	v5 =	vld.idx.msk [tilespmem:v34+s17+$0x0], $0xffff;
	[tilespmem:s23+$0x1C0] =	vst v59  }
0x323: {  	v60 =	vld.idx.msk [tilespmem:v45+s17+$0x0], $0xffff;
	[tilespmem:s26+$0x1C0] =	vst v0  }
0x324: {  	[tilespmem:s9+$0x1D0] =	vst v1;
	v0 =	vld.idx.msk [tilespmem:v47+s17+$0x0], $0xffff  }
0x325: {  	v1 =	vld.idx.msk [tilespmem:v7+s17+$0x0], $0xffff;
	[tilespmem:s20+$0x1D0] =	vst v4  }
0x326: {  	v4 =	vld.idx.msk [tilespmem:v27+s17+$0x0], $0xffff;
	[tilespmem:s19+$0x1D0] =	vst v2  }
0x327: {  	[tilespmem:s2+$0x1D0] =	vst v5;
	v2 =	vld.idx.msk [tilespmem:v19+s17+$0x0], $0xffff  }
0x328: {  	v5 =	vld.idx.msk [tilespmem:v35+s17+$0x0], $0xffff;
	[tilespmem:s23+$0x1D0] =	vst v60  }
0x329: {  	v6 =	vld.idx.msk [tilespmem:v42+s17+$0x0], $0xffff;
	[tilespmem:s26+$0x1D0] =	vst v0  }
0x32a: {  	[tilespmem:s9+$0x1E0] =	vst v1;
	v0 =	vld.idx.msk [tilespmem:v46+s17+$0x0], $0xffff  }
0x32b: {  	v1 =	vld.idx.msk [tilespmem:v3+s17+$0x0], $0xffff;
	[tilespmem:s20+$0x1E0] =	vst v4  }
0x32c: {  	v61 =	vld.idx.msk [tilespmem:v28+s17+$0x0], $0xffff;
	[tilespmem:s19+$0x1E0] =	vst v2  }
0x32d: {  	[tilespmem:s2+$0x1E0] =	vst v5;
	v2 =	vld.idx.msk [tilespmem:v20+s17+$0x0], $0xffff  }
0x32e: {  	v62 =	vld.idx.msk [tilespmem:v36+s17+$0x0], $0xffff;
	[tilespmem:s23+$0x1E0] =	vst v6  }
0x32f: {  	v63 =	vld.idx.msk [tilespmem:v40+s17+$0x0], $0xffff;
	[tilespmem:s26+$0x1E0] =	vst v0  }
0x330: {  	s1 =	sshll.u32 s0, $0x10;
	s31 =	sshrl.u32 s0, $0x1;
	[tilespmem:s9+$0x1F0] =	vst v1;
	v0 =	vld.idx.msk [tilespmem:v41+s17+$0x0], $0xffff  }
0x331: {  	p1 =	sne.s32 s0, $0x31;
	s24 =	sadd.s32 s8, s31;
	s9 =	sand.u32 $0x10000, s1;
	[tilespmem:s20+$0x1F0] =	vst v61  }
.Ltmp3:
0x332: {  	s30 =	sor.u32 s16, s9;
	[tilespmem:s19+$0x1F0] =	vst v2;
	s19 =	sshll.u32 s24, $0x13;
	(pc) =	sbr.rel @p1 .LBB2_6-.Ltmp3, $4  }
0x333: {  	[tilespmem:s2+$0x1F0] =	vst v62;
	s1 =	sor.u32 s19, s30  }
0x334: {  	s1 =	sshrl.u32 s1, $0x3;
	[tilespmem:s23+$0x1F0] =	vst v63  }
0x335: {  	s31 =	simm.s32 $0x2500;
	s1 =	sadd.s32 s3, s1;
	[tilespmem:s26+$0x1F0] =	vst v0  }
0x336: {  	[hbm4b:s1+s4] =	stream.linear.scatter [tilespmem:s31], [sflag:$0x3], $0x8000, $0x38;
	[tilespmem:$0x12500] =	vst v63  }
.Ltmp4:
0x337: {  	(pc) =	sbr.rel .LBB2_7-.Ltmp4, $4  }
0x338: {  	_ = 	snop  }
0x339: {  	_ =	swait.ge [sflag:s28], $0x1000  }
0x33a: {  	[sflag:s28] =	ssyncset.done $0x0  }
0x33b: {  	[sflag:s28] =	ssyncadd.s32 $0xFFFFF000  }
.LBB2_6:
0x33c: {  	s1 =	sadd.s32 $0x2, s5  }
0x33d: {  	s2 =	sshrl.u32 s1, $0x2  }
0x33e: {  	s30 =	rddreg [dreg:$0x0];
	s2 =	sadd.s32 s8, s2  }
0x33f: {  	s1 =	sshll.u32 s1, $0xC;
	s6 =	sshll.u32 s2, $0xB;
	s2 =	sshll.u32 s2, $0x4  }
0x340: {  	s1 =	sand.u32 $0x2000, s1;
	s6 =	sand.u32 $0xFFFC000, s6;
	s2 =	sand.u32 $0x70, s2  }
0x341: {  	s1 =	sor.u32 s6, s1;
	s2 =	sadd.s32 s30, s2  }
.Ltmp5:
0x342: {  	s31 =	simm.s32 $0x500;
	s1 =	sadd.s32 s1, s2;
	(pc) =	sbr.rel @p0 .LBB2_8-.Ltmp5, $4  }
0x343: {  	[tilespmem:s31], [sflag:$0x1] =	stream.strided.gather [hbm4b:s1+s21], $0x1000, s22, s21, $0x38;
	[tilespmem:$0x12500] =	vst v63  }
0x344: {  	_ =	swait.ge [sflag:s28], $0x1000  }
0x345: {  	[sflag:s28] =	ssyncset.done $0x0  }
0x346: {  	[sflag:s28] =	ssyncadd.s32 $0xFFFFF000  }
.LBB2_7:
0x347: {  	_ =	swait.ge [sflag:s29], $0x8000  }
0x348: {  	[sflag:s29] =	ssyncset.done $0x0  }
0x349: {  	[sflag:s29] =	ssyncadd.s32 $0xFFFF8000  }
.LBB2_8:
0x34a: {  	s1 =	simm.s32 $0x0  }
0x34b: {  	v0 =	vld [tilespmem:s1+$0x1500];
	_ =	sdelay $0x4  }
0x34c: {  	v0 =	vmul.f32 $3.500000000e+01, v0  }
0x34d: {  	v1 =	vld [tilespmem:s1+$0x1510]  }
0x34e: {  	v0 =	vadd.f32 $3.600000000e+01, v0;
	_ =	sdelay $0x1  }
0x34f: {  	v0 =	vadd.f32 $1.258291200e+07, v0;
	_ =	sdelay $0x1  }
0x350: {  	v1 =	vmul.f32 $3.500000000e+01, v1;
	v0 =	vadd.f32 $-1.258291200e+07, v0  }
0x351: {  	v2 =	vld [tilespmem:s1+$0x1520]  }
0x352: {  	v1 =	vadd.f32 $3.600000000e+01, v1;
	v0 =	vadd.f32 $-3.600000000e+01, v0;
	_ =	sdelay $0x1  }
0x353: {  	v1 =	vadd.f32 $1.258291200e+07, v1;
	v0 =	vmax.f32 v0, $0.0e+00  }
0x354: {  	v0 =	vmin.f32 v0, $3.500000000e+01  }
0x355: {  	v2 =	vmul.f32 $3.500000000e+01, v2;
	v1 =	vadd.f32 $-1.258291200e+07, v1;
	v0 =	vtrunc.f32 v0  }
0x356: {  	v3 =	vld [tilespmem:s1+$0x1530];
	v42 =	vcvt.f32.s32 v0  }
0x357: {  	v0 =	vadd.f32 $-3.600000000e+01, v1;
	v1 =	vadd.f32 $3.600000000e+01, v2;
	_ =	sdelay $0x1  }
0x358: {  	v0 =	vmax.f32 v0, $0.0e+00;
	v1 =	vadd.f32 $1.258291200e+07, v1  }
0x359: {  	v0 =	vmin.f32 v0, $3.500000000e+01  }
0x35a: {  	v3 =	vmul.f32 $3.500000000e+01, v3;
	v2 =	vld [tilespmem:s1+$0x1540];
	v0 =	vtrunc.f32 v0;
	v1 =	vadd.f32 $-1.258291200e+07, v1  }
0x35b: {  	v41 =	vcvt.f32.s32 v0;
	v4 =	vld.idx.msk [tilespmem:v42+s7+$0x0], $0xffff  }
0x35c: {  	v0 =	vadd.f32 $-3.600000000e+01, v1;
	v1 =	vadd.f32 $3.600000000e+01, v3;
	_ =	sdelay $0x1  }
0x35d: {  	v5 =	vld [tilespmem:s1+$0x1560];
	v0 =	vmax.f32 v0, $0.0e+00;
	v1 =	vadd.f32 $1.258291200e+07, v1  }
0x35e: {  	s20 =	simm.s32 $0xA700;
	v6 =	vld [tilespmem:s1+$0x1570];
	v0 =	vmin.f32 v0, $3.500000000e+01  }
0x35f: {  	v2 =	vmul.f32 $3.500000000e+01, v2;
	v3 =	vld [tilespmem:s1+$0x1550];
	v0 =	vtrunc.f32 v0;
	v1 =	vadd.f32 $-1.258291200e+07, v1;
	[tilespmem:s20+$0xFFFFFE00] =	vst v4  }
0x360: {  	v40 =	vcvt.f32.s32 v0;
	v4 =	vld.idx.msk [tilespmem:v41+s7+$0x0], $0xffff  }
0x361: {  	v0 =	vadd.f32 $-3.600000000e+01, v1;
	v1 =	vadd.f32 $3.600000000e+01, v2;
	_ =	sdelay $0x1  }
0x362: {  	v0 =	vmax.f32 v0, $0.0e+00;
	v1 =	vadd.f32 $1.258291200e+07, v1  }
0x363: {  	v0 =	vmin.f32 v0, $3.500000000e+01  }
0x364: {  	v2 =	vmul.f32 $3.500000000e+01, v3;
	v0 =	vtrunc.f32 v0;
	v1 =	vadd.f32 $-1.258291200e+07, v1;
	[tilespmem:s20+$0xFFFFFE10] =	vst v4  }
0x365: {  	v12 =	vcvt.f32.s32 v0;
	v3 =	vld.idx.msk [tilespmem:v40+s7+$0x0], $0xffff  }
0x366: {  	v0 =	vadd.f32 $-3.600000000e+01, v1;
	v1 =	vadd.f32 $3.600000000e+01, v2;
	_ =	sdelay $0x1  }
0x367: {  	v0 =	vmax.f32 v0, $0.0e+00;
	v1 =	vadd.f32 $1.258291200e+07, v1  }
0x368: {  	v0 =	vmin.f32 v0, $3.500000000e+01  }
0x369: {  	v2 =	vmul.f32 $3.500000000e+01, v5;
	v0 =	vtrunc.f32 v0;
	v1 =	vadd.f32 $-1.258291200e+07, v1;
	[tilespmem:s20+$0xFFFFFE20] =	vst v3  }
0x36a: {  	v11 =	vcvt.f32.s32 v0;
	v3 =	vld.idx.msk [tilespmem:v12+s7+$0x0], $0xffff  }
0x36b: {  	v0 =	vadd.f32 $-3.600000000e+01, v1;
	v1 =	vadd.f32 $3.600000000e+01, v2;
	_ =	sdelay $0x1  }
0x36c: {  	v0 =	vmax.f32 v0, $0.0e+00;
	v1 =	vadd.f32 $1.258291200e+07, v1  }
0x36d: {  	v0 =	vmin.f32 v0, $3.500000000e+01  }
0x36e: {  	v2 =	vmul.f32 $3.500000000e+01, v6;
	v0 =	vtrunc.f32 v0;
	v1 =	vadd.f32 $-1.258291200e+07, v1;
	[tilespmem:s20+$0xFFFFFE30] =	vst v3  }
0x36f: {  	v10 =	vcvt.f32.s32 v0;
	v3 =	vld.idx.msk [tilespmem:v11+s7+$0x0], $0xffff  }
0x370: {  	v0 =	vadd.f32 $-3.600000000e+01, v1;
	v1 =	vadd.f32 $3.600000000e+01, v2;
	_ =	sdelay $0x1  }
0x371: {  	v0 =	vmax.f32 v0, $0.0e+00;
	v1 =	vadd.f32 $1.258291200e+07, v1  }
0x372: {  	v0 =	vmin.f32 v0, $3.500000000e+01  }
0x373: {  	v0 =	vtrunc.f32 v0;
	v1 =	vadd.f32 $-1.258291200e+07, v1;
	[tilespmem:s20+$0xFFFFFE40] =	vst v3  }
0x374: {  	v9 =	vcvt.f32.s32 v0;
	v2 =	vld.idx.msk [tilespmem:v10+s7+$0x0], $0xffff  }
0x375: {  	v0 =	vadd.f32 $-3.600000000e+01, v1;
	_ =	sdelay $0x1  }
0x376: {  	v0 =	vmax.f32 v0, $0.0e+00  }
0x377: {  	v0 =	vmin.f32 v0, $3.500000000e+01  }
0x378: {  	v0 =	vtrunc.f32 v0;
	[tilespmem:s20+$0xFFFFFE50] =	vst v2  }
0x379: {  	v8 =	vcvt.f32.s32 v0;
	v1 =	vld.idx.msk [tilespmem:v9+s7+$0x0], $0xffff  }
0x37a: {  	s26 =	simm.s32 $0x80  }
0x37b: {  	v0 =	vld [tilespmem:s26+$0x1500];
	_ =	sdelay $0x2  }
0x37c: {  	[tilespmem:s20+$0xFFFFFE60] =	vst v1  }
0x37d: {  	v1 =	vld.idx.msk [tilespmem:v8+s7+$0x0], $0xffff  }
0x37e: {  	v0 =	vmul.f32 $3.500000000e+01, v0  }
0x37f: {  	v2 =	vld [tilespmem:s26+$0x1510]  }
0x380: {  	v0 =	vadd.f32 $3.600000000e+01, v0;
	_ =	sdelay $0x1  }
0x381: {  	v0 =	vadd.f32 $1.258291200e+07, v0;
	[tilespmem:s20+$0xFFFFFE70] =	vst v1  }
0x382: {  	v1 =	vld.idx.msk [tilespmem:v42+s10+$0x0], $0xffff  }
0x383: {  	v2 =	vmul.f32 $3.500000000e+01, v2;
	v0 =	vadd.f32 $-1.258291200e+07, v0  }
0x384: {  	v3 =	vld [tilespmem:s26+$0x1520]  }
0x385: {  	v2 =	vadd.f32 $3.600000000e+01, v2;
	v0 =	vadd.f32 $-3.600000000e+01, v0;
	_ =	sdelay $0x1  }
0x386: {  	v0 =	vmax.f32 v0, $0.0e+00;
	[tilespmem:s20+$0xFFFFFE80] =	vst v1;
	v1 =	vadd.f32 $1.258291200e+07, v2  }
0x387: {  	v0 =	vmin.f32 v0, $3.500000000e+01;
	v2 =	vld.idx.msk [tilespmem:v41+s10+$0x0], $0xffff  }
0x388: {  	v3 =	vmul.f32 $3.500000000e+01, v3;
	v0 =	vtrunc.f32 v0;
	v1 =	vadd.f32 $-1.258291200e+07, v1  }
0x389: {  	v4 =	vld [tilespmem:s26+$0x1530];
	v0 =	vcvt.f32.s32 v0  }
0x38a: {  	v3 =	vadd.f32 $3.600000000e+01, v3;
	v1 =	vadd.f32 $-3.600000000e+01, v1;
	_ =	sdelay $0x1  }
0x38b: {  	[tilespmem:s20+$0xFFFFFE90] =	vst v2;
	v1 =	vmax.f32 v1, $0.0e+00;
	v2 =	vadd.f32 $1.258291200e+07, v3  }
0x38c: {  	v3 =	vld.idx.msk [tilespmem:v40+s10+$0x0], $0xffff;
	v1 =	vmin.f32 v1, $3.500000000e+01  }
0x38d: {  	v5 =	vld [tilespmem:s26+$0x1540];
	v4 =	vmul.f32 $3.500000000e+01, v4;
	v1 =	vtrunc.f32 v1;
	v2 =	vadd.f32 $-1.258291200e+07, v2  }
0x38e: {  	v6 =	vld.idx.msk [tilespmem:v0+s7+$0x0], $0xffff;
	v1 =	vcvt.f32.s32 v1  }
0x38f: {  	v4 =	vadd.f32 $3.600000000e+01, v4;
	v2 =	vadd.f32 $-3.600000000e+01, v2  }
0x390: {  	v7 =	vld [tilespmem:s26+$0x1550]  }
0x391: {  	v13 =	vld [tilespmem:s26+$0x1560];
	[tilespmem:s20+$0xFFFFFEA0] =	vst v3;
	v2 =	vmax.f32 v2, $0.0e+00;
	v3 =	vadd.f32 $1.258291200e+07, v4  }
0x392: {  	s6 =	simm.s32 $0xAB00;
	v4 =	vld.idx.msk [tilespmem:v12+s10+$0x0], $0xffff;
	v2 =	vmin.f32 v2, $3.500000000e+01  }
0x393: {  	v14 =	vld [tilespmem:s26+$0x1570];
	v5 =	vmul.f32 $3.500000000e+01, v5;
	[tilespmem:s6+$0xFFFFFE00] =	vst v6;
	v2 =	vtrunc.f32 v2;
	v3 =	vadd.f32 $-1.258291200e+07, v3  }
0x394: {  	v6 =	vld.idx.msk [tilespmem:v1+s7+$0x0], $0xffff;
	v2 =	vcvt.f32.s32 v2  }
0x395: {  	v5 =	vadd.f32 $3.600000000e+01, v5;
	v3 =	vadd.f32 $-3.600000000e+01, v3;
	_ =	sdelay $0x1  }
0x396: {  	[tilespmem:s20+$0xFFFFFEB0] =	vst v4;
	v3 =	vmax.f32 v3, $0.0e+00;
	v4 =	vadd.f32 $1.258291200e+07, v5  }
0x397: {  	v5 =	vld.idx.msk [tilespmem:v11+s10+$0x0], $0xffff;
	v3 =	vmin.f32 v3, $3.500000000e+01  }
0x398: {  	v7 =	vmul.f32 $3.500000000e+01, v7;
	[tilespmem:s6+$0xFFFFFE10] =	vst v6;
	v3 =	vtrunc.f32 v3;
	v6 =	vadd.f32 $-1.258291200e+07, v4  }
0x399: {  	v15 =	vld.idx.msk [tilespmem:v2+s7+$0x0], $0xffff;
	v4 =	vcvt.f32.s32 v3  }
0x39a: {  	v3 =	vadd.f32 $-3.600000000e+01, v6;
	v6 =	vadd.f32 $3.600000000e+01, v7;
	_ =	sdelay $0x1  }
0x39b: {  	[tilespmem:s20+$0xFFFFFEC0] =	vst v5;
	v3 =	vmax.f32 v3, $0.0e+00;
	v5 =	vadd.f32 $1.258291200e+07, v6  }
0x39c: {  	v6 =	vld.idx.msk [tilespmem:v10+s10+$0x0], $0xffff;
	v3 =	vmin.f32 v3, $3.500000000e+01  }
0x39d: {  	v13 =	vmul.f32 $3.500000000e+01, v13;
	[tilespmem:s6+$0xFFFFFE20] =	vst v15;
	v3 =	vtrunc.f32 v3;
	v7 =	vadd.f32 $-1.258291200e+07, v5  }
0x39e: {  	v15 =	vld.idx.msk [tilespmem:v4+s7+$0x0], $0xffff;
	v5 =	vcvt.f32.s32 v3  }
0x39f: {  	v3 =	vadd.f32 $-3.600000000e+01, v7;
	v7 =	vadd.f32 $3.600000000e+01, v13;
	_ =	sdelay $0x1  }
0x3a0: {  	[tilespmem:s20+$0xFFFFFED0] =	vst v6;
	v3 =	vmax.f32 v3, $0.0e+00;
	v6 =	vadd.f32 $1.258291200e+07, v7  }
0x3a1: {  	v7 =	vld.idx.msk [tilespmem:v9+s10+$0x0], $0xffff;
	v3 =	vmin.f32 v3, $3.500000000e+01  }
0x3a2: {  	v14 =	vmul.f32 $3.500000000e+01, v14;
	[tilespmem:s6+$0xFFFFFE30] =	vst v15;
	v3 =	vtrunc.f32 v3;
	v13 =	vadd.f32 $-1.258291200e+07, v6  }
0x3a3: {  	v15 =	vld.idx.msk [tilespmem:v5+s7+$0x0], $0xffff;
	v6 =	vcvt.f32.s32 v3  }
0x3a4: {  	v3 =	vadd.f32 $-3.600000000e+01, v13;
	v13 =	vadd.f32 $3.600000000e+01, v14;
	_ =	sdelay $0x1  }
0x3a5: {  	[tilespmem:s20+$0xFFFFFEE0] =	vst v7;
	v3 =	vmax.f32 v3, $0.0e+00;
	v7 =	vadd.f32 $1.258291200e+07, v13  }
0x3a6: {  	v13 =	vld.idx.msk [tilespmem:v8+s10+$0x0], $0xffff;
	v3 =	vmin.f32 v3, $3.500000000e+01  }
0x3a7: {  	[tilespmem:s6+$0xFFFFFE40] =	vst v15;
	v3 =	vtrunc.f32 v3;
	v14 =	vadd.f32 $-1.258291200e+07, v7  }
0x3a8: {  	v15 =	vld.idx.msk [tilespmem:v6+s7+$0x0], $0xffff;
	v7 =	vcvt.f32.s32 v3  }
0x3a9: {  	v3 =	vadd.f32 $-3.600000000e+01, v14;
	_ =	sdelay $0x1  }
0x3aa: {  	[tilespmem:s20+$0xFFFFFEF0] =	vst v13;
	v3 =	vmax.f32 v3, $0.0e+00  }
0x3ab: {  	v13 =	vld.idx.msk [tilespmem:v42+s11+$0x0], $0xffff;
	v3 =	vmin.f32 v3, $3.500000000e+01  }
0x3ac: {  	[tilespmem:s6+$0xFFFFFE50] =	vst v15;
	v3 =	vtrunc.f32 v3  }
0x3ad: {  	v14 =	vld.idx.msk [tilespmem:v7+s7+$0x0], $0xffff;
	v3 =	vcvt.f32.s32 v3  }
0x3ae: {  	s2 =	simm.s32 $0x100  }
0x3af: {  	v15 =	vld [tilespmem:s2+$0x1500]  }
0x3b0: {  	[tilespmem:s20+$0xFFFFFF00] =	vst v13  }
0x3b1: {  	v13 =	vld.idx.msk [tilespmem:v41+s11+$0x0], $0xffff  }
0x3b2: {  	[tilespmem:s6+$0xFFFFFE60] =	vst v14  }
0x3b3: {  	v14 =	vld.idx.msk [tilespmem:v3+s7+$0x0], $0xffff  }
0x3b4: {  	v15 =	vmul.f32 $3.500000000e+01, v15  }
0x3b5: {  	v16 =	vld [tilespmem:s2+$0x1510]  }
0x3b6: {  	[tilespmem:s20+$0xFFFFFF10] =	vst v13;
	v13 =	vadd.f32 $3.600000000e+01, v15  }
0x3b7: {  	v15 =	vld.idx.msk [tilespmem:v40+s11+$0x0], $0xffff  }
0x3b8: {  	[tilespmem:s6+$0xFFFFFE70] =	vst v14;
	v13 =	vadd.f32 $1.258291200e+07, v13  }
0x3b9: {  	v14 =	vld.idx.msk [tilespmem:v0+s10+$0x0], $0xffff  }
0x3ba: {  	v16 =	vmul.f32 $3.500000000e+01, v16;
	v13 =	vadd.f32 $-1.258291200e+07, v13  }
0x3bb: {  	v17 =	vld [tilespmem:s2+$0x1520]  }
0x3bc: {  	[tilespmem:s20+$0xFFFFFF20] =	vst v15;
	v13 =	vadd.f32 $-3.600000000e+01, v13;
	v15 =	vadd.f32 $3.600000000e+01, v16  }
0x3bd: {  	v16 =	vld.idx.msk [tilespmem:v12+s11+$0x0], $0xffff  }
0x3be: {  	[tilespmem:s6+$0xFFFFFE80] =	vst v14;
	v13 =	vmax.f32 v13, $0.0e+00;
	v14 =	vadd.f32 $1.258291200e+07, v15  }
0x3bf: {  	v15 =	vld.idx.msk [tilespmem:v1+s10+$0x0], $0xffff;
	v13 =	vmin.f32 v13, $3.500000000e+01  }
0x3c0: {  	v17 =	vmul.f32 $3.500000000e+01, v17;
	v13 =	vtrunc.f32 v13;
	v14 =	vadd.f32 $-1.258291200e+07, v14  }
0x3c1: {  	v18 =	vld [tilespmem:s2+$0x1530];
	v13 =	vcvt.f32.s32 v13  }
0x3c2: {  	[tilespmem:s20+$0xFFFFFF30] =	vst v16;
	v14 =	vadd.f32 $-3.600000000e+01, v14;
	v16 =	vadd.f32 $3.600000000e+01, v17  }
0x3c3: {  	v17 =	vld.idx.msk [tilespmem:v11+s11+$0x0], $0xffff  }
0x3c4: {  	[tilespmem:s6+$0xFFFFFE90] =	vst v15;
	v14 =	vmax.f32 v14, $0.0e+00;
	v15 =	vadd.f32 $1.258291200e+07, v16  }
0x3c5: {  	v16 =	vld.idx.msk [tilespmem:v2+s10+$0x0], $0xffff;
	v14 =	vmin.f32 v14, $3.500000000e+01  }
0x3c6: {  	v20 =	vld [tilespmem:s2+$0x1540];
	v18 =	vmul.f32 $3.500000000e+01, v18;
	v14 =	vtrunc.f32 v14;
	v15 =	vadd.f32 $-1.258291200e+07, v15  }
0x3c7: {  	v21 =	vld.idx.msk [tilespmem:v13+s7+$0x0], $0xffff;
	v14 =	vcvt.f32.s32 v14  }
0x3c8: {  	v19 =	vld [tilespmem:s2+$0x1550];
	[tilespmem:s20+$0xFFFFFF40] =	vst v17;
	v15 =	vadd.f32 $-3.600000000e+01, v15;
	v17 =	vadd.f32 $3.600000000e+01, v18  }
0x3c9: {  	v18 =	vld.idx.msk [tilespmem:v10+s11+$0x0], $0xffff  }
0x3ca: {  	v22 =	vld [tilespmem:s2+$0x1560];
	[tilespmem:s6+$0xFFFFFEA0] =	vst v16;
	v15 =	vmax.f32 v15, $0.0e+00;
	v16 =	vadd.f32 $1.258291200e+07, v17  }
0x3cb: {  	s31 =	simm.s32 $0xAF00;
	v17 =	vld.idx.msk [tilespmem:v4+s10+$0x0], $0xffff;
	v15 =	vmin.f32 v15, $3.500000000e+01  }
0x3cc: {  	v23 =	vld [tilespmem:s2+$0x1570];
	v20 =	vmul.f32 $3.500000000e+01, v20;
	[tilespmem:s31+$0xFFFFFE00] =	vst v21;
	v15 =	vtrunc.f32 v15;
	v16 =	vadd.f32 $-1.258291200e+07, v16  }
0x3cd: {  	v21 =	vld.idx.msk [tilespmem:v14+s7+$0x0], $0xffff;
	v15 =	vcvt.f32.s32 v15  }
0x3ce: {  	[tilespmem:s20+$0xFFFFFF50] =	vst v18;
	v16 =	vadd.f32 $-3.600000000e+01, v16;
	v18 =	vadd.f32 $3.600000000e+01, v20  }
0x3cf: {  	v20 =	vld.idx.msk [tilespmem:v9+s11+$0x0], $0xffff  }
0x3d0: {  	[tilespmem:s6+$0xFFFFFEB0] =	vst v17;
	v16 =	vmax.f32 v16, $0.0e+00;
	v17 =	vadd.f32 $1.258291200e+07, v18  }
0x3d1: {  	v18 =	vld.idx.msk [tilespmem:v5+s10+$0x0], $0xffff;
	v16 =	vmin.f32 v16, $3.500000000e+01  }
0x3d2: {  	v19 =	vmul.f32 $3.500000000e+01, v19;
	[tilespmem:s31+$0xFFFFFE10] =	vst v21;
	v16 =	vtrunc.f32 v16;
	v17 =	vadd.f32 $-1.258291200e+07, v17  }
0x3d3: {  	v21 =	vld.idx.msk [tilespmem:v15+s7+$0x0], $0xffff;
	v16 =	vcvt.f32.s32 v16  }
0x3d4: {  	v19 =	vadd.f32 $3.600000000e+01, v19;
	[tilespmem:s20+$0xFFFFFF60] =	vst v20;
	v17 =	vadd.f32 $-3.600000000e+01, v17  }
0x3d5: {  	v20 =	vld.idx.msk [tilespmem:v8+s11+$0x0], $0xffff  }
0x3d6: {  	[tilespmem:s6+$0xFFFFFEC0] =	vst v18;
	v17 =	vmax.f32 v17, $0.0e+00;
	v18 =	vadd.f32 $1.258291200e+07, v19  }
0x3d7: {  	v19 =	vld.idx.msk [tilespmem:v6+s10+$0x0], $0xffff;
	v17 =	vmin.f32 v17, $3.500000000e+01  }
0x3d8: {  	[tilespmem:s31+$0xFFFFFE20] =	vst v21;
	v17 =	vtrunc.f32 v17;
	v18 =	vadd.f32 $-1.258291200e+07, v18;
	v21 =	vmul.f32 $3.500000000e+01, v22  }
0x3d9: {  	v22 =	vld.idx.msk [tilespmem:v16+s7+$0x0], $0xffff;
	v17 =	vcvt.f32.s32 v17  }
0x3da: {  	[tilespmem:s20+$0xFFFFFF70] =	vst v20;
	v18 =	vadd.f32 $-3.600000000e+01, v18;
	v20 =	vadd.f32 $3.600000000e+01, v21  }
0x3db: {  	v21 =	vld.idx.msk [tilespmem:v42+s12+$0x0], $0xffff  }
0x3dc: {  	[tilespmem:s6+$0xFFFFFED0] =	vst v19;
	v18 =	vmax.f32 v18, $0.0e+00;
	v19 =	vadd.f32 $1.258291200e+07, v20  }
0x3dd: {  	v20 =	vld.idx.msk [tilespmem:v7+s10+$0x0], $0xffff;
	v18 =	vmin.f32 v18, $3.500000000e+01  }
0x3de: {  	[tilespmem:s31+$0xFFFFFE30] =	vst v22;
	v18 =	vtrunc.f32 v18;
	v19 =	vadd.f32 $-1.258291200e+07, v19;
	v22 =	vmul.f32 $3.500000000e+01, v23  }
0x3df: {  	v23 =	vld.idx.msk [tilespmem:v17+s7+$0x0], $0xffff;
	v18 =	vcvt.f32.s32 v18  }
0x3e0: {  	[tilespmem:s20+$0xFFFFFF80] =	vst v21;
	v19 =	vadd.f32 $-3.600000000e+01, v19;
	v21 =	vadd.f32 $3.600000000e+01, v22  }
0x3e1: {  	v22 =	vld.idx.msk [tilespmem:v41+s12+$0x0], $0xffff  }
0x3e2: {  	[tilespmem:s6+$0xFFFFFEE0] =	vst v20;
	v19 =	vmax.f32 v19, $0.0e+00;
	v20 =	vadd.f32 $1.258291200e+07, v21  }
0x3e3: {  	v21 =	vld.idx.msk [tilespmem:v3+s10+$0x0], $0xffff;
	v19 =	vmin.f32 v19, $3.500000000e+01  }
0x3e4: {  	[tilespmem:s31+$0xFFFFFE40] =	vst v23;
	v19 =	vtrunc.f32 v19;
	v20 =	vadd.f32 $-1.258291200e+07, v20  }
0x3e5: {  	v23 =	vld.idx.msk [tilespmem:v18+s7+$0x0], $0xffff;
	v19 =	vcvt.f32.s32 v19  }
0x3e6: {  	[tilespmem:s20+$0xFFFFFF90] =	vst v22;
	v20 =	vadd.f32 $-3.600000000e+01, v20  }
0x3e7: {  	v22 =	vld.idx.msk [tilespmem:v40+s12+$0x0], $0xffff  }
0x3e8: {  	[tilespmem:s6+$0xFFFFFEF0] =	vst v21;
	v20 =	vmax.f32 v20, $0.0e+00  }
0x3e9: {  	v21 =	vld.idx.msk [tilespmem:v0+s11+$0x0], $0xffff;
	v20 =	vmin.f32 v20, $3.500000000e+01  }
0x3ea: {  	[tilespmem:s31+$0xFFFFFE50] =	vst v23;
	v20 =	vtrunc.f32 v20  }
0x3eb: {  	s23 =	simm.s32 $0x180;
	v23 =	vld.idx.msk [tilespmem:v19+s7+$0x0], $0xffff;
	v20 =	vcvt.f32.s32 v20  }
0x3ec: {  	v24 =	vld [tilespmem:s23+$0x1500];
	[tilespmem:s20+$0xFFFFFFA0] =	vst v22  }
0x3ed: {  	v22 =	vld.idx.msk [tilespmem:v12+s12+$0x0], $0xffff  }
0x3ee: {  	[tilespmem:s6+$0xFFFFFF00] =	vst v21  }
0x3ef: {  	v21 =	vld.idx.msk [tilespmem:v1+s11+$0x0], $0xffff  }
0x3f0: {  	[tilespmem:s31+$0xFFFFFE60] =	vst v23  }
0x3f1: {  	v24 =	vmul.f32 $3.500000000e+01, v24;
	v23 =	vld.idx.msk [tilespmem:v20+s7+$0x0], $0xffff  }
0x3f2: {  	v25 =	vld [tilespmem:s23+$0x1510];
	[tilespmem:s20+$0xFFFFFFB0] =	vst v22  }
0x3f3: {  	v24 =	vadd.f32 $3.600000000e+01, v24;
	v22 =	vld.idx.msk [tilespmem:v11+s12+$0x0], $0xffff  }
0x3f4: {  	[tilespmem:s6+$0xFFFFFF10] =	vst v21  }
0x3f5: {  	v24 =	vadd.f32 $1.258291200e+07, v24;
	v21 =	vld.idx.msk [tilespmem:v2+s11+$0x0], $0xffff  }
0x3f6: {  	[tilespmem:s31+$0xFFFFFE70] =	vst v23  }
0x3f7: {  	v25 =	vmul.f32 $3.500000000e+01, v25;
	v24 =	vadd.f32 $-1.258291200e+07, v24;
	v23 =	vld.idx.msk [tilespmem:v13+s10+$0x0], $0xffff  }
0x3f8: {  	v26 =	vld [tilespmem:s23+$0x1520];
	[tilespmem:s20+$0xFFFFFFC0] =	vst v22  }
0x3f9: {  	v25 =	vadd.f32 $3.600000000e+01, v25;
	v24 =	vadd.f32 $-3.600000000e+01, v24;
	v22 =	vld.idx.msk [tilespmem:v10+s12+$0x0], $0xffff  }
0x3fa: {  	[tilespmem:s6+$0xFFFFFF20] =	vst v21  }
0x3fb: {  	v21 =	vmax.f32 v24, $0.0e+00;
	v24 =	vadd.f32 $1.258291200e+07, v25;
	v27 =	vld.idx.msk [tilespmem:v4+s11+$0x0], $0xffff  }
0x3fc: {  	v21 =	vmin.f32 v21, $3.500000000e+01;
	[tilespmem:s31+$0xFFFFFE80] =	vst v23  }
0x3fd: {  	v25 =	vmul.f32 $3.500000000e+01, v26;
	v21 =	vtrunc.f32 v21;
	v24 =	vadd.f32 $-1.258291200e+07, v24;
	v23 =	vld.idx.msk [tilespmem:v14+s10+$0x0], $0xffff  }
0x3fe: {  	v26 =	vld [tilespmem:s23+$0x1530];
	v21 =	vcvt.f32.s32 v21;
	[tilespmem:s20+$0xFFFFFFD0] =	vst v22  }
0x3ff: {  	v25 =	vadd.f32 $3.600000000e+01, v25;
	v24 =	vadd.f32 $-3.600000000e+01, v24;
	v22 =	vld.idx.msk [tilespmem:v9+s12+$0x0], $0xffff  }
0x400: {  	v28 =	vld [tilespmem:s23+$0x1550];
	[tilespmem:s6+$0xFFFFFF30] =	vst v27  }
0x401: {  	v25 =	vadd.f32 $1.258291200e+07, v25;
	v24 =	vmax.f32 v24, $0.0e+00;
	v27 =	vld.idx.msk [tilespmem:v5+s11+$0x0], $0xffff  }
0x402: {  	v29 =	vld [tilespmem:s23+$0x1540];
	[tilespmem:s31+$0xFFFFFE90] =	vst v23;
	v23 =	vmin.f32 v24, $3.500000000e+01  }
0x403: {  	v26 =	vmul.f32 $3.500000000e+01, v26;
	v25 =	vadd.f32 $-1.258291200e+07, v25;
	v24 =	vld.idx.msk [tilespmem:v15+s10+$0x0], $0xffff;
	v23 =	vtrunc.f32 v23  }
0x404: {  	v30 =	vld.idx.msk [tilespmem:v21+s7+$0x0], $0xffff;
	[tilespmem:s20+$0xFFFFFFE0] =	vst v22;
	v22 =	vcvt.f32.s32 v23  }
0x405: {  	v26 =	vadd.f32 $3.600000000e+01, v26;
	v25 =	vadd.f32 $-3.600000000e+01, v25;
	v23 =	vld.idx.msk [tilespmem:v8+s12+$0x0], $0xffff  }
0x406: {  	v31 =	vld [tilespmem:s23+$0x1560];
	[tilespmem:s6+$0xFFFFFF40] =	vst v27  }
0x407: {  	v26 =	vadd.f32 $1.258291200e+07, v26;
	v25 =	vmax.f32 v25, $0.0e+00;
	v27 =	vld.idx.msk [tilespmem:v6+s11+$0x0], $0xffff  }
0x408: {  	v32 =	vld [tilespmem:s23+$0x1570];
	s2 =	simm.s32 $0xB300;
	[tilespmem:s31+$0xFFFFFEA0] =	vst v24;
	v24 =	vmin.f32 v25, $3.500000000e+01  }
0x409: {  	v29 =	vmul.f32 $3.500000000e+01, v29;
	v26 =	vadd.f32 $-1.258291200e+07, v26;
	[tilespmem:s2+$0xFFFFFE00] =	vst v30;
	v25 =	vld.idx.msk [tilespmem:v16+s10+$0x0], $0xffff;
	v24 =	vtrunc.f32 v24  }
0x40a: {  	v30 =	vld.idx.msk [tilespmem:v22+s7+$0x0], $0xffff;
	[tilespmem:s20+$0xFFFFFFF0] =	vst v23;
	v23 =	vcvt.f32.s32 v24  }
0x40b: {  	v29 =	vadd.f32 $3.600000000e+01, v29;
	v26 =	vadd.f32 $-3.600000000e+01, v26;
	v24 =	vld.idx.msk [tilespmem:v42+s13+$0x0], $0xffff  }
0x40c: {  	[tilespmem:s6+$0xFFFFFF50] =	vst v27  }
0x40d: {  	v29 =	vadd.f32 $1.258291200e+07, v29;
	v26 =	vmax.f32 v26, $0.0e+00;
	v27 =	vld.idx.msk [tilespmem:v7+s11+$0x0], $0xffff  }
0x40e: {  	[tilespmem:s31+$0xFFFFFEB0] =	vst v25;
	v25 =	vmin.f32 v26, $3.500000000e+01  }
0x40f: {  	v28 =	vmul.f32 $3.500000000e+01, v28;
	v29 =	vadd.f32 $-1.258291200e+07, v29;
	v26 =	vld.idx.msk [tilespmem:v17+s10+$0x0], $0xffff;
	[tilespmem:s2+$0xFFFFFE10] =	vst v30;
	v25 =	vtrunc.f32 v25  }
0x410: {  	v30 =	vld.idx.msk [tilespmem:v23+s7+$0x0], $0xffff;
	[tilespmem:s20+$0x0] =	vst v24;
	v24 =	vcvt.f32.s32 v25  }
0x411: {  	v28 =	vadd.f32 $3.600000000e+01, v28;
	v29 =	vadd.f32 $-3.600000000e+01, v29;
	v25 =	vld.idx.msk [tilespmem:v41+s13+$0x0], $0xffff  }
0x412: {  	[tilespmem:s6+$0xFFFFFF60] =	vst v27  }
0x413: {  	v28 =	vadd.f32 $1.258291200e+07, v28;
	v29 =	vmax.f32 v29, $0.0e+00;
	v27 =	vld.idx.msk [tilespmem:v3+s11+$0x0], $0xffff  }
0x414: {  	[tilespmem:s31+$0xFFFFFEC0] =	vst v26;
	v26 =	vmin.f32 v29, $3.500000000e+01  }
0x415: {  	v28 =	vadd.f32 $-1.258291200e+07, v28;
	v29 =	vld.idx.msk [tilespmem:v18+s10+$0x0], $0xffff;
	[tilespmem:s2+$0xFFFFFE20] =	vst v30;
	v26 =	vtrunc.f32 v26;
	v30 =	vmul.f32 $3.500000000e+01, v31  }
0x416: {  	v31 =	vld.idx.msk [tilespmem:v24+s7+$0x0], $0xffff;
	[tilespmem:s20+$0x10] =	vst v25;
	v25 =	vcvt.f32.s32 v26  }
0x417: {  	v28 =	vadd.f32 $-3.600000000e+01, v28;
	v26 =	vld.idx.msk [tilespmem:v40+s13+$0x0], $0xffff;
	v30 =	vadd.f32 $3.600000000e+01, v30  }
0x418: {  	[tilespmem:s6+$0xFFFFFF70] =	vst v27  }
0x419: {  	v28 =	vmax.f32 v28, $0.0e+00;
	v27 =	vld.idx.msk [tilespmem:v0+s12+$0x0], $0xffff;
	v30 =	vadd.f32 $1.258291200e+07, v30  }
0x41a: {  	v28 =	vmin.f32 v28, $3.500000000e+01;
	[tilespmem:s31+$0xFFFFFED0] =	vst v29  }
0x41b: {  	v28 =	vtrunc.f32 v28;
	v29 =	vld.idx.msk [tilespmem:v19+s10+$0x0], $0xffff;
	[tilespmem:s2+$0xFFFFFE30] =	vst v31;
	v30 =	vadd.f32 $-1.258291200e+07, v30;
	v31 =	vmul.f32 $3.500000000e+01, v32  }
0x41c: {  	v55 =	vld.idx.msk [tilespmem:v25+s7+$0x0], $0xffff;
	[tilespmem:s20+$0x20] =	vst v26;
	v26 =	vcvt.f32.s32 v28  }
0x41d: {  	v28 =	vld.idx.msk [tilespmem:v12+s13+$0x0], $0xffff;
	v30 =	vadd.f32 $-3.600000000e+01, v30;
	v31 =	vadd.f32 $3.600000000e+01, v31  }
0x41e: {  	[tilespmem:s6+$0xFFFFFF80] =	vst v27  }
0x41f: {  	v33 =	vld.idx.msk [tilespmem:v1+s12+$0x0], $0xffff;
	v27 =	vmax.f32 v30, $0.0e+00;
	v30 =	vadd.f32 $1.258291200e+07, v31  }
0x420: {  	[tilespmem:s31+$0xFFFFFEE0] =	vst v29;
	v27 =	vmin.f32 v27, $3.500000000e+01  }
0x421: {  	v29 =	vld.idx.msk [tilespmem:v20+s10+$0x0], $0xffff;
	[tilespmem:s2+$0xFFFFFE40] =	vst v55;
	v27 =	vtrunc.f32 v27;
	v30 =	vadd.f32 $-1.258291200e+07, v30  }
0x422: {  	v31 =	vld.idx.msk [tilespmem:v26+s7+$0x0], $0xffff;
	[tilespmem:s20+$0x30] =	vst v28;
	v27 =	vcvt.f32.s32 v27  }
0x423: {  	v28 =	vld.idx.msk [tilespmem:v11+s13+$0x0], $0xffff;
	v30 =	vadd.f32 $-3.600000000e+01, v30  }
0x424: {  	[tilespmem:s6+$0xFFFFFF90] =	vst v33  }
0x425: {  	v56 =	vld.idx.msk [tilespmem:v2+s12+$0x0], $0xffff;
	v30 =	vmax.f32 v30, $0.0e+00  }
0x426: {  	[tilespmem:s31+$0xFFFFFEF0] =	vst v29;
	v29 =	vmin.f32 v30, $3.500000000e+01  }
0x427: {  	v30 =	vld.idx.msk [tilespmem:v13+s11+$0x0], $0xffff;
	[tilespmem:s2+$0xFFFFFE50] =	vst v31;
	v29 =	vtrunc.f32 v29  }
0x428: {  	v31 =	vld.idx.msk [tilespmem:v27+s7+$0x0], $0xffff;
	[tilespmem:s20+$0x40] =	vst v28;
	v28 =	vcvt.f32.s32 v29  }
0x429: {  	s24 =	simm.s32 $0x200;
	v29 =	vld.idx.msk [tilespmem:v10+s13+$0x0], $0xffff  }
0x42a: {  	v57 =	vld [tilespmem:s24+$0x1500];
	[tilespmem:s6+$0xFFFFFFA0] =	vst v56  }
0x42b: {  	v32 =	vld.idx.msk [tilespmem:v4+s12+$0x0], $0xffff  }
0x42c: {  	[tilespmem:s31+$0xFFFFFF00] =	vst v30  }
0x42d: {  	v30 =	vld.idx.msk [tilespmem:v14+s11+$0x0], $0xffff;
	[tilespmem:s2+$0xFFFFFE60] =	vst v31  }
0x42e: {  	v31 =	vld.idx.msk [tilespmem:v28+s7+$0x0], $0xffff;
	[tilespmem:s20+$0x50] =	vst v29  }
0x42f: {  	v33 =	vmul.f32 $3.500000000e+01, v57;
	v29 =	vld.idx.msk [tilespmem:v9+s13+$0x0], $0xffff  }
0x430: {  	v34 =	vld [tilespmem:s24+$0x1510];
	[tilespmem:s6+$0xFFFFFFB0] =	vst v32  }
0x431: {  	v33 =	vadd.f32 $3.600000000e+01, v33;
	v32 =	vld.idx.msk [tilespmem:v5+s12+$0x0], $0xffff  }
0x432: {  	v35 =	vld [tilespmem:s24+$0x1550];
	[tilespmem:s31+$0xFFFFFF10] =	vst v30  }
0x433: {  	v30 =	vld.idx.msk [tilespmem:v15+s11+$0x0], $0xffff;
	[tilespmem:s2+$0xFFFFFE70] =	vst v31;
	v31 =	vadd.f32 $1.258291200e+07, v33  }
0x434: {  	v58 =	vld.idx.msk [tilespmem:v21+s10+$0x0], $0xffff;
	[tilespmem:s20+$0x60] =	vst v29  }
0x435: {  	v34 =	vmul.f32 $3.500000000e+01, v34;
	v29 =	vld.idx.msk [tilespmem:v8+s13+$0x0], $0xffff;
	v31 =	vadd.f32 $-1.258291200e+07, v31  }
0x436: {  	v36 =	vld [tilespmem:s24+$0x1520];
	[tilespmem:s6+$0xFFFFFFC0] =	vst v32  }
0x437: {  	v34 =	vadd.f32 $3.600000000e+01, v34;
	v32 =	vld.idx.msk [tilespmem:v6+s12+$0x0], $0xffff;
	v31 =	vadd.f32 $-3.600000000e+01, v31  }
0x438: {  	v37 =	vld [tilespmem:s24+$0x1560];
	[tilespmem:s31+$0xFFFFFF20] =	vst v30  }
0x439: {  	v59 =	vadd.f32 $1.258291200e+07, v34;
	v30 =	vld.idx.msk [tilespmem:v16+s11+$0x0], $0xffff;
	[tilespmem:s2+$0xFFFFFE80] =	vst v58;
	v31 =	vmax.f32 v31, $0.0e+00  }
0x43a: {  	v60 =	vld.idx.msk [tilespmem:v22+s10+$0x0], $0xffff;
	[tilespmem:s20+$0x70] =	vst v29;
	v29 =	vmin.f32 v31, $3.500000000e+01  }
0x43b: {  	v36 =	vmul.f32 $3.500000000e+01, v36;
	v33 =	vadd.f32 $-1.258291200e+07, v59;
	v31 =	vld.idx.msk [tilespmem:v42+s14+$0x0], $0xffff;
	v29 =	vtrunc.f32 v29  }
0x43c: {  	v38 =	vld [tilespmem:s24+$0x1530];
	[tilespmem:s6+$0xFFFFFFD0] =	vst v32;
	v29 =	vcvt.f32.s32 v29  }
0x43d: {  	v36 =	vadd.f32 $3.600000000e+01, v36;
	v33 =	vadd.f32 $-3.600000000e+01, v33;
	v32 =	vld.idx.msk [tilespmem:v7+s12+$0x0], $0xffff  }
0x43e: {  	v39 =	vld [tilespmem:s24+$0x1540];
	[tilespmem:s31+$0xFFFFFF30] =	vst v30  }
0x43f: {  	v61 =	vadd.f32 $1.258291200e+07, v36;
	v30 =	vmax.f32 v33, $0.0e+00;
	v43 =	vld.idx.msk [tilespmem:v17+s11+$0x0], $0xffff;
	[tilespmem:s2+$0xFFFFFE90] =	vst v60  }
0x440: {  	v30 =	vmin.f32 v30, $3.500000000e+01;
	v34 =	vld.idx.msk [tilespmem:v23+s10+$0x0], $0xffff;
	[tilespmem:s20+$0x80] =	vst v31  }
0x441: {  	v62 =	vmul.f32 $3.500000000e+01, v38;
	v33 =	vadd.f32 $-1.258291200e+07, v61;
	v30 =	vtrunc.f32 v30;
	v31 =	vld.idx.msk [tilespmem:v41+s14+$0x0], $0xffff  }
0x442: {  	v30 =	vcvt.f32.s32 v30;
	v63 =	vld.idx.msk [tilespmem:v29+s7+$0x0], $0xffff;
	[tilespmem:s6+$0xFFFFFFE0] =	vst v32  }
0x443: {  	v36 =	vadd.f32 $3.600000000e+01, v62;
	v33 =	vadd.f32 $-3.600000000e+01, v33;
	v32 =	vld.idx.msk [tilespmem:v3+s12+$0x0], $0xffff  }
0x444: {  	v46 =	vld [tilespmem:s24+$0x1570];
	[tilespmem:s31+$0xFFFFFF40] =	vst v43  }
0x445: {  	v48 =	vadd.f32 $1.258291200e+07, v36;
	v33 =	vmax.f32 v33, $0.0e+00;
	v43 =	vld.idx.msk [tilespmem:v18+s11+$0x0], $0xffff;
	[tilespmem:s2+$0xFFFFFEA0] =	vst v34  }
0x446: {  	s23 =	simm.s32 $0xB700;
	v49 =	vld.idx.msk [tilespmem:v24+s10+$0x0], $0xffff;
	[tilespmem:s20+$0x90] =	vst v31;
	v31 =	vmin.f32 v33, $3.500000000e+01  }
0x447: {  	v51 =	vmul.f32 $3.500000000e+01, v39;
	v34 =	vadd.f32 $-1.258291200e+07, v48;
	[tilespmem:s23+$0xFFFFFE00] =	vst v63;
	v50 =	vld.idx.msk [tilespmem:v40+s14+$0x0], $0xffff;
	v31 =	vtrunc.f32 v31  }
0x448: {  	v52 =	vld.idx.msk [tilespmem:v30+s7+$0x0], $0xffff;
	[tilespmem:s6+$0xFFFFFFF0] =	vst v32;
	v31 =	vcvt.f32.s32 v31  }
0x449: {  	v38 =	vadd.f32 $3.600000000e+01, v51;
	v34 =	vadd.f32 $-3.600000000e+01, v34;
	v32 =	vld.idx.msk [tilespmem:v0+s13+$0x0], $0xffff  }
0x44a: {  	[tilespmem:s31+$0xFFFFFF50] =	vst v43  }
0x44b: {  	v53 =	vadd.f32 $1.258291200e+07, v38;
	v34 =	vmax.f32 v34, $0.0e+00;
	v43 =	vld.idx.msk [tilespmem:v19+s11+$0x0], $0xffff;
	[tilespmem:s2+$0xFFFFFEB0] =	vst v49  }
0x44c: {  	v55 =	vmin.f32 v34, $3.500000000e+01;
	v54 =	vld.idx.msk [tilespmem:v25+s10+$0x0], $0xffff;
	[tilespmem:s20+$0xA0] =	vst v50  }
0x44d: {  	v35 =	vmul.f32 $3.500000000e+01, v35;
	v36 =	vadd.f32 $-1.258291200e+07, v53;
	v33 =	vtrunc.f32 v55;
	[tilespmem:s23+$0xFFFFFE10] =	vst v52;
	v56 =	vld.idx.msk [tilespmem:v12+s14+$0x0], $0xffff  }
0x44e: {  	v39 =	vld.idx.msk [tilespmem:v31+s7+$0x0], $0xffff;
	[tilespmem:s6+$0x0] =	vst v32;
	v32 =	vcvt.f32.s32 v33  }
0x44f: {  	v35 =	vadd.f32 $3.600000000e+01, v35;
	v36 =	vadd.f32 $-3.600000000e+01, v36;
	s26 =	simm.s32 $0x280;
	v57 =	vld.idx.msk [tilespmem:v1+s13+$0x0], $0xffff  }
0x450: {  	v44 =	vld [tilespmem:s26+$0x1550];
	[tilespmem:s31+$0xFFFFFF60] =	vst v43  }
0x451: {  	v35 =	vadd.f32 $1.258291200e+07, v35;
	v36 =	vmax.f32 v36, $0.0e+00;
	v43 =	vld.idx.msk [tilespmem:v20+s11+$0x0], $0xffff;
	[tilespmem:s2+$0xFFFFFEC0] =	vst v54  }
0x452: {  	v58 =	vmin.f32 v36, $3.500000000e+01;
	v38 =	vld.idx.msk [tilespmem:v26+s10+$0x0], $0xffff;
	[tilespmem:s20+$0xB0] =	vst v56  }
0x453: {  	v37 =	vmul.f32 $3.500000000e+01, v37;
	v35 =	vadd.f32 $-1.258291200e+07, v35;
	v34 =	vtrunc.f32 v58;
	[tilespmem:s23+$0xFFFFFE20] =	vst v39;
	v59 =	vld.idx.msk [tilespmem:v11+s14+$0x0], $0xffff  }
0x454: {  	v33 =	vcvt.f32.s32 v34;
	v39 =	vld.idx.msk [tilespmem:v32+s7+$0x0], $0xffff;
	[tilespmem:s6+$0x10] =	vst v57  }
0x455: {  	v37 =	vadd.f32 $3.600000000e+01, v37;
	v35 =	vadd.f32 $-3.600000000e+01, v35;
	v60 =	vld.idx.msk [tilespmem:v2+s13+$0x0], $0xffff  }
0x456: {  	v45 =	vld [tilespmem:s26+$0x1560];
	[tilespmem:s31+$0xFFFFFF70] =	vst v43  }
0x457: {  	v37 =	vadd.f32 $1.258291200e+07, v37;
	v35 =	vmax.f32 v35, $0.0e+00;
	v43 =	vld.idx.msk [tilespmem:v13+s12+$0x0], $0xffff;
	[tilespmem:s2+$0xFFFFFED0] =	vst v38  }
0x458: {  	v35 =	vmin.f32 v35, $3.500000000e+01;
	v38 =	vld.idx.msk [tilespmem:v27+s10+$0x0], $0xffff;
	[tilespmem:s20+$0xC0] =	vst v59  }
0x459: {  	v37 =	vadd.f32 $-1.258291200e+07, v37;
	v35 =	vtrunc.f32 v35;
	v61 =	vmul.f32 $3.500000000e+01, v46;
	[tilespmem:s23+$0xFFFFFE30] =	vst v39;
	v36 =	vld.idx.msk [tilespmem:v10+s14+$0x0], $0xffff  }
0x45a: {  	v34 =	vcvt.f32.s32 v35;
	v62 =	vld.idx.msk [tilespmem:v33+s7+$0x0], $0xffff;
	[tilespmem:s6+$0x20] =	vst v60  }
0x45b: {  	v37 =	vadd.f32 $-3.600000000e+01, v37;
	v39 =	vadd.f32 $3.600000000e+01, v61;
	v63 =	vld.idx.msk [tilespmem:v4+s13+$0x0], $0xffff  }
0x45c: {  	v48 =	vld [tilespmem:s26+$0x1570];
	[tilespmem:s31+$0xFFFFFF80] =	vst v43  }
0x45d: {  	v37 =	vmax.f32 v37, $0.0e+00;
	v47 =	vadd.f32 $1.258291200e+07, v39;
	v43 =	vld.idx.msk [tilespmem:v14+s12+$0x0], $0xffff;
	[tilespmem:s2+$0xFFFFFEE0] =	vst v38  }
0x45e: {  	v50 =	vmin.f32 v37, $3.500000000e+01;
	v49 =	vld.idx.msk [tilespmem:v28+s10+$0x0], $0xffff;
	[tilespmem:s20+$0xD0] =	vst v36  }
0x45f: {  	v38 =	vadd.f32 $-1.258291200e+07, v47;
	v36 =	vtrunc.f32 v50;
	[tilespmem:s23+$0xFFFFFE40] =	vst v62;
	v51 =	vld.idx.msk [tilespmem:v9+s14+$0x0], $0xffff  }
0x460: {  	v35 =	vcvt.f32.s32 v36;
	v46 =	vld.idx.msk [tilespmem:v34+s7+$0x0], $0xffff;
	[tilespmem:s6+$0x30] =	vst v63  }
0x461: {  	v38 =	vadd.f32 $-3.600000000e+01, v38;
	v52 =	vld.idx.msk [tilespmem:v5+s13+$0x0], $0xffff  }
0x462: {  	v50 =	vld [tilespmem:s26+$0x1510];
	[tilespmem:s31+$0xFFFFFF90] =	vst v43  }
0x463: {  	v38 =	vmax.f32 v38, $0.0e+00;
	v43 =	vld.idx.msk [tilespmem:v15+s12+$0x0], $0xffff;
	[tilespmem:s2+$0xFFFFFEF0] =	vst v49  }
0x464: {  	v53 =	vmin.f32 v38, $3.500000000e+01;
	v39 =	vld.idx.msk [tilespmem:v21+s11+$0x0], $0xffff;
	[tilespmem:s20+$0xE0] =	vst v51  }
0x465: {  	v37 =	vtrunc.f32 v53;
	[tilespmem:s23+$0xFFFFFE50] =	vst v46;
	v54 =	vld.idx.msk [tilespmem:v8+s14+$0x0], $0xffff  }
0x466: {  	v36 =	vcvt.f32.s32 v37;
	v46 =	vld.idx.msk [tilespmem:v35+s7+$0x0], $0xffff;
	[tilespmem:s6+$0x40] =	vst v52  }
0x467: {  	v55 =	vld.idx.msk [tilespmem:v6+s13+$0x0], $0xffff  }
0x468: {  	v49 =	vld [tilespmem:s26+$0x1500];
	[tilespmem:s31+$0xFFFFFFA0] =	vst v43  }
0x469: {  	v43 =	vld.idx.msk [tilespmem:v16+s12+$0x0], $0xffff;
	[tilespmem:s2+$0xFFFFFF00] =	vst v39  }
0x46a: {  	v39 =	vld.idx.msk [tilespmem:v22+s11+$0x0], $0xffff;
	[tilespmem:s20+$0xF0] =	vst v54  }
0x46b: {  	[tilespmem:s23+$0xFFFFFE60] =	vst v46;
	v38 =	vld.idx.msk [tilespmem:v42+s15+$0x0], $0xffff  }
0x46c: {  	v46 =	vld.idx.msk [tilespmem:v36+s7+$0x0], $0xffff;
	[tilespmem:s6+$0x50] =	vst v55  }
0x46d: {  	v49 =	vmul.f32 $3.500000000e+01, v49;
	v37 =	vld.idx.msk [tilespmem:v7+s13+$0x0], $0xffff  }
0x46e: {  	v51 =	vld [tilespmem:s26+$0x1520];
	[tilespmem:s31+$0xFFFFFFB0] =	vst v43  }
0x46f: {  	v56 =	vadd.f32 $3.600000000e+01, v49;
	v43 =	vld.idx.msk [tilespmem:v17+s12+$0x0], $0xffff;
	[tilespmem:s2+$0xFFFFFF10] =	vst v39  }
0x470: {  	v57 =	vld.idx.msk [tilespmem:v23+s11+$0x0], $0xffff;
	[tilespmem:s20+$0x100] =	vst v38  }
0x471: {  	v39 =	vadd.f32 $1.258291200e+07, v56;
	[tilespmem:s23+$0xFFFFFE70] =	vst v46;
	v38 =	vld.idx.msk [tilespmem:v41+s15+$0x0], $0xffff  }
0x472: {  	v50 =	vmul.f32 $3.500000000e+01, v50;
	v46 =	vld.idx.msk [tilespmem:v29+s10+$0x0], $0xffff;
	[tilespmem:s6+$0x60] =	vst v37  }
0x473: {  	v39 =	vadd.f32 $-1.258291200e+07, v39;
	v37 =	vld.idx.msk [tilespmem:v3+s13+$0x0], $0xffff  }
0x474: {  	v47 =	vld [tilespmem:s26+$0x1540];
	v58 =	vadd.f32 $3.600000000e+01, v50;
	[tilespmem:s31+$0xFFFFFFC0] =	vst v43  }
0x475: {  	v39 =	vadd.f32 $-3.600000000e+01, v39;
	v43 =	vld.idx.msk [tilespmem:v18+s12+$0x0], $0xffff;
	[tilespmem:s2+$0xFFFFFF20] =	vst v57  }
0x476: {  	v60 =	vadd.f32 $1.258291200e+07, v58;
	v51 =	vmul.f32 $3.500000000e+01, v51;
	v59 =	vld.idx.msk [tilespmem:v24+s11+$0x0], $0xffff;
	[tilespmem:s20+$0x110] =	vst v38  }
0x477: {  	v39 =	vmax.f32 v39, $0.0e+00;
	[tilespmem:s23+$0xFFFFFE80] =	vst v46;
	v38 =	vld.idx.msk [tilespmem:v40+s15+$0x0], $0xffff  }
0x478: {  	v56 =	vadd.f32 $3.600000000e+01, v51;
	v62 =	vmin.f32 v39, $3.500000000e+01;
	v46 =	vadd.f32 $-1.258291200e+07, v60;
	v61 =	vld.idx.msk [tilespmem:v30+s10+$0x0], $0xffff;
	[tilespmem:s6+$0x70] =	vst v37  }
0x479: {  	v37 =	vtrunc.f32 v62;
	v63 =	vld.idx.msk [tilespmem:v0+s14+$0x0], $0xffff  }
0x47a: {  	v52 =	vld [tilespmem:s26+$0x1530];
	v60 =	vadd.f32 $1.258291200e+07, v56;
	v37 =	vcvt.f32.s32 v37;
	v46 =	vadd.f32 $-3.600000000e+01, v46;
	[tilespmem:s31+$0xFFFFFFD0] =	vst v43  }
0x47b: {  	v43 =	vld.idx.msk [tilespmem:v19+s12+$0x0], $0xffff;
	[tilespmem:s2+$0xFFFFFF30] =	vst v59  }
0x47c: {  	v59 =	vmax.f32 v46, $0.0e+00;
	v46 =	vadd.f32 $-1.258291200e+07, v60;
	v57 =	vld.idx.msk [tilespmem:v25+s11+$0x0], $0xffff;
	[tilespmem:s20+$0x120] =	vst v38  }
0x47d: {  	[tilespmem:s23+$0xFFFFFE90] =	vst v61;
	v58 =	vld.idx.msk [tilespmem:v12+s15+$0x0], $0xffff  }
0x47e: {  	v46 =	vadd.f32 $-3.600000000e+01, v46;
	v61 =	vld.idx.msk [tilespmem:v31+s10+$0x0], $0xffff;
	[tilespmem:s6+$0x80] =	vst v63  }
0x47f: {  	v47 =	vmul.f32 $3.500000000e+01, v47;
	v38 =	vmin.f32 v59, $3.500000000e+01;
	v39 =	vld.idx.msk [tilespmem:v1+s14+$0x0], $0xffff  }
0x480: {  	s30 =	simm.s32 $0x300;
	v62 =	vmul.f32 $3.500000000e+01, v52;
	v38 =	vtrunc.f32 v38;
	v53 =	vld.idx.msk [tilespmem:v37+s7+$0x0], $0xffff;
	v46 =	vmax.f32 v46, $0.0e+00  }
0x481: {  	v47 =	vadd.f32 $3.600000000e+01, v47;
	v38 =	vcvt.f32.s32 v38;
	[tilespmem:s31+$0xFFFFFFE0] =	vst v43;
	v55 =	vmin.f32 v46, $3.500000000e+01;
	v46 =	vld [tilespmem:s30+$0x1550]  }
0x482: {  	v43 =	vadd.f32 $3.600000000e+01, v62;
	v63 =	vld.idx.msk [tilespmem:v20+s12+$0x0], $0xffff;
	[tilespmem:s2+$0xFFFFFF40] =	vst v57  }
0x483: {  	v57 =	vadd.f32 $1.258291200e+07, v47;
	v47 =	vld [tilespmem:s30+$0x1560];
	[tilespmem:s20+$0x130] =	vst v58  }
0x484: {  	v51 =	vld.idx.msk [tilespmem:v26+s11+$0x0], $0xffff;
	v43 =	vadd.f32 $1.258291200e+07, v43;
	[tilespmem:s23+$0xFFFFFEA0] =	vst v61  }
0x485: {  	s26 =	simm.s32 $0xBB00;
	v49 =	vld.idx.msk [tilespmem:v11+s15+$0x0], $0xffff;
	[tilespmem:s6+$0x90] =	vst v39  }
0x486: {  	v50 =	vld.idx.msk [tilespmem:v32+s10+$0x0], $0xffff;
	[tilespmem:s26+$0xFFFFFE00] =	vst v53;
	v39 =	vtrunc.f32 v55;
	v43 =	vadd.f32 $-1.258291200e+07, v43  }
0x487: {  	v53 =	vld.idx.msk [tilespmem:v38+s7+$0x0], $0xffff;
	v39 =	vcvt.f32.s32 v39  }
0x488: {  	v56 =	vld.idx.msk [tilespmem:v2+s14+$0x0], $0xffff;
	[tilespmem:s31+$0xFFFFFFF0] =	vst v63;
	v43 =	vadd.f32 $-3.600000000e+01, v43  }
0x489: {  	v52 =	vld.idx.msk [tilespmem:v13+s13+$0x0], $0xffff;
	[tilespmem:s2+$0xFFFFFF50] =	vst v51  }
0x48a: {  	v51 =	vld.idx.msk [tilespmem:v27+s11+$0x0], $0xffff;
	[tilespmem:s20+$0x140] =	vst v49;
	v43 =	vmax.f32 v43, $0.0e+00  }
0x48b: {  	[tilespmem:s23+$0xFFFFFEB0] =	vst v50;
	v49 =	vld.idx.msk [tilespmem:v10+s15+$0x0], $0xffff;
	v43 =	vmin.f32 v43, $3.500000000e+01  }
0x48c: {  	v59 =	vadd.f32 $-1.258291200e+07, v57;
	v50 =	vld.idx.msk [tilespmem:v33+s10+$0x0], $0xffff;
	[tilespmem:s26+$0xFFFFFE10] =	vst v53;
	v43 =	vtrunc.f32 v43  }
0x48d: {  	[tilespmem:s6+$0xA0] =	vst v56;
	v53 =	vld.idx.msk [tilespmem:v39+s7+$0x0], $0xffff;
	v43 =	vcvt.f32.s32 v43  }
0x48e: {  	v60 =	vadd.f32 $-3.600000000e+01, v59;
	v58 =	vld.idx.msk [tilespmem:v4+s14+$0x0], $0xffff;
	[tilespmem:s31+$0x0] =	vst v52  }
0x48f: {  	v44 =	vmul.f32 $3.500000000e+01, v44;
	v54 =	vld.idx.msk [tilespmem:v14+s13+$0x0], $0xffff;
	[tilespmem:s2+$0xFFFFFF60] =	vst v51  }
0x490: {  	v62 =	vmax.f32 v60, $0.0e+00;
	v61 =	vld.idx.msk [tilespmem:v28+s11+$0x0], $0xffff;
	[tilespmem:s20+$0x150] =	vst v49  }
0x491: {  	v44 =	vadd.f32 $3.600000000e+01, v44;
	v56 =	vmin.f32 v62, $3.500000000e+01;
	[tilespmem:s23+$0xFFFFFEC0] =	vst v50;
	v49 =	vld.idx.msk [tilespmem:v9+s15+$0x0], $0xffff  }
0x492: {  	v59 =	vtrunc.f32 v56;
	v63 =	vld.idx.msk [tilespmem:v34+s10+$0x0], $0xffff;
	[tilespmem:s26+$0xFFFFFE20] =	vst v53  }
0x493: {  	v57 =	vadd.f32 $1.258291200e+07, v44;
	v44 =	vcvt.f32.s32 v59;
	[tilespmem:s6+$0xB0] =	vst v58;
	v55 =	vld.idx.msk [tilespmem:v43+s7+$0x0], $0xffff  }
0x494: {  	v58 =	vld.idx.msk [tilespmem:v5+s14+$0x0], $0xffff;
	[tilespmem:s31+$0x10] =	vst v54  }
0x495: {  	v45 =	vmul.f32 $3.500000000e+01, v45;
	v50 =	vadd.f32 $-1.258291200e+07, v57;
	v54 =	vld.idx.msk [tilespmem:v15+s13+$0x0], $0xffff;
	[tilespmem:s2+$0xFFFFFF70] =	vst v61  }
0x496: {  	v52 =	vld.idx.msk [tilespmem:v21+s12+$0x0], $0xffff;
	[tilespmem:s20+$0x160] =	vst v49  }
0x497: {  	v45 =	vadd.f32 $3.600000000e+01, v45;
	v50 =	vadd.f32 $-3.600000000e+01, v50;
	[tilespmem:s23+$0xFFFFFED0] =	vst v63;
	v49 =	vld.idx.msk [tilespmem:v8+s15+$0x0], $0xffff  }
0x498: {  	v51 =	vld.idx.msk [tilespmem:v35+s10+$0x0], $0xffff;
	[tilespmem:s26+$0xFFFFFE30] =	vst v55  }
0x499: {  	v60 =	vadd.f32 $1.258291200e+07, v45;
	v50 =	vmax.f32 v50, $0.0e+00;
	[tilespmem:s6+$0xC0] =	vst v58;
	v62 =	vld.idx.msk [tilespmem:v44+s7+$0x0], $0xffff  }
0x49a: {  	v53 =	vld [tilespmem:s30+$0x1570];
	v50 =	vmin.f32 v50, $3.500000000e+01;
	[tilespmem:s31+$0x20] =	vst v54  }
0x49b: {  	v61 =	vtrunc.f32 v50;
	v63 =	vadd.f32 $-1.258291200e+07, v60;
	v55 =	vld.idx.msk [tilespmem:v6+s14+$0x0], $0xffff;
	[tilespmem:s2+$0xFFFFFF80] =	vst v52  }
0x49c: {  	v48 =	vmul.f32 $3.500000000e+01, v48;
	v45 =	vcvt.f32.s32 v61;
	v60 =	vld.idx.msk [tilespmem:v22+s12+$0x0], $0xffff;
	[tilespmem:s20+$0x170] =	vst v49  }
0x49d: {  	v59 =	vadd.f32 $-3.600000000e+01, v63;
	[tilespmem:s23+$0xFFFFFEE0] =	vst v51;
	v49 =	vld.idx.msk [tilespmem:v42+s17+$0x0], $0xffff  }
0x49e: {  	v56 =	vld.idx.msk [tilespmem:v16+s13+$0x0], $0xffff;
	[tilespmem:s26+$0xFFFFFE40] =	vst v62;
	v62 =	vadd.f32 $3.600000000e+01, v48  }
0x49f: {  	v61 =	vmax.f32 v59, $0.0e+00;
	v51 =	vld.idx.msk [tilespmem:v36+s10+$0x0], $0xffff  }
0x4a0: {  	v42 =	vmin.f32 v61, $3.500000000e+01;
	[tilespmem:s6+$0xD0] =	vst v55;
	v48 =	vld [tilespmem:s30+$0x1540];
	v63 =	vadd.f32 $1.258291200e+07, v62  }
0x4a1: {  	v42 =	vtrunc.f32 v42;
	v50 =	vld.idx.msk [tilespmem:v7+s14+$0x0], $0xffff;
	[tilespmem:s2+$0xFFFFFF90] =	vst v60  }
0x4a2: {  	v52 =	vld.idx.msk [tilespmem:v45+s7+$0x0], $0xffff;
	v42 =	vcvt.f32.s32 v42;
	[tilespmem:s20+$0x180] =	vst v49;
	v60 =	vadd.f32 $-1.258291200e+07, v63  }
0x4a3: {  	[tilespmem:s31+$0x30] =	vst v56;
	v57 =	vld.idx.msk [tilespmem:v41+s17+$0x0], $0xffff  }
0x4a4: {  	v56 =	vld.idx.msk [tilespmem:v17+s13+$0x0], $0xffff;
	v62 =	vadd.f32 $-3.600000000e+01, v60  }
0x4a5: {  	v55 =	vld.idx.msk [tilespmem:v23+s12+$0x0], $0xffff;
	[tilespmem:s23+$0xFFFFFEF0] =	vst v51  }
0x4a6: {  	v61 =	vld.idx.msk [tilespmem:v29+s11+$0x0], $0xffff;
	[tilespmem:s6+$0xE0] =	vst v50;
	v63 =	vmax.f32 v62, $0.0e+00  }
0x4a7: {  	[tilespmem:s26+$0xFFFFFE50] =	vst v52;
	v58 =	vld.idx.msk [tilespmem:v3+s14+$0x0], $0xffff;
	v50 =	vmin.f32 v63, $3.500000000e+01  }
0x4a8: {  	v51 =	vld.idx.msk [tilespmem:v42+s7+$0x0], $0xffff;
	[tilespmem:s20+$0x190] =	vst v57;
	v50 =	vtrunc.f32 v50  }
0x4a9: {  	[tilespmem:s31+$0x40] =	vst v56;
	v57 =	vld.idx.msk [tilespmem:v40+s17+$0x0], $0xffff;
	v40 =	vcvt.f32.s32 v50  }
0x4aa: {  	v41 =	vld.idx.msk [tilespmem:v18+s13+$0x0], $0xffff  }
0x4ab: {  	v49 =	vld [tilespmem:s30+$0x1500];
	[tilespmem:s2+$0xFFFFFFA0] =	vst v55  }
0x4ac: {  	v52 =	vld.idx.msk [tilespmem:v24+s12+$0x0], $0xffff;
	[tilespmem:s23+$0xFFFFFF00] =	vst v61  }
0x4ad: {  	s24 =	simm.s32 $0xBB00;
	s1 =	simm.s32 $0xE00;
	v50 =	vld.idx.msk [tilespmem:v30+s11+$0x0], $0xffff;
	[tilespmem:s6+$0xF0] =	vst v58  }
.LBB2_9:
0x4ae: {  	p0 =	sne.s32 s1, $0x3E00;
	[tilespmem:s26+$0xFFFFFE60] =	vst v51;
	v51 =	vld.idx.msk [tilespmem:v0+s15+$0x0], $0xffff  }
0x4af: {  	v54 =	vld.idx.msk [tilespmem:v40+s7+$0x0], $0xffff;
	[tilespmem:s31+$0x50] =	vst v41  }
0x4b0: {  	v41 =	vld.idx.msk [tilespmem:v19+s13+$0x0], $0xffff  }
0x4b1: {  	v55 =	vld [tilespmem:s30+$0x1510];
	[tilespmem:s2+$0xFFFFFFB0] =	vst v52  }
0x4b2: {  	v52 =	vld.idx.msk [tilespmem:v25+s12+$0x0], $0xffff;
	[tilespmem:s20+$0x1A0] =	vst v57  }
0x4b3: {  	v49 =	vmul.f32 $3.500000000e+01, v49;
	[tilespmem:s23+$0xFFFFFF10] =	vst v50;
	v50 =	vld.idx.msk [tilespmem:v12+s17+$0x0], $0xffff;
	v12 =	vmovc v4;
	v4 =	vmovc v16;
	v16 =	vmov v24;
	v24 =	vmov v32  }
0x4b4: {  	v32 =	vmov v43;
	v56 =	vld.idx.msk [tilespmem:v31+s11+$0x0], $0xffff;
	[tilespmem:s6+$0x100] =	vst v51  }
0x4b5: {  	v43 =	vadd.f32 $3.600000000e+01, v49;
	[tilespmem:s26+$0xFFFFFE70] =	vst v54;
	v49 =	vld.idx.msk [tilespmem:v1+s15+$0x0], $0xffff  }
0x4b6: {  	v51 =	vld.idx.msk [tilespmem:v37+s10+$0x0], $0xffff;
	[tilespmem:s31+$0x60] =	vst v41  }
0x4b7: {  	v41 =	vadd.f32 $1.258291200e+07, v43;
	v43 =	vld.idx.msk [tilespmem:v20+s13+$0x0], $0xffff  }
0x4b8: {  	v54 =	vld [tilespmem:s30+$0x1520];
	[tilespmem:s2+$0xFFFFFFC0] =	vst v52  }
0x4b9: {  	v41 =	vadd.f32 $-1.258291200e+07, v41;
	v52 =	vld.idx.msk [tilespmem:v26+s12+$0x0], $0xffff;
	[tilespmem:s20+$0x1B0] =	vst v50  }
0x4ba: {  	v50 =	vmul.f32 $3.500000000e+01, v55;
	[tilespmem:s23+$0xFFFFFF20] =	vst v56;
	v55 =	vld.idx.msk [tilespmem:v11+s17+$0x0], $0xffff;
	v11 =	vmovc v5;
	v5 =	vmovc v17;
	v17 =	vmov v25;
	v25 =	vmov v33  }
0x4bb: {  	v41 =	vadd.f32 $-3.600000000e+01, v41;
	v33 =	vmov v44;
	v56 =	vld.idx.msk [tilespmem:v24+s11+$0x0], $0xffff;
	[tilespmem:s6+$0x110] =	vst v49  }
0x4bc: {  	v44 =	vadd.f32 $3.600000000e+01, v50;
	[tilespmem:s26+$0xFFFFFE80] =	vst v51;
	v49 =	vld.idx.msk [tilespmem:v2+s15+$0x0], $0xffff  }
0x4bd: {  	v41 =	vmax.f32 v41, $0.0e+00;
	v50 =	vld.idx.msk [tilespmem:v38+s10+$0x0], $0xffff;
	[tilespmem:s31+$0x70] =	vst v43  }
0x4be: {  	v41 =	vmin.f32 v41, $3.500000000e+01;
	v43 =	vadd.f32 $1.258291200e+07, v44;
	v44 =	vld.idx.msk [tilespmem:v13+s14+$0x0], $0xffff  }
0x4bf: {  	v41 =	vtrunc.f32 v41;
	v51 =	vld [tilespmem:s30+$0x1530];
	[tilespmem:s2+$0xFFFFFFD0] =	vst v52  }
0x4c0: {  	v41 =	vcvt.f32.s32 v41;
	v43 =	vadd.f32 $-1.258291200e+07, v43;
	v52 =	vld.idx.msk [tilespmem:v27+s12+$0x0], $0xffff;
	[tilespmem:s20+$0x1C0] =	vst v55  }
0x4c1: {  	v54 =	vmul.f32 $3.500000000e+01, v54;
	[tilespmem:s23+$0xFFFFFF30] =	vst v56;
	v55 =	vld.idx.msk [tilespmem:v10+s17+$0x0], $0xffff;
	v10 =	vmovc v6;
	v6 =	vmovc v18;
	v18 =	vmov v26;
	v26 =	vmov v34  }
0x4c2: {  	v43 =	vadd.f32 $-3.600000000e+01, v43;
	v34 =	vmov v45;
	v56 =	vld.idx.msk [tilespmem:v25+s11+$0x0], $0xffff;
	[tilespmem:s6+$0x120] =	vst v49  }
0x4c3: {  	v45 =	vadd.f32 $3.600000000e+01, v54;
	[tilespmem:s26+$0xFFFFFE90] =	vst v50;
	v50 =	vld.idx.msk [tilespmem:v12+s15+$0x0], $0xffff  }
0x4c4: {  	v43 =	vmax.f32 v43, $0.0e+00;
	v54 =	vld.idx.msk [tilespmem:v39+s10+$0x0], $0xffff;
	[tilespmem:s31+$0x80] =	vst v44  }
0x4c5: {  	v43 =	vmin.f32 v43, $3.500000000e+01;
	v44 =	vadd.f32 $1.258291200e+07, v45;
	v45 =	vld.idx.msk [tilespmem:v14+s14+$0x0], $0xffff  }
0x4c6: {  	v43 =	vtrunc.f32 v43;
	v57 =	vld.idx.msk [tilespmem:v41+s7+$0x0], $0xffff;
	[tilespmem:s2+$0xFFFFFFE0] =	vst v52  }
0x4c7: {  	v49 =	vcvt.f32.s32 v43;
	v43 =	vadd.f32 $-1.258291200e+07, v44;
	v44 =	vld.idx.msk [tilespmem:v28+s12+$0x0], $0xffff;
	[tilespmem:s20+$0x1D0] =	vst v55  }
0x4c8: {  	v51 =	vmul.f32 $3.500000000e+01, v51;
	[tilespmem:s23+$0xFFFFFF40] =	vst v56;
	v52 =	vld.idx.msk [tilespmem:v9+s17+$0x0], $0xffff;
	v9 =	vmovc v7;
	v7 =	vmovc v19;
	v19 =	vmov v27;
	v27 =	vmov v35  }
0x4c9: {  	v43 =	vadd.f32 $-3.600000000e+01, v43;
	v35 =	vmov v42;
	v55 =	vld.idx.msk [tilespmem:v26+s11+$0x0], $0xffff;
	[tilespmem:s6+$0x130] =	vst v50  }
0x4ca: {  	v42 =	vadd.f32 $3.600000000e+01, v51;
	[tilespmem:s26+$0xFFFFFEA0] =	vst v54;
	v51 =	vld.idx.msk [tilespmem:v11+s15+$0x0], $0xffff  }
0x4cb: {  	v43 =	vmax.f32 v43, $0.0e+00;
	s26 =	sadd.s32 $0x400, s26;
	v54 =	vld.idx.msk [tilespmem:v32+s10+$0x0], $0xffff;
	[tilespmem:s31+$0x90] =	vst v45  }
0x4cc: {  	v42 =	vadd.f32 $1.258291200e+07, v42;
	v43 =	vmin.f32 v43, $3.500000000e+01;
	[tilespmem:s26+$0xFFFFFE00] =	vst v57;
	v45 =	vld.idx.msk [tilespmem:v15+s14+$0x0], $0xffff  }
0x4cd: {  	v43 =	vtrunc.f32 v43;
	v56 =	vld.idx.msk [tilespmem:v49+s7+$0x0], $0xffff;
	[tilespmem:s2+$0xFFFFFFF0] =	vst v44  }
0x4ce: {  	v42 =	vadd.f32 $-1.258291200e+07, v42;
	v50 =	vcvt.f32.s32 v43;
	v43 =	vld.idx.msk [tilespmem:v21+s13+$0x0], $0xffff;
	[tilespmem:s20+$0x1E0] =	vst v52  }
0x4cf: {  	v44 =	vmul.f32 $3.500000000e+01, v48;
	[tilespmem:s23+$0xFFFFFF50] =	vst v55;
	v48 =	vld.idx.msk [tilespmem:v8+s17+$0x0], $0xffff;
	v8 =	vmovc v3;
	v3 =	vmovc v20;
	v20 =	vmov v28;
	v28 =	vmov v36  }
0x4d0: {  	v42 =	vadd.f32 $-3.600000000e+01, v42;
	v36 =	vmov v40;
	v52 =	vld.idx.msk [tilespmem:v27+s11+$0x0], $0xffff;
	[tilespmem:s6+$0x140] =	vst v51  }
0x4d1: {  	v40 =	vadd.f32 $3.600000000e+01, v44;
	[tilespmem:s24+$0xFFFFFEB0] =	vst v54;
	v44 =	vld.idx.msk [tilespmem:v10+s15+$0x0], $0xffff  }
0x4d2: {  	v42 =	vmax.f32 v42, $0.0e+00;
	v51 =	vld.idx.msk [tilespmem:v33+s10+$0x0], $0xffff;
	[tilespmem:s31+$0xA0] =	vst v45  }
0x4d3: {  	v42 =	vmin.f32 v42, $3.500000000e+01;
	v40 =	vadd.f32 $1.258291200e+07, v40;
	[tilespmem:s26+$0xFFFFFE10] =	vst v56;
	v45 =	vld.idx.msk [tilespmem:v4+s14+$0x0], $0xffff  }
0x4d4: {  	v42 =	vtrunc.f32 v42;
	v54 =	vld.idx.msk [tilespmem:v50+s7+$0x0], $0xffff;
	[tilespmem:s2+$0x0] =	vst v43  }
0x4d5: {  	s30 =	sshra.s32 s1, $0x2;
	v40 =	vadd.f32 $-1.258291200e+07, v40;
	v43 =	vcvt.f32.s32 v42;
	v42 =	vld.idx.msk [tilespmem:v22+s13+$0x0], $0xffff;
	[tilespmem:s20+$0x1F0] =	vst v48;
	s20 =	smov.u32 s6;
	s6 =	smov.u32 s31  }
0x4d6: {  	v48 =	vmul.f32 $3.500000000e+01, v46;
	s31 =	smov.u32 s2;
	s2 =	smov.u32 s23;
	v46 =	vld [tilespmem:s30+$0x1550];
	[tilespmem:s23+$0xFFFFFF60] =	vst v52;
	s23 =	smov.u32 s24  }
0x4d7: {  	v40 =	vadd.f32 $-3.600000000e+01, v40;
	s24 =	smov.u32 s26;
	v52 =	vld.idx.msk [tilespmem:v28+s11+$0x0], $0xffff;
	[tilespmem:s20+$0x150] =	vst v44  }
0x4d8: {  	v44 =	vadd.f32 $3.600000000e+01, v48;
	[tilespmem:s23+$0xFFFFFEC0] =	vst v51;
	v48 =	vld.idx.msk [tilespmem:v9+s15+$0x0], $0xffff  }
0x4d9: {  	v40 =	vmax.f32 v40, $0.0e+00;
	v51 =	vld.idx.msk [tilespmem:v34+s10+$0x0], $0xffff;
	[tilespmem:s6+$0xB0] =	vst v45  }
0x4da: {  	v40 =	vmin.f32 v40, $3.500000000e+01;
	v45 =	vadd.f32 $1.258291200e+07, v44;
	[tilespmem:s26+$0xFFFFFE20] =	vst v54;
	v54 =	vld.idx.msk [tilespmem:v5+s14+$0x0], $0xffff  }
0x4db: {  	v40 =	vtrunc.f32 v40;
	v55 =	vld.idx.msk [tilespmem:v43+s7+$0x0], $0xffff;
	[tilespmem:s31+$0x10] =	vst v42  }
0x4dc: {  	v44 =	vcvt.f32.s32 v40;
	v40 =	vadd.f32 $-1.258291200e+07, v45;
	v42 =	vld.idx.msk [tilespmem:v23+s13+$0x0], $0xffff  }
0x4dd: {  	v45 =	vmul.f32 $3.500000000e+01, v47;
	v47 =	vld [tilespmem:s30+$0x1560];
	[tilespmem:s2+$0xFFFFFF70] =	vst v52  }
0x4de: {  	v40 =	vadd.f32 $-3.600000000e+01, v40;
	v52 =	vld.idx.msk [tilespmem:v29+s12+$0x0], $0xffff;
	[tilespmem:s20+$0x160] =	vst v48  }
0x4df: {  	v45 =	vadd.f32 $3.600000000e+01, v45;
	[tilespmem:s23+$0xFFFFFED0] =	vst v51;
	v48 =	vld.idx.msk [tilespmem:v8+s15+$0x0], $0xffff  }
0x4e0: {  	v40 =	vmax.f32 v40, $0.0e+00;
	v51 =	vld.idx.msk [tilespmem:v35+s10+$0x0], $0xffff;
	[tilespmem:s6+$0xC0] =	vst v54  }
0x4e1: {  	v40 =	vmin.f32 v40, $3.500000000e+01;
	v54 =	vadd.f32 $1.258291200e+07, v45;
	[tilespmem:s26+$0xFFFFFE30] =	vst v55;
	v55 =	vld.idx.msk [tilespmem:v6+s14+$0x0], $0xffff  }
0x4e2: {  	v40 =	vtrunc.f32 v40;
	v56 =	vld.idx.msk [tilespmem:v44+s7+$0x0], $0xffff;
	[tilespmem:s31+$0x20] =	vst v42  }
0x4e3: {  	v45 =	vcvt.f32.s32 v40;
	v40 =	vadd.f32 $-1.258291200e+07, v54;
	v42 =	vld.idx.msk [tilespmem:v16+s13+$0x0], $0xffff  }
0x4e4: {  	v54 =	vmul.f32 $3.500000000e+01, v53;
	v53 =	vld [tilespmem:s30+$0x1570];
	[tilespmem:s2+$0xFFFFFF80] =	vst v52  }
0x4e5: {  	v40 =	vadd.f32 $-3.600000000e+01, v40;
	v52 =	vld.idx.msk [tilespmem:v30+s12+$0x0], $0xffff;
	[tilespmem:s20+$0x170] =	vst v48  }
0x4e6: {  	v48 =	vadd.f32 $3.600000000e+01, v54;
	[tilespmem:s23+$0xFFFFFEE0] =	vst v51;
	v51 =	vld.idx.msk [tilespmem:v0+s17+$0x0], $0xffff;
	v0 =	vmovc v13;
	v13 =	vmovc v21;
	v21 =	vmov v29;
	v29 =	vmov v37  }
0x4e7: {  	v40 =	vmax.f32 v40, $0.0e+00;
	v37 =	vmov v41;
	v54 =	vld.idx.msk [tilespmem:v36+s10+$0x0], $0xffff;
	[tilespmem:s6+$0xD0] =	vst v55  }
0x4e8: {  	v40 =	vmin.f32 v40, $3.500000000e+01;
	v41 =	vadd.f32 $1.258291200e+07, v48;
	[tilespmem:s26+$0xFFFFFE40] =	vst v56;
	v55 =	vld.idx.msk [tilespmem:v7+s14+$0x0], $0xffff  }
0x4e9: {  	v40 =	vtrunc.f32 v40;
	v56 =	vld.idx.msk [tilespmem:v45+s7+$0x0], $0xffff;
	[tilespmem:s31+$0x30] =	vst v42  }
0x4ea: {  	v42 =	vcvt.f32.s32 v40;
	v40 =	vadd.f32 $-1.258291200e+07, v41;
	v41 =	vld.idx.msk [tilespmem:v17+s13+$0x0], $0xffff  }
0x4eb: {  	v48 =	vld [tilespmem:s30+$0x1540];
	[tilespmem:s2+$0xFFFFFF90] =	vst v52  }
0x4ec: {  	v40 =	vadd.f32 $-3.600000000e+01, v40;
	v52 =	vld.idx.msk [tilespmem:v31+s12+$0x0], $0xffff;
	[tilespmem:s20+$0x180] =	vst v51  }
0x4ed: {  	[tilespmem:s23+$0xFFFFFEF0] =	vst v54;
	v54 =	vld.idx.msk [tilespmem:v1+s17+$0x0], $0xffff;
	v1 =	vmovc v14;
	v14 =	vmovc v22;
	v22 =	vmov v30;
	v30 =	vmov v38;
	v38 =	vmov v49  }
0x4ee: {  	v40 =	vmax.f32 v40, $0.0e+00;
	v57 =	vld.idx.msk [tilespmem:v29+s11+$0x0], $0xffff;
	[tilespmem:s6+$0xE0] =	vst v55  }
0x4ef: {  	v40 =	vmin.f32 v40, $3.500000000e+01;
	[tilespmem:s26+$0xFFFFFE50] =	vst v56;
	v55 =	vld.idx.msk [tilespmem:v3+s14+$0x0], $0xffff  }
0x4f0: {  	v40 =	vtrunc.f32 v40;
	v51 =	vld.idx.msk [tilespmem:v42+s7+$0x0], $0xffff;
	[tilespmem:s31+$0x40] =	vst v41  }
.Ltmp6:
0x4f1: {  	v40 =	vcvt.f32.s32 v40;
	v41 =	vld.idx.msk [tilespmem:v18+s13+$0x0], $0xffff;
	(pc) =	sbr.rel @p0 .LBB2_9-.Ltmp6, $4  }
0x4f2: {  	v49 =	vld [tilespmem:s30+$0x1500];
	[tilespmem:s2+$0xFFFFFFA0] =	vst v52  }
0x4f3: {  	v52 =	vld.idx.msk [tilespmem:v24+s12+$0x0], $0xffff;
	[tilespmem:s20+$0x190] =	vst v54  }
0x4f4: {  	[tilespmem:s23+$0xFFFFFF00] =	vst v57;
	v57 =	vld.idx.msk [tilespmem:v2+s17+$0x0], $0xffff;
	v2 =	vmovc v15;
	v15 =	vmovc v23;
	v23 =	vmov v31;
	v31 =	vmov v39;
	v39 =	vmov v50  }
0x4f5: {  	s1 =	sadd.s32 $0x200, s1;
	v50 =	vld.idx.msk [tilespmem:v30+s11+$0x0], $0xffff;
	[tilespmem:s6+$0xF0] =	vst v55  }
0x4f6: {  	_ = 	snop  }
0x4f7: {  	v49 =	vmul.f32 $3.500000000e+01, v49  }
0x4f8: {  	v58 =	vld [tilespmem:s30+$0x1510]  }
0x4f9: {  	[tilespmem:s26+$0xFFFFFE60] =	vst v51;
	v49 =	vadd.f32 $3.600000000e+01, v49  }
0x4fa: {  	v54 =	vld.idx.msk [tilespmem:v0+s15+$0x0], $0xffff;
	[tilespmem:s31+$0x50] =	vst v41  }
0x4fb: {  	v59 =	vld.idx.msk [tilespmem:v40+s7+$0x0], $0xffff;
	[tilespmem:s2+$0xFFFFFFB0] =	vst v52;
	v61 =	vadd.f32 $1.258291200e+07, v49  }
0x4fc: {  	v55 =	vld.idx.msk [tilespmem:v19+s13+$0x0], $0xffff;
	[tilespmem:s20+$0x1A0] =	vst v57  }
0x4fd: {  	v56 =	vld.idx.msk [tilespmem:v25+s12+$0x0], $0xffff;
	[tilespmem:s23+$0xFFFFFF10] =	vst v50;
	v62 =	vmul.f32 $3.500000000e+01, v58;
	v41 =	vadd.f32 $-1.258291200e+07, v61  }
0x4fe: {  	v50 =	vld [tilespmem:s30+$0x1520]  }
0x4ff: {  	v49 =	vadd.f32 $3.600000000e+01, v62;
	v41 =	vadd.f32 $-3.600000000e+01, v41;
	_ =	sdelay $0x1  }
0x500: {  	v49 =	vadd.f32 $1.258291200e+07, v49;
	v41 =	vmax.f32 v41, $0.0e+00  }
0x501: {  	v41 =	vmin.f32 v41, $3.500000000e+01  }
0x502: {  	v50 =	vmul.f32 $3.500000000e+01, v50;
	v49 =	vadd.f32 $-1.258291200e+07, v49;
	v41 =	vtrunc.f32 v41  }
0x503: {  	v63 =	vld [tilespmem:s30+$0x1530];
	v52 =	vcvt.f32.s32 v41  }
0x504: {  	v58 =	vadd.f32 $3.600000000e+01, v50;
	v57 =	vadd.f32 $-3.600000000e+01, v49;
	_ =	sdelay $0x1  }
0x505: {  	v49 =	vadd.f32 $1.258291200e+07, v58;
	v41 =	vmax.f32 v57, $0.0e+00  }
0x506: {  	v41 =	vmin.f32 v41, $3.500000000e+01  }
0x507: {  	v51 =	vmul.f32 $3.500000000e+01, v63;
	v49 =	vadd.f32 $-1.258291200e+07, v49;
	v41 =	vtrunc.f32 v41  }
0x508: {  	v50 =	vcvt.f32.s32 v41;
	v60 =	vld.idx.msk [tilespmem:v52+s7+$0x0], $0xffff  }
0x509: {  	v62 =	vadd.f32 $3.600000000e+01, v51;
	v61 =	vadd.f32 $-3.600000000e+01, v49;
	_ =	sdelay $0x1  }
0x50a: {  	v49 =	vadd.f32 $1.258291200e+07, v62;
	v41 =	vmax.f32 v61, $0.0e+00  }
0x50b: {  	s30 =	sadd.s32 $0x400, s26;
	v41 =	vmin.f32 v41, $3.500000000e+01  }
0x50c: {  	v48 =	vmul.f32 $3.500000000e+01, v48;
	v49 =	vadd.f32 $-1.258291200e+07, v49;
	v41 =	vtrunc.f32 v41;
	[tilespmem:s30+$0xFFFFFE00] =	vst v60  }
0x50d: {  	v51 =	vcvt.f32.s32 v41;
	v57 =	vld.idx.msk [tilespmem:v50+s7+$0x0], $0xffff  }
0x50e: {  	v48 =	vadd.f32 $3.600000000e+01, v48;
	v63 =	vadd.f32 $-3.600000000e+01, v49;
	_ =	sdelay $0x1  }
0x50f: {  	v48 =	vadd.f32 $1.258291200e+07, v48;
	v41 =	vmax.f32 v63, $0.0e+00  }
0x510: {  	v41 =	vmin.f32 v41, $3.500000000e+01  }
0x511: {  	v46 =	vmul.f32 $3.500000000e+01, v46;
	v48 =	vadd.f32 $-1.258291200e+07, v48;
	v41 =	vtrunc.f32 v41;
	[tilespmem:s30+$0xFFFFFE10] =	vst v57  }
0x512: {  	v49 =	vcvt.f32.s32 v41;
	v57 =	vld.idx.msk [tilespmem:v51+s7+$0x0], $0xffff  }
0x513: {  	v46 =	vadd.f32 $3.600000000e+01, v46;
	v48 =	vadd.f32 $-3.600000000e+01, v48;
	_ =	sdelay $0x1  }
0x514: {  	v46 =	vadd.f32 $1.258291200e+07, v46;
	v41 =	vmax.f32 v48, $0.0e+00  }
0x515: {  	v41 =	vmin.f32 v41, $3.500000000e+01  }
0x516: {  	v47 =	vmul.f32 $3.500000000e+01, v47;
	v46 =	vadd.f32 $-1.258291200e+07, v46;
	v41 =	vtrunc.f32 v41;
	[tilespmem:s30+$0xFFFFFE20] =	vst v57  }
0x517: {  	v48 =	vcvt.f32.s32 v41;
	v57 =	vld.idx.msk [tilespmem:v49+s7+$0x0], $0xffff  }
0x518: {  	v58 =	vadd.f32 $-3.600000000e+01, v46;
	v60 =	vadd.f32 $3.600000000e+01, v47;
	_ =	sdelay $0x1  }
0x519: {  	v46 =	vadd.f32 $1.258291200e+07, v60;
	v41 =	vmax.f32 v58, $0.0e+00  }
0x51a: {  	v41 =	vmin.f32 v41, $3.500000000e+01  }
0x51b: {  	v53 =	vmul.f32 $3.500000000e+01, v53;
	v46 =	vadd.f32 $-1.258291200e+07, v46;
	v41 =	vtrunc.f32 v41;
	[tilespmem:s30+$0xFFFFFE30] =	vst v57  }
0x51c: {  	v47 =	vcvt.f32.s32 v41;
	v57 =	vld.idx.msk [tilespmem:v48+s7+$0x0], $0xffff  }
0x51d: {  	v62 =	vadd.f32 $3.600000000e+01, v53;
	v61 =	vadd.f32 $-3.600000000e+01, v46;
	_ =	sdelay $0x1  }
0x51e: {  	v46 =	vadd.f32 $1.258291200e+07, v62;
	v41 =	vmax.f32 v61, $0.0e+00  }
0x51f: {  	v41 =	vmin.f32 v41, $3.500000000e+01  }
0x520: {  	v63 =	vadd.f32 $-1.258291200e+07, v46;
	v41 =	vtrunc.f32 v41;
	[tilespmem:s30+$0xFFFFFE40] =	vst v57  }
0x521: {  	v46 =	vcvt.f32.s32 v41;
	v57 =	vld.idx.msk [tilespmem:v47+s7+$0x0], $0xffff  }
0x522: {  	v53 =	vadd.f32 $-3.600000000e+01, v63;
	_ =	sdelay $0x1  }
0x523: {  	v41 =	vmax.f32 v53, $0.0e+00  }
0x524: {  	v41 =	vmin.f32 v41, $3.500000000e+01  }
0x525: {  	v41 =	vtrunc.f32 v41;
	[tilespmem:s30+$0xFFFFFE50] =	vst v57  }
0x526: {  	v41 =	vcvt.f32.s32 v41;
	v58 =	vld.idx.msk [tilespmem:v46+s7+$0x0], $0xffff;
	_ =	sdelay $0x4  }
0x527: {  	[tilespmem:s30+$0xFFFFFE60] =	vst v58  }
0x528: {  	v53 =	vld.idx.msk [tilespmem:v41+s7+$0x0], $0xffff;
	_ =	sdelay $0x2  }
0x529: {  	[tilespmem:s26+$0xFFFFFE70] =	vst v59  }
0x52a: {  	v60 =	vld.idx.msk [tilespmem:v37+s10+$0x0], $0xffff  }
0x52b: {  	[tilespmem:s30+$0xFFFFFE70] =	vst v53  }
0x52c: {  	v53 =	vld.idx.msk [tilespmem:v52+s10+$0x0], $0xffff;
	_ =	sdelay $0x2  }
0x52d: {  	[tilespmem:s26+$0xFFFFFE80] =	vst v60  }
0x52e: {  	v57 =	vld.idx.msk [tilespmem:v38+s10+$0x0], $0xffff  }
0x52f: {  	[tilespmem:s30+$0xFFFFFE80] =	vst v53  }
0x530: {  	v53 =	vld.idx.msk [tilespmem:v50+s10+$0x0], $0xffff;
	_ =	sdelay $0x2  }
0x531: {  	[tilespmem:s26+$0xFFFFFE90] =	vst v57  }
0x532: {  	v57 =	vld.idx.msk [tilespmem:v39+s10+$0x0], $0xffff  }
0x533: {  	[tilespmem:s30+$0xFFFFFE90] =	vst v53  }
0x534: {  	v53 =	vld.idx.msk [tilespmem:v51+s10+$0x0], $0xffff;
	_ =	sdelay $0x2  }
0x535: {  	[tilespmem:s26+$0xFFFFFEA0] =	vst v57  }
0x536: {  	v57 =	vld.idx.msk [tilespmem:v43+s10+$0x0], $0xffff  }
0x537: {  	[tilespmem:s30+$0xFFFFFEA0] =	vst v53  }
0x538: {  	v53 =	vld.idx.msk [tilespmem:v49+s10+$0x0], $0xffff;
	_ =	sdelay $0x2  }
0x539: {  	[tilespmem:s24+$0xFFFFFEB0] =	vst v57  }
0x53a: {  	v57 =	vld.idx.msk [tilespmem:v44+s10+$0x0], $0xffff  }
0x53b: {  	[tilespmem:s30+$0xFFFFFEB0] =	vst v53  }
0x53c: {  	v53 =	vld.idx.msk [tilespmem:v48+s10+$0x0], $0xffff;
	_ =	sdelay $0x2  }
0x53d: {  	[tilespmem:s24+$0xFFFFFEC0] =	vst v57  }
0x53e: {  	v57 =	vld.idx.msk [tilespmem:v45+s10+$0x0], $0xffff  }
0x53f: {  	[tilespmem:s30+$0xFFFFFEC0] =	vst v53  }
0x540: {  	v53 =	vld.idx.msk [tilespmem:v47+s10+$0x0], $0xffff;
	_ =	sdelay $0x2  }
0x541: {  	[tilespmem:s24+$0xFFFFFED0] =	vst v57  }
0x542: {  	v57 =	vld.idx.msk [tilespmem:v42+s10+$0x0], $0xffff  }
0x543: {  	[tilespmem:s30+$0xFFFFFED0] =	vst v53  }
0x544: {  	v53 =	vld.idx.msk [tilespmem:v46+s10+$0x0], $0xffff;
	_ =	sdelay $0x2  }
0x545: {  	[tilespmem:s24+$0xFFFFFEE0] =	vst v57  }
0x546: {  	v57 =	vld.idx.msk [tilespmem:v40+s10+$0x0], $0xffff  }
0x547: {  	[tilespmem:s30+$0xFFFFFEE0] =	vst v53  }
0x548: {  	v53 =	vld.idx.msk [tilespmem:v41+s10+$0x0], $0xffff;
	_ =	sdelay $0x2  }
0x549: {  	[tilespmem:s24+$0xFFFFFEF0] =	vst v57  }
0x54a: {  	v57 =	vld.idx.msk [tilespmem:v37+s11+$0x0], $0xffff  }
0x54b: {  	[tilespmem:s30+$0xFFFFFEF0] =	vst v53  }
0x54c: {  	v53 =	vld.idx.msk [tilespmem:v52+s11+$0x0], $0xffff;
	_ =	sdelay $0x2  }
0x54d: {  	[tilespmem:s24+$0xFFFFFF00] =	vst v57  }
0x54e: {  	v57 =	vld.idx.msk [tilespmem:v38+s11+$0x0], $0xffff  }
0x54f: {  	[tilespmem:s30+$0xFFFFFF00] =	vst v53  }
0x550: {  	v53 =	vld.idx.msk [tilespmem:v50+s11+$0x0], $0xffff;
	_ =	sdelay $0x2  }
0x551: {  	v61 =	vld.idx.msk [tilespmem:v31+s11+$0x0], $0xffff;
	[tilespmem:s24+$0xFFFFFF10] =	vst v57  }
0x552: {  	v57 =	vld.idx.msk [tilespmem:v39+s11+$0x0], $0xffff  }
0x553: {  	[tilespmem:s30+$0xFFFFFF10] =	vst v53  }
0x554: {  	v53 =	vld.idx.msk [tilespmem:v51+s11+$0x0], $0xffff;
	_ =	sdelay $0x1  }
0x555: {  	[tilespmem:s23+$0xFFFFFF20] =	vst v61  }
0x556: {  	v58 =	vld.idx.msk [tilespmem:v32+s11+$0x0], $0xffff;
	[tilespmem:s24+$0xFFFFFF20] =	vst v57  }
0x557: {  	v57 =	vld.idx.msk [tilespmem:v43+s11+$0x0], $0xffff  }
0x558: {  	[tilespmem:s30+$0xFFFFFF20] =	vst v53  }
0x559: {  	v53 =	vld.idx.msk [tilespmem:v49+s11+$0x0], $0xffff;
	_ =	sdelay $0x1  }
0x55a: {  	[tilespmem:s23+$0xFFFFFF30] =	vst v58  }
0x55b: {  	v58 =	vld.idx.msk [tilespmem:v33+s11+$0x0], $0xffff;
	[tilespmem:s24+$0xFFFFFF30] =	vst v57  }
0x55c: {  	v57 =	vld.idx.msk [tilespmem:v44+s11+$0x0], $0xffff  }
0x55d: {  	[tilespmem:s30+$0xFFFFFF30] =	vst v53  }
0x55e: {  	v53 =	vld.idx.msk [tilespmem:v48+s11+$0x0], $0xffff;
	_ =	sdelay $0x1  }
0x55f: {  	[tilespmem:s23+$0xFFFFFF40] =	vst v58  }
0x560: {  	v58 =	vld.idx.msk [tilespmem:v34+s11+$0x0], $0xffff;
	[tilespmem:s24+$0xFFFFFF40] =	vst v57  }
0x561: {  	v57 =	vld.idx.msk [tilespmem:v45+s11+$0x0], $0xffff  }
0x562: {  	[tilespmem:s30+$0xFFFFFF40] =	vst v53  }
0x563: {  	v53 =	vld.idx.msk [tilespmem:v47+s11+$0x0], $0xffff;
	_ =	sdelay $0x1  }
0x564: {  	[tilespmem:s23+$0xFFFFFF50] =	vst v58  }
0x565: {  	v58 =	vld.idx.msk [tilespmem:v35+s11+$0x0], $0xffff;
	[tilespmem:s24+$0xFFFFFF50] =	vst v57  }
0x566: {  	v57 =	vld.idx.msk [tilespmem:v42+s11+$0x0], $0xffff  }
0x567: {  	[tilespmem:s30+$0xFFFFFF50] =	vst v53  }
0x568: {  	v53 =	vld.idx.msk [tilespmem:v46+s11+$0x0], $0xffff;
	_ =	sdelay $0x1  }
0x569: {  	[tilespmem:s23+$0xFFFFFF60] =	vst v58  }
0x56a: {  	v58 =	vld.idx.msk [tilespmem:v36+s11+$0x0], $0xffff;
	[tilespmem:s24+$0xFFFFFF60] =	vst v57  }
0x56b: {  	v57 =	vld.idx.msk [tilespmem:v40+s11+$0x0], $0xffff  }
0x56c: {  	[tilespmem:s30+$0xFFFFFF60] =	vst v53  }
0x56d: {  	v53 =	vld.idx.msk [tilespmem:v41+s11+$0x0], $0xffff;
	_ =	sdelay $0x1  }
0x56e: {  	[tilespmem:s23+$0xFFFFFF70] =	vst v58  }
0x56f: {  	v58 =	vld.idx.msk [tilespmem:v29+s12+$0x0], $0xffff;
	[tilespmem:s24+$0xFFFFFF70] =	vst v57  }
0x570: {  	v57 =	vld.idx.msk [tilespmem:v37+s12+$0x0], $0xffff  }
0x571: {  	[tilespmem:s30+$0xFFFFFF70] =	vst v53  }
0x572: {  	v53 =	vld.idx.msk [tilespmem:v52+s12+$0x0], $0xffff;
	_ =	sdelay $0x1  }
0x573: {  	[tilespmem:s23+$0xFFFFFF80] =	vst v58  }
0x574: {  	v58 =	vld.idx.msk [tilespmem:v30+s12+$0x0], $0xffff;
	[tilespmem:s24+$0xFFFFFF80] =	vst v57  }
0x575: {  	v57 =	vld.idx.msk [tilespmem:v38+s12+$0x0], $0xffff  }
0x576: {  	[tilespmem:s30+$0xFFFFFF80] =	vst v53  }
0x577: {  	v53 =	vld.idx.msk [tilespmem:v50+s12+$0x0], $0xffff;
	_ =	sdelay $0x1  }
0x578: {  	[tilespmem:s23+$0xFFFFFF90] =	vst v58  }
0x579: {  	v58 =	vld.idx.msk [tilespmem:v31+s12+$0x0], $0xffff;
	[tilespmem:s24+$0xFFFFFF90] =	vst v57  }
0x57a: {  	v57 =	vld.idx.msk [tilespmem:v39+s12+$0x0], $0xffff  }
0x57b: {  	[tilespmem:s30+$0xFFFFFF90] =	vst v53  }
0x57c: {  	v53 =	vld.idx.msk [tilespmem:v51+s12+$0x0], $0xffff;
	_ =	sdelay $0x1  }
0x57d: {  	[tilespmem:s23+$0xFFFFFFA0] =	vst v58  }
0x57e: {  	v58 =	vld.idx.msk [tilespmem:v32+s12+$0x0], $0xffff;
	[tilespmem:s24+$0xFFFFFFA0] =	vst v57  }
0x57f: {  	v57 =	vld.idx.msk [tilespmem:v43+s12+$0x0], $0xffff  }
0x580: {  	[tilespmem:s30+$0xFFFFFFA0] =	vst v53  }
0x581: {  	v53 =	vld.idx.msk [tilespmem:v49+s12+$0x0], $0xffff;
	_ =	sdelay $0x1  }
0x582: {  	[tilespmem:s23+$0xFFFFFFB0] =	vst v58  }
0x583: {  	v58 =	vld.idx.msk [tilespmem:v33+s12+$0x0], $0xffff;
	[tilespmem:s24+$0xFFFFFFB0] =	vst v57  }
0x584: {  	v57 =	vld.idx.msk [tilespmem:v44+s12+$0x0], $0xffff  }
0x585: {  	[tilespmem:s30+$0xFFFFFFB0] =	vst v53  }
0x586: {  	v53 =	vld.idx.msk [tilespmem:v48+s12+$0x0], $0xffff  }
0x587: {  	[tilespmem:s2+$0xFFFFFFC0] =	vst v56  }
0x588: {  	v56 =	vld.idx.msk [tilespmem:v26+s12+$0x0], $0xffff;
	[tilespmem:s23+$0xFFFFFFC0] =	vst v58  }
0x589: {  	v58 =	vld.idx.msk [tilespmem:v34+s12+$0x0], $0xffff;
	[tilespmem:s24+$0xFFFFFFC0] =	vst v57  }
0x58a: {  	v57 =	vld.idx.msk [tilespmem:v45+s12+$0x0], $0xffff  }
0x58b: {  	[tilespmem:s30+$0xFFFFFFC0] =	vst v53  }
0x58c: {  	v53 =	vld.idx.msk [tilespmem:v47+s12+$0x0], $0xffff  }
0x58d: {  	[tilespmem:s2+$0xFFFFFFD0] =	vst v56  }
0x58e: {  	v56 =	vld.idx.msk [tilespmem:v27+s12+$0x0], $0xffff;
	[tilespmem:s23+$0xFFFFFFD0] =	vst v58  }
0x58f: {  	v58 =	vld.idx.msk [tilespmem:v35+s12+$0x0], $0xffff;
	[tilespmem:s24+$0xFFFFFFD0] =	vst v57  }
0x590: {  	v57 =	vld.idx.msk [tilespmem:v42+s12+$0x0], $0xffff  }
0x591: {  	[tilespmem:s30+$0xFFFFFFD0] =	vst v53  }
0x592: {  	v53 =	vld.idx.msk [tilespmem:v46+s12+$0x0], $0xffff  }
0x593: {  	[tilespmem:s2+$0xFFFFFFE0] =	vst v56  }
0x594: {  	v56 =	vld.idx.msk [tilespmem:v28+s12+$0x0], $0xffff;
	[tilespmem:s23+$0xFFFFFFE0] =	vst v58  }
0x595: {  	v58 =	vld.idx.msk [tilespmem:v36+s12+$0x0], $0xffff;
	[tilespmem:s24+$0xFFFFFFE0] =	vst v57  }
0x596: {  	v57 =	vld.idx.msk [tilespmem:v40+s12+$0x0], $0xffff  }
0x597: {  	[tilespmem:s30+$0xFFFFFFE0] =	vst v53  }
0x598: {  	v53 =	vld.idx.msk [tilespmem:v41+s12+$0x0], $0xffff  }
0x599: {  	[tilespmem:s2+$0xFFFFFFF0] =	vst v56  }
0x59a: {  	v56 =	vld.idx.msk [tilespmem:v21+s13+$0x0], $0xffff;
	[tilespmem:s23+$0xFFFFFFF0] =	vst v58  }
0x59b: {  	v58 =	vld.idx.msk [tilespmem:v29+s13+$0x0], $0xffff;
	[tilespmem:s24+$0xFFFFFFF0] =	vst v57  }
0x59c: {  	v57 =	vld.idx.msk [tilespmem:v37+s13+$0x0], $0xffff  }
0x59d: {  	[tilespmem:s30+$0xFFFFFFF0] =	vst v53  }
0x59e: {  	v53 =	vld.idx.msk [tilespmem:v52+s13+$0x0], $0xffff  }
0x59f: {  	[tilespmem:s2+$0x0] =	vst v56  }
0x5a0: {  	v56 =	vld.idx.msk [tilespmem:v22+s13+$0x0], $0xffff;
	[tilespmem:s23+$0x0] =	vst v58  }
0x5a1: {  	v58 =	vld.idx.msk [tilespmem:v30+s13+$0x0], $0xffff;
	[tilespmem:s24+$0x0] =	vst v57  }
0x5a2: {  	v57 =	vld.idx.msk [tilespmem:v38+s13+$0x0], $0xffff  }
0x5a3: {  	[tilespmem:s30+$0x0] =	vst v53  }
0x5a4: {  	v53 =	vld.idx.msk [tilespmem:v50+s13+$0x0], $0xffff  }
0x5a5: {  	[tilespmem:s2+$0x10] =	vst v56  }
0x5a6: {  	v56 =	vld.idx.msk [tilespmem:v23+s13+$0x0], $0xffff;
	[tilespmem:s23+$0x10] =	vst v58  }
0x5a7: {  	v58 =	vld.idx.msk [tilespmem:v31+s13+$0x0], $0xffff;
	[tilespmem:s24+$0x10] =	vst v57  }
0x5a8: {  	v57 =	vld.idx.msk [tilespmem:v39+s13+$0x0], $0xffff  }
0x5a9: {  	[tilespmem:s30+$0x10] =	vst v53  }
0x5aa: {  	v53 =	vld.idx.msk [tilespmem:v51+s13+$0x0], $0xffff  }
0x5ab: {  	[tilespmem:s2+$0x20] =	vst v56  }
0x5ac: {  	v56 =	vld.idx.msk [tilespmem:v24+s13+$0x0], $0xffff;
	[tilespmem:s23+$0x20] =	vst v58  }
0x5ad: {  	v58 =	vld.idx.msk [tilespmem:v32+s13+$0x0], $0xffff;
	[tilespmem:s24+$0x20] =	vst v57  }
0x5ae: {  	v57 =	vld.idx.msk [tilespmem:v43+s13+$0x0], $0xffff  }
0x5af: {  	[tilespmem:s30+$0x20] =	vst v53  }
0x5b0: {  	v53 =	vld.idx.msk [tilespmem:v49+s13+$0x0], $0xffff  }
0x5b1: {  	[tilespmem:s2+$0x30] =	vst v56  }
0x5b2: {  	v56 =	vld.idx.msk [tilespmem:v25+s13+$0x0], $0xffff;
	[tilespmem:s23+$0x30] =	vst v58  }
0x5b3: {  	v58 =	vld.idx.msk [tilespmem:v33+s13+$0x0], $0xffff;
	[tilespmem:s24+$0x30] =	vst v57  }
0x5b4: {  	v57 =	vld.idx.msk [tilespmem:v44+s13+$0x0], $0xffff  }
0x5b5: {  	[tilespmem:s30+$0x30] =	vst v53  }
0x5b6: {  	v53 =	vld.idx.msk [tilespmem:v48+s13+$0x0], $0xffff  }
0x5b7: {  	[tilespmem:s2+$0x40] =	vst v56  }
0x5b8: {  	v56 =	vld.idx.msk [tilespmem:v26+s13+$0x0], $0xffff;
	[tilespmem:s23+$0x40] =	vst v58  }
0x5b9: {  	v58 =	vld.idx.msk [tilespmem:v34+s13+$0x0], $0xffff;
	[tilespmem:s24+$0x40] =	vst v57  }
0x5ba: {  	v57 =	vld.idx.msk [tilespmem:v45+s13+$0x0], $0xffff  }
0x5bb: {  	[tilespmem:s30+$0x40] =	vst v53  }
0x5bc: {  	v53 =	vld.idx.msk [tilespmem:v47+s13+$0x0], $0xffff  }
0x5bd: {  	[tilespmem:s2+$0x50] =	vst v56  }
0x5be: {  	v56 =	vld.idx.msk [tilespmem:v27+s13+$0x0], $0xffff;
	[tilespmem:s23+$0x50] =	vst v58  }
0x5bf: {  	v58 =	vld.idx.msk [tilespmem:v35+s13+$0x0], $0xffff;
	[tilespmem:s24+$0x50] =	vst v57  }
0x5c0: {  	v57 =	vld.idx.msk [tilespmem:v42+s13+$0x0], $0xffff  }
0x5c1: {  	[tilespmem:s30+$0x50] =	vst v53  }
0x5c2: {  	[tilespmem:s31+$0x60] =	vst v55;
	v53 =	vld.idx.msk [tilespmem:v46+s13+$0x0], $0xffff  }
0x5c3: {  	v55 =	vld.idx.msk [tilespmem:v20+s13+$0x0], $0xffff;
	[tilespmem:s2+$0x60] =	vst v56  }
0x5c4: {  	v56 =	vld.idx.msk [tilespmem:v28+s13+$0x0], $0xffff;
	[tilespmem:s23+$0x60] =	vst v58  }
0x5c5: {  	v58 =	vld.idx.msk [tilespmem:v36+s13+$0x0], $0xffff;
	[tilespmem:s24+$0x60] =	vst v57  }
0x5c6: {  	v57 =	vld.idx.msk [tilespmem:v40+s13+$0x0], $0xffff  }
0x5c7: {  	[tilespmem:s30+$0x60] =	vst v53  }
0x5c8: {  	[tilespmem:s31+$0x70] =	vst v55;
	v53 =	vld.idx.msk [tilespmem:v41+s13+$0x0], $0xffff  }
0x5c9: {  	v55 =	vld.idx.msk [tilespmem:v13+s14+$0x0], $0xffff;
	[tilespmem:s2+$0x70] =	vst v56  }
0x5ca: {  	v56 =	vld.idx.msk [tilespmem:v21+s14+$0x0], $0xffff;
	[tilespmem:s23+$0x70] =	vst v58  }
0x5cb: {  	v58 =	vld.idx.msk [tilespmem:v29+s14+$0x0], $0xffff;
	[tilespmem:s24+$0x70] =	vst v57  }
0x5cc: {  	v57 =	vld.idx.msk [tilespmem:v37+s14+$0x0], $0xffff  }
0x5cd: {  	[tilespmem:s30+$0x70] =	vst v53  }
0x5ce: {  	[tilespmem:s31+$0x80] =	vst v55;
	v53 =	vld.idx.msk [tilespmem:v52+s14+$0x0], $0xffff  }
0x5cf: {  	v55 =	vld.idx.msk [tilespmem:v14+s14+$0x0], $0xffff;
	[tilespmem:s2+$0x80] =	vst v56  }
0x5d0: {  	v56 =	vld.idx.msk [tilespmem:v22+s14+$0x0], $0xffff;
	[tilespmem:s23+$0x80] =	vst v58  }
0x5d1: {  	v58 =	vld.idx.msk [tilespmem:v30+s14+$0x0], $0xffff;
	[tilespmem:s24+$0x80] =	vst v57  }
0x5d2: {  	v57 =	vld.idx.msk [tilespmem:v38+s14+$0x0], $0xffff  }
0x5d3: {  	[tilespmem:s30+$0x80] =	vst v53  }
0x5d4: {  	[tilespmem:s31+$0x90] =	vst v55;
	v53 =	vld.idx.msk [tilespmem:v50+s14+$0x0], $0xffff  }
0x5d5: {  	v55 =	vld.idx.msk [tilespmem:v15+s14+$0x0], $0xffff;
	[tilespmem:s2+$0x90] =	vst v56  }
0x5d6: {  	v56 =	vld.idx.msk [tilespmem:v23+s14+$0x0], $0xffff;
	[tilespmem:s23+$0x90] =	vst v58  }
0x5d7: {  	v58 =	vld.idx.msk [tilespmem:v31+s14+$0x0], $0xffff;
	[tilespmem:s24+$0x90] =	vst v57  }
0x5d8: {  	v57 =	vld.idx.msk [tilespmem:v39+s14+$0x0], $0xffff  }
0x5d9: {  	[tilespmem:s30+$0x90] =	vst v53  }
0x5da: {  	[tilespmem:s31+$0xA0] =	vst v55;
	v53 =	vld.idx.msk [tilespmem:v51+s14+$0x0], $0xffff  }
0x5db: {  	v55 =	vld.idx.msk [tilespmem:v16+s14+$0x0], $0xffff;
	[tilespmem:s2+$0xA0] =	vst v56  }
0x5dc: {  	v56 =	vld.idx.msk [tilespmem:v24+s14+$0x0], $0xffff;
	[tilespmem:s23+$0xA0] =	vst v58  }
0x5dd: {  	v62 =	vld.idx.msk [tilespmem:v32+s14+$0x0], $0xffff;
	[tilespmem:s24+$0xA0] =	vst v57  }
0x5de: {  	v63 =	vld.idx.msk [tilespmem:v43+s14+$0x0], $0xffff  }
0x5df: {  	[tilespmem:s30+$0xA0] =	vst v53  }
0x5e0: {  	[tilespmem:s31+$0xB0] =	vst v55;
	v60 =	vld.idx.msk [tilespmem:v49+s14+$0x0], $0xffff  }
0x5e1: {  	v55 =	vld.idx.msk [tilespmem:v17+s14+$0x0], $0xffff;
	[tilespmem:s2+$0xB0] =	vst v56  }
0x5e2: {  	v56 =	vld.idx.msk [tilespmem:v25+s14+$0x0], $0xffff;
	[tilespmem:s23+$0xB0] =	vst v62  }
0x5e3: {  	v61 =	vld.idx.msk [tilespmem:v33+s14+$0x0], $0xffff;
	[tilespmem:s24+$0xB0] =	vst v63  }
0x5e4: {  	[tilespmem:s6+$0x100] =	vst v54;
	v62 =	vld.idx.msk [tilespmem:v44+s14+$0x0], $0xffff  }
0x5e5: {  	v12 =	vld.idx.msk [tilespmem:v12+s17+$0x0], $0xffff;
	[tilespmem:s30+$0xB0] =	vst v60  }
0x5e6: {  	[tilespmem:s31+$0xC0] =	vst v55;
	v63 =	vld.idx.msk [tilespmem:v48+s14+$0x0], $0xffff  }
0x5e7: {  	[tilespmem:s2+$0xC0] =	vst v56;
	v60 =	vld.idx.msk [tilespmem:v1+s15+$0x0], $0xffff  }
0x5e8: {  	[tilespmem:s23+$0xC0] =	vst v61;
	v61 =	vld.idx.msk [tilespmem:v26+s14+$0x0], $0xffff  }
0x5e9: {  	[tilespmem:s24+$0xC0] =	vst v62;
	v62 =	vld.idx.msk [tilespmem:v34+s14+$0x0], $0xffff  }
0x5ea: {  	[tilespmem:s20+$0x1B0] =	vst v12;
	v56 =	vld.idx.msk [tilespmem:v18+s14+$0x0], $0xffff  }
0x5eb: {  	[tilespmem:s30+$0xC0] =	vst v63;
	v63 =	vld.idx.msk [tilespmem:v45+s14+$0x0], $0xffff  }
0x5ec: {  	[tilespmem:s6+$0x110] =	vst v60;
	v60 =	vld.idx.msk [tilespmem:v47+s14+$0x0], $0xffff  }
0x5ed: {  	v11 =	vld.idx.msk [tilespmem:v11+s17+$0x0], $0xffff;
	[tilespmem:s2+$0xD0] =	vst v61  }
0x5ee: {  	[tilespmem:s23+$0xD0] =	vst v62;
	v53 =	vld.idx.msk [tilespmem:v27+s14+$0x0], $0xffff  }
0x5ef: {  	[tilespmem:s31+$0xD0] =	vst v56;
	v54 =	vld.idx.msk [tilespmem:v35+s14+$0x0], $0xffff  }
0x5f0: {  	v56 =	vld.idx.msk [tilespmem:v19+s14+$0x0], $0xffff;
	[tilespmem:s24+$0xD0] =	vst v63  }
0x5f1: {  	v12 =	vld.idx.msk [tilespmem:v42+s14+$0x0], $0xffff;
	[tilespmem:s30+$0xD0] =	vst v60  }
0x5f2: {  	[tilespmem:s20+$0x1C0] =	vst v11;
	v61 =	vld.idx.msk [tilespmem:v46+s14+$0x0], $0xffff  }
0x5f3: {  	v10 =	vld.idx.msk [tilespmem:v10+s17+$0x0], $0xffff;
	[tilespmem:s2+$0xE0] =	vst v53  }
0x5f4: {  	[tilespmem:s23+$0xE0] =	vst v54;
	v53 =	vld.idx.msk [tilespmem:v28+s14+$0x0], $0xffff  }
0x5f5: {  	[tilespmem:s31+$0xE0] =	vst v56;
	v54 =	vld.idx.msk [tilespmem:v36+s14+$0x0], $0xffff  }
0x5f6: {  	v56 =	vld.idx.msk [tilespmem:v20+s14+$0x0], $0xffff;
	[tilespmem:s24+$0xE0] =	vst v12  }
0x5f7: {  	v12 =	vld.idx.msk [tilespmem:v40+s14+$0x0], $0xffff;
	[tilespmem:s30+$0xE0] =	vst v61  }
0x5f8: {  	[tilespmem:s20+$0x1D0] =	vst v10;
	v11 =	vld.idx.msk [tilespmem:v41+s14+$0x0], $0xffff  }
0x5f9: {  	v9 =	vld.idx.msk [tilespmem:v9+s17+$0x0], $0xffff;
	[tilespmem:s2+$0xF0] =	vst v53  }
0x5fa: {  	[tilespmem:s23+$0xF0] =	vst v54;
	v53 =	vld.idx.msk [tilespmem:v21+s15+$0x0], $0xffff  }
0x5fb: {  	[tilespmem:s31+$0xF0] =	vst v56;
	v54 =	vld.idx.msk [tilespmem:v29+s15+$0x0], $0xffff  }
0x5fc: {  	v63 =	vld.idx.msk [tilespmem:v13+s15+$0x0], $0xffff;
	[tilespmem:s24+$0xF0] =	vst v12  }
0x5fd: {  	v12 =	vld.idx.msk [tilespmem:v37+s15+$0x0], $0xffff;
	[tilespmem:s30+$0xF0] =	vst v11  }
0x5fe: {  	[tilespmem:s20+$0x1E0] =	vst v9;
	v57 =	vld.idx.msk [tilespmem:v52+s15+$0x0], $0xffff  }
0x5ff: {  	v8 =	vld.idx.msk [tilespmem:v8+s17+$0x0], $0xffff;
	[tilespmem:s2+$0x100] =	vst v53  }
0x600: {  	[tilespmem:s23+$0x100] =	vst v54;
	v53 =	vld.idx.msk [tilespmem:v22+s15+$0x0], $0xffff  }
0x601: {  	v54 =	vld.idx.msk [tilespmem:v30+s15+$0x0], $0xffff;
	[tilespmem:s31+$0x100] =	vst v63  }
0x602: {  	v55 =	vld.idx.msk [tilespmem:v14+s15+$0x0], $0xffff;
	[tilespmem:s24+$0x100] =	vst v12  }
0x603: {  	v12 =	vld.idx.msk [tilespmem:v38+s15+$0x0], $0xffff;
	[tilespmem:s30+$0x100] =	vst v57  }
0x604: {  	[tilespmem:s20+$0x1F0] =	vst v8;
	v10 =	vld.idx.msk [tilespmem:v50+s15+$0x0], $0xffff  }
0x605: {  	v62 =	vld.idx.msk [tilespmem:v2+s15+$0x0], $0xffff;
	[tilespmem:s2+$0x110] =	vst v53  }
0x606: {  	[tilespmem:s23+$0x110] =	vst v54;
	v53 =	vld.idx.msk [tilespmem:v23+s15+$0x0], $0xffff  }
0x607: {  	v54 =	vld.idx.msk [tilespmem:v31+s15+$0x0], $0xffff;
	[tilespmem:s31+$0x110] =	vst v55  }
0x608: {  	v59 =	vld.idx.msk [tilespmem:v15+s15+$0x0], $0xffff;
	[tilespmem:s24+$0x110] =	vst v12  }
0x609: {  	v12 =	vld.idx.msk [tilespmem:v39+s15+$0x0], $0xffff;
	[tilespmem:s30+$0x110] =	vst v10  }
0x60a: {  	[tilespmem:s6+$0x120] =	vst v62;
	v60 =	vld.idx.msk [tilespmem:v51+s15+$0x0], $0xffff  }
0x60b: {  	v58 =	vld.idx.msk [tilespmem:v4+s15+$0x0], $0xffff;
	[tilespmem:s2+$0x120] =	vst v53  }
0x60c: {  	[tilespmem:s23+$0x120] =	vst v54;
	v53 =	vld.idx.msk [tilespmem:v24+s15+$0x0], $0xffff  }
0x60d: {  	v54 =	vld.idx.msk [tilespmem:v32+s15+$0x0], $0xffff;
	[tilespmem:s31+$0x120] =	vst v59  }
0x60e: {  	v11 =	vld.idx.msk [tilespmem:v16+s15+$0x0], $0xffff;
	[tilespmem:s24+$0x120] =	vst v12  }
0x60f: {  	v12 =	vld.idx.msk [tilespmem:v43+s15+$0x0], $0xffff;
	[tilespmem:s30+$0x120] =	vst v60  }
0x610: {  	[tilespmem:s6+$0x130] =	vst v58;
	v9 =	vld.idx.msk [tilespmem:v49+s15+$0x0], $0xffff  }
0x611: {  	v61 =	vld.idx.msk [tilespmem:v5+s15+$0x0], $0xffff;
	[tilespmem:s2+$0x130] =	vst v53  }
0x612: {  	[tilespmem:s23+$0x130] =	vst v54;
	v63 =	vld.idx.msk [tilespmem:v25+s15+$0x0], $0xffff  }
0x613: {  	v56 =	vld.idx.msk [tilespmem:v33+s15+$0x0], $0xffff;
	[tilespmem:s31+$0x130] =	vst v11  }
0x614: {  	v62 =	vld.idx.msk [tilespmem:v17+s15+$0x0], $0xffff;
	[tilespmem:s24+$0x130] =	vst v12  }
0x615: {  	v12 =	vld.idx.msk [tilespmem:v44+s15+$0x0], $0xffff;
	[tilespmem:s30+$0x130] =	vst v9  }
0x616: {  	[tilespmem:s6+$0x140] =	vst v61;
	v57 =	vld.idx.msk [tilespmem:v48+s15+$0x0], $0xffff  }
0x617: {  	v58 =	vld.idx.msk [tilespmem:v6+s15+$0x0], $0xffff;
	[tilespmem:s2+$0x140] =	vst v63  }
0x618: {  	[tilespmem:s23+$0x140] =	vst v56;
	v11 =	vld.idx.msk [tilespmem:v26+s15+$0x0], $0xffff  }
0x619: {  	v53 =	vld.idx.msk [tilespmem:v34+s15+$0x0], $0xffff;
	[tilespmem:s31+$0x140] =	vst v62  }
0x61a: {  	v10 =	vld.idx.msk [tilespmem:v18+s15+$0x0], $0xffff;
	[tilespmem:s24+$0x140] =	vst v12  }
0x61b: {  	v12 =	vld.idx.msk [tilespmem:v45+s15+$0x0], $0xffff;
	[tilespmem:s30+$0x140] =	vst v57  }
0x61c: {  	[tilespmem:s6+$0x150] =	vst v58;
	v8 =	vld.idx.msk [tilespmem:v47+s15+$0x0], $0xffff  }
0x61d: {  	[tilespmem:s2+$0x150] =	vst v11;
	v9 =	vld.idx.msk [tilespmem:v7+s15+$0x0], $0xffff  }
0x61e: {  	[tilespmem:s23+$0x150] =	vst v53;
	v11 =	vld.idx.msk [tilespmem:v27+s15+$0x0], $0xffff  }
0x61f: {  	v53 =	vld.idx.msk [tilespmem:v35+s15+$0x0], $0xffff;
	[tilespmem:s31+$0x150] =	vst v10  }
0x620: {  	v10 =	vld.idx.msk [tilespmem:v19+s15+$0x0], $0xffff;
	[tilespmem:s24+$0x150] =	vst v12  }
0x621: {  	v12 =	vld.idx.msk [tilespmem:v42+s15+$0x0], $0xffff;
	[tilespmem:s30+$0x150] =	vst v8  }
0x622: {  	[tilespmem:s6+$0x160] =	vst v9;
	v8 =	vld.idx.msk [tilespmem:v46+s15+$0x0], $0xffff  }
0x623: {  	[tilespmem:s2+$0x160] =	vst v11;
	v9 =	vld.idx.msk [tilespmem:v3+s15+$0x0], $0xffff  }
0x624: {  	[tilespmem:s23+$0x160] =	vst v53;
	v11 =	vld.idx.msk [tilespmem:v28+s15+$0x0], $0xffff  }
0x625: {  	v53 =	vld.idx.msk [tilespmem:v36+s15+$0x0], $0xffff;
	[tilespmem:s31+$0x160] =	vst v10  }
0x626: {  	v10 =	vld.idx.msk [tilespmem:v20+s15+$0x0], $0xffff;
	[tilespmem:s24+$0x160] =	vst v12  }
0x627: {  	v12 =	vld.idx.msk [tilespmem:v40+s15+$0x0], $0xffff;
	[tilespmem:s30+$0x160] =	vst v8  }
0x628: {  	[tilespmem:s6+$0x170] =	vst v9;
	v8 =	vld.idx.msk [tilespmem:v41+s15+$0x0], $0xffff  }
0x629: {  	[tilespmem:s2+$0x170] =	vst v11;
	v59 =	vld.idx.msk [tilespmem:v0+s17+$0x0], $0xffff  }
0x62a: {  	[tilespmem:s23+$0x170] =	vst v53;
	v61 =	vld.idx.msk [tilespmem:v21+s17+$0x0], $0xffff  }
0x62b: {  	v62 =	vld.idx.msk [tilespmem:v29+s17+$0x0], $0xffff;
	[tilespmem:s31+$0x170] =	vst v10  }
0x62c: {  	v60 =	vld.idx.msk [tilespmem:v13+s17+$0x0], $0xffff;
	[tilespmem:s24+$0x170] =	vst v12  }
0x62d: {  	v12 =	vld.idx.msk [tilespmem:v37+s17+$0x0], $0xffff;
	[tilespmem:s30+$0x170] =	vst v8  }
0x62e: {  	[tilespmem:s6+$0x180] =	vst v59;
	v63 =	vld.idx.msk [tilespmem:v52+s17+$0x0], $0xffff  }
0x62f: {  	[tilespmem:s2+$0x180] =	vst v61;
	v13 =	vld.idx.msk [tilespmem:v1+s17+$0x0], $0xffff  }
0x630: {  	[tilespmem:s23+$0x180] =	vst v62;
	v29 =	vld.idx.msk [tilespmem:v22+s17+$0x0], $0xffff  }
0x631: {  	[tilespmem:s31+$0x180] =	vst v60;
	v37 =	vld.idx.msk [tilespmem:v30+s17+$0x0], $0xffff  }
0x632: {  	v21 =	vld.idx.msk [tilespmem:v14+s17+$0x0], $0xffff;
	[tilespmem:s24+$0x180] =	vst v12  }
0x633: {  	v38 =	vld.idx.msk [tilespmem:v38+s17+$0x0], $0xffff;
	[tilespmem:s30+$0x180] =	vst v63  }
0x634: {  	[tilespmem:s6+$0x190] =	vst v13;
	v0 =	vld.idx.msk [tilespmem:v50+s17+$0x0], $0xffff  }
0x635: {  	[tilespmem:s2+$0x190] =	vst v29;
	v1 =	vld.idx.msk [tilespmem:v2+s17+$0x0], $0xffff  }
0x636: {  	v52 =	vld.idx.msk [tilespmem:v23+s17+$0x0], $0xffff;
	[tilespmem:s23+$0x190] =	vst v37  }
0x637: {  	[tilespmem:s31+$0x190] =	vst v21;
	v53 =	vld.idx.msk [tilespmem:v31+s17+$0x0], $0xffff  }
0x638: {  	v50 =	vld.idx.msk [tilespmem:v15+s17+$0x0], $0xffff;
	[tilespmem:s24+$0x190] =	vst v38  }
0x639: {  	v54 =	vld.idx.msk [tilespmem:v39+s17+$0x0], $0xffff;
	[tilespmem:s30+$0x190] =	vst v0  }
0x63a: {  	[tilespmem:s6+$0x1A0] =	vst v1;
	v0 =	vld.idx.msk [tilespmem:v51+s17+$0x0], $0xffff  }
0x63b: {  	v1 =	vld.idx.msk [tilespmem:v4+s17+$0x0], $0xffff;
	[tilespmem:s2+$0x1A0] =	vst v52  }
0x63c: {  	v55 =	vld.idx.msk [tilespmem:v24+s17+$0x0], $0xffff;
	[tilespmem:s23+$0x1A0] =	vst v53  }
0x63d: {  	[tilespmem:s31+$0x1A0] =	vst v50;
	v56 =	vld.idx.msk [tilespmem:v32+s17+$0x0], $0xffff  }
0x63e: {  	v2 =	vld.idx.msk [tilespmem:v16+s17+$0x0], $0xffff;
	[tilespmem:s24+$0x1A0] =	vst v54  }
0x63f: {  	v57 =	vld.idx.msk [tilespmem:v43+s17+$0x0], $0xffff;
	[tilespmem:s30+$0x1A0] =	vst v0  }
0x640: {  	[tilespmem:s6+$0x1B0] =	vst v1;
	v0 =	vld.idx.msk [tilespmem:v49+s17+$0x0], $0xffff  }
0x641: {  	v1 =	vld.idx.msk [tilespmem:v5+s17+$0x0], $0xffff;
	[tilespmem:s2+$0x1B0] =	vst v55  }
0x642: {  	v4 =	vld.idx.msk [tilespmem:v25+s17+$0x0], $0xffff;
	[tilespmem:s23+$0x1B0] =	vst v56  }
0x643: {  	[tilespmem:s31+$0x1B0] =	vst v2;
	v58 =	vld.idx.msk [tilespmem:v33+s17+$0x0], $0xffff  }
0x644: {  	v2 =	vld.idx.msk [tilespmem:v17+s17+$0x0], $0xffff;
	[tilespmem:s24+$0x1B0] =	vst v57  }
0x645: {  	v59 =	vld.idx.msk [tilespmem:v44+s17+$0x0], $0xffff;
	[tilespmem:s30+$0x1B0] =	vst v0  }
0x646: {  	[tilespmem:s6+$0x1C0] =	vst v1;
	v0 =	vld.idx.msk [tilespmem:v48+s17+$0x0], $0xffff  }
0x647: {  	v1 =	vld.idx.msk [tilespmem:v6+s17+$0x0], $0xffff;
	[tilespmem:s2+$0x1C0] =	vst v4  }
0x648: {  	v4 =	vld.idx.msk [tilespmem:v26+s17+$0x0], $0xffff;
	[tilespmem:s23+$0x1C0] =	vst v58  }
0x649: {  	[tilespmem:s31+$0x1C0] =	vst v2;
	v5 =	vld.idx.msk [tilespmem:v34+s17+$0x0], $0xffff  }
0x64a: {  	v2 =	vld.idx.msk [tilespmem:v18+s17+$0x0], $0xffff;
	[tilespmem:s24+$0x1C0] =	vst v59  }
0x64b: {  	v60 =	vld.idx.msk [tilespmem:v45+s17+$0x0], $0xffff;
	[tilespmem:s30+$0x1C0] =	vst v0  }
0x64c: {  	[tilespmem:s6+$0x1D0] =	vst v1;
	v0 =	vld.idx.msk [tilespmem:v47+s17+$0x0], $0xffff  }
0x64d: {  	v1 =	vld.idx.msk [tilespmem:v7+s17+$0x0], $0xffff;
	[tilespmem:s2+$0x1D0] =	vst v4  }
0x64e: {  	v4 =	vld.idx.msk [tilespmem:v27+s17+$0x0], $0xffff;
	[tilespmem:s23+$0x1D0] =	vst v5  }
0x64f: {  	[tilespmem:s31+$0x1D0] =	vst v2;
	v5 =	vld.idx.msk [tilespmem:v35+s17+$0x0], $0xffff  }
0x650: {  	v2 =	vld.idx.msk [tilespmem:v19+s17+$0x0], $0xffff;
	[tilespmem:s24+$0x1D0] =	vst v60  }
0x651: {  	v6 =	vld.idx.msk [tilespmem:v42+s17+$0x0], $0xffff;
	[tilespmem:s30+$0x1D0] =	vst v0  }
0x652: {  	[tilespmem:s6+$0x1E0] =	vst v1;
	v0 =	vld.idx.msk [tilespmem:v46+s17+$0x0], $0xffff  }
0x653: {  	v1 =	vld.idx.msk [tilespmem:v3+s17+$0x0], $0xffff;
	[tilespmem:s2+$0x1E0] =	vst v4  }
0x654: {  	v61 =	vld.idx.msk [tilespmem:v28+s17+$0x0], $0xffff;
	[tilespmem:s23+$0x1E0] =	vst v5  }
0x655: {  	[tilespmem:s31+$0x1E0] =	vst v2;
	v62 =	vld.idx.msk [tilespmem:v36+s17+$0x0], $0xffff  }
0x656: {  	v2 =	vld.idx.msk [tilespmem:v20+s17+$0x0], $0xffff;
	[tilespmem:s24+$0x1E0] =	vst v6  }
0x657: {  	v63 =	vld.idx.msk [tilespmem:v40+s17+$0x0], $0xffff;
	[tilespmem:s30+$0x1E0] =	vst v0  }
0x658: {  	[tilespmem:s6+$0x1F0] =	vst v1;
	v0 =	vld.idx.msk [tilespmem:v41+s17+$0x0], $0xffff  }
0x659: {  	p0 =	seq.s32 s0, $0x31;
	[tilespmem:s2+$0x1F0] =	vst v61  }
.Ltmp7:
0x65a: {  	s1 =	sor.u32 s18, s9;
	[tilespmem:s23+$0x1F0] =	vst v62;
	(pc) =	sbr.rel @p0 .LBB2_12-.Ltmp7, $4  }
0x65b: {  	s1 =	sor.u32 s19, s1;
	[tilespmem:s31+$0x1F0] =	vst v2  }
0x65c: {  	s1 =	sshrl.u32 s1, $0x3;
	[tilespmem:s24+$0x1F0] =	vst v63  }
0x65d: {  	s1 =	sadd.s32 s3, s1;
	s31 =	simm.s32 $0xA500;
	[tilespmem:s30+$0x1F0] =	vst v0  }
0x65e: {  	[hbm4b:s1+s4] =	stream.linear.scatter [tilespmem:s31], [sflag:$0x4], $0x8000, $0x38;
	[tilespmem:$0x12500] =	vst v63  }
0x65f: {  	s1 =	sadd.s32 $0x3, s5  }
0x660: {  	s2 =	sshrl.u32 s1, $0x2  }
0x661: {  	s30 =	rddreg [dreg:$0x0];
	s1 =	sshll.u32 s1, $0xC;
	s2 =	sadd.s32 s8, s2  }
.Ltmp8:
0x662: {  	s26 =	sshll.u32 s2, $0xB;
	s2 =	sshll.u32 s2, $0x4;
	(pc) =	sbr.rel .LBB2_2-.Ltmp8, $4  }
0x663: {  	s1 =	sand.u32 $0x3000, s1;
	s5 =	sand.u32 $0xFFFC000, s26;
	s2 =	sand.u32 $0x70, s2  }
0x664: {  	s1 =	sor.u32 s5, s1;
	s2 =	sadd.s32 s30, s2  }
0x665: {  	s31 =	simm.s32 $0x1500;
	s0 =	sadd.s32 $0x1, s0;
	s1 =	sadd.s32 s1, s2  }
0x666: {  	[tilespmem:s31], [sflag:$0x2] =	stream.strided.gather [hbm4b:s1+s21], $0x1000, s22, s21, $0x38;
	[tilespmem:$0x12500] =	vst v63  }
.LBB2_13:
0x667: {  	_ =	sfence.sel $0x180000  }
0x668: {  	[bflag:$0x0] =	sbarrier.arrive $0xFFFF  }
0x669: {  	_ =	strace $0x90000047  }
0x66a: {  	s0 =	stileid.u32;
	[bflag:$0x2] =	sbarrier.arrive $0xFFFF  }
0x66b: {  	p0 =	sne.s32 s0, $0x0;
	s0 =	rddreg [dreg:$0x3]  }
0x66c: {  	s0 =	sadd.s32 @!p0 $0x100000, s0  }
0x66d: {  	[sflag:s0] =	ssyncadd.tile.s32 @!p0 $0x1;
	_ =	shalt  }
.Lfunc_end2:
_tile_overlayer_lowered:
.L_overlay_start_2:
0x66e: {  	(tag) =	ssettag $0x2  }
0x66f: {  	s0 =	rddreg [dreg:$0x0];
	s2 =	stileid.u32  }
0x670: {  	s1 =	rddreg [dreg:$0x1];
	p0 =	sne.s32 s2, $0x0  }
0x671: {  	s3 =	rddreg [dreg:$0x2];
	[bflag:$0x3] =	sbarrier.arrive $0xFFFF;
	s2 =	simm.s32 @!p0 $0x1C05  }
0x672: {  	[timem:s3], [sflag:s2] =	dma.local @!p0 [hbm:s0], s1  }
0x673: {  	s0 =	simm.s32 @!p0 $0x5  }
0x674: {  	_ =	swait.ge @!p0 [sflag:s0], s1  }
0x675: {  	s1 =	ssub.s32 @!p0 $0x0, s1;
	[sflag:s0] =	ssyncset.done @!p0 $0x0  }
0x676: {  	[sflag:s0] =	ssyncadd.s32 @!p0 s1  }
0x677: {  	[bflag:$0x3] =	sbarrier.arrive $0xFFFF  }
0x678: {  	_ =	shalt  }

</sc_bundles>
